<compile_context>
chip_gen: v7x
topology: tpu7x:2x2x1
jax: 0.10.2.dev20260603
libtpu: 0.0.44.dev20260713+nightly
codegen_flags: <defaults>
</compile_context>

<pallas_src>
import functools

import jax
import jax.numpy as jnp
from jax import lax
from jax.experimental import pallas as pl
from jax.experimental.pallas import tpu as pltpu
from jax.experimental.pallas import tpu_sc as plsc

F = 128
NC = 2
NS = 16
NW = NC * NS


def _silu(x):
    return x * jax.nn.sigmoid(x)


def _make_gather(E, C, EBASE, ETOT):
    NCH = E // C
    NJ = -(-NCH // NW)
    NJ += NJ % 2
    mesh = plsc.VectorSubcoreMesh(core_axis_name="c", subcore_axis_name="s")

    W = 2 * F
    buf_set = [
        pltpu.VMEM((C,), jnp.int32),
        pltpu.VMEM((C,), jnp.int32),
        pltpu.VMEM((C, W), jnp.int32),
        pltpu.VMEM((C, W), jnp.int32),
        pltpu.SemaphoreType.DMA,
        pltpu.SemaphoreType.DMA,
        pltpu.SemaphoreType.DMA,
    ]

    @functools.partial(
        pl.kernel,
        mesh=mesh,
        out_type=[
            jax.ShapeDtypeStruct((E, W), jnp.int32),
            jax.ShapeDtypeStruct((E, W), jnp.int32),
        ],
        scratch_types=buf_set + buf_set,
    )
    def gather_kernel(tbl_hbm, ei_hbm, rowd_hbm, cold_hbm, *bufs):
        wid = lax.axis_index("s") * NC + lax.axis_index("c")
        sets = [tuple(bufs[7 * i:7 * i + 7]) for i in range(2)]

        def prefetch(j, idxr, idxc, rbuf, cbuf, isem, gsem, wsem):
            c = wid + NW * j

            @pl.when(c < NCH)
            def _():
                off = c * C
                pltpu.async_copy(ei_hbm.at[pl.ds(EBASE + off, C)], idxr, isem)
                pltpu.async_copy(ei_hbm.at[pl.ds(ETOT + EBASE + off, C)],
                                 idxc, isem)

        def launch(j, idxr, idxc, rbuf, cbuf, isem, gsem, wsem):
            cp = wid + NW * (j - 2)

            @pl.when((0 <= cp) & (cp < NCH))
            def _():
                offp = cp * C
                pltpu.make_async_copy(rbuf, rowd_hbm.at[pl.ds(offp, C)],
                                      wsem).wait()
                pltpu.make_async_copy(cbuf, cold_hbm.at[pl.ds(offp, C)],
                                      wsem).wait()

            c = wid + NW * j

            @pl.when(c < NCH)
            def _():
                off = c * C
                pltpu.make_async_copy(ei_hbm.at[pl.ds(EBASE + off, C)],
                                      idxr, isem).wait()
                pltpu.make_async_copy(ei_hbm.at[pl.ds(EBASE + off, C)],
                                      idxc, isem).wait()
                pltpu.async_copy(tbl_hbm.at[idxr], rbuf, gsem)
                pltpu.async_copy(tbl_hbm.at[idxc], cbuf, gsem)

        def finish(j, idxr, idxc, rbuf, cbuf, isem, gsem, wsem):
            c = wid + NW * j

            @pl.when(c < NCH)
            def _():
                off = c * C
                pltpu.make_async_copy(tbl_hbm.at[idxr], rbuf, gsem).wait()
                pltpu.make_async_copy(tbl_hbm.at[idxc], cbuf, gsem).wait()
                pltpu.async_copy(rbuf, rowd_hbm.at[pl.ds(off, C)], wsem)
                pltpu.async_copy(cbuf, cold_hbm.at[pl.ds(off, C)], wsem)

        A, B = sets
        prefetch(0, *A)
        prefetch(1, *B)
        launch(0, *A)
        launch(1, *B)

        @pl.loop(0, NJ, step=2)
        def _(jj):
            finish(jj, *A)
            prefetch(jj + 2, *A)
            finish(jj + 1, *B)
            prefetch(jj + 3, *B)
            launch(jj + 2, *A)
            launch(jj + 3, *B)

    return gather_kernel


def _lo(x):
    return jax.lax.bitcast_convert_type(x << 16, jnp.float32)


def _hi(x):
    return jax.lax.bitcast_convert_type(x & jnp.int32(-65536), jnp.float32)


def _edge_body(rowd_ref, cold_ref, rbf_ref,
               msW1s_ref, msW1r_ref, msb1_ref, msW2_ref, msb2_ref,
               mvW1s_ref, mvW1r_ref, mvb1_ref, mvW2_ref, mvb2_ref,
               ds_ref, dv0_ref, dv1_ref, dv2_ref):
    rowa = rowd_ref[:, :F]
    rowb = rowd_ref[:, F:]
    cola = cold_ref[:, :F]
    colb = cold_ref[:, F:]

    x = _lo(rowa).astype(jnp.bfloat16)
    r = rbf_ref[...]
    h = jnp.dot(x, msW1s_ref[...], preferred_element_type=jnp.float32)
    h += jnp.dot(r, msW1r_ref[...], preferred_element_type=jnp.float32)
    h = _silu(h + msb1_ref[...]).astype(jnp.bfloat16)
    ds_ref[...] = (jnp.dot(h, msW2_ref[...], preferred_element_type=jnp.float32)
                   + msb2_ref[...])

    g = jnp.dot(x, mvW1s_ref[...], preferred_element_type=jnp.float32)
    g += jnp.dot(r, mvW1r_ref[...], preferred_element_type=jnp.float32)
    g = _silu(g + mvb1_ref[...]).astype(jnp.bfloat16)
    dvb = (jnp.dot(g, mvW2_ref[...], preferred_element_type=jnp.float32)
           + mvb2_ref[...])

    vd0 = _hi(rowa) - _hi(cola)
    vd1 = _lo(rowb) - _lo(colb)
    vd2 = _hi(rowb) - _hi(colb)
    nrm = jnp.sqrt(vd0 * vd0 + vd1 * vd1 + vd2 * vd2)
    scale = dvb / (nrm + 1e-8)
    dv0_ref[...] = scale * vd0
    dv1_ref[...] = scale * vd1
    dv2_ref[...] = scale * vd2


def _make_edge_call(E, BE):
    grid = (E // BE,)

    def full(shape):
        return pl.BlockSpec(shape, lambda i: (0,) * len(shape))

    in_specs = [
        pl.BlockSpec((BE, 2 * F), lambda i: (i, 0)),
        pl.BlockSpec((BE, 2 * F), lambda i: (i, 0)),
        pl.BlockSpec((BE, 16), lambda i: (i, 0)),
        full((F, F)), full((16, F)), full((1, F)), full((F, F)), full((1, F)),
        full((F, F)), full((16, F)), full((1, F)), full((F, F)), full((1, F)),
    ]
    out_specs = [pl.BlockSpec((BE, F), lambda i: (i, 0))] * 4
    out_shape = [jax.ShapeDtypeStruct((E, F), jnp.float32)] * 4
    return pl.pallas_call(
        _edge_body, grid=grid, in_specs=in_specs, out_specs=out_specs,
        out_shape=out_shape)


def _make_scatter(EH, N, C):
    NCH = EH // C
    NJ = -(-NCH // NW)
    NJ += NJ % 2
    RSUB = (N // NS) // 8 * 8
    RREM = N - NS * RSUB
    mesh = plsc.VectorSubcoreMesh(core_axis_name="c", subcore_axis_name="s")

    buf_set = [
        pltpu.VMEM((C,), jnp.int32),
        pltpu.VMEM((C, F), jnp.float32),
        pltpu.SemaphoreType.DMA,
    ]

    @functools.partial(
        pl.kernel,
        mesh=mesh,
        out_type=[jax.ShapeDtypeStruct((NC, N, F), jnp.float32)] * 4,
        scratch_types=buf_set + buf_set + [
            pltpu.VMEM_SHARED((N, F), jnp.float32),
        ],
    )
    def scatter_kernel(d0a, d0b, d1a, d1b, d2a, d2b, d3a, d3b,
                       ei_hbm, zero_hbm,
                       o0, o1, o2, o3,
                       idx0, dbuf0, sem0, idx1, dbuf1, sem1, acc):
        cid = lax.axis_index("c")
        sid = lax.axis_index("s")
        wid = sid * NC + cid
        rbase = sid * RSUB

        def accumulate(data_hbm, ebase):
            def start(j, idx, dbuf, sem):
                c = wid + NW * j

                @pl.when(c < NCH)
                def _():
                    off = 2 * EH + ebase + c * C
                    pltpu.async_copy(ei_hbm.at[pl.ds(off, C)], idx, sem)
                    pltpu.async_copy(data_hbm.at[pl.ds(c * C, C)], dbuf, sem)

            def finish(j, idx, dbuf, sem):
                c = wid + NW * j

                @pl.when(c < NCH)
                def _():
                    pltpu.make_async_copy(ei_hbm.at[pl.ds(0, C)], idx,
                                          sem).wait()
                    pltpu.make_async_copy(data_hbm.at[pl.ds(0, C)], dbuf,
                                          sem).wait()
                    pltpu.sync_copy(dbuf, acc.at[idx], add=True)

            A = (idx0, dbuf0, sem0)
            B = (idx1, dbuf1, sem1)
            start(0, *A)

            @pl.loop(0, NJ, step=2)
            def _(jj):
                start(jj + 1, *B)
                finish(jj, *A)
                start(jj + 2, *A)
                finish(jj + 1, *B)

        for (da, db), out_hbm in (((d0a, d0b), o0), ((d1a, d1b), o1),
                                  ((d2a, d2b), o2), ((d3a, d3b), o3)):
            pltpu.sync_copy(zero_hbm.at[pl.ds(0, RSUB)],
                            acc.at[pl.ds(rbase, RSUB)])

            @pl.when(sid == NS - 1)
            def _():
                pltpu.sync_copy(zero_hbm.at[pl.ds(0, RREM)],
                                acc.at[pl.ds(NS * RSUB, RREM)])

            plsc.subcore_barrier()
            accumulate(da, 0)
            accumulate(db, EH)
            plsc.subcore_barrier()

            pltpu.sync_copy(acc.at[pl.ds(rbase, RSUB)],
                            out_hbm.at[cid].at[pl.ds(rbase, RSUB)])

            @pl.when(sid == NS - 1)
            def _():
                pltpu.sync_copy(acc.at[pl.ds(NS * RSUB, RREM)],
                                out_hbm.at[cid].at[pl.ds(NS * RSUB, RREM)])

            plsc.subcore_barrier()

    return scatter_kernel


def _node_body(s_ref, v2_ref, a0_ref, a1_ref, a2_ref, a3_ref,
               usW1a_ref, usW1b_ref, usb1_ref, usW2_ref, usb2_ref,
               uvW1a_ref, uvW1b_ref, uvb1_ref, uvW2_ref, uvb2_ref,
               sout_ref, vout_ref):
    bf = jnp.bfloat16
    sv = s_ref[...]
    dsa = (a0_ref[0] + a0_ref[1]).astype(bf)
    h = jnp.dot(sv.astype(bf), usW1a_ref[...],
                preferred_element_type=jnp.float32)
    h += jnp.dot(dsa, usW1b_ref[...], preferred_element_type=jnp.float32)
    h = _silu(h + usb1_ref[...]).astype(bf)
    sout_ref[...] = sv + (jnp.dot(h, usW2_ref[...],
                                  preferred_element_type=jnp.float32)
                          + usb2_ref[...])

    for k, ak_ref in enumerate((a1_ref, a2_ref, a3_ref)):
        vk = v2_ref[:, k * F:(k + 1) * F]
        dvk = (ak_ref[0] + ak_ref[1]).astype(bf)
        g = jnp.dot(vk.astype(bf), uvW1a_ref[...],
                    preferred_element_type=jnp.float32)
        g += jnp.dot(dvk, uvW1b_ref[...], preferred_element_type=jnp.float32)
        g = _silu(g + uvb1_ref[...]).astype(bf)
        vout_ref[:, k * F:(k + 1) * F] = vk + (
            jnp.dot(g, uvW2_ref[...], preferred_element_type=jnp.float32)
            + uvb2_ref[...])


def _make_node_call(N, BN):
    grid = (N // BN,)

    def full(shape):
        return pl.BlockSpec(shape, lambda i: (0,) * len(shape))

    in_specs = [
        pl.BlockSpec((BN, F), lambda i: (i, 0)),
        pl.BlockSpec((BN, 3 * F), lambda i: (i, 0)),
        pl.BlockSpec((NC, BN, F), lambda i: (0, i, 0)),
        pl.BlockSpec((NC, BN, F), lambda i: (0, i, 0)),
        pl.BlockSpec((NC, BN, F), lambda i: (0, i, 0)),
        pl.BlockSpec((NC, BN, F), lambda i: (0, i, 0)),
        full((F, F)), full((F, F)), full((1, F)), full((F, F)), full((1, F)),
        full((F, F)), full((F, F)), full((1, F)), full((F, F)), full((1, F)),
    ]
    out_specs = [
        pl.BlockSpec((BN, F), lambda i: (i, 0)),
        pl.BlockSpec((BN, 3 * F), lambda i: (i, 0)),
    ]
    out_shape = [
        jax.ShapeDtypeStruct((N, F), jnp.float32),
        jax.ShapeDtypeStruct((N, 3 * F), jnp.float32),
    ]
    return pl.pallas_call(
        _node_body, grid=grid, in_specs=in_specs, out_specs=out_specs,
        out_shape=out_shape)


def kernel(s, v, edge_index, rbf,
           msW1, msb1, msW2, msb2,
           mvW1, mvb1, mvW2, mvb2,
           usW1, usb1, usW2, usb2,
           uvW1, uvb1, uvW2, uvb2):
    N = s.shape[0]
    E = edge_index.shape[1]
    v2 = v.reshape(N, 3 * F)

    bf = jnp.bfloat16
    sb = s.astype(bf)
    vb = v.astype(bf)
    tbl = jnp.concatenate([
        jax.lax.bitcast_convert_type(
            jnp.stack([sb, vb[:, 0]], axis=-1), jnp.int32),
        jax.lax.bitcast_convert_type(
            jnp.stack([vb[:, 1], vb[:, 2]], axis=-1), jnp.int32),
    ], axis=1)
    ei_flat = edge_index.reshape(2 * E)

    def t(W):
        return W.T

    EH = E // 2
    edge = _make_edge_call(EH, 1600)
    rbf_b = rbf.astype(bf)
    edge_w = (
        t(msW1)[:F].astype(bf), t(msW1)[F:].astype(bf), msb1.reshape(1, F),
        t(msW2).astype(bf), msb2.reshape(1, F),
        t(mvW1)[:F].astype(bf), t(mvW1)[F:].astype(bf), mvb1.reshape(1, F),
        t(mvW2).astype(bf), mvb2.reshape(1, F),
    )
    halves = []
    for h in range(2):
        rowdat, coldat = _make_gather(EH, 80, h * EH, E)(tbl, ei_flat)
        halves.append(
            edge(rowdat, coldat, lax.slice_in_dim(rbf_b, h * EH, (h + 1) * EH),
                 *edge_w))

    zero = jnp.zeros(((N // NS) // 8 * 8, F), jnp.float32)
    a0, a1, a2, a3 = _make_scatter(EH, N, 128)(
        halves[0][0], halves[1][0], halves[0][1], halves[1][1],
        halves[0][2], halves[1][2], halves[0][3], halves[1][3],
        ei_flat, zero)

    s_out, v2_out = _make_node_call(N, 2000)(
        s, v2, a0, a1, a2, a3,
        t(usW1)[:F].astype(bf), t(usW1)[F:].astype(bf), usb1.reshape(1, F),
        t(usW2).astype(bf), usb2.reshape(1, F),
        t(uvW1)[:F].astype(bf), t(uvW1)[F:].astype(bf), uvb1.reshape(1, F),
        t(uvW2).astype(bf), uvb2.reshape(1, F),
    )
    return s_out, v2_out.reshape(N, 3, F)

# --- scband reference (transcript-rebuilt; emitter-appended) ---
"""Pipeline reference for scband-message-block-48825188221159 (READ-ONLY COPY).

The authoritative reference and input builder live on the scoring server;
editing this copy changes nothing except your own understanding.
"""

import jax, jax.numpy as jnp
import numpy as np

N = 10000
E = 160000
F = 128
R = 16


def _lin_init(key, out_d, in_d):
    k1, k2 = jax.random.split(key)
    lim = 1.0 / np.sqrt(in_d)
    W = jax.random.uniform(k1, (out_d, in_d), minval=-lim, maxval=lim, dtype=jnp.float32)
    b = jax.random.uniform(k2, (out_d,), minval=-lim, maxval=lim, dtype=jnp.float32)
    return W, b


def _mlp(x, W1, b1, W2, b2):
    h = x @ W1.T + b1
    h = jax.nn.silu(h)
    return h @ W2.T + b2


def setup_inputs(seed: int = 0) -> dict:
    key = jax.random.key(seed)
    ks = jax.random.split(key, 12)
    s = jax.random.normal(ks[0], (N, F), dtype=jnp.float32)
    v = jax.random.normal(ks[1], (N, 3, F), dtype=jnp.float32)
    edge_index = jax.random.randint(ks[2], (2, E), 0, N)
    rbf = jax.random.normal(ks[3], (E, R), dtype=jnp.float32)
    msW1, msb1 = _lin_init(ks[4], F, F + R)
    msW2, msb2 = _lin_init(ks[5], F, F)
    mvW1, mvb1 = _lin_init(ks[6], F, F + R)
    mvW2, mvb2 = _lin_init(ks[7], F, F)
    usW1, usb1 = _lin_init(ks[8], F, 2 * F)
    usW2, usb2 = _lin_init(ks[9], F, F)
    uvW1, uvb1 = _lin_init(ks[10], F, 2 * F)
    uvW2, uvb2 = _lin_init(ks[11], F, F)
    return {
        "s": s, "v": v, "edge_index": edge_index, "rbf": rbf,
        "msW1": msW1, "msb1": msb1, "msW2": msW2, "msb2": msb2,
        "mvW1": mvW1, "mvb1": mvb1, "mvW2": mvW2, "mvb2": mvb2,
        "usW1": usW1, "usb1": usb1, "usW2": usW2, "usb2": usb2,
        "uvW1": uvW1, "uvb1": uvb1, "uvW2": uvW2, "uvb2": uvb2,
    }


def reference(s, v, edge_index, rbf,
              msW1, msb1, msW2, msb2,
              mvW1, mvb1, mvW2, mvb2,
              usW1, usb1, usW2, usb2,
              uvW1, uvb1, uvW2, uvb2):
    nf = s.shape[1]
    nr = rbf.shape[-1]
    row = edge_index[0]
    col = edge_index[1]
    v_diff = v[row] - v[col]  # [E, 3, F]
    v_abs = jnp.sqrt(jnp.sum(v_diff ** 2, axis=1) + 1e-08)  # computed as in torch (unused)
    s_row = s[row]
    s_msg = jnp.concatenate([s_row, rbf], axis=-1)
    s_row_e = jnp.broadcast_to(s_row[:, None, :], (s_row.shape[0], 3, nf))
    rbf_e = jnp.broadcast_to(rbf[:, None, :], (rbf.shape[0], 3, nr))
    v_msg = jnp.concatenate([s_row_e, rbf_e], axis=-1).reshape(-1, nf + nr)
    ds = _mlp(s_msg, msW1, msb1, msW2, msb2)
    dv = _mlp(v_msg, mvW1, mvb1, mvW2, mvb2).reshape(-1, 3, nf)
    nrm = jnp.sqrt(jnp.sum(v_diff ** 2, axis=1, keepdims=True))  # torch.norm(dim=1, keepdim=True) -> [E, 1, F]
    v_diff_norm = v_diff / (nrm + 1e-08)
    dv = dv * v_diff_norm
    ds_agg = jnp.zeros_like(s).at[col].add(ds)
    dv_agg = jnp.zeros_like(v).at[col].add(dv)
    s_upd = jnp.concatenate([s, ds_agg], axis=-1)
    v_upd = jnp.concatenate([v, dv_agg], axis=-1)
    s_out = s + _mlp(s_upd, usW1, usb1, usW2, usb2)
    v_out = v + _mlp(v_upd.reshape(-1, 2 * nf), uvW1, uvb1, uvW2, uvb2).reshape(-1, 3, nf)
    return (s_out, v_out)

if __name__ == "__main__":
    import jax
    _d = setup_inputs()
    print(jax.jit(kernel)(*tuple(_d.values())))

</pallas_src>

<mosaic_0001>
#map = affine_map<(d0, d1) -> (0, 0)>
#map1 = affine_map<(d0, d1) -> (0)>
#map2 = affine_map<(d0, d1) -> (0, 0, 0)>
module attributes {stable_mosaic.version = 14 : i64} {
  func.func @scatter_kernel(%arg0: i32, %arg1: i32, %arg2: memref<80000x128xf32, #tpu.memory_space<hbm>>, %arg3: memref<80000x128xf32, #tpu.memory_space<hbm>>, %arg4: memref<80000x128xf32, #tpu.memory_space<hbm>>, %arg5: memref<80000x128xf32, #tpu.memory_space<hbm>>, %arg6: memref<80000x128xf32, #tpu.memory_space<hbm>>, %arg7: memref<80000x128xf32, #tpu.memory_space<hbm>>, %arg8: memref<80000x128xf32, #tpu.memory_space<hbm>>, %arg9: memref<80000x128xf32, #tpu.memory_space<hbm>>, %arg10: memref<320000xi32, #tpu.memory_space<hbm>>, %arg11: memref<624x128xf32, #tpu.memory_space<hbm>>, %arg12: memref<2x10000x128xf32, #tpu.memory_space<hbm>>, %arg13: memref<2x10000x128xf32, #tpu.memory_space<hbm>>, %arg14: memref<2x10000x128xf32, #tpu.memory_space<hbm>>, %arg15: memref<2x10000x128xf32, #tpu.memory_space<hbm>>, %arg16: memref<128xi32, #tpu.memory_space<vmem>>, %arg17: memref<128x128xf32, #tpu.memory_space<vmem>>, %arg18: memref<!tpu.dma_semaphore, #tpu.memory_space<semaphore_mem>>, %arg19: memref<128xi32, #tpu.memory_space<vmem>>, %arg20: memref<128x128xf32, #tpu.memory_space<vmem>>, %arg21: memref<!tpu.dma_semaphore, #tpu.memory_space<semaphore_mem>>, %arg22: memref<10000x128xf32, #tpu.memory_space<vmem_shared>>) attributes {dimension_semantics = [#tpu.dimension_semantics<core_parallel>, #tpu.dimension_semantics<subcore_parallel>], iteration_bounds = array<i64: 2, 16>, scalar_prefetch = 0 : i64, scratch_operands = 7 : i64, tpu.core_type = #tpu.core_type<sc_vector_subcore>, window_params = [{transform_indices = #map}, {transform_indices = #map}, {transform_indices = #map}, {transform_indices = #map}, {transform_indices = #map}, {transform_indices = #map}, {transform_indices = #map}, {transform_indices = #map}, {transform_indices = #map1}, {transform_indices = #map}, {transform_indices = #map2}, {transform_indices = #map2}, {transform_indices = #map2}, {transform_indices = #map2}]} {
    %mul3A = arith.constant 2 : i32
    %mul3A_0 = arith.muli %arg1, %mul3A : i32
    %add3A = arith.addi %mul3A_0, %arg0 : i32
    %mul3A_1 = arith.constant 624 : i32
    %mul3A_2 = arith.muli %arg1, %mul3A_1 : i32
    "tpu.region"() ({
      %run_scoped3A = tpu.sem_alloc : memref<!tpu.dma_semaphore, #tpu.memory_space<semaphore_mem>>
      %dma_start3A = arith.constant 0 : i32
      %dma_start3A_145 = tpu.memref_slice %arg22[%mul3A_2, %dma_start3A] : memref<10000x128xf32, #tpu.memory_space<vmem_shared>> -> memref<624x128xf32, #tpu.memory_space<vmem_shared>>
      %dma_start3A_146 = arith.constant 0 : i32
      %dma_start3A_147 = arith.constant 0 : i32
      %dma_start3A_148 = tpu.memref_slice %arg11[%dma_start3A_146, %dma_start3A_147] : memref<624x128xf32, #tpu.memory_space<hbm>> -> memref<624x128xf32, #tpu.memory_space<hbm>>
      tpu.enqueue_dma source(%dma_start3A_148 : memref<624x128xf32, #tpu.memory_space<hbm>>) target(%dma_start3A_145 : memref<624x128xf32, #tpu.memory_space<vmem_shared>>) target_semaphore(%run_scoped3A : memref<!tpu.dma_semaphore, #tpu.memory_space<semaphore_mem>>)
      %dma_wait3A = arith.constant 0 : i32
      %dma_wait3A_149 = tpu.memref_slice %arg22[%mul3A_2, %dma_wait3A] : memref<10000x128xf32, #tpu.memory_space<vmem_shared>> -> memref<624x128xf32, #tpu.memory_space<vmem_shared>>
      %dma_wait3A_150 = arith.constant 0 : i32
      %dma_wait3A_151 = arith.constant 0 : i32
      %dma_wait3A_152 = tpu.memref_slice %arg11[%dma_wait3A_150, %dma_wait3A_151] : memref<624x128xf32, #tpu.memory_space<hbm>> -> memref<624x128xf32, #tpu.memory_space<hbm>>
      tpu.wait_dma2 semaphore(%run_scoped3A : memref<!tpu.dma_semaphore, #tpu.memory_space<semaphore_mem>>) src(%dma_wait3A_152 : memref<624x128xf32, #tpu.memory_space<hbm>>) dst(%dma_wait3A_149 : memref<624x128xf32, #tpu.memory_space<vmem_shared>>)
      tpu.yield
    }) : () -> ()
    %eq3A = arith.constant 15 : i32
    %eq3A_3 = arith.cmpi eq, %arg1, %eq3A : i32
    %convert_element_type3A = arith.extui %eq3A_3 : i1 to i32
    %cond3A = arith.constant 0 : i32
    %cond3A_4 = arith.cmpi ne, %convert_element_type3A, %cond3A : i32
    scf.if %cond3A_4 {
      "tpu.region"() ({
        %run_scoped3A = tpu.sem_alloc : memref<!tpu.dma_semaphore, #tpu.memory_space<semaphore_mem>>
        %dma_start3A = arith.constant 9984 : i32
        %dma_start3A_145 = arith.constant 0 : i32
        %dma_start3A_146 = tpu.memref_slice %arg22[%dma_start3A, %dma_start3A_145] : memref<10000x128xf32, #tpu.memory_space<vmem_shared>> -> memref<16x128xf32, #tpu.memory_space<vmem_shared>>
        %dma_start3A_147 = arith.constant 0 : i32
        %dma_start3A_148 = arith.constant 0 : i32
        %dma_start3A_149 = tpu.memref_slice %arg11[%dma_start3A_147, %dma_start3A_148] : memref<624x128xf32, #tpu.memory_space<hbm>> -> memref<16x128xf32, #tpu.memory_space<hbm>>
        tpu.enqueue_dma source(%dma_start3A_149 : memref<16x128xf32, #tpu.memory_space<hbm>>) target(%dma_start3A_146 : memref<16x128xf32, #tpu.memory_space<vmem_shared>>) target_semaphore(%run_scoped3A : memref<!tpu.dma_semaphore, #tpu.memory_space<semaphore_mem>>)
        %dma_wait3A = arith.constant 9984 : i32
        %dma_wait3A_150 = arith.constant 0 : i32
        %dma_wait3A_151 = tpu.memref_slice %arg22[%dma_wait3A, %dma_wait3A_150] : memref<10000x128xf32, #tpu.memory_space<vmem_shared>> -> memref<16x128xf32, #tpu.memory_space<vmem_shared>>
        %dma_wait3A_152 = arith.constant 0 : i32
        %dma_wait3A_153 = arith.constant 0 : i32
        %dma_wait3A_154 = tpu.memref_slice %arg11[%dma_wait3A_152, %dma_wait3A_153] : memref<624x128xf32, #tpu.memory_space<hbm>> -> memref<16x128xf32, #tpu.memory_space<hbm>>
        tpu.wait_dma2 semaphore(%run_scoped3A : memref<!tpu.dma_semaphore, #tpu.memory_space<semaphore_mem>>) src(%dma_wait3A_154 : memref<16x128xf32, #tpu.memory_space<hbm>>) dst(%dma_wait3A_151 : memref<16x128xf32, #tpu.memory_space<vmem_shared>>)
        tpu.yield
      }) : () -> ()
    } else {
    }
    %barrier3A = arith.constant 0 : index
    tpu.barrier barrier_id(%barrier3A)
    %add3A_5 = arith.constant 0 : i32
    %add3A_6 = arith.addi %add3A, %add3A_5 : i32
    %lt3A = arith.constant 625 : i32
    %lt3A_7 = arith.cmpi slt, %add3A_6, %lt3A : i32
    %convert_element_type3A_8 = arith.extui %lt3A_7 : i1 to i32
    %cond3A_9 = arith.constant 0 : i32
    %cond3A_10 = arith.cmpi ne, %convert_element_type3A_8, %cond3A_9 : i32
    scf.if %cond3A_10 {
      %mul3A_145 = arith.constant 128 : i32
      %mul3A_146 = arith.muli %add3A_6, %mul3A_145 : i32
      %add3A_147 = arith.constant 160000 : i32
      %add3A_148 = arith.addi %add3A_147, %mul3A_146 : i32
      %dma_start3A = tpu.memref_slice %arg10[%add3A_148] : memref<320000xi32, #tpu.memory_space<hbm>> -> memref<128xi32, #tpu.memory_space<hbm>>
      %dma_start3A_149 = tpu.memref_slice %arg10[%add3A_148] : memref<320000xi32, #tpu.memory_space<hbm>> -> memref<128xi32, #tpu.memory_space<hbm>>
      tpu.enqueue_dma source(%dma_start3A_149 : memref<128xi32, #tpu.memory_space<hbm>>) target(%arg16 : memref<128xi32, #tpu.memory_space<vmem>>) target_semaphore(%arg18 : memref<!tpu.dma_semaphore, #tpu.memory_space<semaphore_mem>>)
      %mul3A_150 = arith.constant 128 : i32
      %mul3A_151 = arith.muli %add3A_6, %mul3A_150 : i32
      %dma_start3A_152 = arith.constant 0 : i32
      %dma_start3A_153 = tpu.memref_slice %arg2[%mul3A_151, %dma_start3A_152] : memref<80000x128xf32, #tpu.memory_space<hbm>> -> memref<128x128xf32, #tpu.memory_space<hbm>>
      %dma_start3A_154 = arith.constant 0 : i32
      %dma_start3A_155 = tpu.memref_slice %arg2[%mul3A_151, %dma_start3A_154] : memref<80000x128xf32, #tpu.memory_space<hbm>> -> memref<128x128xf32, #tpu.memory_space<hbm>>
      tpu.enqueue_dma source(%dma_start3A_155 : memref<128x128xf32, #tpu.memory_space<hbm>>) target(%arg17 : memref<128x128xf32, #tpu.memory_space<vmem>>) target_semaphore(%arg18 : memref<!tpu.dma_semaphore, #tpu.memory_space<semaphore_mem>>)
    } else {
    }
    %scan3A = arith.constant 0 : i32
    %scan3A_11 = arith.constant 10 : i32
    %scan3A_12 = arith.addi %scan3A, %scan3A_11 : i32
    %scan3A_13 = arith.constant 1 : i32
    scf.for %scan3A_145 = %scan3A to %scan3A_12 step %scan3A_13  : i32 {
      %mul3A_146 = arith.constant 2 : i32
      %mul3A_147 = arith.muli %scan3A_145, %mul3A_146 : i32
      %add3A_148 = arith.constant 0 : i32
      %add3A_149 = arith.addi %add3A_148, %mul3A_147 : i32
      %add3A_150 = arith.constant 1 : i32
      %add3A_151 = arith.addi %add3A_149, %add3A_150 : i32
      %mul3A_152 = arith.constant 32 : i32
      %mul3A_153 = arith.muli %mul3A_152, %add3A_151 : i32
      %add3A_154 = arith.addi %add3A, %mul3A_153 : i32
      %lt3A_155 = arith.constant 625 : i32
      %lt3A_156 = arith.cmpi slt, %add3A_154, %lt3A_155 : i32
      %convert_element_type3A_157 = arith.extui %lt3A_156 : i1 to i32
      %cond3A_158 = arith.constant 0 : i32
      %cond3A_159 = arith.cmpi ne, %convert_element_type3A_157, %cond3A_158 : i32
      scf.if %cond3A_159 {
        %mul3A_188 = arith.constant 128 : i32
        %mul3A_189 = arith.muli %add3A_154, %mul3A_188 : i32
        %add3A_190 = arith.constant 160000 : i32
        %add3A_191 = arith.addi %add3A_190, %mul3A_189 : i32
        %dma_start3A = tpu.memref_slice %arg10[%add3A_191] : memref<320000xi32, #tpu.memory_space<hbm>> -> memref<128xi32, #tpu.memory_space<hbm>>
        %dma_start3A_192 = tpu.memref_slice %arg10[%add3A_191] : memref<320000xi32, #tpu.memory_space<hbm>> -> memref<128xi32, #tpu.memory_space<hbm>>
        tpu.enqueue_dma source(%dma_start3A_192 : memref<128xi32, #tpu.memory_space<hbm>>) target(%arg19 : memref<128xi32, #tpu.memory_space<vmem>>) target_semaphore(%arg21 : memref<!tpu.dma_semaphore, #tpu.memory_space<semaphore_mem>>)
        %mul3A_193 = arith.constant 128 : i32
        %mul3A_194 = arith.muli %add3A_154, %mul3A_193 : i32
        %dma_start3A_195 = arith.constant 0 : i32
        %dma_start3A_196 = tpu.memref_slice %arg2[%mul3A_194, %dma_start3A_195] : memref<80000x128xf32, #tpu.memory_space<hbm>> -> memref<128x128xf32, #tpu.memory_space<hbm>>
        %dma_start3A_197 = arith.constant 0 : i32
        %dma_start3A_198 = tpu.memref_slice %arg2[%mul3A_194, %dma_start3A_197] : memref<80000x128xf32, #tpu.memory_space<hbm>> -> memref<128x128xf32, #tpu.memory_space<hbm>>
        tpu.enqueue_dma source(%dma_start3A_198 : memref<128x128xf32, #tpu.memory_space<hbm>>) target(%arg20 : memref<128x128xf32, #tpu.memory_space<vmem>>) target_semaphore(%arg21 : memref<!tpu.dma_semaphore, #tpu.memory_space<semaphore_mem>>)
      } else {
      }
      %mul3A_160 = arith.constant 32 : i32
      %mul3A_161 = arith.muli %mul3A_160, %add3A_149 : i32
      %add3A_162 = arith.addi %add3A, %mul3A_161 : i32
      %lt3A_163 = arith.constant 625 : i32
      %lt3A_164 = arith.cmpi slt, %add3A_162, %lt3A_163 : i32
      %convert_element_type3A_165 = arith.extui %lt3A_164 : i1 to i32
      %cond3A_166 = arith.constant 0 : i32
      %cond3A_167 = arith.cmpi ne, %convert_element_type3A_165, %cond3A_166 : i32
      scf.if %cond3A_167 {
        %dma_wait3A = arith.constant 0 : i32
        %dma_wait3A_188 = tpu.memref_slice %arg10[%dma_wait3A] : memref<320000xi32, #tpu.memory_space<hbm>> -> memref<128xi32, #tpu.memory_space<hbm>>
        %dma_wait3A_189 = arith.constant 0 : i32
        %dma_wait3A_190 = tpu.memref_slice %arg10[%dma_wait3A_189] : memref<320000xi32, #tpu.memory_space<hbm>> -> memref<128xi32, #tpu.memory_space<hbm>>
        tpu.wait_dma2 semaphore(%arg18 : memref<!tpu.dma_semaphore, #tpu.memory_space<semaphore_mem>>) src(%dma_wait3A_190 : memref<128xi32, #tpu.memory_space<hbm>>) dst(%arg16 : memref<128xi32, #tpu.memory_space<vmem>>)
        %dma_wait3A_191 = arith.constant 0 : i32
        %dma_wait3A_192 = arith.constant 0 : i32
        %dma_wait3A_193 = tpu.memref_slice %arg2[%dma_wait3A_191, %dma_wait3A_192] : memref<80000x128xf32, #tpu.memory_space<hbm>> -> memref<128x128xf32, #tpu.memory_space<hbm>>
        %dma_wait3A_194 = arith.constant 0 : i32
        %dma_wait3A_195 = arith.constant 0 : i32
        %dma_wait3A_196 = tpu.memref_slice %arg2[%dma_wait3A_194, %dma_wait3A_195] : memref<80000x128xf32, #tpu.memory_space<hbm>> -> memref<128x128xf32, #tpu.memory_space<hbm>>
        tpu.wait_dma2 semaphore(%arg18 : memref<!tpu.dma_semaphore, #tpu.memory_space<semaphore_mem>>) src(%dma_wait3A_196 : memref<128x128xf32, #tpu.memory_space<hbm>>) dst(%arg17 : memref<128x128xf32, #tpu.memory_space<vmem>>)
        "tpu.region"() ({
          %run_scoped3A = tpu.sem_alloc : memref<!tpu.dma_semaphore, #tpu.memory_space<semaphore_mem>>
          %dma_start3A = arith.constant 0 : i32
          %dma_start3A_197 = arith.constant 0 : i32
          %dma_start3A_198 = tpu.memref_slice %arg22[%dma_start3A, %dma_start3A_197] : memref<10000x128xf32, #tpu.memory_space<vmem_shared>> -> memref<10000x128xf32, #tpu.memory_space<vmem_shared>>
          tpu.enqueue_indirect_dma source(%arg17 : memref<128x128xf32, #tpu.memory_space<vmem>>) target(%dma_start3A_198 : memref<10000x128xf32, #tpu.memory_space<vmem_shared>>) offsets(%arg16 : memref<128xi32, #tpu.memory_space<vmem>>) semaphore(%run_scoped3A : memref<!tpu.dma_semaphore, #tpu.memory_space<semaphore_mem>>) {add = true}
          %dma_wait3A_199 = arith.constant 0 : i32
          %dma_wait3A_200 = arith.constant 0 : i32
          %dma_wait3A_201 = tpu.memref_slice %arg22[%dma_wait3A_199, %dma_wait3A_200] : memref<10000x128xf32, #tpu.memory_space<vmem_shared>> -> memref<10000x128xf32, #tpu.memory_space<vmem_shared>>
          tpu.wait_indirect_dma semaphore(%run_scoped3A : memref<!tpu.dma_semaphore, #tpu.memory_space<semaphore_mem>>) src(%arg17 : memref<128x128xf32, #tpu.memory_space<vmem>>) dst(%dma_wait3A_201 : memref<10000x128xf32, #tpu.memory_space<vmem_shared>>)
          tpu.yield
        }) : () -> ()
      } else {
      }
      %add3A_168 = arith.constant 2 : i32
      %add3A_169 = arith.addi %add3A_149, %add3A_168 : i32
      %mul3A_170 = arith.constant 32 : i32
      %mul3A_171 = arith.muli %mul3A_170, %add3A_169 : i32
      %add3A_172 = arith.addi %add3A, %mul3A_171 : i32
      %lt3A_173 = arith.constant 625 : i32
      %lt3A_174 = arith.cmpi slt, %add3A_172, %lt3A_173 : i32
      %convert_element_type3A_175 = arith.extui %lt3A_174 : i1 to i32
      %cond3A_176 = arith.constant 0 : i32
      %cond3A_177 = arith.cmpi ne, %convert_element_type3A_175, %cond3A_176 : i32
      scf.if %cond3A_177 {
        %mul3A_188 = arith.constant 128 : i32
        %mul3A_189 = arith.muli %add3A_172, %mul3A_188 : i32
        %add3A_190 = arith.constant 160000 : i32
        %add3A_191 = arith.addi %add3A_190, %mul3A_189 : i32
        %dma_start3A = tpu.memref_slice %arg10[%add3A_191] : memref<320000xi32, #tpu.memory_space<hbm>> -> memref<128xi32, #tpu.memory_space<hbm>>
        %dma_start3A_192 = tpu.memref_slice %arg10[%add3A_191] : memref<320000xi32, #tpu.memory_space<hbm>> -> memref<128xi32, #tpu.memory_space<hbm>>
        tpu.enqueue_dma source(%dma_start3A_192 : memref<128xi32, #tpu.memory_space<hbm>>) target(%arg16 : memref<128xi32, #tpu.memory_space<vmem>>) target_semaphore(%arg18 : memref<!tpu.dma_semaphore, #tpu.memory_space<semaphore_mem>>)
        %mul3A_193 = arith.constant 128 : i32
        %mul3A_194 = arith.muli %add3A_172, %mul3A_193 : i32
        %dma_start3A_195 = arith.constant 0 : i32
        %dma_start3A_196 = tpu.memref_slice %arg2[%mul3A_194, %dma_start3A_195] : memref<80000x128xf32, #tpu.memory_space<hbm>> -> memref<128x128xf32, #tpu.memory_space<hbm>>
        %dma_start3A_197 = arith.constant 0 : i32
        %dma_start3A_198 = tpu.memref_slice %arg2[%mul3A_194, %dma_start3A_197] : memref<80000x128xf32, #tpu.memory_space<hbm>> -> memref<128x128xf32, #tpu.memory_space<hbm>>
        tpu.enqueue_dma source(%dma_start3A_198 : memref<128x128xf32, #tpu.memory_space<hbm>>) target(%arg17 : memref<128x128xf32, #tpu.memory_space<vmem>>) target_semaphore(%arg18 : memref<!tpu.dma_semaphore, #tpu.memory_space<semaphore_mem>>)
      } else {
      }
      %add3A_178 = arith.constant 1 : i32
      %add3A_179 = arith.addi %add3A_149, %add3A_178 : i32
      %mul3A_180 = arith.constant 32 : i32
      %mul3A_181 = arith.muli %mul3A_180, %add3A_179 : i32
      %add3A_182 = arith.addi %add3A, %mul3A_181 : i32
      %lt3A_183 = arith.constant 625 : i32
      %lt3A_184 = arith.cmpi slt, %add3A_182, %lt3A_183 : i32
      %convert_element_type3A_185 = arith.extui %lt3A_184 : i1 to i32
      %cond3A_186 = arith.constant 0 : i32
      %cond3A_187 = arith.cmpi ne, %convert_element_type3A_185, %cond3A_186 : i32
      scf.if %cond3A_187 {
        %dma_wait3A = arith.constant 0 : i32
        %dma_wait3A_188 = tpu.memref_slice %arg10[%dma_wait3A] : memref<320000xi32, #tpu.memory_space<hbm>> -> memref<128xi32, #tpu.memory_space<hbm>>
        %dma_wait3A_189 = arith.constant 0 : i32
        %dma_wait3A_190 = tpu.memref_slice %arg10[%dma_wait3A_189] : memref<320000xi32, #tpu.memory_space<hbm>> -> memref<128xi32, #tpu.memory_space<hbm>>
        tpu.wait_dma2 semaphore(%arg21 : memref<!tpu.dma_semaphore, #tpu.memory_space<semaphore_mem>>) src(%dma_wait3A_190 : memref<128xi32, #tpu.memory_space<hbm>>) dst(%arg19 : memref<128xi32, #tpu.memory_space<vmem>>)
        %dma_wait3A_191 = arith.constant 0 : i32
        %dma_wait3A_192 = arith.constant 0 : i32
        %dma_wait3A_193 = tpu.memref_slice %arg2[%dma_wait3A_191, %dma_wait3A_192] : memref<80000x128xf32, #tpu.memory_space<hbm>> -> memref<128x128xf32, #tpu.memory_space<hbm>>
        %dma_wait3A_194 = arith.constant 0 : i32
        %dma_wait3A_195 = arith.constant 0 : i32
        %dma_wait3A_196 = tpu.memref_slice %arg2[%dma_wait3A_194, %dma_wait3A_195] : memref<80000x128xf32, #tpu.memory_space<hbm>> -> memref<128x128xf32, #tpu.memory_space<hbm>>
        tpu.wait_dma2 semaphore(%arg21 : memref<!tpu.dma_semaphore, #tpu.memory_space<semaphore_mem>>) src(%dma_wait3A_196 : memref<128x128xf32, #tpu.memory_space<hbm>>) dst(%arg20 : memref<128x128xf32, #tpu.memory_space<vmem>>)
        "tpu.region"() ({
          %run_scoped3A = tpu.sem_alloc : memref<!tpu.dma_semaphore, #tpu.memory_space<semaphore_mem>>
          %dma_start3A = arith.constant 0 : i32
          %dma_start3A_197 = arith.constant 0 : i32
          %dma_start3A_198 = tpu.memref_slice %arg22[%dma_start3A, %dma_start3A_197] : memref<10000x128xf32, #tpu.memory_space<vmem_shared>> -> memref<10000x128xf32, #tpu.memory_space<vmem_shared>>
          tpu.enqueue_indirect_dma source(%arg20 : memref<128x128xf32, #tpu.memory_space<vmem>>) target(%dma_start3A_198 : memref<10000x128xf32, #tpu.memory_space<vmem_shared>>) offsets(%arg19 : memref<128xi32, #tpu.memory_space<vmem>>) semaphore(%run_scoped3A : memref<!tpu.dma_semaphore, #tpu.memory_space<semaphore_mem>>) {add = true}
          %dma_wait3A_199 = arith.constant 0 : i32
          %dma_wait3A_200 = arith.constant 0 : i32
          %dma_wait3A_201 = tpu.memref_slice %arg22[%dma_wait3A_199, %dma_wait3A_200] : memref<10000x128xf32, #tpu.memory_space<vmem_shared>> -> memref<10000x128xf32, #tpu.memory_space<vmem_shared>>
          tpu.wait_indirect_dma semaphore(%run_scoped3A : memref<!tpu.dma_semaphore, #tpu.memory_space<semaphore_mem>>) src(%arg20 : memref<128x128xf32, #tpu.memory_space<vmem>>) dst(%dma_wait3A_201 : memref<10000x128xf32, #tpu.memory_space<vmem_shared>>)
          tpu.yield
        }) : () -> ()
      } else {
      }
    }
    %scan3A_14 = arith.constant 10 : i32
    %add3A_15 = arith.constant 0 : i32
    %add3A_16 = arith.addi %add3A, %add3A_15 : i32
    %lt3A_17 = arith.constant 625 : i32
    %lt3A_18 = arith.cmpi slt, %add3A_16, %lt3A_17 : i32
    %convert_element_type3A_19 = arith.extui %lt3A_18 : i1 to i32
    %cond3A_20 = arith.constant 0 : i32
    %cond3A_21 = arith.cmpi ne, %convert_element_type3A_19, %cond3A_20 : i32
    scf.if %cond3A_21 {
      %mul3A_145 = arith.constant 128 : i32
      %mul3A_146 = arith.muli %add3A_16, %mul3A_145 : i32
      %add3A_147 = arith.constant 240000 : i32
      %add3A_148 = arith.addi %add3A_147, %mul3A_146 : i32
      %dma_start3A = tpu.memref_slice %arg10[%add3A_148] : memref<320000xi32, #tpu.memory_space<hbm>> -> memref<128xi32, #tpu.memory_space<hbm>>
      %dma_start3A_149 = tpu.memref_slice %arg10[%add3A_148] : memref<320000xi32, #tpu.memory_space<hbm>> -> memref<128xi32, #tpu.memory_space<hbm>>
      tpu.enqueue_dma source(%dma_start3A_149 : memref<128xi32, #tpu.memory_space<hbm>>) target(%arg16 : memref<128xi32, #tpu.memory_space<vmem>>) target_semaphore(%arg18 : memref<!tpu.dma_semaphore, #tpu.memory_space<semaphore_mem>>)
      %mul3A_150 = arith.constant 128 : i32
      %mul3A_151 = arith.muli %add3A_16, %mul3A_150 : i32
      %dma_start3A_152 = arith.constant 0 : i32
      %dma_start3A_153 = tpu.memref_slice %arg3[%mul3A_151, %dma_start3A_152] : memref<80000x128xf32, #tpu.memory_space<hbm>> -> memref<128x128xf32, #tpu.memory_space<hbm>>
      %dma_start3A_154 = arith.constant 0 : i32
      %dma_start3A_155 = tpu.memref_slice %arg3[%mul3A_151, %dma_start3A_154] : memref<80000x128xf32, #tpu.memory_space<hbm>> -> memref<128x128xf32, #tpu.memory_space<hbm>>
      tpu.enqueue_dma source(%dma_start3A_155 : memref<128x128xf32, #tpu.memory_space<hbm>>) target(%arg17 : memref<128x128xf32, #tpu.memory_space<vmem>>) target_semaphore(%arg18 : memref<!tpu.dma_semaphore, #tpu.memory_space<semaphore_mem>>)
    } else {
    }
    %scan3A_22 = arith.constant 0 : i32
    %scan3A_23 = arith.constant 10 : i32
    %scan3A_24 = arith.addi %scan3A_22, %scan3A_23 : i32
    %scan3A_25 = arith.constant 1 : i32
    scf.for %scan3A_145 = %scan3A_22 to %scan3A_24 step %scan3A_25  : i32 {
      %mul3A_146 = arith.constant 2 : i32
      %mul3A_147 = arith.muli %scan3A_145, %mul3A_146 : i32
      %add3A_148 = arith.constant 0 : i32
      %add3A_149 = arith.addi %add3A_148, %mul3A_147 : i32
      %add3A_150 = arith.constant 1 : i32
      %add3A_151 = arith.addi %add3A_149, %add3A_150 : i32
      %mul3A_152 = arith.constant 32 : i32
      %mul3A_153 = arith.muli %mul3A_152, %add3A_151 : i32
      %add3A_154 = arith.addi %add3A, %mul3A_153 : i32
      %lt3A_155 = arith.constant 625 : i32
      %lt3A_156 = arith.cmpi slt, %add3A_154, %lt3A_155 : i32
      %convert_element_type3A_157 = arith.extui %lt3A_156 : i1 to i32
      %cond3A_158 = arith.constant 0 : i32
      %cond3A_159 = arith.cmpi ne, %convert_element_type3A_157, %cond3A_158 : i32
      scf.if %cond3A_159 {
        %mul3A_188 = arith.constant 128 : i32
        %mul3A_189 = arith.muli %add3A_154, %mul3A_188 : i32
        %add3A_190 = arith.constant 240000 : i32
        %add3A_191 = arith.addi %add3A_190, %mul3A_189 : i32
        %dma_start3A = tpu.memref_slice %arg10[%add3A_191] : memref<320000xi32, #tpu.memory_space<hbm>> -> memref<128xi32, #tpu.memory_space<hbm>>
        %dma_start3A_192 = tpu.memref_slice %arg10[%add3A_191] : memref<320000xi32, #tpu.memory_space<hbm>> -> memref<128xi32, #tpu.memory_space<hbm>>
        tpu.enqueue_dma source(%dma_start3A_192 : memref<128xi32, #tpu.memory_space<hbm>>) target(%arg19 : memref<128xi32, #tpu.memory_space<vmem>>) target_semaphore(%arg21 : memref<!tpu.dma_semaphore, #tpu.memory_space<semaphore_mem>>)
        %mul3A_193 = arith.constant 128 : i32
        %mul3A_194 = arith.muli %add3A_154, %mul3A_193 : i32
        %dma_start3A_195 = arith.constant 0 : i32
        %dma_start3A_196 = tpu.memref_slice %arg3[%mul3A_194, %dma_start3A_195] : memref<80000x128xf32, #tpu.memory_space<hbm>> -> memref<128x128xf32, #tpu.memory_space<hbm>>
        %dma_start3A_197 = arith.constant 0 : i32
        %dma_start3A_198 = tpu.memref_slice %arg3[%mul3A_194, %dma_start3A_197] : memref<80000x128xf32, #tpu.memory_space<hbm>> -> memref<128x128xf32, #tpu.memory_space<hbm>>
        tpu.enqueue_dma source(%dma_start3A_198 : memref<128x128xf32, #tpu.memory_space<hbm>>) target(%arg20 : memref<128x128xf32, #tpu.memory_space<vmem>>) target_semaphore(%arg21 : memref<!tpu.dma_semaphore, #tpu.memory_space<semaphore_mem>>)
      } else {
      }
      %mul3A_160 = arith.constant 32 : i32
      %mul3A_161 = arith.muli %mul3A_160, %add3A_149 : i32
      %add3A_162 = arith.addi %add3A, %mul3A_161 : i32
      %lt3A_163 = arith.constant 625 : i32
      %lt3A_164 = arith.cmpi slt, %add3A_162, %lt3A_163 : i32
      %convert_element_type3A_165 = arith.extui %lt3A_164 : i1 to i32
      %cond3A_166 = arith.constant 0 : i32
      %cond3A_167 = arith.cmpi ne, %convert_element_type3A_165, %cond3A_166 : i32
      scf.if %cond3A_167 {
        %dma_wait3A = arith.constant 0 : i32
        %dma_wait3A_188 = tpu.memref_slice %arg10[%dma_wait3A] : memref<320000xi32, #tpu.memory_space<hbm>> -> memref<128xi32, #tpu.memory_space<hbm>>
        %dma_wait3A_189 = arith.constant 0 : i32
        %dma_wait3A_190 = tpu.memref_slice %arg10[%dma_wait3A_189] : memref<320000xi32, #tpu.memory_space<hbm>> -> memref<128xi32, #tpu.memory_space<hbm>>
        tpu.wait_dma2 semaphore(%arg18 : memref<!tpu.dma_semaphore, #tpu.memory_space<semaphore_mem>>) src(%dma_wait3A_190 : memref<128xi32, #tpu.memory_space<hbm>>) dst(%arg16 : memref<128xi32, #tpu.memory_space<vmem>>)
        %dma_wait3A_191 = arith.constant 0 : i32
        %dma_wait3A_192 = arith.constant 0 : i32
        %dma_wait3A_193 = tpu.memref_slice %arg3[%dma_wait3A_191, %dma_wait3A_192] : memref<80000x128xf32, #tpu.memory_space<hbm>> -> memref<128x128xf32, #tpu.memory_space<hbm>>
        %dma_wait3A_194 = arith.constant 0 : i32
        %dma_wait3A_195 = arith.constant 0 : i32
        %dma_wait3A_196 = tpu.memref_slice %arg3[%dma_wait3A_194, %dma_wait3A_195] : memref<80000x128xf32, #tpu.memory_space<hbm>> -> memref<128x128xf32, #tpu.memory_space<hbm>>
        tpu.wait_dma2 semaphore(%arg18 : memref<!tpu.dma_semaphore, #tpu.memory_space<semaphore_mem>>) src(%dma_wait3A_196 : memref<128x128xf32, #tpu.memory_space<hbm>>) dst(%arg17 : memref<128x128xf32, #tpu.memory_space<vmem>>)
        "tpu.region"() ({
          %run_scoped3A = tpu.sem_alloc : memref<!tpu.dma_semaphore, #tpu.memory_space<semaphore_mem>>
          %dma_start3A = arith.constant 0 : i32
          %dma_start3A_197 = arith.constant 0 : i32
          %dma_start3A_198 = tpu.memref_slice %arg22[%dma_start3A, %dma_start3A_197] : memref<10000x128xf32, #tpu.memory_space<vmem_shared>> -> memref<10000x128xf32, #tpu.memory_space<vmem_shared>>
          tpu.enqueue_indirect_dma source(%arg17 : memref<128x128xf32, #tpu.memory_space<vmem>>) target(%dma_start3A_198 : memref<10000x128xf32, #tpu.memory_space<vmem_shared>>) offsets(%arg16 : memref<128xi32, #tpu.memory_space<vmem>>) semaphore(%run_scoped3A : memref<!tpu.dma_semaphore, #tpu.memory_space<semaphore_mem>>) {add = true}
          %dma_wait3A_199 = arith.constant 0 : i32
          %dma_wait3A_200 = arith.constant 0 : i32
          %dma_wait3A_201 = tpu.memref_slice %arg22[%dma_wait3A_199, %dma_wait3A_200] : memref<10000x128xf32, #tpu.memory_space<vmem_shared>> -> memref<10000x128xf32, #tpu.memory_space<vmem_shared>>
          tpu.wait_indirect_dma semaphore(%run_scoped3A : memref<!tpu.dma_semaphore, #tpu.memory_space<semaphore_mem>>) src(%arg17 : memref<128x128xf32, #tpu.memory_space<vmem>>) dst(%dma_wait3A_201 : memref<10000x128xf32, #tpu.memory_space<vmem_shared>>)
          tpu.yield
        }) : () -> ()
      } else {
      }
      %add3A_168 = arith.constant 2 : i32
      %add3A_169 = arith.addi %add3A_149, %add3A_168 : i32
      %mul3A_170 = arith.constant 32 : i32
      %mul3A_171 = arith.muli %mul3A_170, %add3A_169 : i32
      %add3A_172 = arith.addi %add3A, %mul3A_171 : i32
      %lt3A_173 = arith.constant 625 : i32
      %lt3A_174 = arith.cmpi slt, %add3A_172, %lt3A_173 : i32
      %convert_element_type3A_175 = arith.extui %lt3A_174 : i1 to i32
      %cond3A_176 = arith.constant 0 : i32
      %cond3A_177 = arith.cmpi ne, %convert_element_type3A_175, %cond3A_176 : i32
      scf.if %cond3A_177 {
        %mul3A_188 = arith.constant 128 : i32
        %mul3A_189 = arith.muli %add3A_172, %mul3A_188 : i32
        %add3A_190 = arith.constant 240000 : i32
        %add3A_191 = arith.addi %add3A_190, %mul3A_189 : i32
        %dma_start3A = tpu.memref_slice %arg10[%add3A_191] : memref<320000xi32, #tpu.memory_space<hbm>> -> memref<128xi32, #tpu.memory_space<hbm>>
        %dma_start3A_192 = tpu.memref_slice %arg10[%add3A_191] : memref<320000xi32, #tpu.memory_space<hbm>> -> memref<128xi32, #tpu.memory_space<hbm>>
        tpu.enqueue_dma source(%dma_start3A_192 : memref<128xi32, #tpu.memory_space<hbm>>) target(%arg16 : memref<128xi32, #tpu.memory_space<vmem>>) target_semaphore(%arg18 : memref<!tpu.dma_semaphore, #tpu.memory_space<semaphore_mem>>)
        %mul3A_193 = arith.constant 128 : i32
        %mul3A_194 = arith.muli %add3A_172, %mul3A_193 : i32
        %dma_start3A_195 = arith.constant 0 : i32
        %dma_start3A_196 = tpu.memref_slice %arg3[%mul3A_194, %dma_start3A_195] : memref<80000x128xf32, #tpu.memory_space<hbm>> -> memref<128x128xf32, #tpu.memory_space<hbm>>
        %dma_start3A_197 = arith.constant 0 : i32
        %dma_start3A_198 = tpu.memref_slice %arg3[%mul3A_194, %dma_start3A_197] : memref<80000x128xf32, #tpu.memory_space<hbm>> -> memref<128x128xf32, #tpu.memory_space<hbm>>
        tpu.enqueue_dma source(%dma_start3A_198 : memref<128x128xf32, #tpu.memory_space<hbm>>) target(%arg17 : memref<128x128xf32, #tpu.memory_space<vmem>>) target_semaphore(%arg18 : memref<!tpu.dma_semaphore, #tpu.memory_space<semaphore_mem>>)
      } else {
      }
      %add3A_178 = arith.constant 1 : i32
      %add3A_179 = arith.addi %add3A_149, %add3A_178 : i32
      %mul3A_180 = arith.constant 32 : i32
      %mul3A_181 = arith.muli %mul3A_180, %add3A_179 : i32
      %add3A_182 = arith.addi %add3A, %mul3A_181 : i32
      %lt3A_183 = arith.constant 625 : i32
      %lt3A_184 = arith.cmpi slt, %add3A_182, %lt3A_183 : i32
      %convert_element_type3A_185 = arith.extui %lt3A_184 : i1 to i32
      %cond3A_186 = arith.constant 0 : i32
      %cond3A_187 = arith.cmpi ne, %convert_element_type3A_185, %cond3A_186 : i32
      scf.if %cond3A_187 {
        %dma_wait3A = arith.constant 0 : i32
        %dma_wait3A_188 = tpu.memref_slice %arg10[%dma_wait3A] : memref<320000xi32, #tpu.memory_space<hbm>> -> memref<128xi32, #tpu.memory_space<hbm>>
        %dma_wait3A_189 = arith.constant 0 : i32
        %dma_wait3A_190 = tpu.memref_slice %arg10[%dma_wait3A_189] : memref<320000xi32, #tpu.memory_space<hbm>> -> memref<128xi32, #tpu.memory_space<hbm>>
        tpu.wait_dma2 semaphore(%arg21 : memref<!tpu.dma_semaphore, #tpu.memory_space<semaphore_mem>>) src(%dma_wait3A_190 : memref<128xi32, #tpu.memory_space<hbm>>) dst(%arg19 : memref<128xi32, #tpu.memory_space<vmem>>)
        %dma_wait3A_191 = arith.constant 0 : i32
        %dma_wait3A_192 = arith.constant 0 : i32
        %dma_wait3A_193 = tpu.memref_slice %arg3[%dma_wait3A_191, %dma_wait3A_192] : memref<80000x128xf32, #tpu.memory_space<hbm>> -> memref<128x128xf32, #tpu.memory_space<hbm>>
        %dma_wait3A_194 = arith.constant 0 : i32
        %dma_wait3A_195 = arith.constant 0 : i32
        %dma_wait3A_196 = tpu.memref_slice %arg3[%dma_wait3A_194, %dma_wait3A_195] : memref<80000x128xf32, #tpu.memory_space<hbm>> -> memref<128x128xf32, #tpu.memory_space<hbm>>
        tpu.wait_dma2 semaphore(%arg21 : memref<!tpu.dma_semaphore, #tpu.memory_space<semaphore_mem>>) src(%dma_wait3A_196 : memref<128x128xf32, #tpu.memory_space<hbm>>) dst(%arg20 : memref<128x128xf32, #tpu.memory_space<vmem>>)
        "tpu.region"() ({
          %run_scoped3A = tpu.sem_alloc : memref<!tpu.dma_semaphore, #tpu.memory_space<semaphore_mem>>
          %dma_start3A = arith.constant 0 : i32
          %dma_start3A_197 = arith.constant 0 : i32
          %dma_start3A_198 = tpu.memref_slice %arg22[%dma_start3A, %dma_start3A_197] : memref<10000x128xf32, #tpu.memory_space<vmem_shared>> -> memref<10000x128xf32, #tpu.memory_space<vmem_shared>>
          tpu.enqueue_indirect_dma source(%arg20 : memref<128x128xf32, #tpu.memory_space<vmem>>) target(%dma_start3A_198 : memref<10000x128xf32, #tpu.memory_space<vmem_shared>>) offsets(%arg19 : memref<128xi32, #tpu.memory_space<vmem>>) semaphore(%run_scoped3A : memref<!tpu.dma_semaphore, #tpu.memory_space<semaphore_mem>>) {add = true}
          %dma_wait3A_199 = arith.constant 0 : i32
          %dma_wait3A_200 = arith.constant 0 : i32
          %dma_wait3A_201 = tpu.memref_slice %arg22[%dma_wait3A_199, %dma_wait3A_200] : memref<10000x128xf32, #tpu.memory_space<vmem_shared>> -> memref<10000x128xf32, #tpu.memory_space<vmem_shared>>
          tpu.wait_indirect_dma semaphore(%run_scoped3A : memref<!tpu.dma_semaphore, #tpu.memory_space<semaphore_mem>>) src(%arg20 : memref<128x128xf32, #tpu.memory_space<vmem>>) dst(%dma_wait3A_201 : memref<10000x128xf32, #tpu.memory_space<vmem_shared>>)
          tpu.yield
        }) : () -> ()
      } else {
      }
    }
    %scan3A_26 = arith.constant 10 : i32
    %barrier3A_27 = arith.constant 0 : index
    tpu.barrier barrier_id(%barrier3A_27)
    "tpu.region"() ({
      %run_scoped3A = tpu.sem_alloc : memref<!tpu.dma_semaphore, #tpu.memory_space<semaphore_mem>>
      %dma_start3A = arith.constant 0 : i32
      %dma_start3A_145 = arith.constant 0 : i32
      %dma_start3A_146 = tpu.memref_slice %arg12[%arg0, %dma_start3A, %dma_start3A_145] : memref<2x10000x128xf32, #tpu.memory_space<hbm>> -> memref<1x10000x128xf32, #tpu.memory_space<hbm>>
      %dma_start3A_147 = tpu.memref_squeeze %dma_start3A_146 : memref<1x10000x128xf32, #tpu.memory_space<hbm>> -> memref<10000x128xf32, #tpu.memory_space<hbm>>
      %dma_start3A_148 = arith.constant 0 : i32
      %dma_start3A_149 = tpu.memref_slice %dma_start3A_147[%mul3A_2, %dma_start3A_148] : memref<10000x128xf32, #tpu.memory_space<hbm>> -> memref<624x128xf32, #tpu.memory_space<hbm>>
      %dma_start3A_150 = arith.constant 0 : i32
      %dma_start3A_151 = tpu.memref_slice %arg22[%mul3A_2, %dma_start3A_150] : memref<10000x128xf32, #tpu.memory_space<vmem_shared>> -> memref<624x128xf32, #tpu.memory_space<vmem_shared>>
      tpu.enqueue_dma source(%dma_start3A_151 : memref<624x128xf32, #tpu.memory_space<vmem_shared>>) target(%dma_start3A_149 : memref<624x128xf32, #tpu.memory_space<hbm>>) target_semaphore(%run_scoped3A : memref<!tpu.dma_semaphore, #tpu.memory_space<semaphore_mem>>)
      %dma_wait3A = arith.constant 0 : i32
      %dma_wait3A_152 = arith.constant 0 : i32
      %dma_wait3A_153 = tpu.memref_slice %arg12[%arg0, %dma_wait3A, %dma_wait3A_152] : memref<2x10000x128xf32, #tpu.memory_space<hbm>> -> memref<1x10000x128xf32, #tpu.memory_space<hbm>>
      %dma_wait3A_154 = tpu.memref_squeeze %dma_wait3A_153 : memref<1x10000x128xf32, #tpu.memory_space<hbm>> -> memref<10000x128xf32, #tpu.memory_space<hbm>>
      %dma_wait3A_155 = arith.constant 0 : i32
      %dma_wait3A_156 = tpu.memref_slice %dma_wait3A_154[%mul3A_2, %dma_wait3A_155] : memref<10000x128xf32, #tpu.memory_space<hbm>> -> memref<624x128xf32, #tpu.memory_space<hbm>>
      %dma_wait3A_157 = arith.constant 0 : i32
      %dma_wait3A_158 = tpu.memref_slice %arg22[%mul3A_2, %dma_wait3A_157] : memref<10000x128xf32, #tpu.memory_space<vmem_shared>> -> memref<624x128xf32, #tpu.memory_space<vmem_shared>>
      tpu.wait_dma2 semaphore(%run_scoped3A : memref<!tpu.dma_semaphore, #tpu.memory_space<semaphore_mem>>) src(%dma_wait3A_158 : memref<624x128xf32, #tpu.memory_space<vmem_shared>>) dst(%dma_wait3A_156 : memref<624x128xf32, #tpu.memory_space<hbm>>)
      tpu.yield
    }) : () -> ()
    %eq3A_28 = arith.constant 15 : i32
    %eq3A_29 = arith.cmpi eq, %arg1, %eq3A_28 : i32
    %convert_element_type3A_30 = arith.extui %eq3A_29 : i1 to i32
    %cond3A_31 = arith.constant 0 : i32
    %cond3A_32 = arith.cmpi ne, %convert_element_type3A_30, %cond3A_31 : i32
    scf.if %cond3A_32 {
      "tpu.region"() ({
        %run_scoped3A = tpu.sem_alloc : memref<!tpu.dma_semaphore, #tpu.memory_space<semaphore_mem>>
        %dma_start3A = arith.constant 0 : i32
        %dma_start3A_145 = arith.constant 0 : i32
        %dma_start3A_146 = tpu.memref_slice %arg12[%arg0, %dma_start3A, %dma_start3A_145] : memref<2x10000x128xf32, #tpu.memory_space<hbm>> -> memref<1x10000x128xf32, #tpu.memory_space<hbm>>
        %dma_start3A_147 = tpu.memref_squeeze %dma_start3A_146 : memref<1x10000x128xf32, #tpu.memory_space<hbm>> -> memref<10000x128xf32, #tpu.memory_space<hbm>>
        %dma_start3A_148 = arith.constant 9984 : i32
        %dma_start3A_149 = arith.constant 0 : i32
        %dma_start3A_150 = tpu.memref_slice %dma_start3A_147[%dma_start3A_148, %dma_start3A_149] : memref<10000x128xf32, #tpu.memory_space<hbm>> -> memref<16x128xf32, #tpu.memory_space<hbm>>
        %dma_start3A_151 = arith.constant 9984 : i32
        %dma_start3A_152 = arith.constant 0 : i32
        %dma_start3A_153 = tpu.memref_slice %arg22[%dma_start3A_151, %dma_start3A_152] : memref<10000x128xf32, #tpu.memory_space<vmem_shared>> -> memref<16x128xf32, #tpu.memory_space<vmem_shared>>
        tpu.enqueue_dma source(%dma_start3A_153 : memref<16x128xf32, #tpu.memory_space<vmem_shared>>) target(%dma_start3A_150 : memref<16x128xf32, #tpu.memory_space<hbm>>) target_semaphore(%run_scoped3A : memref<!tpu.dma_semaphore, #tpu.memory_space<semaphore_mem>>)
        %dma_wait3A = arith.constant 0 : i32
        %dma_wait3A_154 = arith.constant 0 : i32
        %dma_wait3A_155 = tpu.memref_slice %arg12[%arg0, %dma_wait3A, %dma_wait3A_154] : memref<2x10000x128xf32, #tpu.memory_space<hbm>> -> memref<1x10000x128xf32, #tpu.memory_space<hbm>>
        %dma_wait3A_156 = tpu.memref_squeeze %dma_wait3A_155 : memref<1x10000x128xf32, #tpu.memory_space<hbm>> -> memref<10000x128xf32, #tpu.memory_space<hbm>>
        %dma_wait3A_157 = arith.constant 9984 : i32
        %dma_wait3A_158 = arith.constant 0 : i32
        %dma_wait3A_159 = tpu.memref_slice %dma_wait3A_156[%dma_wait3A_157, %dma_wait3A_158] : memref<10000x128xf32, #tpu.memory_space<hbm>> -> memref<16x128xf32, #tpu.memory_space<hbm>>
        %dma_wait3A_160 = arith.constant 9984 : i32
        %dma_wait3A_161 = arith.constant 0 : i32
        %dma_wait3A_162 = tpu.memref_slice %arg22[%dma_wait3A_160, %dma_wait3A_161] : memref<10000x128xf32, #tpu.memory_space<vmem_shared>> -> memref<16x128xf32, #tpu.memory_space<vmem_shared>>
        tpu.wait_dma2 semaphore(%run_scoped3A : memref<!tpu.dma_semaphore, #tpu.memory_space<semaphore_mem>>) src(%dma_wait3A_162 : memref<16x128xf32, #tpu.memory_space<vmem_shared>>) dst(%dma_wait3A_159 : memref<16x128xf32, #tpu.memory_space<hbm>>)
        tpu.yield
      }) : () -> ()
    } else {
    }
    %barrier3A_33 = arith.constant 0 : index
    tpu.barrier barrier_id(%barrier3A_33)
    "tpu.region"() ({
      %run_scoped3A = tpu.sem_alloc : memref<!tpu.dma_semaphore, #tpu.memory_space<semaphore_mem>>
      %dma_start3A = arith.constant 0 : i32
      %dma_start3A_145 = tpu.memref_slice %arg22[%mul3A_2, %dma_start3A] : memref<10000x128xf32, #tpu.memory_space<vmem_shared>> -> memref<624x128xf32, #tpu.memory_space<vmem_shared>>
      %dma_start3A_146 = arith.constant 0 : i32
      %dma_start3A_147 = arith.constant 0 : i32
      %dma_start3A_148 = tpu.memref_slice %arg11[%dma_start3A_146, %dma_start3A_147] : memref<624x128xf32, #tpu.memory_space<hbm>> -> memref<624x128xf32, #tpu.memory_space<hbm>>
      tpu.enqueue_dma source(%dma_start3A_148 : memref<624x128xf32, #tpu.memory_space<hbm>>) target(%dma_start3A_145 : memref<624x128xf32, #tpu.memory_space<vmem_shared>>) target_semaphore(%run_scoped3A : memref<!tpu.dma_semaphore, #tpu.memory_space<semaphore_mem>>)
      %dma_wait3A = arith.constant 0 : i32
      %dma_wait3A_149 = tpu.memref_slice %arg22[%mul3A_2, %dma_wait3A] : memref<10000x128xf32, #tpu.memory_space<vmem_shared>> -> memref<624x128xf32, #tpu.memory_space<vmem_shared>>
      %dma_wait3A_150 = arith.constant 0 : i32
      %dma_wait3A_151 = arith.constant 0 : i32
      %dma_wait3A_152 = tpu.memref_slice %arg11[%dma_wait3A_150, %dma_wait3A_151] : memref<624x128xf32, #tpu.memory_space<hbm>> -> memref<624x128xf32, #tpu.memory_space<hbm>>
      tpu.wait_dma2 semaphore(%run_scoped3A : memref<!tpu.dma_semaphore, #tpu.memory_space<semaphore_mem>>) src(%dma_wait3A_152 : memref<624x128xf32, #tpu.memory_space<hbm>>) dst(%dma_wait3A_149 : memref<624x128xf32, #tpu.memory_space<vmem_shared>>)
      tpu.yield
    }) : () -> ()
    %eq3A_34 = arith.constant 15 : i32
    %eq3A_35 = arith.cmpi eq, %arg1, %eq3A_34 : i32
    %convert_element_type3A_36 = arith.extui %eq3A_35 : i1 to i32
    %cond3A_37 = arith.constant 0 : i32
    %cond3A_38 = arith.cmpi ne, %convert_element_type3A_36, %cond3A_37 : i32
    scf.if %cond3A_38 {
      "tpu.region"() ({
        %run_scoped3A = tpu.sem_alloc : memref<!tpu.dma_semaphore, #tpu.memory_space<semaphore_mem>>
        %dma_start3A = arith.constant 9984 : i32
        %dma_start3A_145 = arith.constant 0 : i32
        %dma_start3A_146 = tpu.memref_slice %arg22[%dma_start3A, %dma_start3A_145] : memref<10000x128xf32, #tpu.memory_space<vmem_shared>> -> memref<16x128xf32, #tpu.memory_space<vmem_shared>>
        %dma_start3A_147 = arith.constant 0 : i32
        %dma_start3A_148 = arith.constant 0 : i32
        %dma_start3A_149 = tpu.memref_slice %arg11[%dma_start3A_147, %dma_start3A_148] : memref<624x128xf32, #tpu.memory_space<hbm>> -> memref<16x128xf32, #tpu.memory_space<hbm>>
        tpu.enqueue_dma source(%dma_start3A_149 : memref<16x128xf32, #tpu.memory_space<hbm>>) target(%dma_start3A_146 : memref<16x128xf32, #tpu.memory_space<vmem_shared>>) target_semaphore(%run_scoped3A : memref<!tpu.dma_semaphore, #tpu.memory_space<semaphore_mem>>)
        %dma_wait3A = arith.constant 9984 : i32
        %dma_wait3A_150 = arith.constant 0 : i32
        %dma_wait3A_151 = tpu.memref_slice %arg22[%dma_wait3A, %dma_wait3A_150] : memref<10000x128xf32, #tpu.memory_space<vmem_shared>> -> memref<16x128xf32, #tpu.memory_space<vmem_shared>>
        %dma_wait3A_152 = arith.constant 0 : i32
        %dma_wait3A_153 = arith.constant 0 : i32
        %dma_wait3A_154 = tpu.memref_slice %arg11[%dma_wait3A_152, %dma_wait3A_153] : memref<624x128xf32, #tpu.memory_space<hbm>> -> memref<16x128xf32, #tpu.memory_space<hbm>>
        tpu.wait_dma2 semaphore(%run_scoped3A : memref<!tpu.dma_semaphore, #tpu.memory_space<semaphore_mem>>) src(%dma_wait3A_154 : memref<16x128xf32, #tpu.memory_space<hbm>>) dst(%dma_wait3A_151 : memref<16x128xf32, #tpu.memory_space<vmem_shared>>)
        tpu.yield
      }) : () -> ()
    } else {
    }
    %barrier3A_39 = arith.constant 0 : index
    tpu.barrier barrier_id(%barrier3A_39)
    %add3A_40 = arith.constant 0 : i32
    %add3A_41 = arith.addi %add3A, %add3A_40 : i32
    %lt3A_42 = arith.constant 625 : i32
    %lt3A_43 = arith.cmpi slt, %add3A_41, %lt3A_42 : i32
    %convert_element_type3A_44 = arith.extui %lt3A_43 : i1 to i32
    %cond3A_45 = arith.constant 0 : i32
    %cond3A_46 = arith.cmpi ne, %convert_element_type3A_44, %cond3A_45 : i32
    scf.if %cond3A_46 {
      %mul3A_145 = arith.constant 128 : i32
      %mul3A_146 = arith.muli %add3A_41, %mul3A_145 : i32
      %add3A_147 = arith.constant 160000 : i32
      %add3A_148 = arith.addi %add3A_147, %mul3A_146 : i32
      %dma_start3A = tpu.memref_slice %arg10[%add3A_148] : memref<320000xi32, #tpu.memory_space<hbm>> -> memref<128xi32, #tpu.memory_space<hbm>>
      %dma_start3A_149 = tpu.memref_slice %arg10[%add3A_148] : memref<320000xi32, #tpu.memory_space<hbm>> -> memref<128xi32, #tpu.memory_space<hbm>>
      tpu.enqueue_dma source(%dma_start3A_149 : memref<128xi32, #tpu.memory_space<hbm>>) target(%arg16 : memref<128xi32, #tpu.memory_space<vmem>>) target_semaphore(%arg18 : memref<!tpu.dma_semaphore, #tpu.memory_space<semaphore_mem>>)
      %mul3A_150 = arith.constant 128 : i32
      %mul3A_151 = arith.muli %add3A_41, %mul3A_150 : i32
      %dma_start3A_152 = arith.constant 0 : i32
      %dma_start3A_153 = tpu.memref_slice %arg4[%mul3A_151, %dma_start3A_152] : memref<80000x128xf32, #tpu.memory_space<hbm>> -> memref<128x128xf32, #tpu.memory_space<hbm>>
      %dma_start3A_154 = arith.constant 0 : i32
      %dma_start3A_155 = tpu.memref_slice %arg4[%mul3A_151, %dma_start3A_154] : memref<80000x128xf32, #tpu.memory_space<hbm>> -> memref<128x128xf32, #tpu.memory_space<hbm>>
      tpu.enqueue_dma source(%dma_start3A_155 : memref<128x128xf32, #tpu.memory_space<hbm>>) target(%arg17 : memref<128x128xf32, #tpu.memory_space<vmem>>) target_semaphore(%arg18 : memref<!tpu.dma_semaphore, #tpu.memory_space<semaphore_mem>>)
    } else {
    }
    %scan3A_47 = arith.constant 0 : i32
    %scan3A_48 = arith.constant 10 : i32
    %scan3A_49 = arith.addi %scan3A_47, %scan3A_48 : i32
    %scan3A_50 = arith.constant 1 : i32
    scf.for %scan3A_145 = %scan3A_47 to %scan3A_49 step %scan3A_50  : i32 {
      %mul3A_146 = arith.constant 2 : i32
      %mul3A_147 = arith.muli %scan3A_145, %mul3A_146 : i32
      %add3A_148 = arith.constant 0 : i32
      %add3A_149 = arith.addi %add3A_148, %mul3A_147 : i32
      %add3A_150 = arith.constant 1 : i32
      %add3A_151 = arith.addi %add3A_149, %add3A_150 : i32
      %mul3A_152 = arith.constant 32 : i32
      %mul3A_153 = arith.muli %mul3A_152, %add3A_151 : i32
      %add3A_154 = arith.addi %add3A, %mul3A_153 : i32
      %lt3A_155 = arith.constant 625 : i32
      %lt3A_156 = arith.cmpi slt, %add3A_154, %lt3A_155 : i32
      %convert_element_type3A_157 = arith.extui %lt3A_156 : i1 to i32
      %cond3A_158 = arith.constant 0 : i32
      %cond3A_159 = arith.cmpi ne, %convert_element_type3A_157, %cond3A_158 : i32
      scf.if %cond3A_159 {
        %mul3A_188 = arith.constant 128 : i32
        %mul3A_189 = arith.muli %add3A_154, %mul3A_188 : i32
        %add3A_190 = arith.constant 160000 : i32
        %add3A_191 = arith.addi %add3A_190, %mul3A_189 : i32
        %dma_start3A = tpu.memref_slice %arg10[%add3A_191] : memref<320000xi32, #tpu.memory_space<hbm>> -> memref<128xi32, #tpu.memory_space<hbm>>
        %dma_start3A_192 = tpu.memref_slice %arg10[%add3A_191] : memref<320000xi32, #tpu.memory_space<hbm>> -> memref<128xi32, #tpu.memory_space<hbm>>
        tpu.enqueue_dma source(%dma_start3A_192 : memref<128xi32, #tpu.memory_space<hbm>>) target(%arg19 : memref<128xi32, #tpu.memory_space<vmem>>) target_semaphore(%arg21 : memref<!tpu.dma_semaphore, #tpu.memory_space<semaphore_mem>>)
        %mul3A_193 = arith.constant 128 : i32
        %mul3A_194 = arith.muli %add3A_154, %mul3A_193 : i32
        %dma_start3A_195 = arith.constant 0 : i32
        %dma_start3A_196 = tpu.memref_slice %arg4[%mul3A_194, %dma_start3A_195] : memref<80000x128xf32, #tpu.memory_space<hbm>> -> memref<128x128xf32, #tpu.memory_space<hbm>>
        %dma_start3A_197 = arith.constant 0 : i32
        %dma_start3A_198 = tpu.memref_slice %arg4[%mul3A_194, %dma_start3A_197] : memref<80000x128xf32, #tpu.memory_space<hbm>> -> memref<128x128xf32, #tpu.memory_space<hbm>>
        tpu.enqueue_dma source(%dma_start3A_198 : memref<128x128xf32, #tpu.memory_space<hbm>>) target(%arg20 : memref<128x128xf32, #tpu.memory_space<vmem>>) target_semaphore(%arg21 : memref<!tpu.dma_semaphore, #tpu.memory_space<semaphore_mem>>)
      } else {
      }
      %mul3A_160 = arith.constant 32 : i32
      %mul3A_161 = arith.muli %mul3A_160, %add3A_149 : i32
      %add3A_162 = arith.addi %add3A, %mul3A_161 : i32
      %lt3A_163 = arith.constant 625 : i32
      %lt3A_164 = arith.cmpi slt, %add3A_162, %lt3A_163 : i32
      %convert_element_type3A_165 = arith.extui %lt3A_164 : i1 to i32
      %cond3A_166 = arith.constant 0 : i32
      %cond3A_167 = arith.cmpi ne, %convert_element_type3A_165, %cond3A_166 : i32
      scf.if %cond3A_167 {
        %dma_wait3A = arith.constant 0 : i32
        %dma_wait3A_188 = tpu.memref_slice %arg10[%dma_wait3A] : memref<320000xi32, #tpu.memory_space<hbm>> -> memref<128xi32, #tpu.memory_space<hbm>>
        %dma_wait3A_189 = arith.constant 0 : i32
        %dma_wait3A_190 = tpu.memref_slice %arg10[%dma_wait3A_189] : memref<320000xi32, #tpu.memory_space<hbm>> -> memref<128xi32, #tpu.memory_space<hbm>>
        tpu.wait_dma2 semaphore(%arg18 : memref<!tpu.dma_semaphore, #tpu.memory_space<semaphore_mem>>) src(%dma_wait3A_190 : memref<128xi32, #tpu.memory_space<hbm>>) dst(%arg16 : memref<128xi32, #tpu.memory_space<vmem>>)
        %dma_wait3A_191 = arith.constant 0 : i32
        %dma_wait3A_192 = arith.constant 0 : i32
        %dma_wait3A_193 = tpu.memref_slice %arg4[%dma_wait3A_191, %dma_wait3A_192] : memref<80000x128xf32, #tpu.memory_space<hbm>> -> memref<128x128xf32, #tpu.memory_space<hbm>>
        %dma_wait3A_194 = arith.constant 0 : i32
        %dma_wait3A_195 = arith.constant 0 : i32
        %dma_wait3A_196 = tpu.memref_slice %arg4[%dma_wait3A_194, %dma_wait3A_195] : memref<80000x128xf32, #tpu.memory_space<hbm>> -> memref<128x128xf32, #tpu.memory_space<hbm>>
        tpu.wait_dma2 semaphore(%arg18 : memref<!tpu.dma_semaphore, #tpu.memory_space<semaphore_mem>>) src(%dma_wait3A_196 : memref<128x128xf32, #tpu.memory_space<hbm>>) dst(%arg17 : memref<128x128xf32, #tpu.memory_space<vmem>>)
        "tpu.region"() ({
          %run_scoped3A = tpu.sem_alloc : memref<!tpu.dma_semaphore, #tpu.memory_space<semaphore_mem>>
          %dma_start3A = arith.constant 0 : i32
          %dma_start3A_197 = arith.constant 0 : i32
          %dma_start3A_198 = tpu.memref_slice %arg22[%dma_start3A, %dma_start3A_197] : memref<10000x128xf32, #tpu.memory_space<vmem_shared>> -> memref<10000x128xf32, #tpu.memory_space<vmem_shared>>
          tpu.enqueue_indirect_dma source(%arg17 : memref<128x128xf32, #tpu.memory_space<vmem>>) target(%dma_start3A_198 : memref<10000x128xf32, #tpu.memory_space<vmem_shared>>) offsets(%arg16 : memref<128xi32, #tpu.memory_space<vmem>>) semaphore(%run_scoped3A : memref<!tpu.dma_semaphore, #tpu.memory_space<semaphore_mem>>) {add = true}
          %dma_wait3A_199 = arith.constant 0 : i32
          %dma_wait3A_200 = arith.constant 0 : i32
          %dma_wait3A_201 = tpu.memref_slice %arg22[%dma_wait3A_199, %dma_wait3A_200] : memref<10000x128xf32, #tpu.memory_space<vmem_shared>> -> memref<10000x128xf32, #tpu.memory_space<vmem_shared>>
          tpu.wait_indirect_dma semaphore(%run_scoped3A : memref<!tpu.dma_semaphore, #tpu.memory_space<semaphore_mem>>) src(%arg17 : memref<128x128xf32, #tpu.memory_space<vmem>>) dst(%dma_wait3A_201 : memref<10000x128xf32, #tpu.memory_space<vmem_shared>>)
          tpu.yield
        }) : () -> ()
      } else {
      }
      %add3A_168 = arith.constant 2 : i32
      %add3A_169 = arith.addi %add3A_149, %add3A_168 : i32
      %mul3A_170 = arith.constant 32 : i32
      %mul3A_171 = arith.muli %mul3A_170, %add3A_169 : i32
      %add3A_172 = arith.addi %add3A, %mul3A_171 : i32
      %lt3A_173 = arith.constant 625 : i32
      %lt3A_174 = arith.cmpi slt, %add3A_172, %lt3A_173 : i32
      %convert_element_type3A_175 = arith.extui %lt3A_174 : i1 to i32
      %cond3A_176 = arith.constant 0 : i32
      %cond3A_177 = arith.cmpi ne, %convert_element_type3A_175, %cond3A_176 : i32
      scf.if %cond3A_177 {
        %mul3A_188 = arith.constant 128 : i32
        %mul3A_189 = arith.muli %add3A_172, %mul3A_188 : i32
        %add3A_190 = arith.constant 160000 : i32
        %add3A_191 = arith.addi %add3A_190, %mul3A_189 : i32
        %dma_start3A = tpu.memref_slice %arg10[%add3A_191] : memref<320000xi32, #tpu.memory_space<hbm>> -> memref<128xi32, #tpu.memory_space<hbm>>
        %dma_start3A_192 = tpu.memref_slice %arg10[%add3A_191] : memref<320000xi32, #tpu.memory_space<hbm>> -> memref<128xi32, #tpu.memory_space<hbm>>
        tpu.enqueue_dma source(%dma_start3A_192 : memref<128xi32, #tpu.memory_space<hbm>>) target(%arg16 : memref<128xi32, #tpu.memory_space<vmem>>) target_semaphore(%arg18 : memref<!tpu.dma_semaphore, #tpu.memory_space<semaphore_mem>>)
        %mul3A_193 = arith.constant 128 : i32
        %mul3A_194 = arith.muli %add3A_172, %mul3A_193 : i32
        %dma_start3A_195 = arith.constant 0 : i32
        %dma_start3A_196 = tpu.memref_slice %arg4[%mul3A_194, %dma_start3A_195] : memref<80000x128xf32, #tpu.memory_space<hbm>> -> memref<128x128xf32, #tpu.memory_space<hbm>>
        %dma_start3A_197 = arith.constant 0 : i32
        %dma_start3A_198 = tpu.memref_slice %arg4[%mul3A_194, %dma_start3A_197] : memref<80000x128xf32, #tpu.memory_space<hbm>> -> memref<128x128xf32, #tpu.memory_space<hbm>>
        tpu.enqueue_dma source(%dma_start3A_198 : memref<128x128xf32, #tpu.memory_space<hbm>>) target(%arg17 : memref<128x128xf32, #tpu.memory_space<vmem>>) target_semaphore(%arg18 : memref<!tpu.dma_semaphore, #tpu.memory_space<semaphore_mem>>)
      } else {
      }
      %add3A_178 = arith.constant 1 : i32
      %add3A_179 = arith.addi %add3A_149, %add3A_178 : i32
      %mul3A_180 = arith.constant 32 : i32
      %mul3A_181 = arith.muli %mul3A_180, %add3A_179 : i32
      %add3A_182 = arith.addi %add3A, %mul3A_181 : i32
      %lt3A_183 = arith.constant 625 : i32
      %lt3A_184 = arith.cmpi slt, %add3A_182, %lt3A_183 : i32
      %convert_element_type3A_185 = arith.extui %lt3A_184 : i1 to i32
      %cond3A_186 = arith.constant 0 : i32
      %cond3A_187 = arith.cmpi ne, %convert_element_type3A_185, %cond3A_186 : i32
      scf.if %cond3A_187 {
        %dma_wait3A = arith.constant 0 : i32
        %dma_wait3A_188 = tpu.memref_slice %arg10[%dma_wait3A] : memref<320000xi32, #tpu.memory_space<hbm>> -> memref<128xi32, #tpu.memory_space<hbm>>
        %dma_wait3A_189 = arith.constant 0 : i32
        %dma_wait3A_190 = tpu.memref_slice %arg10[%dma_wait3A_189] : memref<320000xi32, #tpu.memory_space<hbm>> -> memref<128xi32, #tpu.memory_space<hbm>>
        tpu.wait_dma2 semaphore(%arg21 : memref<!tpu.dma_semaphore, #tpu.memory_space<semaphore_mem>>) src(%dma_wait3A_190 : memref<128xi32, #tpu.memory_space<hbm>>) dst(%arg19 : memref<128xi32, #tpu.memory_space<vmem>>)
        %dma_wait3A_191 = arith.constant 0 : i32
        %dma_wait3A_192 = arith.constant 0 : i32
        %dma_wait3A_193 = tpu.memref_slice %arg4[%dma_wait3A_191, %dma_wait3A_192] : memref<80000x128xf32, #tpu.memory_space<hbm>> -> memref<128x128xf32, #tpu.memory_space<hbm>>
        %dma_wait3A_194 = arith.constant 0 : i32
        %dma_wait3A_195 = arith.constant 0 : i32
        %dma_wait3A_196 = tpu.memref_slice %arg4[%dma_wait3A_194, %dma_wait3A_195] : memref<80000x128xf32, #tpu.memory_space<hbm>> -> memref<128x128xf32, #tpu.memory_space<hbm>>
        tpu.wait_dma2 semaphore(%arg21 : memref<!tpu.dma_semaphore, #tpu.memory_space<semaphore_mem>>) src(%dma_wait3A_196 : memref<128x128xf32, #tpu.memory_space<hbm>>) dst(%arg20 : memref<128x128xf32, #tpu.memory_space<vmem>>)
        "tpu.region"() ({
          %run_scoped3A = tpu.sem_alloc : memref<!tpu.dma_semaphore, #tpu.memory_space<semaphore_mem>>
          %dma_start3A = arith.constant 0 : i32
          %dma_start3A_197 = arith.constant 0 : i32
          %dma_start3A_198 = tpu.memref_slice %arg22[%dma_start3A, %dma_start3A_197] : memref<10000x128xf32, #tpu.memory_space<vmem_shared>> -> memref<10000x128xf32, #tpu.memory_space<vmem_shared>>
          tpu.enqueue_indirect_dma source(%arg20 : memref<128x128xf32, #tpu.memory_space<vmem>>) target(%dma_start3A_198 : memref<10000x128xf32, #tpu.memory_space<vmem_shared>>) offsets(%arg19 : memref<128xi32, #tpu.memory_space<vmem>>) semaphore(%run_scoped3A : memref<!tpu.dma_semaphore, #tpu.memory_space<semaphore_mem>>) {add = true}
          %dma_wait3A_199 = arith.constant 0 : i32
          %dma_wait3A_200 = arith.constant 0 : i32
          %dma_wait3A_201 = tpu.memref_slice %arg22[%dma_wait3A_199, %dma_wait3A_200] : memref<10000x128xf32, #tpu.memory_space<vmem_shared>> -> memref<10000x128xf32, #tpu.memory_space<vmem_shared>>
          tpu.wait_indirect_dma semaphore(%run_scoped3A : memref<!tpu.dma_semaphore, #tpu.memory_space<semaphore_mem>>) src(%arg20 : memref<128x128xf32, #tpu.memory_space<vmem>>) dst(%dma_wait3A_201 : memref<10000x128xf32, #tpu.memory_space<vmem_shared>>)
          tpu.yield
        }) : () -> ()
      } else {
      }
    }
    %scan3A_51 = arith.constant 10 : i32
    %add3A_52 = arith.constant 0 : i32
    %add3A_53 = arith.addi %add3A, %add3A_52 : i32
    %lt3A_54 = arith.constant 625 : i32
    %lt3A_55 = arith.cmpi slt, %add3A_53, %lt3A_54 : i32
    %convert_element_type3A_56 = arith.extui %lt3A_55 : i1 to i32
    %cond3A_57 = arith.constant 0 : i32
    %cond3A_58 = arith.cmpi ne, %convert_element_type3A_56, %cond3A_57 : i32
    scf.if %cond3A_58 {
      %mul3A_145 = arith.constant 128 : i32
      %mul3A_146 = arith.muli %add3A_53, %mul3A_145 : i32
      %add3A_147 = arith.constant 240000 : i32
      %add3A_148 = arith.addi %add3A_147, %mul3A_146 : i32
      %dma_start3A = tpu.memref_slice %arg10[%add3A_148] : memref<320000xi32, #tpu.memory_space<hbm>> -> memref<128xi32, #tpu.memory_space<hbm>>
      %dma_start3A_149 = tpu.memref_slice %arg10[%add3A_148] : memref<320000xi32, #tpu.memory_space<hbm>> -> memref<128xi32, #tpu.memory_space<hbm>>
      tpu.enqueue_dma source(%dma_start3A_149 : memref<128xi32, #tpu.memory_space<hbm>>) target(%arg16 : memref<128xi32, #tpu.memory_space<vmem>>) target_semaphore(%arg18 : memref<!tpu.dma_semaphore, #tpu.memory_space<semaphore_mem>>)
      %mul3A_150 = arith.constant 128 : i32
      %mul3A_151 = arith.muli %add3A_53, %mul3A_150 : i32
      %dma_start3A_152 = arith.constant 0 : i32
      %dma_start3A_153 = tpu.memref_slice %arg5[%mul3A_151, %dma_start3A_152] : memref<80000x128xf32, #tpu.memory_space<hbm>> -> memref<128x128xf32, #tpu.memory_space<hbm>>
      %dma_start3A_154 = arith.constant 0 : i32
      %dma_start3A_155 = tpu.memref_slice %arg5[%mul3A_151, %dma_start3A_154] : memref<80000x128xf32, #tpu.memory_space<hbm>> -> memref<128x128xf32, #tpu.memory_space<hbm>>
      tpu.enqueue_dma source(%dma_start3A_155 : memref<128x128xf32, #tpu.memory_space<hbm>>) target(%arg17 : memref<128x128xf32, #tpu.memory_space<vmem>>) target_semaphore(%arg18 : memref<!tpu.dma_semaphore, #tpu.memory_space<semaphore_mem>>)
    } else {
    }
    %scan3A_59 = arith.constant 0 : i32
    %scan3A_60 = arith.constant 10 : i32
    %scan3A_61 = arith.addi %scan3A_59, %scan3A_60 : i32
    %scan3A_62 = arith.constant 1 : i32
    scf.for %scan3A_145 = %scan3A_59 to %scan3A_61 step %scan3A_62  : i32 {
      %mul3A_146 = arith.constant 2 : i32
      %mul3A_147 = arith.muli %scan3A_145, %mul3A_146 : i32
      %add3A_148 = arith.constant 0 : i32
      %add3A_149 = arith.addi %add3A_148, %mul3A_147 : i32
      %add3A_150 = arith.constant 1 : i32
      %add3A_151 = arith.addi %add3A_149, %add3A_150 : i32
      %mul3A_152 = arith.constant 32 : i32
      %mul3A_153 = arith.muli %mul3A_152, %add3A_151 : i32
      %add3A_154 = arith.addi %add3A, %mul3A_153 : i32
      %lt3A_155 = arith.constant 625 : i32
      %lt3A_156 = arith.cmpi slt, %add3A_154, %lt3A_155 : i32
      %convert_element_type3A_157 = arith.extui %lt3A_156 : i1 to i32
      %cond3A_158 = arith.constant 0 : i32
      %cond3A_159 = arith.cmpi ne, %convert_element_type3A_157, %cond3A_158 : i32
      scf.if %cond3A_159 {
        %mul3A_188 = arith.constant 128 : i32
        %mul3A_189 = arith.muli %add3A_154, %mul3A_188 : i32
        %add3A_190 = arith.constant 240000 : i32
        %add3A_191 = arith.addi %add3A_190, %mul3A_189 : i32
        %dma_start3A = tpu.memref_slice %arg10[%add3A_191] : memref<320000xi32, #tpu.memory_space<hbm>> -> memref<128xi32, #tpu.memory_space<hbm>>
        %dma_start3A_192 = tpu.memref_slice %arg10[%add3A_191] : memref<320000xi32, #tpu.memory_space<hbm>> -> memref<128xi32, #tpu.memory_space<hbm>>
        tpu.enqueue_dma source(%dma_start3A_192 : memref<128xi32, #tpu.memory_space<hbm>>) target(%arg19 : memref<128xi32, #tpu.memory_space<vmem>>) target_semaphore(%arg21 : memref<!tpu.dma_semaphore, #tpu.memory_space<semaphore_mem>>)
        %mul3A_193 = arith.constant 128 : i32
        %mul3A_194 = arith.muli %add3A_154, %mul3A_193 : i32
        %dma_start3A_195 = arith.constant 0 : i32
        %dma_start3A_196 = tpu.memref_slice %arg5[%mul3A_194, %dma_start3A_195] : memref<80000x128xf32, #tpu.memory_space<hbm>> -> memref<128x128xf32, #tpu.memory_space<hbm>>
        %dma_start3A_197 = arith.constant 0 : i32
        %dma_start3A_198 = tpu.memref_slice %arg5[%mul3A_194, %dma_start3A_197] : memref<80000x128xf32, #tpu.memory_space<hbm>> -> memref<128x128xf32, #tpu.memory_space<hbm>>
        tpu.enqueue_dma source(%dma_start3A_198 : memref<128x128xf32, #tpu.memory_space<hbm>>) target(%arg20 : memref<128x128xf32, #tpu.memory_space<vmem>>) target_semaphore(%arg21 : memref<!tpu.dma_semaphore, #tpu.memory_space<semaphore_mem>>)
      } else {
      }
      %mul3A_160 = arith.constant 32 : i32
      %mul3A_161 = arith.muli %mul3A_160, %add3A_149 : i32
      %add3A_162 = arith.addi %add3A, %mul3A_161 : i32
      %lt3A_163 = arith.constant 625 : i32
      %lt3A_164 = arith.cmpi slt, %add3A_162, %lt3A_163 : i32
      %convert_element_type3A_165 = arith.extui %lt3A_164 : i1 to i32
      %cond3A_166 = arith.constant 0 : i32
      %cond3A_167 = arith.cmpi ne, %convert_element_type3A_165, %cond3A_166 : i32
      scf.if %cond3A_167 {
        %dma_wait3A = arith.constant 0 : i32
        %dma_wait3A_188 = tpu.memref_slice %arg10[%dma_wait3A] : memref<320000xi32, #tpu.memory_space<hbm>> -> memref<128xi32, #tpu.memory_space<hbm>>
        %dma_wait3A_189 = arith.constant 0 : i32
        %dma_wait3A_190 = tpu.memref_slice %arg10[%dma_wait3A_189] : memref<320000xi32, #tpu.memory_space<hbm>> -> memref<128xi32, #tpu.memory_space<hbm>>
        tpu.wait_dma2 semaphore(%arg18 : memref<!tpu.dma_semaphore, #tpu.memory_space<semaphore_mem>>) src(%dma_wait3A_190 : memref<128xi32, #tpu.memory_space<hbm>>) dst(%arg16 : memref<128xi32, #tpu.memory_space<vmem>>)
        %dma_wait3A_191 = arith.constant 0 : i32
        %dma_wait3A_192 = arith.constant 0 : i32
        %dma_wait3A_193 = tpu.memref_slice %arg5[%dma_wait3A_191, %dma_wait3A_192] : memref<80000x128xf32, #tpu.memory_space<hbm>> -> memref<128x128xf32, #tpu.memory_space<hbm>>
        %dma_wait3A_194 = arith.constant 0 : i32
        %dma_wait3A_195 = arith.constant 0 : i32
        %dma_wait3A_196 = tpu.memref_slice %arg5[%dma_wait3A_194, %dma_wait3A_195] : memref<80000x128xf32, #tpu.memory_space<hbm>> -> memref<128x128xf32, #tpu.memory_space<hbm>>
        tpu.wait_dma2 semaphore(%arg18 : memref<!tpu.dma_semaphore, #tpu.memory_space<semaphore_mem>>) src(%dma_wait3A_196 : memref<128x128xf32, #tpu.memory_space<hbm>>) dst(%arg17 : memref<128x128xf32, #tpu.memory_space<vmem>>)
        "tpu.region"() ({
          %run_scoped3A = tpu.sem_alloc : memref<!tpu.dma_semaphore, #tpu.memory_space<semaphore_mem>>
          %dma_start3A = arith.constant 0 : i32
          %dma_start3A_197 = arith.constant 0 : i32
          %dma_start3A_198 = tpu.memref_slice %arg22[%dma_start3A, %dma_start3A_197] : memref<10000x128xf32, #tpu.memory_space<vmem_shared>> -> memref<10000x128xf32, #tpu.memory_space<vmem_shared>>
          tpu.enqueue_indirect_dma source(%arg17 : memref<128x128xf32, #tpu.memory_space<vmem>>) target(%dma_start3A_198 : memref<10000x128xf32, #tpu.memory_space<vmem_shared>>) offsets(%arg16 : memref<128xi32, #tpu.memory_space<vmem>>) semaphore(%run_scoped3A : memref<!tpu.dma_semaphore, #tpu.memory_space<semaphore_mem>>) {add = true}
          %dma_wait3A_199 = arith.constant 0 : i32
          %dma_wait3A_200 = arith.constant 0 : i32
          %dma_wait3A_201 = tpu.memref_slice %arg22[%dma_wait3A_199, %dma_wait3A_200] : memref<10000x128xf32, #tpu.memory_space<vmem_shared>> -> memref<10000x128xf32, #tpu.memory_space<vmem_shared>>
          tpu.wait_indirect_dma semaphore(%run_scoped3A : memref<!tpu.dma_semaphore, #tpu.memory_space<semaphore_mem>>) src(%arg17 : memref<128x128xf32, #tpu.memory_space<vmem>>) dst(%dma_wait3A_201 : memref<10000x128xf32, #tpu.memory_space<vmem_shared>>)
          tpu.yield
        }) : () -> ()
      } else {
      }
      %add3A_168 = arith.constant 2 : i32
      %add3A_169 = arith.addi %add3A_149, %add3A_168 : i32
      %mul3A_170 = arith.constant 32 : i32
      %mul3A_171 = arith.muli %mul3A_170, %add3A_169 : i32
      %add3A_172 = arith.addi %add3A, %mul3A_171 : i32
      %lt3A_173 = arith.constant 625 : i32
      %lt3A_174 = arith.cmpi slt, %add3A_172, %lt3A_173 : i32
      %convert_element_type3A_175 = arith.extui %lt3A_174 : i1 to i32
      %cond3A_176 = arith.constant 0 : i32
      %cond3A_177 = arith.cmpi ne, %convert_element_type3A_175, %cond3A_176 : i32
      scf.if %cond3A_177 {
        %mul3A_188 = arith.constant 128 : i32
        %mul3A_189 = arith.muli %add3A_172, %mul3A_188 : i32
        %add3A_190 = arith.constant 240000 : i32
        %add3A_191 = arith.addi %add3A_190, %mul3A_189 : i32
        %dma_start3A = tpu.memref_slice %arg10[%add3A_191] : memref<320000xi32, #tpu.memory_space<hbm>> -> memref<128xi32, #tpu.memory_space<hbm>>
        %dma_start3A_192 = tpu.memref_slice %arg10[%add3A_191] : memref<320000xi32, #tpu.memory_space<hbm>> -> memref<128xi32, #tpu.memory_space<hbm>>
        tpu.enqueue_dma source(%dma_start3A_192 : memref<128xi32, #tpu.memory_space<hbm>>) target(%arg16 : memref<128xi32, #tpu.memory_space<vmem>>) target_semaphore(%arg18 : memref<!tpu.dma_semaphore, #tpu.memory_space<semaphore_mem>>)
        %mul3A_193 = arith.constant 128 : i32
        %mul3A_194 = arith.muli %add3A_172, %mul3A_193 : i32
        %dma_start3A_195 = arith.constant 0 : i32
        %dma_start3A_196 = tpu.memref_slice %arg5[%mul3A_194, %dma_start3A_195] : memref<80000x128xf32, #tpu.memory_space<hbm>> -> memref<128x128xf32, #tpu.memory_space<hbm>>
        %dma_start3A_197 = arith.constant 0 : i32
        %dma_start3A_198 = tpu.memref_slice %arg5[%mul3A_194, %dma_start3A_197] : memref<80000x128xf32, #tpu.memory_space<hbm>> -> memref<128x128xf32, #tpu.memory_space<hbm>>
        tpu.enqueue_dma source(%dma_start3A_198 : memref<128x128xf32, #tpu.memory_space<hbm>>) target(%arg17 : memref<128x128xf32, #tpu.memory_space<vmem>>) target_semaphore(%arg18 : memref<!tpu.dma_semaphore, #tpu.memory_space<semaphore_mem>>)
      } else {
      }
      %add3A_178 = arith.constant 1 : i32
      %add3A_179 = arith.addi %add3A_149, %add3A_178 : i32
      %mul3A_180 = arith.constant 32 : i32
      %mul3A_181 = arith.muli %mul3A_180, %add3A_179 : i32
      %add3A_182 = arith.addi %add3A, %mul3A_181 : i32
      %lt3A_183 = arith.constant 625 : i32
      %lt3A_184 = arith.cmpi slt, %add3A_182, %lt3A_183 : i32
      %convert_element_type3A_185 = arith.extui %lt3A_184 : i1 to i32
      %cond3A_186 = arith.constant 0 : i32
      %cond3A_187 = arith.cmpi ne, %convert_element_type3A_185, %cond3A_186 : i32
      scf.if %cond3A_187 {
        %dma_wait3A = arith.constant 0 : i32
        %dma_wait3A_188 = tpu.memref_slice %arg10[%dma_wait3A] : memref<320000xi32, #tpu.memory_space<hbm>> -> memref<128xi32, #tpu.memory_space<hbm>>
        %dma_wait3A_189 = arith.constant 0 : i32
        %dma_wait3A_190 = tpu.memref_slice %arg10[%dma_wait3A_189] : memref<320000xi32, #tpu.memory_space<hbm>> -> memref<128xi32, #tpu.memory_space<hbm>>
        tpu.wait_dma2 semaphore(%arg21 : memref<!tpu.dma_semaphore, #tpu.memory_space<semaphore_mem>>) src(%dma_wait3A_190 : memref<128xi32, #tpu.memory_space<hbm>>) dst(%arg19 : memref<128xi32, #tpu.memory_space<vmem>>)
        %dma_wait3A_191 = arith.constant 0 : i32
        %dma_wait3A_192 = arith.constant 0 : i32
        %dma_wait3A_193 = tpu.memref_slice %arg5[%dma_wait3A_191, %dma_wait3A_192] : memref<80000x128xf32, #tpu.memory_space<hbm>> -> memref<128x128xf32, #tpu.memory_space<hbm>>
        %dma_wait3A_194 = arith.constant 0 : i32
        %dma_wait3A_195 = arith.constant 0 : i32
        %dma_wait3A_196 = tpu.memref_slice %arg5[%dma_wait3A_194, %dma_wait3A_195] : memref<80000x128xf32, #tpu.memory_space<hbm>> -> memref<128x128xf32, #tpu.memory_space<hbm>>
        tpu.wait_dma2 semaphore(%arg21 : memref<!tpu.dma_semaphore, #tpu.memory_space<semaphore_mem>>) src(%dma_wait3A_196 : memref<128x128xf32, #tpu.memory_space<hbm>>) dst(%arg20 : memref<128x128xf32, #tpu.memory_space<vmem>>)
        "tpu.region"() ({
          %run_scoped3A = tpu.sem_alloc : memref<!tpu.dma_semaphore, #tpu.memory_space<semaphore_mem>>
          %dma_start3A = arith.constant 0 : i32
          %dma_start3A_197 = arith.constant 0 : i32
          %dma_start3A_198 = tpu.memref_slice %arg22[%dma_start3A, %dma_start3A_197] : memref<10000x128xf32, #tpu.memory_space<vmem_shared>> -> memref<10000x128xf32, #tpu.memory_space<vmem_shared>>
          tpu.enqueue_indirect_dma source(%arg20 : memref<128x128xf32, #tpu.memory_space<vmem>>) target(%dma_start3A_198 : memref<10000x128xf32, #tpu.memory_space<vmem_shared>>) offsets(%arg19 : memref<128xi32, #tpu.memory_space<vmem>>) semaphore(%run_scoped3A : memref<!tpu.dma_semaphore, #tpu.memory_space<semaphore_mem>>) {add = true}
          %dma_wait3A_199 = arith.constant 0 : i32
          %dma_wait3A_200 = arith.constant 0 : i32
          %dma_wait3A_201 = tpu.memref_slice %arg22[%dma_wait3A_199, %dma_wait3A_200] : memref<10000x128xf32, #tpu.memory_space<vmem_shared>> -> memref<10000x128xf32, #tpu.memory_space<vmem_shared>>
          tpu.wait_indirect_dma semaphore(%run_scoped3A : memref<!tpu.dma_semaphore, #tpu.memory_space<semaphore_mem>>) src(%arg20 : memref<128x128xf32, #tpu.memory_space<vmem>>) dst(%dma_wait3A_201 : memref<10000x128xf32, #tpu.memory_space<vmem_shared>>)
          tpu.yield
        }) : () -> ()
      } else {
      }
    }
    %scan3A_63 = arith.constant 10 : i32
    %barrier3A_64 = arith.constant 0 : index
    tpu.barrier barrier_id(%barrier3A_64)
    "tpu.region"() ({
      %run_scoped3A = tpu.sem_alloc : memref<!tpu.dma_semaphore, #tpu.memory_space<semaphore_mem>>
      %dma_start3A = arith.constant 0 : i32
      %dma_start3A_145 = arith.constant 0 : i32
      %dma_start3A_146 = tpu.memref_slice %arg13[%arg0, %dma_start3A, %dma_start3A_145] : memref<2x10000x128xf32, #tpu.memory_space<hbm>> -> memref<1x10000x128xf32, #tpu.memory_space<hbm>>
      %dma_start3A_147 = tpu.memref_squeeze %dma_start3A_146 : memref<1x10000x128xf32, #tpu.memory_space<hbm>> -> memref<10000x128xf32, #tpu.memory_space<hbm>>
      %dma_start3A_148 = arith.constant 0 : i32
      %dma_start3A_149 = tpu.memref_slice %dma_start3A_147[%mul3A_2, %dma_start3A_148] : memref<10000x128xf32, #tpu.memory_space<hbm>> -> memref<624x128xf32, #tpu.memory_space<hbm>>
      %dma_start3A_150 = arith.constant 0 : i32
      %dma_start3A_151 = tpu.memref_slice %arg22[%mul3A_2, %dma_start3A_150] : memref<10000x128xf32, #tpu.memory_space<vmem_shared>> -> memref<624x128xf32, #tpu.memory_space<vmem_shared>>
      tpu.enqueue_dma source(%dma_start3A_151 : memref<624x128xf32, #tpu.memory_space<vmem_shared>>) target(%dma_start3A_149 : memref<624x128xf32, #tpu.memory_space<hbm>>) target_semaphore(%run_scoped3A : memref<!tpu.dma_semaphore, #tpu.memory_space<semaphore_mem>>)
      %dma_wait3A = arith.constant 0 : i32
      %dma_wait3A_152 = arith.constant 0 : i32
      %dma_wait3A_153 = tpu.memref_slice %arg13[%arg0, %dma_wait3A, %dma_wait3A_152] : memref<2x10000x128xf32, #tpu.memory_space<hbm>> -> memref<1x10000x128xf32, #tpu.memory_space<hbm>>
      %dma_wait3A_154 = tpu.memref_squeeze %dma_wait3A_153 : memref<1x10000x128xf32, #tpu.memory_space<hbm>> -> memref<10000x128xf32, #tpu.memory_space<hbm>>
      %dma_wait3A_155 = arith.constant 0 : i32
      %dma_wait3A_156 = tpu.memref_slice %dma_wait3A_154[%mul3A_2, %dma_wait3A_155] : memref<10000x128xf32, #tpu.memory_space<hbm>> -> memref<624x128xf32, #tpu.memory_space<hbm>>
      %dma_wait3A_157 = arith.constant 0 : i32
      %dma_wait3A_158 = tpu.memref_slice %arg22[%mul3A_2, %dma_wait3A_157] : memref<10000x128xf32, #tpu.memory_space<vmem_shared>> -> memref<624x128xf32, #tpu.memory_space<vmem_shared>>
      tpu.wait_dma2 semaphore(%run_scoped3A : memref<!tpu.dma_semaphore, #tpu.memory_space<semaphore_mem>>) src(%dma_wait3A_158 : memref<624x128xf32, #tpu.memory_space<vmem_shared>>) dst(%dma_wait3A_156 : memref<624x128xf32, #tpu.memory_space<hbm>>)
      tpu.yield
    }) : () -> ()
    %eq3A_65 = arith.constant 15 : i32
    %eq3A_66 = arith.cmpi eq, %arg1, %eq3A_65 : i32
    %convert_element_type3A_67 = arith.extui %eq3A_66 : i1 to i32
    %cond3A_68 = arith.constant 0 : i32
    %cond3A_69 = arith.cmpi ne, %convert_element_type3A_67, %cond3A_68 : i32
    scf.if %cond3A_69 {
      "tpu.region"() ({
        %run_scoped3A = tpu.sem_alloc : memref<!tpu.dma_semaphore, #tpu.memory_space<semaphore_mem>>
        %dma_start3A = arith.constant 0 : i32
        %dma_start3A_145 = arith.constant 0 : i32
        %dma_start3A_146 = tpu.memref_slice %arg13[%arg0, %dma_start3A, %dma_start3A_145] : memref<2x10000x128xf32, #tpu.memory_space<hbm>> -> memref<1x10000x128xf32, #tpu.memory_space<hbm>>
        %dma_start3A_147 = tpu.memref_squeeze %dma_start3A_146 : memref<1x10000x128xf32, #tpu.memory_space<hbm>> -> memref<10000x128xf32, #tpu.memory_space<hbm>>
        %dma_start3A_148 = arith.constant 9984 : i32
        %dma_start3A_149 = arith.constant 0 : i32
        %dma_start3A_150 = tpu.memref_slice %dma_start3A_147[%dma_start3A_148, %dma_start3A_149] : memref<10000x128xf32, #tpu.memory_space<hbm>> -> memref<16x128xf32, #tpu.memory_space<hbm>>
        %dma_start3A_151 = arith.constant 9984 : i32
        %dma_start3A_152 = arith.constant 0 : i32
        %dma_start3A_153 = tpu.memref_slice %arg22[%dma_start3A_151, %dma_start3A_152] : memref<10000x128xf32, #tpu.memory_space<vmem_shared>> -> memref<16x128xf32, #tpu.memory_space<vmem_shared>>
        tpu.enqueue_dma source(%dma_start3A_153 : memref<16x128xf32, #tpu.memory_space<vmem_shared>>) target(%dma_start3A_150 : memref<16x128xf32, #tpu.memory_space<hbm>>) target_semaphore(%run_scoped3A : memref<!tpu.dma_semaphore, #tpu.memory_space<semaphore_mem>>)
        %dma_wait3A = arith.constant 0 : i32
        %dma_wait3A_154 = arith.constant 0 : i32
        %dma_wait3A_155 = tpu.memref_slice %arg13[%arg0, %dma_wait3A, %dma_wait3A_154] : memref<2x10000x128xf32, #tpu.memory_space<hbm>> -> memref<1x10000x128xf32, #tpu.memory_space<hbm>>
        %dma_wait3A_156 = tpu.memref_squeeze %dma_wait3A_155 : memref<1x10000x128xf32, #tpu.memory_space<hbm>> -> memref<10000x128xf32, #tpu.memory_space<hbm>>
        %dma_wait3A_157 = arith.constant 9984 : i32
        %dma_wait3A_158 = arith.constant 0 : i32
        %dma_wait3A_159 = tpu.memref_slice %dma_wait3A_156[%dma_wait3A_157, %dma_wait3A_158] : memref<10000x128xf32, #tpu.memory_space<hbm>> -> memref<16x128xf32, #tpu.memory_space<hbm>>
        %dma_wait3A_160 = arith.constant 9984 : i32
        %dma_wait3A_161 = arith.constant 0 : i32
        %dma_wait3A_162 = tpu.memref_slice %arg22[%dma_wait3A_160, %dma_wait3A_161] : memref<10000x128xf32, #tpu.memory_space<vmem_shared>> -> memref<16x128xf32, #tpu.memory_space<vmem_shared>>
        tpu.wait_dma2 semaphore(%run_scoped3A : memref<!tpu.dma_semaphore, #tpu.memory_space<semaphore_mem>>) src(%dma_wait3A_162 : memref<16x128xf32, #tpu.memory_space<vmem_shared>>) dst(%dma_wait3A_159 : memref<16x128xf32, #tpu.memory_space<hbm>>)
        tpu.yield
      }) : () -> ()
    } else {
    }
    %barrier3A_70 = arith.constant 0 : index
    tpu.barrier barrier_id(%barrier3A_70)
    "tpu.region"() ({
      %run_scoped3A = tpu.sem_alloc : memref<!tpu.dma_semaphore, #tpu.memory_space<semaphore_mem>>
      %dma_start3A = arith.constant 0 : i32
      %dma_start3A_145 = tpu.memref_slice %arg22[%mul3A_2, %dma_start3A] : memref<10000x128xf32, #tpu.memory_space<vmem_shared>> -> memref<624x128xf32, #tpu.memory_space<vmem_shared>>
      %dma_start3A_146 = arith.constant 0 : i32
      %dma_start3A_147 = arith.constant 0 : i32
      %dma_start3A_148 = tpu.memref_slice %arg11[%dma_start3A_146, %dma_start3A_147] : memref<624x128xf32, #tpu.memory_space<hbm>> -> memref<624x128xf32, #tpu.memory_space<hbm>>
      tpu.enqueue_dma source(%dma_start3A_148 : memref<624x128xf32, #tpu.memory_space<hbm>>) target(%dma_start3A_145 : memref<624x128xf32, #tpu.memory_space<vmem_shared>>) target_semaphore(%run_scoped3A : memref<!tpu.dma_semaphore, #tpu.memory_space<semaphore_mem>>)
      %dma_wait3A = arith.constant 0 : i32
      %dma_wait3A_149 = tpu.memref_slice %arg22[%mul3A_2, %dma_wait3A] : memref<10000x128xf32, #tpu.memory_space<vmem_shared>> -> memref<624x128xf32, #tpu.memory_space<vmem_shared>>
      %dma_wait3A_150 = arith.constant 0 : i32
      %dma_wait3A_151 = arith.constant 0 : i32
      %dma_wait3A_152 = tpu.memref_slice %arg11[%dma_wait3A_150, %dma_wait3A_151] : memref<624x128xf32, #tpu.memory_space<hbm>> -> memref<624x128xf32, #tpu.memory_space<hbm>>
      tpu.wait_dma2 semaphore(%run_scoped3A : memref<!tpu.dma_semaphore, #tpu.memory_space<semaphore_mem>>) src(%dma_wait3A_152 : memref<624x128xf32, #tpu.memory_space<hbm>>) dst(%dma_wait3A_149 : memref<624x128xf32, #tpu.memory_space<vmem_shared>>)
      tpu.yield
    }) : () -> ()
    %eq3A_71 = arith.constant 15 : i32
    %eq3A_72 = arith.cmpi eq, %arg1, %eq3A_71 : i32
    %convert_element_type3A_73 = arith.extui %eq3A_72 : i1 to i32
    %cond3A_74 = arith.constant 0 : i32
    %cond3A_75 = arith.cmpi ne, %convert_element_type3A_73, %cond3A_74 : i32
    scf.if %cond3A_75 {
      "tpu.region"() ({
        %run_scoped3A = tpu.sem_alloc : memref<!tpu.dma_semaphore, #tpu.memory_space<semaphore_mem>>
        %dma_start3A = arith.constant 9984 : i32
        %dma_start3A_145 = arith.constant 0 : i32
        %dma_start3A_146 = tpu.memref_slice %arg22[%dma_start3A, %dma_start3A_145] : memref<10000x128xf32, #tpu.memory_space<vmem_shared>> -> memref<16x128xf32, #tpu.memory_space<vmem_shared>>
        %dma_start3A_147 = arith.constant 0 : i32
        %dma_start3A_148 = arith.constant 0 : i32
        %dma_start3A_149 = tpu.memref_slice %arg11[%dma_start3A_147, %dma_start3A_148] : memref<624x128xf32, #tpu.memory_space<hbm>> -> memref<16x128xf32, #tpu.memory_space<hbm>>
        tpu.enqueue_dma source(%dma_start3A_149 : memref<16x128xf32, #tpu.memory_space<hbm>>) target(%dma_start3A_146 : memref<16x128xf32, #tpu.memory_space<vmem_shared>>) target_semaphore(%run_scoped3A : memref<!tpu.dma_semaphore, #tpu.memory_space<semaphore_mem>>)
        %dma_wait3A = arith.constant 9984 : i32
        %dma_wait3A_150 = arith.constant 0 : i32
        %dma_wait3A_151 = tpu.memref_slice %arg22[%dma_wait3A, %dma_wait3A_150] : memref<10000x128xf32, #tpu.memory_space<vmem_shared>> -> memref<16x128xf32, #tpu.memory_space<vmem_shared>>
        %dma_wait3A_152 = arith.constant 0 : i32
        %dma_wait3A_153 = arith.constant 0 : i32
        %dma_wait3A_154 = tpu.memref_slice %arg11[%dma_wait3A_152, %dma_wait3A_153] : memref<624x128xf32, #tpu.memory_space<hbm>> -> memref<16x128xf32, #tpu.memory_space<hbm>>
        tpu.wait_dma2 semaphore(%run_scoped3A : memref<!tpu.dma_semaphore, #tpu.memory_space<semaphore_mem>>) src(%dma_wait3A_154 : memref<16x128xf32, #tpu.memory_space<hbm>>) dst(%dma_wait3A_151 : memref<16x128xf32, #tpu.memory_space<vmem_shared>>)
        tpu.yield
      }) : () -> ()
    } else {
    }
    %barrier3A_76 = arith.constant 0 : index
    tpu.barrier barrier_id(%barrier3A_76)
    %add3A_77 = arith.constant 0 : i32
    %add3A_78 = arith.addi %add3A, %add3A_77 : i32
    %lt3A_79 = arith.constant 625 : i32
    %lt3A_80 = arith.cmpi slt, %add3A_78, %lt3A_79 : i32
    %convert_element_type3A_81 = arith.extui %lt3A_80 : i1 to i32
    %cond3A_82 = arith.constant 0 : i32
    %cond3A_83 = arith.cmpi ne, %convert_element_type3A_81, %cond3A_82 : i32
    scf.if %cond3A_83 {
      %mul3A_145 = arith.constant 128 : i32
      %mul3A_146 = arith.muli %add3A_78, %mul3A_145 : i32
      %add3A_147 = arith.constant 160000 : i32
      %add3A_148 = arith.addi %add3A_147, %mul3A_146 : i32
      %dma_start3A = tpu.memref_slice %arg10[%add3A_148] : memref<320000xi32, #tpu.memory_space<hbm>> -> memref<128xi32, #tpu.memory_space<hbm>>
      %dma_start3A_149 = tpu.memref_slice %arg10[%add3A_148] : memref<320000xi32, #tpu.memory_space<hbm>> -> memref<128xi32, #tpu.memory_space<hbm>>
      tpu.enqueue_dma source(%dma_start3A_149 : memref<128xi32, #tpu.memory_space<hbm>>) target(%arg16 : memref<128xi32, #tpu.memory_space<vmem>>) target_semaphore(%arg18 : memref<!tpu.dma_semaphore, #tpu.memory_space<semaphore_mem>>)
      %mul3A_150 = arith.constant 128 : i32
      %mul3A_151 = arith.muli %add3A_78, %mul3A_150 : i32
      %dma_start3A_152 = arith.constant 0 : i32
      %dma_start3A_153 = tpu.memref_slice %arg6[%mul3A_151, %dma_start3A_152] : memref<80000x128xf32, #tpu.memory_space<hbm>> -> memref<128x128xf32, #tpu.memory_space<hbm>>
      %dma_start3A_154 = arith.constant 0 : i32
      %dma_start3A_155 = tpu.memref_slice %arg6[%mul3A_151, %dma_start3A_154] : memref<80000x128xf32, #tpu.memory_space<hbm>> -> memref<128x128xf32, #tpu.memory_space<hbm>>
      tpu.enqueue_dma source(%dma_start3A_155 : memref<128x128xf32, #tpu.memory_space<hbm>>) target(%arg17 : memref<128x128xf32, #tpu.memory_space<vmem>>) target_semaphore(%arg18 : memref<!tpu.dma_semaphore, #tpu.memory_space<semaphore_mem>>)
    } else {
    }
    %scan3A_84 = arith.constant 0 : i32
    %scan3A_85 = arith.constant 10 : i32
    %scan3A_86 = arith.addi %scan3A_84, %scan3A_85 : i32
    %scan3A_87 = arith.constant 1 : i32
    scf.for %scan3A_145 = %scan3A_84 to %scan3A_86 step %scan3A_87  : i32 {
      %mul3A_146 = arith.constant 2 : i32
      %mul3A_147 = arith.muli %scan3A_145, %mul3A_146 : i32
      %add3A_148 = arith.constant 0 : i32
      %add3A_149 = arith.addi %add3A_148, %mul3A_147 : i32
      %add3A_150 = arith.constant 1 : i32
      %add3A_151 = arith.addi %add3A_149, %add3A_150 : i32
      %mul3A_152 = arith.constant 32 : i32
      %mul3A_153 = arith.muli %mul3A_152, %add3A_151 : i32
      %add3A_154 = arith.addi %add3A, %mul3A_153 : i32
      %lt3A_155 = arith.constant 625 : i32
      %lt3A_156 = arith.cmpi slt, %add3A_154, %lt3A_155 : i32
      %convert_element_type3A_157 = arith.extui %lt3A_156 : i1 to i32
      %cond3A_158 = arith.constant 0 : i32
      %cond3A_159 = arith.cmpi ne, %convert_element_type3A_157, %cond3A_158 : i32
      scf.if %cond3A_159 {
        %mul3A_188 = arith.constant 128 : i32
        %mul3A_189 = arith.muli %add3A_154, %mul3A_188 : i32
        %add3A_190 = arith.constant 160000 : i32
        %add3A_191 = arith.addi %add3A_190, %mul3A_189 : i32
        %dma_start3A = tpu.memref_slice %arg10[%add3A_191] : memref<320000xi32, #tpu.memory_space<hbm>> -> memref<128xi32, #tpu.memory_space<hbm>>
        %dma_start3A_192 = tpu.memref_slice %arg10[%add3A_191] : memref<320000xi32, #tpu.memory_space<hbm>> -> memref<128xi32, #tpu.memory_space<hbm>>
        tpu.enqueue_dma source(%dma_start3A_192 : memref<128xi32, #tpu.memory_space<hbm>>) target(%arg19 : memref<128xi32, #tpu.memory_space<vmem>>) target_semaphore(%arg21 : memref<!tpu.dma_semaphore, #tpu.memory_space<semaphore_mem>>)
        %mul3A_193 = arith.constant 128 : i32
        %mul3A_194 = arith.muli %add3A_154, %mul3A_193 : i32
        %dma_start3A_195 = arith.constant 0 : i32
        %dma_start3A_196 = tpu.memref_slice %arg6[%mul3A_194, %dma_start3A_195] : memref<80000x128xf32, #tpu.memory_space<hbm>> -> memref<128x128xf32, #tpu.memory_space<hbm>>
        %dma_start3A_197 = arith.constant 0 : i32
        %dma_start3A_198 = tpu.memref_slice %arg6[%mul3A_194, %dma_start3A_197] : memref<80000x128xf32, #tpu.memory_space<hbm>> -> memref<128x128xf32, #tpu.memory_space<hbm>>
        tpu.enqueue_dma source(%dma_start3A_198 : memref<128x128xf32, #tpu.memory_space<hbm>>) target(%arg20 : memref<128x128xf32, #tpu.memory_space<vmem>>) target_semaphore(%arg21 : memref<!tpu.dma_semaphore, #tpu.memory_space<semaphore_mem>>)
      } else {
      }
      %mul3A_160 = arith.constant 32 : i32
      %mul3A_161 = arith.muli %mul3A_160, %add3A_149 : i32
      %add3A_162 = arith.addi %add3A, %mul3A_161 : i32
      %lt3A_163 = arith.constant 625 : i32
      %lt3A_164 = arith.cmpi slt, %add3A_162, %lt3A_163 : i32
      %convert_element_type3A_165 = arith.extui %lt3A_164 : i1 to i32
      %cond3A_166 = arith.constant 0 : i32
      %cond3A_167 = arith.cmpi ne, %convert_element_type3A_165, %cond3A_166 : i32
      scf.if %cond3A_167 {
        %dma_wait3A = arith.constant 0 : i32
        %dma_wait3A_188 = tpu.memref_slice %arg10[%dma_wait3A] : memref<320000xi32, #tpu.memory_space<hbm>> -> memref<128xi32, #tpu.memory_space<hbm>>
        %dma_wait3A_189 = arith.constant 0 : i32
        %dma_wait3A_190 = tpu.memref_slice %arg10[%dma_wait3A_189] : memref<320000xi32, #tpu.memory_space<hbm>> -> memref<128xi32, #tpu.memory_space<hbm>>
        tpu.wait_dma2 semaphore(%arg18 : memref<!tpu.dma_semaphore, #tpu.memory_space<semaphore_mem>>) src(%dma_wait3A_190 : memref<128xi32, #tpu.memory_space<hbm>>) dst(%arg16 : memref<128xi32, #tpu.memory_space<vmem>>)
        %dma_wait3A_191 = arith.constant 0 : i32
        %dma_wait3A_192 = arith.constant 0 : i32
        %dma_wait3A_193 = tpu.memref_slice %arg6[%dma_wait3A_191, %dma_wait3A_192] : memref<80000x128xf32, #tpu.memory_space<hbm>> -> memref<128x128xf32, #tpu.memory_space<hbm>>
        %dma_wait3A_194 = arith.constant 0 : i32
        %dma_wait3A_195 = arith.constant 0 : i32
        %dma_wait3A_196 = tpu.memref_slice %arg6[%dma_wait3A_194, %dma_wait3A_195] : memref<80000x128xf32, #tpu.memory_space<hbm>> -> memref<128x128xf32, #tpu.memory_space<hbm>>
        tpu.wait_dma2 semaphore(%arg18 : memref<!tpu.dma_semaphore, #tpu.memory_space<semaphore_mem>>) src(%dma_wait3A_196 : memref<128x128xf32, #tpu.memory_space<hbm>>) dst(%arg17 : memref<128x128xf32, #tpu.memory_space<vmem>>)
        "tpu.region"() ({
          %run_scoped3A = tpu.sem_alloc : memref<!tpu.dma_semaphore, #tpu.memory_space<semaphore_mem>>
          %dma_start3A = arith.constant 0 : i32
          %dma_start3A_197 = arith.constant 0 : i32
          %dma_start3A_198 = tpu.memref_slice %arg22[%dma_start3A, %dma_start3A_197] : memref<10000x128xf32, #tpu.memory_space<vmem_shared>> -> memref<10000x128xf32, #tpu.memory_space<vmem_shared>>
          tpu.enqueue_indirect_dma source(%arg17 : memref<128x128xf32, #tpu.memory_space<vmem>>) target(%dma_start3A_198 : memref<10000x128xf32, #tpu.memory_space<vmem_shared>>) offsets(%arg16 : memref<128xi32, #tpu.memory_space<vmem>>) semaphore(%run_scoped3A : memref<!tpu.dma_semaphore, #tpu.memory_space<semaphore_mem>>) {add = true}
          %dma_wait3A_199 = arith.constant 0 : i32
          %dma_wait3A_200 = arith.constant 0 : i32
          %dma_wait3A_201 = tpu.memref_slice %arg22[%dma_wait3A_199, %dma_wait3A_200] : memref<10000x128xf32, #tpu.memory_space<vmem_shared>> -> memref<10000x128xf32, #tpu.memory_space<vmem_shared>>
          tpu.wait_indirect_dma semaphore(%run_scoped3A : memref<!tpu.dma_semaphore, #tpu.memory_space<semaphore_mem>>) src(%arg17 : memref<128x128xf32, #tpu.memory_space<vmem>>) dst(%dma_wait3A_201 : memref<10000x128xf32, #tpu.memory_space<vmem_shared>>)
          tpu.yield
        }) : () -> ()
      } else {
      }
      %add3A_168 = arith.constant 2 : i32
      %add3A_169 = arith.addi %add3A_149, %add3A_168 : i32
      %mul3A_170 = arith.constant 32 : i32
      %mul3A_171 = arith.muli %mul3A_170, %add3A_169 : i32
      %add3A_172 = arith.addi %add3A, %mul3A_171 : i32
      %lt3A_173 = arith.constant 625 : i32
      %lt3A_174 = arith.cmpi slt, %add3A_172, %lt3A_173 : i32
      %convert_element_type3A_175 = arith.extui %lt3A_174 : i1 to i32
      %cond3A_176 = arith.constant 0 : i32
      %cond3A_177 = arith.cmpi ne, %convert_element_type3A_175, %cond3A_176 : i32
      scf.if %cond3A_177 {
        %mul3A_188 = arith.constant 128 : i32
        %mul3A_189 = arith.muli %add3A_172, %mul3A_188 : i32
        %add3A_190 = arith.constant 160000 : i32
        %add3A_191 = arith.addi %add3A_190, %mul3A_189 : i32
        %dma_start3A = tpu.memref_slice %arg10[%add3A_191] : memref<320000xi32, #tpu.memory_space<hbm>> -> memref<128xi32, #tpu.memory_space<hbm>>
        %dma_start3A_192 = tpu.memref_slice %arg10[%add3A_191] : memref<320000xi32, #tpu.memory_space<hbm>> -> memref<128xi32, #tpu.memory_space<hbm>>
        tpu.enqueue_dma source(%dma_start3A_192 : memref<128xi32, #tpu.memory_space<hbm>>) target(%arg16 : memref<128xi32, #tpu.memory_space<vmem>>) target_semaphore(%arg18 : memref<!tpu.dma_semaphore, #tpu.memory_space<semaphore_mem>>)
        %mul3A_193 = arith.constant 128 : i32
        %mul3A_194 = arith.muli %add3A_172, %mul3A_193 : i32
        %dma_start3A_195 = arith.constant 0 : i32
        %dma_start3A_196 = tpu.memref_slice %arg6[%mul3A_194, %dma_start3A_195] : memref<80000x128xf32, #tpu.memory_space<hbm>> -> memref<128x128xf32, #tpu.memory_space<hbm>>
        %dma_start3A_197 = arith.constant 0 : i32
        %dma_start3A_198 = tpu.memref_slice %arg6[%mul3A_194, %dma_start3A_197] : memref<80000x128xf32, #tpu.memory_space<hbm>> -> memref<128x128xf32, #tpu.memory_space<hbm>>
        tpu.enqueue_dma source(%dma_start3A_198 : memref<128x128xf32, #tpu.memory_space<hbm>>) target(%arg17 : memref<128x128xf32, #tpu.memory_space<vmem>>) target_semaphore(%arg18 : memref<!tpu.dma_semaphore, #tpu.memory_space<semaphore_mem>>)
      } else {
      }
      %add3A_178 = arith.constant 1 : i32
      %add3A_179 = arith.addi %add3A_149, %add3A_178 : i32
      %mul3A_180 = arith.constant 32 : i32
      %mul3A_181 = arith.muli %mul3A_180, %add3A_179 : i32
      %add3A_182 = arith.addi %add3A, %mul3A_181 : i32
      %lt3A_183 = arith.constant 625 : i32
      %lt3A_184 = arith.cmpi slt, %add3A_182, %lt3A_183 : i32
      %convert_element_type3A_185 = arith.extui %lt3A_184 : i1 to i32
      %cond3A_186 = arith.constant 0 : i32
      %cond3A_187 = arith.cmpi ne, %convert_element_type3A_185, %cond3A_186 : i32
      scf.if %cond3A_187 {
        %dma_wait3A = arith.constant 0 : i32
        %dma_wait3A_188 = tpu.memref_slice %arg10[%dma_wait3A] : memref<320000xi32, #tpu.memory_space<hbm>> -> memref<128xi32, #tpu.memory_space<hbm>>
        %dma_wait3A_189 = arith.constant 0 : i32
        %dma_wait3A_190 = tpu.memref_slice %arg10[%dma_wait3A_189] : memref<320000xi32, #tpu.memory_space<hbm>> -> memref<128xi32, #tpu.memory_space<hbm>>
        tpu.wait_dma2 semaphore(%arg21 : memref<!tpu.dma_semaphore, #tpu.memory_space<semaphore_mem>>) src(%dma_wait3A_190 : memref<128xi32, #tpu.memory_space<hbm>>) dst(%arg19 : memref<128xi32, #tpu.memory_space<vmem>>)
        %dma_wait3A_191 = arith.constant 0 : i32
        %dma_wait3A_192 = arith.constant 0 : i32
        %dma_wait3A_193 = tpu.memref_slice %arg6[%dma_wait3A_191, %dma_wait3A_192] : memref<80000x128xf32, #tpu.memory_space<hbm>> -> memref<128x128xf32, #tpu.memory_space<hbm>>
        %dma_wait3A_194 = arith.constant 0 : i32
        %dma_wait3A_195 = arith.constant 0 : i32
        %dma_wait3A_196 = tpu.memref_slice %arg6[%dma_wait3A_194, %dma_wait3A_195] : memref<80000x128xf32, #tpu.memory_space<hbm>> -> memref<128x128xf32, #tpu.memory_space<hbm>>
        tpu.wait_dma2 semaphore(%arg21 : memref<!tpu.dma_semaphore, #tpu.memory_space<semaphore_mem>>) src(%dma_wait3A_196 : memref<128x128xf32, #tpu.memory_space<hbm>>) dst(%arg20 : memref<128x128xf32, #tpu.memory_space<vmem>>)
        "tpu.region"() ({
          %run_scoped3A = tpu.sem_alloc : memref<!tpu.dma_semaphore, #tpu.memory_space<semaphore_mem>>
          %dma_start3A = arith.constant 0 : i32
          %dma_start3A_197 = arith.constant 0 : i32
          %dma_start3A_198 = tpu.memref_slice %arg22[%dma_start3A, %dma_start3A_197] : memref<10000x128xf32, #tpu.memory_space<vmem_shared>> -> memref<10000x128xf32, #tpu.memory_space<vmem_shared>>
          tpu.enqueue_indirect_dma source(%arg20 : memref<128x128xf32, #tpu.memory_space<vmem>>) target(%dma_start3A_198 : memref<10000x128xf32, #tpu.memory_space<vmem_shared>>) offsets(%arg19 : memref<128xi32, #tpu.memory_space<vmem>>) semaphore(%run_scoped3A : memref<!tpu.dma_semaphore, #tpu.memory_space<semaphore_mem>>) {add = true}
          %dma_wait3A_199 = arith.constant 0 : i32
          %dma_wait3A_200 = arith.constant 0 : i32
          %dma_wait3A_201 = tpu.memref_slice %arg22[%dma_wait3A_199, %dma_wait3A_200] : memref<10000x128xf32, #tpu.memory_space<vmem_shared>> -> memref<10000x128xf32, #tpu.memory_space<vmem_shared>>
          tpu.wait_indirect_dma semaphore(%run_scoped3A : memref<!tpu.dma_semaphore, #tpu.memory_space<semaphore_mem>>) src(%arg20 : memref<128x128xf32, #tpu.memory_space<vmem>>) dst(%dma_wait3A_201 : memref<10000x128xf32, #tpu.memory_space<vmem_shared>>)
          tpu.yield
        }) : () -> ()
      } else {
      }
    }
    %scan3A_88 = arith.constant 10 : i32
    %add3A_89 = arith.constant 0 : i32
    %add3A_90 = arith.addi %add3A, %add3A_89 : i32
    %lt3A_91 = arith.constant 625 : i32
    %lt3A_92 = arith.cmpi slt, %add3A_90, %lt3A_91 : i32
    %convert_element_type3A_93 = arith.extui %lt3A_92 : i1 to i32
    %cond3A_94 = arith.constant 0 : i32
    %cond3A_95 = arith.cmpi ne, %convert_element_type3A_93, %cond3A_94 : i32
    scf.if %cond3A_95 {
      %mul3A_145 = arith.constant 128 : i32
      %mul3A_146 = arith.muli %add3A_90, %mul3A_145 : i32
      %add3A_147 = arith.constant 240000 : i32
      %add3A_148 = arith.addi %add3A_147, %mul3A_146 : i32
      %dma_start3A = tpu.memref_slice %arg10[%add3A_148] : memref<320000xi32, #tpu.memory_space<hbm>> -> memref<128xi32, #tpu.memory_space<hbm>>
      %dma_start3A_149 = tpu.memref_slice %arg10[%add3A_148] : memref<320000xi32, #tpu.memory_space<hbm>> -> memref<128xi32, #tpu.memory_space<hbm>>
      tpu.enqueue_dma source(%dma_start3A_149 : memref<128xi32, #tpu.memory_space<hbm>>) target(%arg16 : memref<128xi32, #tpu.memory_space<vmem>>) target_semaphore(%arg18 : memref<!tpu.dma_semaphore, #tpu.memory_space<semaphore_mem>>)
      %mul3A_150 = arith.constant 128 : i32
      %mul3A_151 = arith.muli %add3A_90, %mul3A_150 : i32
      %dma_start3A_152 = arith.constant 0 : i32
      %dma_start3A_153 = tpu.memref_slice %arg7[%mul3A_151, %dma_start3A_152] : memref<80000x128xf32, #tpu.memory_space<hbm>> -> memref<128x128xf32, #tpu.memory_space<hbm>>
      %dma_start3A_154 = arith.constant 0 : i32
      %dma_start3A_155 = tpu.memref_slice %arg7[%mul3A_151, %dma_start3A_154] : memref<80000x128xf32, #tpu.memory_space<hbm>> -> memref<128x128xf32, #tpu.memory_space<hbm>>
      tpu.enqueue_dma source(%dma_start3A_155 : memref<128x128xf32, #tpu.memory_space<hbm>>) target(%arg17 : memref<128x128xf32, #tpu.memory_space<vmem>>) target_semaphore(%arg18 : memref<!tpu.dma_semaphore, #tpu.memory_space<semaphore_mem>>)
    } else {
    }
    %scan3A_96 = arith.constant 0 : i32
    %scan3A_97 = arith.constant 10 : i32
    %scan3A_98 = arith.addi %scan3A_96, %scan3A_97 : i32
    %scan3A_99 = arith.constant 1 : i32
    scf.for %scan3A_145 = %scan3A_96 to %scan3A_98 step %scan3A_99  : i32 {
      %mul3A_146 = arith.constant 2 : i32
      %mul3A_147 = arith.muli %scan3A_145, %mul3A_146 : i32
      %add3A_148 = arith.constant 0 : i32
      %add3A_149 = arith.addi %add3A_148, %mul3A_147 : i32
      %add3A_150 = arith.constant 1 : i32
      %add3A_151 = arith.addi %add3A_149, %add3A_150 : i32
      %mul3A_152 = arith.constant 32 : i32
      %mul3A_153 = arith.muli %mul3A_152, %add3A_151 : i32
      %add3A_154 = arith.addi %add3A, %mul3A_153 : i32
      %lt3A_155 = arith.constant 625 : i32
      %lt3A_156 = arith.cmpi slt, %add3A_154, %lt3A_155 : i32
      %convert_element_type3A_157 = arith.extui %lt3A_156 : i1 to i32
      %cond3A_158 = arith.constant 0 : i32
      %cond3A_159 = arith.cmpi ne, %convert_element_type3A_157, %cond3A_158 : i32
      scf.if %cond3A_159 {
        %mul3A_188 = arith.constant 128 : i32
        %mul3A_189 = arith.muli %add3A_154, %mul3A_188 : i32
        %add3A_190 = arith.constant 240000 : i32
        %add3A_191 = arith.addi %add3A_190, %mul3A_189 : i32
        %dma_start3A = tpu.memref_slice %arg10[%add3A_191] : memref<320000xi32, #tpu.memory_space<hbm>> -> memref<128xi32, #tpu.memory_space<hbm>>
        %dma_start3A_192 = tpu.memref_slice %arg10[%add3A_191] : memref<320000xi32, #tpu.memory_space<hbm>> -> memref<128xi32, #tpu.memory_space<hbm>>
        tpu.enqueue_dma source(%dma_start3A_192 : memref<128xi32, #tpu.memory_space<hbm>>) target(%arg19 : memref<128xi32, #tpu.memory_space<vmem>>) target_semaphore(%arg21 : memref<!tpu.dma_semaphore, #tpu.memory_space<semaphore_mem>>)
        %mul3A_193 = arith.constant 128 : i32
        %mul3A_194 = arith.muli %add3A_154, %mul3A_193 : i32
        %dma_start3A_195 = arith.constant 0 : i32
        %dma_start3A_196 = tpu.memref_slice %arg7[%mul3A_194, %dma_start3A_195] : memref<80000x128xf32, #tpu.memory_space<hbm>> -> memref<128x128xf32, #tpu.memory_space<hbm>>
        %dma_start3A_197 = arith.constant 0 : i32
        %dma_start3A_198 = tpu.memref_slice %arg7[%mul3A_194, %dma_start3A_197] : memref<80000x128xf32, #tpu.memory_space<hbm>> -> memref<128x128xf32, #tpu.memory_space<hbm>>
        tpu.enqueue_dma source(%dma_start3A_198 : memref<128x128xf32, #tpu.memory_space<hbm>>) target(%arg20 : memref<128x128xf32, #tpu.memory_space<vmem>>) target_semaphore(%arg21 : memref<!tpu.dma_semaphore, #tpu.memory_space<semaphore_mem>>)
      } else {
      }
      %mul3A_160 = arith.constant 32 : i32
      %mul3A_161 = arith.muli %mul3A_160, %add3A_149 : i32
      %add3A_162 = arith.addi %add3A, %mul3A_161 : i32
      %lt3A_163 = arith.constant 625 : i32
      %lt3A_164 = arith.cmpi slt, %add3A_162, %lt3A_163 : i32
      %convert_element_type3A_165 = arith.extui %lt3A_164 : i1 to i32
      %cond3A_166 = arith.constant 0 : i32
      %cond3A_167 = arith.cmpi ne, %convert_element_type3A_165, %cond3A_166 : i32
      scf.if %cond3A_167 {
        %dma_wait3A = arith.constant 0 : i32
        %dma_wait3A_188 = tpu.memref_slice %arg10[%dma_wait3A] : memref<320000xi32, #tpu.memory_space<hbm>> -> memref<128xi32, #tpu.memory_space<hbm>>
        %dma_wait3A_189 = arith.constant 0 : i32
        %dma_wait3A_190 = tpu.memref_slice %arg10[%dma_wait3A_189] : memref<320000xi32, #tpu.memory_space<hbm>> -> memref<128xi32, #tpu.memory_space<hbm>>
        tpu.wait_dma2 semaphore(%arg18 : memref<!tpu.dma_semaphore, #tpu.memory_space<semaphore_mem>>) src(%dma_wait3A_190 : memref<128xi32, #tpu.memory_space<hbm>>) dst(%arg16 : memref<128xi32, #tpu.memory_space<vmem>>)
        %dma_wait3A_191 = arith.constant 0 : i32
        %dma_wait3A_192 = arith.constant 0 : i32
        %dma_wait3A_193 = tpu.memref_slice %arg7[%dma_wait3A_191, %dma_wait3A_192] : memref<80000x128xf32, #tpu.memory_space<hbm>> -> memref<128x128xf32, #tpu.memory_space<hbm>>
        %dma_wait3A_194 = arith.constant 0 : i32
        %dma_wait3A_195 = arith.constant 0 : i32
        %dma_wait3A_196 = tpu.memref_slice %arg7[%dma_wait3A_194, %dma_wait3A_195] : memref<80000x128xf32, #tpu.memory_space<hbm>> -> memref<128x128xf32, #tpu.memory_space<hbm>>
        tpu.wait_dma2 semaphore(%arg18 : memref<!tpu.dma_semaphore, #tpu.memory_space<semaphore_mem>>) src(%dma_wait3A_196 : memref<128x128xf32, #tpu.memory_space<hbm>>) dst(%arg17 : memref<128x128xf32, #tpu.memory_space<vmem>>)
        "tpu.region"() ({
          %run_scoped3A = tpu.sem_alloc : memref<!tpu.dma_semaphore, #tpu.memory_space<semaphore_mem>>
          %dma_start3A = arith.constant 0 : i32
          %dma_start3A_197 = arith.constant 0 : i32
          %dma_start3A_198 = tpu.memref_slice %arg22[%dma_start3A, %dma_start3A_197] : memref<10000x128xf32, #tpu.memory_space<vmem_shared>> -> memref<10000x128xf32, #tpu.memory_space<vmem_shared>>
          tpu.enqueue_indirect_dma source(%arg17 : memref<128x128xf32, #tpu.memory_space<vmem>>) target(%dma_start3A_198 : memref<10000x128xf32, #tpu.memory_space<vmem_shared>>) offsets(%arg16 : memref<128xi32, #tpu.memory_space<vmem>>) semaphore(%run_scoped3A : memref<!tpu.dma_semaphore, #tpu.memory_space<semaphore_mem>>) {add = true}
          %dma_wait3A_199 = arith.constant 0 : i32
          %dma_wait3A_200 = arith.constant 0 : i32
          %dma_wait3A_201 = tpu.memref_slice %arg22[%dma_wait3A_199, %dma_wait3A_200] : memref<10000x128xf32, #tpu.memory_space<vmem_shared>> -> memref<10000x128xf32, #tpu.memory_space<vmem_shared>>
          tpu.wait_indirect_dma semaphore(%run_scoped3A : memref<!tpu.dma_semaphore, #tpu.memory_space<semaphore_mem>>) src(%arg17 : memref<128x128xf32, #tpu.memory_space<vmem>>) dst(%dma_wait3A_201 : memref<10000x128xf32, #tpu.memory_space<vmem_shared>>)
          tpu.yield
        }) : () -> ()
      } else {
      }
      %add3A_168 = arith.constant 2 : i32
      %add3A_169 = arith.addi %add3A_149, %add3A_168 : i32
      %mul3A_170 = arith.constant 32 : i32
      %mul3A_171 = arith.muli %mul3A_170, %add3A_169 : i32
      %add3A_172 = arith.addi %add3A, %mul3A_171 : i32
      %lt3A_173 = arith.constant 625 : i32
      %lt3A_174 = arith.cmpi slt, %add3A_172, %lt3A_173 : i32
      %convert_element_type3A_175 = arith.extui %lt3A_174 : i1 to i32
      %cond3A_176 = arith.constant 0 : i32
      %cond3A_177 = arith.cmpi ne, %convert_element_type3A_175, %cond3A_176 : i32
      scf.if %cond3A_177 {
        %mul3A_188 = arith.constant 128 : i32
        %mul3A_189 = arith.muli %add3A_172, %mul3A_188 : i32
        %add3A_190 = arith.constant 240000 : i32
        %add3A_191 = arith.addi %add3A_190, %mul3A_189 : i32
        %dma_start3A = tpu.memref_slice %arg10[%add3A_191] : memref<320000xi32, #tpu.memory_space<hbm>> -> memref<128xi32, #tpu.memory_space<hbm>>
        %dma_start3A_192 = tpu.memref_slice %arg10[%add3A_191] : memref<320000xi32, #tpu.memory_space<hbm>> -> memref<128xi32, #tpu.memory_space<hbm>>
        tpu.enqueue_dma source(%dma_start3A_192 : memref<128xi32, #tpu.memory_space<hbm>>) target(%arg16 : memref<128xi32, #tpu.memory_space<vmem>>) target_semaphore(%arg18 : memref<!tpu.dma_semaphore, #tpu.memory_space<semaphore_mem>>)
        %mul3A_193 = arith.constant 128 : i32
        %mul3A_194 = arith.muli %add3A_172, %mul3A_193 : i32
        %dma_start3A_195 = arith.constant 0 : i32
        %dma_start3A_196 = tpu.memref_slice %arg7[%mul3A_194, %dma_start3A_195] : memref<80000x128xf32, #tpu.memory_space<hbm>> -> memref<128x128xf32, #tpu.memory_space<hbm>>
        %dma_start3A_197 = arith.constant 0 : i32
        %dma_start3A_198 = tpu.memref_slice %arg7[%mul3A_194, %dma_start3A_197] : memref<80000x128xf32, #tpu.memory_space<hbm>> -> memref<128x128xf32, #tpu.memory_space<hbm>>
        tpu.enqueue_dma source(%dma_start3A_198 : memref<128x128xf32, #tpu.memory_space<hbm>>) target(%arg17 : memref<128x128xf32, #tpu.memory_space<vmem>>) target_semaphore(%arg18 : memref<!tpu.dma_semaphore, #tpu.memory_space<semaphore_mem>>)
      } else {
      }
      %add3A_178 = arith.constant 1 : i32
      %add3A_179 = arith.addi %add3A_149, %add3A_178 : i32
      %mul3A_180 = arith.constant 32 : i32
      %mul3A_181 = arith.muli %mul3A_180, %add3A_179 : i32
      %add3A_182 = arith.addi %add3A, %mul3A_181 : i32
      %lt3A_183 = arith.constant 625 : i32
      %lt3A_184 = arith.cmpi slt, %add3A_182, %lt3A_183 : i32
      %convert_element_type3A_185 = arith.extui %lt3A_184 : i1 to i32
      %cond3A_186 = arith.constant 0 : i32
      %cond3A_187 = arith.cmpi ne, %convert_element_type3A_185, %cond3A_186 : i32
      scf.if %cond3A_187 {
        %dma_wait3A = arith.constant 0 : i32
        %dma_wait3A_188 = tpu.memref_slice %arg10[%dma_wait3A] : memref<320000xi32, #tpu.memory_space<hbm>> -> memref<128xi32, #tpu.memory_space<hbm>>
        %dma_wait3A_189 = arith.constant 0 : i32
        %dma_wait3A_190 = tpu.memref_slice %arg10[%dma_wait3A_189] : memref<320000xi32, #tpu.memory_space<hbm>> -> memref<128xi32, #tpu.memory_space<hbm>>
        tpu.wait_dma2 semaphore(%arg21 : memref<!tpu.dma_semaphore, #tpu.memory_space<semaphore_mem>>) src(%dma_wait3A_190 : memref<128xi32, #tpu.memory_space<hbm>>) dst(%arg19 : memref<128xi32, #tpu.memory_space<vmem>>)
        %dma_wait3A_191 = arith.constant 0 : i32
        %dma_wait3A_192 = arith.constant 0 : i32
        %dma_wait3A_193 = tpu.memref_slice %arg7[%dma_wait3A_191, %dma_wait3A_192] : memref<80000x128xf32, #tpu.memory_space<hbm>> -> memref<128x128xf32, #tpu.memory_space<hbm>>
        %dma_wait3A_194 = arith.constant 0 : i32
        %dma_wait3A_195 = arith.constant 0 : i32
        %dma_wait3A_196 = tpu.memref_slice %arg7[%dma_wait3A_194, %dma_wait3A_195] : memref<80000x128xf32, #tpu.memory_space<hbm>> -> memref<128x128xf32, #tpu.memory_space<hbm>>
        tpu.wait_dma2 semaphore(%arg21 : memref<!tpu.dma_semaphore, #tpu.memory_space<semaphore_mem>>) src(%dma_wait3A_196 : memref<128x128xf32, #tpu.memory_space<hbm>>) dst(%arg20 : memref<128x128xf32, #tpu.memory_space<vmem>>)
        "tpu.region"() ({
          %run_scoped3A = tpu.sem_alloc : memref<!tpu.dma_semaphore, #tpu.memory_space<semaphore_mem>>
          %dma_start3A = arith.constant 0 : i32
          %dma_start3A_197 = arith.constant 0 : i32
          %dma_start3A_198 = tpu.memref_slice %arg22[%dma_start3A, %dma_start3A_197] : memref<10000x128xf32, #tpu.memory_space<vmem_shared>> -> memref<10000x128xf32, #tpu.memory_space<vmem_shared>>
          tpu.enqueue_indirect_dma source(%arg20 : memref<128x128xf32, #tpu.memory_space<vmem>>) target(%dma_start3A_198 : memref<10000x128xf32, #tpu.memory_space<vmem_shared>>) offsets(%arg19 : memref<128xi32, #tpu.memory_space<vmem>>) semaphore(%run_scoped3A : memref<!tpu.dma_semaphore, #tpu.memory_space<semaphore_mem>>) {add = true}
          %dma_wait3A_199 = arith.constant 0 : i32
          %dma_wait3A_200 = arith.constant 0 : i32
          %dma_wait3A_201 = tpu.memref_slice %arg22[%dma_wait3A_199, %dma_wait3A_200] : memref<10000x128xf32, #tpu.memory_space<vmem_shared>> -> memref<10000x128xf32, #tpu.memory_space<vmem_shared>>
          tpu.wait_indirect_dma semaphore(%run_scoped3A : memref<!tpu.dma_semaphore, #tpu.memory_space<semaphore_mem>>) src(%arg20 : memref<128x128xf32, #tpu.memory_space<vmem>>) dst(%dma_wait3A_201 : memref<10000x128xf32, #tpu.memory_space<vmem_shared>>)
          tpu.yield
        }) : () -> ()
      } else {
      }
    }
    %scan3A_100 = arith.constant 10 : i32
    %barrier3A_101 = arith.constant 0 : index
    tpu.barrier barrier_id(%barrier3A_101)
    "tpu.region"() ({
      %run_scoped3A = tpu.sem_alloc : memref<!tpu.dma_semaphore, #tpu.memory_space<semaphore_mem>>
      %dma_start3A = arith.constant 0 : i32
      %dma_start3A_145 = arith.constant 0 : i32
      %dma_start3A_146 = tpu.memref_slice %arg14[%arg0, %dma_start3A, %dma_start3A_145] : memref<2x10000x128xf32, #tpu.memory_space<hbm>> -> memref<1x10000x128xf32, #tpu.memory_space<hbm>>
      %dma_start3A_147 = tpu.memref_squeeze %dma_start3A_146 : memref<1x10000x128xf32, #tpu.memory_space<hbm>> -> memref<10000x128xf32, #tpu.memory_space<hbm>>
      %dma_start3A_148 = arith.constant 0 : i32
      %dma_start3A_149 = tpu.memref_slice %dma_start3A_147[%mul3A_2, %dma_start3A_148] : memref<10000x128xf32, #tpu.memory_space<hbm>> -> memref<624x128xf32, #tpu.memory_space<hbm>>
      %dma_start3A_150 = arith.constant 0 : i32
      %dma_start3A_151 = tpu.memref_slice %arg22[%mul3A_2, %dma_start3A_150] : memref<10000x128xf32, #tpu.memory_space<vmem_shared>> -> memref<624x128xf32, #tpu.memory_space<vmem_shared>>
      tpu.enqueue_dma source(%dma_start3A_151 : memref<624x128xf32, #tpu.memory_space<vmem_shared>>) target(%dma_start3A_149 : memref<624x128xf32, #tpu.memory_space<hbm>>) target_semaphore(%run_scoped3A : memref<!tpu.dma_semaphore, #tpu.memory_space<semaphore_mem>>)
      %dma_wait3A = arith.constant 0 : i32
      %dma_wait3A_152 = arith.constant 0 : i32
      %dma_wait3A_153 = tpu.memref_slice %arg14[%arg0, %dma_wait3A, %dma_wait3A_152] : memref<2x10000x128xf32, #tpu.memory_space<hbm>> -> memref<1x10000x128xf32, #tpu.memory_space<hbm>>
      %dma_wait3A_154 = tpu.memref_squeeze %dma_wait3A_153 : memref<1x10000x128xf32, #tpu.memory_space<hbm>> -> memref<10000x128xf32, #tpu.memory_space<hbm>>
      %dma_wait3A_155 = arith.constant 0 : i32
      %dma_wait3A_156 = tpu.memref_slice %dma_wait3A_154[%mul3A_2, %dma_wait3A_155] : memref<10000x128xf32, #tpu.memory_space<hbm>> -> memref<624x128xf32, #tpu.memory_space<hbm>>
      %dma_wait3A_157 = arith.constant 0 : i32
      %dma_wait3A_158 = tpu.memref_slice %arg22[%mul3A_2, %dma_wait3A_157] : memref<10000x128xf32, #tpu.memory_space<vmem_shared>> -> memref<624x128xf32, #tpu.memory_space<vmem_shared>>
      tpu.wait_dma2 semaphore(%run_scoped3A : memref<!tpu.dma_semaphore, #tpu.memory_space<semaphore_mem>>) src(%dma_wait3A_158 : memref<624x128xf32, #tpu.memory_space<vmem_shared>>) dst(%dma_wait3A_156 : memref<624x128xf32, #tpu.memory_space<hbm>>)
      tpu.yield
    }) : () -> ()
    %eq3A_102 = arith.constant 15 : i32
    %eq3A_103 = arith.cmpi eq, %arg1, %eq3A_102 : i32
    %convert_element_type3A_104 = arith.extui %eq3A_103 : i1 to i32
    %cond3A_105 = arith.constant 0 : i32
    %cond3A_106 = arith.cmpi ne, %convert_element_type3A_104, %cond3A_105 : i32
    scf.if %cond3A_106 {
      "tpu.region"() ({
        %run_scoped3A = tpu.sem_alloc : memref<!tpu.dma_semaphore, #tpu.memory_space<semaphore_mem>>
        %dma_start3A = arith.constant 0 : i32
        %dma_start3A_145 = arith.constant 0 : i32
        %dma_start3A_146 = tpu.memref_slice %arg14[%arg0, %dma_start3A, %dma_start3A_145] : memref<2x10000x128xf32, #tpu.memory_space<hbm>> -> memref<1x10000x128xf32, #tpu.memory_space<hbm>>
        %dma_start3A_147 = tpu.memref_squeeze %dma_start3A_146 : memref<1x10000x128xf32, #tpu.memory_space<hbm>> -> memref<10000x128xf32, #tpu.memory_space<hbm>>
        %dma_start3A_148 = arith.constant 9984 : i32
        %dma_start3A_149 = arith.constant 0 : i32
        %dma_start3A_150 = tpu.memref_slice %dma_start3A_147[%dma_start3A_148, %dma_start3A_149] : memref<10000x128xf32, #tpu.memory_space<hbm>> -> memref<16x128xf32, #tpu.memory_space<hbm>>
        %dma_start3A_151 = arith.constant 9984 : i32
        %dma_start3A_152 = arith.constant 0 : i32
        %dma_start3A_153 = tpu.memref_slice %arg22[%dma_start3A_151, %dma_start3A_152] : memref<10000x128xf32, #tpu.memory_space<vmem_shared>> -> memref<16x128xf32, #tpu.memory_space<vmem_shared>>
        tpu.enqueue_dma source(%dma_start3A_153 : memref<16x128xf32, #tpu.memory_space<vmem_shared>>) target(%dma_start3A_150 : memref<16x128xf32, #tpu.memory_space<hbm>>) target_semaphore(%run_scoped3A : memref<!tpu.dma_semaphore, #tpu.memory_space<semaphore_mem>>)
        %dma_wait3A = arith.constant 0 : i32
        %dma_wait3A_154 = arith.constant 0 : i32
        %dma_wait3A_155 = tpu.memref_slice %arg14[%arg0, %dma_wait3A, %dma_wait3A_154] : memref<2x10000x128xf32, #tpu.memory_space<hbm>> -> memref<1x10000x128xf32, #tpu.memory_space<hbm>>
        %dma_wait3A_156 = tpu.memref_squeeze %dma_wait3A_155 : memref<1x10000x128xf32, #tpu.memory_space<hbm>> -> memref<10000x128xf32, #tpu.memory_space<hbm>>
        %dma_wait3A_157 = arith.constant 9984 : i32
        %dma_wait3A_158 = arith.constant 0 : i32
        %dma_wait3A_159 = tpu.memref_slice %dma_wait3A_156[%dma_wait3A_157, %dma_wait3A_158] : memref<10000x128xf32, #tpu.memory_space<hbm>> -> memref<16x128xf32, #tpu.memory_space<hbm>>
        %dma_wait3A_160 = arith.constant 9984 : i32
        %dma_wait3A_161 = arith.constant 0 : i32
        %dma_wait3A_162 = tpu.memref_slice %arg22[%dma_wait3A_160, %dma_wait3A_161] : memref<10000x128xf32, #tpu.memory_space<vmem_shared>> -> memref<16x128xf32, #tpu.memory_space<vmem_shared>>
        tpu.wait_dma2 semaphore(%run_scoped3A : memref<!tpu.dma_semaphore, #tpu.memory_space<semaphore_mem>>) src(%dma_wait3A_162 : memref<16x128xf32, #tpu.memory_space<vmem_shared>>) dst(%dma_wait3A_159 : memref<16x128xf32, #tpu.memory_space<hbm>>)
        tpu.yield
      }) : () -> ()
    } else {
    }
    %barrier3A_107 = arith.constant 0 : index
    tpu.barrier barrier_id(%barrier3A_107)
    "tpu.region"() ({
      %run_scoped3A = tpu.sem_alloc : memref<!tpu.dma_semaphore, #tpu.memory_space<semaphore_mem>>
      %dma_start3A = arith.constant 0 : i32
      %dma_start3A_145 = tpu.memref_slice %arg22[%mul3A_2, %dma_start3A] : memref<10000x128xf32, #tpu.memory_space<vmem_shared>> -> memref<624x128xf32, #tpu.memory_space<vmem_shared>>
      %dma_start3A_146 = arith.constant 0 : i32
      %dma_start3A_147 = arith.constant 0 : i32
      %dma_start3A_148 = tpu.memref_slice %arg11[%dma_start3A_146, %dma_start3A_147] : memref<624x128xf32, #tpu.memory_space<hbm>> -> memref<624x128xf32, #tpu.memory_space<hbm>>
      tpu.enqueue_dma source(%dma_start3A_148 : memref<624x128xf32, #tpu.memory_space<hbm>>) target(%dma_start3A_145 : memref<624x128xf32, #tpu.memory_space<vmem_shared>>) target_semaphore(%run_scoped3A : memref<!tpu.dma_semaphore, #tpu.memory_space<semaphore_mem>>)
      %dma_wait3A = arith.constant 0 : i32
      %dma_wait3A_149 = tpu.memref_slice %arg22[%mul3A_2, %dma_wait3A] : memref<10000x128xf32, #tpu.memory_space<vmem_shared>> -> memref<624x128xf32, #tpu.memory_space<vmem_shared>>
      %dma_wait3A_150 = arith.constant 0 : i32
      %dma_wait3A_151 = arith.constant 0 : i32
      %dma_wait3A_152 = tpu.memref_slice %arg11[%dma_wait3A_150, %dma_wait3A_151] : memref<624x128xf32, #tpu.memory_space<hbm>> -> memref<624x128xf32, #tpu.memory_space<hbm>>
      tpu.wait_dma2 semaphore(%run_scoped3A : memref<!tpu.dma_semaphore, #tpu.memory_space<semaphore_mem>>) src(%dma_wait3A_152 : memref<624x128xf32, #tpu.memory_space<hbm>>) dst(%dma_wait3A_149 : memref<624x128xf32, #tpu.memory_space<vmem_shared>>)
      tpu.yield
    }) : () -> ()
    %eq3A_108 = arith.constant 15 : i32
    %eq3A_109 = arith.cmpi eq, %arg1, %eq3A_108 : i32
    %convert_element_type3A_110 = arith.extui %eq3A_109 : i1 to i32
    %cond3A_111 = arith.constant 0 : i32
    %cond3A_112 = arith.cmpi ne, %convert_element_type3A_110, %cond3A_111 : i32
    scf.if %cond3A_112 {
      "tpu.region"() ({
        %run_scoped3A = tpu.sem_alloc : memref<!tpu.dma_semaphore, #tpu.memory_space<semaphore_mem>>
        %dma_start3A = arith.constant 9984 : i32
        %dma_start3A_145 = arith.constant 0 : i32
        %dma_start3A_146 = tpu.memref_slice %arg22[%dma_start3A, %dma_start3A_145] : memref<10000x128xf32, #tpu.memory_space<vmem_shared>> -> memref<16x128xf32, #tpu.memory_space<vmem_shared>>
        %dma_start3A_147 = arith.constant 0 : i32
        %dma_start3A_148 = arith.constant 0 : i32
        %dma_start3A_149 = tpu.memref_slice %arg11[%dma_start3A_147, %dma_start3A_148] : memref<624x128xf32, #tpu.memory_space<hbm>> -> memref<16x128xf32, #tpu.memory_space<hbm>>
        tpu.enqueue_dma source(%dma_start3A_149 : memref<16x128xf32, #tpu.memory_space<hbm>>) target(%dma_start3A_146 : memref<16x128xf32, #tpu.memory_space<vmem_shared>>) target_semaphore(%run_scoped3A : memref<!tpu.dma_semaphore, #tpu.memory_space<semaphore_mem>>)
        %dma_wait3A = arith.constant 9984 : i32
        %dma_wait3A_150 = arith.constant 0 : i32
        %dma_wait3A_151 = tpu.memref_slice %arg22[%dma_wait3A, %dma_wait3A_150] : memref<10000x128xf32, #tpu.memory_space<vmem_shared>> -> memref<16x128xf32, #tpu.memory_space<vmem_shared>>
        %dma_wait3A_152 = arith.constant 0 : i32
        %dma_wait3A_153 = arith.constant 0 : i32
        %dma_wait3A_154 = tpu.memref_slice %arg11[%dma_wait3A_152, %dma_wait3A_153] : memref<624x128xf32, #tpu.memory_space<hbm>> -> memref<16x128xf32, #tpu.memory_space<hbm>>
        tpu.wait_dma2 semaphore(%run_scoped3A : memref<!tpu.dma_semaphore, #tpu.memory_space<semaphore_mem>>) src(%dma_wait3A_154 : memref<16x128xf32, #tpu.memory_space<hbm>>) dst(%dma_wait3A_151 : memref<16x128xf32, #tpu.memory_space<vmem_shared>>)
        tpu.yield
      }) : () -> ()
    } else {
    }
    %barrier3A_113 = arith.constant 0 : index
    tpu.barrier barrier_id(%barrier3A_113)
    %add3A_114 = arith.constant 0 : i32
    %add3A_115 = arith.addi %add3A, %add3A_114 : i32
    %lt3A_116 = arith.constant 625 : i32
    %lt3A_117 = arith.cmpi slt, %add3A_115, %lt3A_116 : i32
    %convert_element_type3A_118 = arith.extui %lt3A_117 : i1 to i32
    %cond3A_119 = arith.constant 0 : i32
    %cond3A_120 = arith.cmpi ne, %convert_element_type3A_118, %cond3A_119 : i32
    scf.if %cond3A_120 {
      %mul3A_145 = arith.constant 128 : i32
      %mul3A_146 = arith.muli %add3A_115, %mul3A_145 : i32
      %add3A_147 = arith.constant 160000 : i32
      %add3A_148 = arith.addi %add3A_147, %mul3A_146 : i32
      %dma_start3A = tpu.memref_slice %arg10[%add3A_148] : memref<320000xi32, #tpu.memory_space<hbm>> -> memref<128xi32, #tpu.memory_space<hbm>>
      %dma_start3A_149 = tpu.memref_slice %arg10[%add3A_148] : memref<320000xi32, #tpu.memory_space<hbm>> -> memref<128xi32, #tpu.memory_space<hbm>>
      tpu.enqueue_dma source(%dma_start3A_149 : memref<128xi32, #tpu.memory_space<hbm>>) target(%arg16 : memref<128xi32, #tpu.memory_space<vmem>>) target_semaphore(%arg18 : memref<!tpu.dma_semaphore, #tpu.memory_space<semaphore_mem>>)
      %mul3A_150 = arith.constant 128 : i32
      %mul3A_151 = arith.muli %add3A_115, %mul3A_150 : i32
      %dma_start3A_152 = arith.constant 0 : i32
      %dma_start3A_153 = tpu.memref_slice %arg8[%mul3A_151, %dma_start3A_152] : memref<80000x128xf32, #tpu.memory_space<hbm>> -> memref<128x128xf32, #tpu.memory_space<hbm>>
      %dma_start3A_154 = arith.constant 0 : i32
      %dma_start3A_155 = tpu.memref_slice %arg8[%mul3A_151, %dma_start3A_154] : memref<80000x128xf32, #tpu.memory_space<hbm>> -> memref<128x128xf32, #tpu.memory_space<hbm>>
      tpu.enqueue_dma source(%dma_start3A_155 : memref<128x128xf32, #tpu.memory_space<hbm>>) target(%arg17 : memref<128x128xf32, #tpu.memory_space<vmem>>) target_semaphore(%arg18 : memref<!tpu.dma_semaphore, #tpu.memory_space<semaphore_mem>>)
    } else {
    }
    %scan3A_121 = arith.constant 0 : i32
    %scan3A_122 = arith.constant 10 : i32
    %scan3A_123 = arith.addi %scan3A_121, %scan3A_122 : i32
    %scan3A_124 = arith.constant 1 : i32
    scf.for %scan3A_145 = %scan3A_121 to %scan3A_123 step %scan3A_124  : i32 {
      %mul3A_146 = arith.constant 2 : i32
      %mul3A_147 = arith.muli %scan3A_145, %mul3A_146 : i32
      %add3A_148 = arith.constant 0 : i32
      %add3A_149 = arith.addi %add3A_148, %mul3A_147 : i32
      %add3A_150 = arith.constant 1 : i32
      %add3A_151 = arith.addi %add3A_149, %add3A_150 : i32
      %mul3A_152 = arith.constant 32 : i32
      %mul3A_153 = arith.muli %mul3A_152, %add3A_151 : i32
      %add3A_154 = arith.addi %add3A, %mul3A_153 : i32
      %lt3A_155 = arith.constant 625 : i32
      %lt3A_156 = arith.cmpi slt, %add3A_154, %lt3A_155 : i32
      %convert_element_type3A_157 = arith.extui %lt3A_156 : i1 to i32
      %cond3A_158 = arith.constant 0 : i32
      %cond3A_159 = arith.cmpi ne, %convert_element_type3A_157, %cond3A_158 : i32
      scf.if %cond3A_159 {
        %mul3A_188 = arith.constant 128 : i32
        %mul3A_189 = arith.muli %add3A_154, %mul3A_188 : i32
        %add3A_190 = arith.constant 160000 : i32
        %add3A_191 = arith.addi %add3A_190, %mul3A_189 : i32
        %dma_start3A = tpu.memref_slice %arg10[%add3A_191] : memref<320000xi32, #tpu.memory_space<hbm>> -> memref<128xi32, #tpu.memory_space<hbm>>
        %dma_start3A_192 = tpu.memref_slice %arg10[%add3A_191] : memref<320000xi32, #tpu.memory_space<hbm>> -> memref<128xi32, #tpu.memory_space<hbm>>
        tpu.enqueue_dma source(%dma_start3A_192 : memref<128xi32, #tpu.memory_space<hbm>>) target(%arg19 : memref<128xi32, #tpu.memory_space<vmem>>) target_semaphore(%arg21 : memref<!tpu.dma_semaphore, #tpu.memory_space<semaphore_mem>>)
        %mul3A_193 = arith.constant 128 : i32
        %mul3A_194 = arith.muli %add3A_154, %mul3A_193 : i32
        %dma_start3A_195 = arith.constant 0 : i32
        %dma_start3A_196 = tpu.memref_slice %arg8[%mul3A_194, %dma_start3A_195] : memref<80000x128xf32, #tpu.memory_space<hbm>> -> memref<128x128xf32, #tpu.memory_space<hbm>>
        %dma_start3A_197 = arith.constant 0 : i32
        %dma_start3A_198 = tpu.memref_slice %arg8[%mul3A_194, %dma_start3A_197] : memref<80000x128xf32, #tpu.memory_space<hbm>> -> memref<128x128xf32, #tpu.memory_space<hbm>>
        tpu.enqueue_dma source(%dma_start3A_198 : memref<128x128xf32, #tpu.memory_space<hbm>>) target(%arg20 : memref<128x128xf32, #tpu.memory_space<vmem>>) target_semaphore(%arg21 : memref<!tpu.dma_semaphore, #tpu.memory_space<semaphore_mem>>)
      } else {
      }
      %mul3A_160 = arith.constant 32 : i32
      %mul3A_161 = arith.muli %mul3A_160, %add3A_149 : i32
      %add3A_162 = arith.addi %add3A, %mul3A_161 : i32
      %lt3A_163 = arith.constant 625 : i32
      %lt3A_164 = arith.cmpi slt, %add3A_162, %lt3A_163 : i32
      %convert_element_type3A_165 = arith.extui %lt3A_164 : i1 to i32
      %cond3A_166 = arith.constant 0 : i32
      %cond3A_167 = arith.cmpi ne, %convert_element_type3A_165, %cond3A_166 : i32
      scf.if %cond3A_167 {
        %dma_wait3A = arith.constant 0 : i32
        %dma_wait3A_188 = tpu.memref_slice %arg10[%dma_wait3A] : memref<320000xi32, #tpu.memory_space<hbm>> -> memref<128xi32, #tpu.memory_space<hbm>>
        %dma_wait3A_189 = arith.constant 0 : i32
        %dma_wait3A_190 = tpu.memref_slice %arg10[%dma_wait3A_189] : memref<320000xi32, #tpu.memory_space<hbm>> -> memref<128xi32, #tpu.memory_space<hbm>>
        tpu.wait_dma2 semaphore(%arg18 : memref<!tpu.dma_semaphore, #tpu.memory_space<semaphore_mem>>) src(%dma_wait3A_190 : memref<128xi32, #tpu.memory_space<hbm>>) dst(%arg16 : memref<128xi32, #tpu.memory_space<vmem>>)
        %dma_wait3A_191 = arith.constant 0 : i32
        %dma_wait3A_192 = arith.constant 0 : i32
        %dma_wait3A_193 = tpu.memref_slice %arg8[%dma_wait3A_191, %dma_wait3A_192] : memref<80000x128xf32, #tpu.memory_space<hbm>> -> memref<128x128xf32, #tpu.memory_space<hbm>>
        %dma_wait3A_194 = arith.constant 0 : i32
        %dma_wait3A_195 = arith.constant 0 : i32
        %dma_wait3A_196 = tpu.memref_slice %arg8[%dma_wait3A_194, %dma_wait3A_195] : memref<80000x128xf32, #tpu.memory_space<hbm>> -> memref<128x128xf32, #tpu.memory_space<hbm>>
        tpu.wait_dma2 semaphore(%arg18 : memref<!tpu.dma_semaphore, #tpu.memory_space<semaphore_mem>>) src(%dma_wait3A_196 : memref<128x128xf32, #tpu.memory_space<hbm>>) dst(%arg17 : memref<128x128xf32, #tpu.memory_space<vmem>>)
        "tpu.region"() ({
          %run_scoped3A = tpu.sem_alloc : memref<!tpu.dma_semaphore, #tpu.memory_space<semaphore_mem>>
          %dma_start3A = arith.constant 0 : i32
          %dma_start3A_197 = arith.constant 0 : i32
          %dma_start3A_198 = tpu.memref_slice %arg22[%dma_start3A, %dma_start3A_197] : memref<10000x128xf32, #tpu.memory_space<vmem_shared>> -> memref<10000x128xf32, #tpu.memory_space<vmem_shared>>
          tpu.enqueue_indirect_dma source(%arg17 : memref<128x128xf32, #tpu.memory_space<vmem>>) target(%dma_start3A_198 : memref<10000x128xf32, #tpu.memory_space<vmem_shared>>) offsets(%arg16 : memref<128xi32, #tpu.memory_space<vmem>>) semaphore(%run_scoped3A : memref<!tpu.dma_semaphore, #tpu.memory_space<semaphore_mem>>) {add = true}
          %dma_wait3A_199 = arith.constant 0 : i32
          %dma_wait3A_200 = arith.constant 0 : i32
          %dma_wait3A_201 = tpu.memref_slice %arg22[%dma_wait3A_199, %dma_wait3A_200] : memref<10000x128xf32, #tpu.memory_space<vmem_shared>> -> memref<10000x128xf32, #tpu.memory_space<vmem_shared>>
          tpu.wait_indirect_dma semaphore(%run_scoped3A : memref<!tpu.dma_semaphore, #tpu.memory_space<semaphore_mem>>) src(%arg17 : memref<128x128xf32, #tpu.memory_space<vmem>>) dst(%dma_wait3A_201 : memref<10000x128xf32, #tpu.memory_space<vmem_shared>>)
          tpu.yield
        }) : () -> ()
      } else {
      }
      %add3A_168 = arith.constant 2 : i32
      %add3A_169 = arith.addi %add3A_149, %add3A_168 : i32
      %mul3A_170 = arith.constant 32 : i32
      %mul3A_171 = arith.muli %mul3A_170, %add3A_169 : i32
      %add3A_172 = arith.addi %add3A, %mul3A_171 : i32
      %lt3A_173 = arith.constant 625 : i32
      %lt3A_174 = arith.cmpi slt, %add3A_172, %lt3A_173 : i32
      %convert_element_type3A_175 = arith.extui %lt3A_174 : i1 to i32
      %cond3A_176 = arith.constant 0 : i32
      %cond3A_177 = arith.cmpi ne, %convert_element_type3A_175, %cond3A_176 : i32
      scf.if %cond3A_177 {
        %mul3A_188 = arith.constant 128 : i32
        %mul3A_189 = arith.muli %add3A_172, %mul3A_188 : i32
        %add3A_190 = arith.constant 160000 : i32
        %add3A_191 = arith.addi %add3A_190, %mul3A_189 : i32
        %dma_start3A = tpu.memref_slice %arg10[%add3A_191] : memref<320000xi32, #tpu.memory_space<hbm>> -> memref<128xi32, #tpu.memory_space<hbm>>
        %dma_start3A_192 = tpu.memref_slice %arg10[%add3A_191] : memref<320000xi32, #tpu.memory_space<hbm>> -> memref<128xi32, #tpu.memory_space<hbm>>
        tpu.enqueue_dma source(%dma_start3A_192 : memref<128xi32, #tpu.memory_space<hbm>>) target(%arg16 : memref<128xi32, #tpu.memory_space<vmem>>) target_semaphore(%arg18 : memref<!tpu.dma_semaphore, #tpu.memory_space<semaphore_mem>>)
        %mul3A_193 = arith.constant 128 : i32
        %mul3A_194 = arith.muli %add3A_172, %mul3A_193 : i32
        %dma_start3A_195 = arith.constant 0 : i32
        %dma_start3A_196 = tpu.memref_slice %arg8[%mul3A_194, %dma_start3A_195] : memref<80000x128xf32, #tpu.memory_space<hbm>> -> memref<128x128xf32, #tpu.memory_space<hbm>>
        %dma_start3A_197 = arith.constant 0 : i32
        %dma_start3A_198 = tpu.memref_slice %arg8[%mul3A_194, %dma_start3A_197] : memref<80000x128xf32, #tpu.memory_space<hbm>> -> memref<128x128xf32, #tpu.memory_space<hbm>>
        tpu.enqueue_dma source(%dma_start3A_198 : memref<128x128xf32, #tpu.memory_space<hbm>>) target(%arg17 : memref<128x128xf32, #tpu.memory_space<vmem>>) target_semaphore(%arg18 : memref<!tpu.dma_semaphore, #tpu.memory_space<semaphore_mem>>)
      } else {
      }
      %add3A_178 = arith.constant 1 : i32
      %add3A_179 = arith.addi %add3A_149, %add3A_178 : i32
      %mul3A_180 = arith.constant 32 : i32
      %mul3A_181 = arith.muli %mul3A_180, %add3A_179 : i32
      %add3A_182 = arith.addi %add3A, %mul3A_181 : i32
      %lt3A_183 = arith.constant 625 : i32
      %lt3A_184 = arith.cmpi slt, %add3A_182, %lt3A_183 : i32
      %convert_element_type3A_185 = arith.extui %lt3A_184 : i1 to i32
      %cond3A_186 = arith.constant 0 : i32
      %cond3A_187 = arith.cmpi ne, %convert_element_type3A_185, %cond3A_186 : i32
      scf.if %cond3A_187 {
        %dma_wait3A = arith.constant 0 : i32
        %dma_wait3A_188 = tpu.memref_slice %arg10[%dma_wait3A] : memref<320000xi32, #tpu.memory_space<hbm>> -> memref<128xi32, #tpu.memory_space<hbm>>
        %dma_wait3A_189 = arith.constant 0 : i32
        %dma_wait3A_190 = tpu.memref_slice %arg10[%dma_wait3A_189] : memref<320000xi32, #tpu.memory_space<hbm>> -> memref<128xi32, #tpu.memory_space<hbm>>
        tpu.wait_dma2 semaphore(%arg21 : memref<!tpu.dma_semaphore, #tpu.memory_space<semaphore_mem>>) src(%dma_wait3A_190 : memref<128xi32, #tpu.memory_space<hbm>>) dst(%arg19 : memref<128xi32, #tpu.memory_space<vmem>>)
        %dma_wait3A_191 = arith.constant 0 : i32
        %dma_wait3A_192 = arith.constant 0 : i32
        %dma_wait3A_193 = tpu.memref_slice %arg8[%dma_wait3A_191, %dma_wait3A_192] : memref<80000x128xf32, #tpu.memory_space<hbm>> -> memref<128x128xf32, #tpu.memory_space<hbm>>
        %dma_wait3A_194 = arith.constant 0 : i32
        %dma_wait3A_195 = arith.constant 0 : i32
        %dma_wait3A_196 = tpu.memref_slice %arg8[%dma_wait3A_194, %dma_wait3A_195] : memref<80000x128xf32, #tpu.memory_space<hbm>> -> memref<128x128xf32, #tpu.memory_space<hbm>>
        tpu.wait_dma2 semaphore(%arg21 : memref<!tpu.dma_semaphore, #tpu.memory_space<semaphore_mem>>) src(%dma_wait3A_196 : memref<128x128xf32, #tpu.memory_space<hbm>>) dst(%arg20 : memref<128x128xf32, #tpu.memory_space<vmem>>)
        "tpu.region"() ({
          %run_scoped3A = tpu.sem_alloc : memref<!tpu.dma_semaphore, #tpu.memory_space<semaphore_mem>>
          %dma_start3A = arith.constant 0 : i32
          %dma_start3A_197 = arith.constant 0 : i32
          %dma_start3A_198 = tpu.memref_slice %arg22[%dma_start3A, %dma_start3A_197] : memref<10000x128xf32, #tpu.memory_space<vmem_shared>> -> memref<10000x128xf32, #tpu.memory_space<vmem_shared>>
          tpu.enqueue_indirect_dma source(%arg20 : memref<128x128xf32, #tpu.memory_space<vmem>>) target(%dma_start3A_198 : memref<10000x128xf32, #tpu.memory_space<vmem_shared>>) offsets(%arg19 : memref<128xi32, #tpu.memory_space<vmem>>) semaphore(%run_scoped3A : memref<!tpu.dma_semaphore, #tpu.memory_space<semaphore_mem>>) {add = true}
          %dma_wait3A_199 = arith.constant 0 : i32
          %dma_wait3A_200 = arith.constant 0 : i32
          %dma_wait3A_201 = tpu.memref_slice %arg22[%dma_wait3A_199, %dma_wait3A_200] : memref<10000x128xf32, #tpu.memory_space<vmem_shared>> -> memref<10000x128xf32, #tpu.memory_space<vmem_shared>>
          tpu.wait_indirect_dma semaphore(%run_scoped3A : memref<!tpu.dma_semaphore, #tpu.memory_space<semaphore_mem>>) src(%arg20 : memref<128x128xf32, #tpu.memory_space<vmem>>) dst(%dma_wait3A_201 : memref<10000x128xf32, #tpu.memory_space<vmem_shared>>)
          tpu.yield
        }) : () -> ()
      } else {
      }
    }
    %scan3A_125 = arith.constant 10 : i32
    %add3A_126 = arith.constant 0 : i32
    %add3A_127 = arith.addi %add3A, %add3A_126 : i32
    %lt3A_128 = arith.constant 625 : i32
    %lt3A_129 = arith.cmpi slt, %add3A_127, %lt3A_128 : i32
    %convert_element_type3A_130 = arith.extui %lt3A_129 : i1 to i32
    %cond3A_131 = arith.constant 0 : i32
    %cond3A_132 = arith.cmpi ne, %convert_element_type3A_130, %cond3A_131 : i32
    scf.if %cond3A_132 {
      %mul3A_145 = arith.constant 128 : i32
      %mul3A_146 = arith.muli %add3A_127, %mul3A_145 : i32
      %add3A_147 = arith.constant 240000 : i32
      %add3A_148 = arith.addi %add3A_147, %mul3A_146 : i32
      %dma_start3A = tpu.memref_slice %arg10[%add3A_148] : memref<320000xi32, #tpu.memory_space<hbm>> -> memref<128xi32, #tpu.memory_space<hbm>>
      %dma_start3A_149 = tpu.memref_slice %arg10[%add3A_148] : memref<320000xi32, #tpu.memory_space<hbm>> -> memref<128xi32, #tpu.memory_space<hbm>>
      tpu.enqueue_dma source(%dma_start3A_149 : memref<128xi32, #tpu.memory_space<hbm>>) target(%arg16 : memref<128xi32, #tpu.memory_space<vmem>>) target_semaphore(%arg18 : memref<!tpu.dma_semaphore, #tpu.memory_space<semaphore_mem>>)
      %mul3A_150 = arith.constant 128 : i32
      %mul3A_151 = arith.muli %add3A_127, %mul3A_150 : i32
      %dma_start3A_152 = arith.constant 0 : i32
      %dma_start3A_153 = tpu.memref_slice %arg9[%mul3A_151, %dma_start3A_152] : memref<80000x128xf32, #tpu.memory_space<hbm>> -> memref<128x128xf32, #tpu.memory_space<hbm>>
      %dma_start3A_154 = arith.constant 0 : i32
      %dma_start3A_155 = tpu.memref_slice %arg9[%mul3A_151, %dma_start3A_154] : memref<80000x128xf32, #tpu.memory_space<hbm>> -> memref<128x128xf32, #tpu.memory_space<hbm>>
      tpu.enqueue_dma source(%dma_start3A_155 : memref<128x128xf32, #tpu.memory_space<hbm>>) target(%arg17 : memref<128x128xf32, #tpu.memory_space<vmem>>) target_semaphore(%arg18 : memref<!tpu.dma_semaphore, #tpu.memory_space<semaphore_mem>>)
    } else {
    }
    %scan3A_133 = arith.constant 0 : i32
    %scan3A_134 = arith.constant 10 : i32
    %scan3A_135 = arith.addi %scan3A_133, %scan3A_134 : i32
    %scan3A_136 = arith.constant 1 : i32
    scf.for %scan3A_145 = %scan3A_133 to %scan3A_135 step %scan3A_136  : i32 {
      %mul3A_146 = arith.constant 2 : i32
      %mul3A_147 = arith.muli %scan3A_145, %mul3A_146 : i32
      %add3A_148 = arith.constant 0 : i32
      %add3A_149 = arith.addi %add3A_148, %mul3A_147 : i32
      %add3A_150 = arith.constant 1 : i32
      %add3A_151 = arith.addi %add3A_149, %add3A_150 : i32
      %mul3A_152 = arith.constant 32 : i32
      %mul3A_153 = arith.muli %mul3A_152, %add3A_151 : i32
      %add3A_154 = arith.addi %add3A, %mul3A_153 : i32
      %lt3A_155 = arith.constant 625 : i32
      %lt3A_156 = arith.cmpi slt, %add3A_154, %lt3A_155 : i32
      %convert_element_type3A_157 = arith.extui %lt3A_156 : i1 to i32
      %cond3A_158 = arith.constant 0 : i32
      %cond3A_159 = arith.cmpi ne, %convert_element_type3A_157, %cond3A_158 : i32
      scf.if %cond3A_159 {
        %mul3A_188 = arith.constant 128 : i32
        %mul3A_189 = arith.muli %add3A_154, %mul3A_188 : i32
        %add3A_190 = arith.constant 240000 : i32
        %add3A_191 = arith.addi %add3A_190, %mul3A_189 : i32
        %dma_start3A = tpu.memref_slice %arg10[%add3A_191] : memref<320000xi32, #tpu.memory_space<hbm>> -> memref<128xi32, #tpu.memory_space<hbm>>
        %dma_start3A_192 = tpu.memref_slice %arg10[%add3A_191] : memref<320000xi32, #tpu.memory_space<hbm>> -> memref<128xi32, #tpu.memory_space<hbm>>
        tpu.enqueue_dma source(%dma_start3A_192 : memref<128xi32, #tpu.memory_space<hbm>>) target(%arg19 : memref<128xi32, #tpu.memory_space<vmem>>) target_semaphore(%arg21 : memref<!tpu.dma_semaphore, #tpu.memory_space<semaphore_mem>>)
        %mul3A_193 = arith.constant 128 : i32
        %mul3A_194 = arith.muli %add3A_154, %mul3A_193 : i32
        %dma_start3A_195 = arith.constant 0 : i32
        %dma_start3A_196 = tpu.memref_slice %arg9[%mul3A_194, %dma_start3A_195] : memref<80000x128xf32, #tpu.memory_space<hbm>> -> memref<128x128xf32, #tpu.memory_space<hbm>>
        %dma_start3A_197 = arith.constant 0 : i32
        %dma_start3A_198 = tpu.memref_slice %arg9[%mul3A_194, %dma_start3A_197] : memref<80000x128xf32, #tpu.memory_space<hbm>> -> memref<128x128xf32, #tpu.memory_space<hbm>>
        tpu.enqueue_dma source(%dma_start3A_198 : memref<128x128xf32, #tpu.memory_space<hbm>>) target(%arg20 : memref<128x128xf32, #tpu.memory_space<vmem>>) target_semaphore(%arg21 : memref<!tpu.dma_semaphore, #tpu.memory_space<semaphore_mem>>)
      } else {
      }
      %mul3A_160 = arith.constant 32 : i32
      %mul3A_161 = arith.muli %mul3A_160, %add3A_149 : i32
      %add3A_162 = arith.addi %add3A, %mul3A_161 : i32
      %lt3A_163 = arith.constant 625 : i32
      %lt3A_164 = arith.cmpi slt, %add3A_162, %lt3A_163 : i32
      %convert_element_type3A_165 = arith.extui %lt3A_164 : i1 to i32
      %cond3A_166 = arith.constant 0 : i32
      %cond3A_167 = arith.cmpi ne, %convert_element_type3A_165, %cond3A_166 : i32
      scf.if %cond3A_167 {
        %dma_wait3A = arith.constant 0 : i32
        %dma_wait3A_188 = tpu.memref_slice %arg10[%dma_wait3A] : memref<320000xi32, #tpu.memory_space<hbm>> -> memref<128xi32, #tpu.memory_space<hbm>>
        %dma_wait3A_189 = arith.constant 0 : i32
        %dma_wait3A_190 = tpu.memref_slice %arg10[%dma_wait3A_189] : memref<320000xi32, #tpu.memory_space<hbm>> -> memref<128xi32, #tpu.memory_space<hbm>>
        tpu.wait_dma2 semaphore(%arg18 : memref<!tpu.dma_semaphore, #tpu.memory_space<semaphore_mem>>) src(%dma_wait3A_190 : memref<128xi32, #tpu.memory_space<hbm>>) dst(%arg16 : memref<128xi32, #tpu.memory_space<vmem>>)
        %dma_wait3A_191 = arith.constant 0 : i32
        %dma_wait3A_192 = arith.constant 0 : i32
        %dma_wait3A_193 = tpu.memref_slice %arg9[%dma_wait3A_191, %dma_wait3A_192] : memref<80000x128xf32, #tpu.memory_space<hbm>> -> memref<128x128xf32, #tpu.memory_space<hbm>>
        %dma_wait3A_194 = arith.constant 0 : i32
        %dma_wait3A_195 = arith.constant 0 : i32
        %dma_wait3A_196 = tpu.memref_slice %arg9[%dma_wait3A_194, %dma_wait3A_195] : memref<80000x128xf32, #tpu.memory_space<hbm>> -> memref<128x128xf32, #tpu.memory_space<hbm>>
        tpu.wait_dma2 semaphore(%arg18 : memref<!tpu.dma_semaphore, #tpu.memory_space<semaphore_mem>>) src(%dma_wait3A_196 : memref<128x128xf32, #tpu.memory_space<hbm>>) dst(%arg17 : memref<128x128xf32, #tpu.memory_space<vmem>>)
        "tpu.region"() ({
          %run_scoped3A = tpu.sem_alloc : memref<!tpu.dma_semaphore, #tpu.memory_space<semaphore_mem>>
          %dma_start3A = arith.constant 0 : i32
          %dma_start3A_197 = arith.constant 0 : i32
          %dma_start3A_198 = tpu.memref_slice %arg22[%dma_start3A, %dma_start3A_197] : memref<10000x128xf32, #tpu.memory_space<vmem_shared>> -> memref<10000x128xf32, #tpu.memory_space<vmem_shared>>
          tpu.enqueue_indirect_dma source(%arg17 : memref<128x128xf32, #tpu.memory_space<vmem>>) target(%dma_start3A_198 : memref<10000x128xf32, #tpu.memory_space<vmem_shared>>) offsets(%arg16 : memref<128xi32, #tpu.memory_space<vmem>>) semaphore(%run_scoped3A : memref<!tpu.dma_semaphore, #tpu.memory_space<semaphore_mem>>) {add = true}
          %dma_wait3A_199 = arith.constant 0 : i32
          %dma_wait3A_200 = arith.constant 0 : i32
          %dma_wait3A_201 = tpu.memref_slice %arg22[%dma_wait3A_199, %dma_wait3A_200] : memref<10000x128xf32, #tpu.memory_space<vmem_shared>> -> memref<10000x128xf32, #tpu.memory_space<vmem_shared>>
          tpu.wait_indirect_dma semaphore(%run_scoped3A : memref<!tpu.dma_semaphore, #tpu.memory_space<semaphore_mem>>) src(%arg17 : memref<128x128xf32, #tpu.memory_space<vmem>>) dst(%dma_wait3A_201 : memref<10000x128xf32, #tpu.memory_space<vmem_shared>>)
          tpu.yield
        }) : () -> ()
      } else {
      }
      %add3A_168 = arith.constant 2 : i32
      %add3A_169 = arith.addi %add3A_149, %add3A_168 : i32
      %mul3A_170 = arith.constant 32 : i32
      %mul3A_171 = arith.muli %mul3A_170, %add3A_169 : i32
      %add3A_172 = arith.addi %add3A, %mul3A_171 : i32
      %lt3A_173 = arith.constant 625 : i32
      %lt3A_174 = arith.cmpi slt, %add3A_172, %lt3A_173 : i32
      %convert_element_type3A_175 = arith.extui %lt3A_174 : i1 to i32
      %cond3A_176 = arith.constant 0 : i32
      %cond3A_177 = arith.cmpi ne, %convert_element_type3A_175, %cond3A_176 : i32
      scf.if %cond3A_177 {
        %mul3A_188 = arith.constant 128 : i32
        %mul3A_189 = arith.muli %add3A_172, %mul3A_188 : i32
        %add3A_190 = arith.constant 240000 : i32
        %add3A_191 = arith.addi %add3A_190, %mul3A_189 : i32
        %dma_start3A = tpu.memref_slice %arg10[%add3A_191] : memref<320000xi32, #tpu.memory_space<hbm>> -> memref<128xi32, #tpu.memory_space<hbm>>
        %dma_start3A_192 = tpu.memref_slice %arg10[%add3A_191] : memref<320000xi32, #tpu.memory_space<hbm>> -> memref<128xi32, #tpu.memory_space<hbm>>
        tpu.enqueue_dma source(%dma_start3A_192 : memref<128xi32, #tpu.memory_space<hbm>>) target(%arg16 : memref<128xi32, #tpu.memory_space<vmem>>) target_semaphore(%arg18 : memref<!tpu.dma_semaphore, #tpu.memory_space<semaphore_mem>>)
        %mul3A_193 = arith.constant 128 : i32
        %mul3A_194 = arith.muli %add3A_172, %mul3A_193 : i32
        %dma_start3A_195 = arith.constant 0 : i32
        %dma_start3A_196 = tpu.memref_slice %arg9[%mul3A_194, %dma_start3A_195] : memref<80000x128xf32, #tpu.memory_space<hbm>> -> memref<128x128xf32, #tpu.memory_space<hbm>>
        %dma_start3A_197 = arith.constant 0 : i32
        %dma_start3A_198 = tpu.memref_slice %arg9[%mul3A_194, %dma_start3A_197] : memref<80000x128xf32, #tpu.memory_space<hbm>> -> memref<128x128xf32, #tpu.memory_space<hbm>>
        tpu.enqueue_dma source(%dma_start3A_198 : memref<128x128xf32, #tpu.memory_space<hbm>>) target(%arg17 : memref<128x128xf32, #tpu.memory_space<vmem>>) target_semaphore(%arg18 : memref<!tpu.dma_semaphore, #tpu.memory_space<semaphore_mem>>)
      } else {
      }
      %add3A_178 = arith.constant 1 : i32
      %add3A_179 = arith.addi %add3A_149, %add3A_178 : i32
      %mul3A_180 = arith.constant 32 : i32
      %mul3A_181 = arith.muli %mul3A_180, %add3A_179 : i32
      %add3A_182 = arith.addi %add3A, %mul3A_181 : i32
      %lt3A_183 = arith.constant 625 : i32
      %lt3A_184 = arith.cmpi slt, %add3A_182, %lt3A_183 : i32
      %convert_element_type3A_185 = arith.extui %lt3A_184 : i1 to i32
      %cond3A_186 = arith.constant 0 : i32
      %cond3A_187 = arith.cmpi ne, %convert_element_type3A_185, %cond3A_186 : i32
      scf.if %cond3A_187 {
        %dma_wait3A = arith.constant 0 : i32
        %dma_wait3A_188 = tpu.memref_slice %arg10[%dma_wait3A] : memref<320000xi32, #tpu.memory_space<hbm>> -> memref<128xi32, #tpu.memory_space<hbm>>
        %dma_wait3A_189 = arith.constant 0 : i32
        %dma_wait3A_190 = tpu.memref_slice %arg10[%dma_wait3A_189] : memref<320000xi32, #tpu.memory_space<hbm>> -> memref<128xi32, #tpu.memory_space<hbm>>
        tpu.wait_dma2 semaphore(%arg21 : memref<!tpu.dma_semaphore, #tpu.memory_space<semaphore_mem>>) src(%dma_wait3A_190 : memref<128xi32, #tpu.memory_space<hbm>>) dst(%arg19 : memref<128xi32, #tpu.memory_space<vmem>>)
        %dma_wait3A_191 = arith.constant 0 : i32
        %dma_wait3A_192 = arith.constant 0 : i32
        %dma_wait3A_193 = tpu.memref_slice %arg9[%dma_wait3A_191, %dma_wait3A_192] : memref<80000x128xf32, #tpu.memory_space<hbm>> -> memref<128x128xf32, #tpu.memory_space<hbm>>
        %dma_wait3A_194 = arith.constant 0 : i32
        %dma_wait3A_195 = arith.constant 0 : i32
        %dma_wait3A_196 = tpu.memref_slice %arg9[%dma_wait3A_194, %dma_wait3A_195] : memref<80000x128xf32, #tpu.memory_space<hbm>> -> memref<128x128xf32, #tpu.memory_space<hbm>>
        tpu.wait_dma2 semaphore(%arg21 : memref<!tpu.dma_semaphore, #tpu.memory_space<semaphore_mem>>) src(%dma_wait3A_196 : memref<128x128xf32, #tpu.memory_space<hbm>>) dst(%arg20 : memref<128x128xf32, #tpu.memory_space<vmem>>)
        "tpu.region"() ({
          %run_scoped3A = tpu.sem_alloc : memref<!tpu.dma_semaphore, #tpu.memory_space<semaphore_mem>>
          %dma_start3A = arith.constant 0 : i32
          %dma_start3A_197 = arith.constant 0 : i32
          %dma_start3A_198 = tpu.memref_slice %arg22[%dma_start3A, %dma_start3A_197] : memref<10000x128xf32, #tpu.memory_space<vmem_shared>> -> memref<10000x128xf32, #tpu.memory_space<vmem_shared>>
          tpu.enqueue_indirect_dma source(%arg20 : memref<128x128xf32, #tpu.memory_space<vmem>>) target(%dma_start3A_198 : memref<10000x128xf32, #tpu.memory_space<vmem_shared>>) offsets(%arg19 : memref<128xi32, #tpu.memory_space<vmem>>) semaphore(%run_scoped3A : memref<!tpu.dma_semaphore, #tpu.memory_space<semaphore_mem>>) {add = true}
          %dma_wait3A_199 = arith.constant 0 : i32
          %dma_wait3A_200 = arith.constant 0 : i32
          %dma_wait3A_201 = tpu.memref_slice %arg22[%dma_wait3A_199, %dma_wait3A_200] : memref<10000x128xf32, #tpu.memory_space<vmem_shared>> -> memref<10000x128xf32, #tpu.memory_space<vmem_shared>>
          tpu.wait_indirect_dma semaphore(%run_scoped3A : memref<!tpu.dma_semaphore, #tpu.memory_space<semaphore_mem>>) src(%arg20 : memref<128x128xf32, #tpu.memory_space<vmem>>) dst(%dma_wait3A_201 : memref<10000x128xf32, #tpu.memory_space<vmem_shared>>)
          tpu.yield
        }) : () -> ()
      } else {
      }
    }
    %scan3A_137 = arith.constant 10 : i32
    %barrier3A_138 = arith.constant 0 : index
    tpu.barrier barrier_id(%barrier3A_138)
    "tpu.region"() ({
      %run_scoped3A = tpu.sem_alloc : memref<!tpu.dma_semaphore, #tpu.memory_space<semaphore_mem>>
      %dma_start3A = arith.constant 0 : i32
      %dma_start3A_145 = arith.constant 0 : i32
      %dma_start3A_146 = tpu.memref_slice %arg15[%arg0, %dma_start3A, %dma_start3A_145] : memref<2x10000x128xf32, #tpu.memory_space<hbm>> -> memref<1x10000x128xf32, #tpu.memory_space<hbm>>
      %dma_start3A_147 = tpu.memref_squeeze %dma_start3A_146 : memref<1x10000x128xf32, #tpu.memory_space<hbm>> -> memref<10000x128xf32, #tpu.memory_space<hbm>>
      %dma_start3A_148 = arith.constant 0 : i32
      %dma_start3A_149 = tpu.memref_slice %dma_start3A_147[%mul3A_2, %dma_start3A_148] : memref<10000x128xf32, #tpu.memory_space<hbm>> -> memref<624x128xf32, #tpu.memory_space<hbm>>
      %dma_start3A_150 = arith.constant 0 : i32
      %dma_start3A_151 = tpu.memref_slice %arg22[%mul3A_2, %dma_start3A_150] : memref<10000x128xf32, #tpu.memory_space<vmem_shared>> -> memref<624x128xf32, #tpu.memory_space<vmem_shared>>
      tpu.enqueue_dma source(%dma_start3A_151 : memref<624x128xf32, #tpu.memory_space<vmem_shared>>) target(%dma_start3A_149 : memref<624x128xf32, #tpu.memory_space<hbm>>) target_semaphore(%run_scoped3A : memref<!tpu.dma_semaphore, #tpu.memory_space<semaphore_mem>>)
      %dma_wait3A = arith.constant 0 : i32
      %dma_wait3A_152 = arith.constant 0 : i32
      %dma_wait3A_153 = tpu.memref_slice %arg15[%arg0, %dma_wait3A, %dma_wait3A_152] : memref<2x10000x128xf32, #tpu.memory_space<hbm>> -> memref<1x10000x128xf32, #tpu.memory_space<hbm>>
      %dma_wait3A_154 = tpu.memref_squeeze %dma_wait3A_153 : memref<1x10000x128xf32, #tpu.memory_space<hbm>> -> memref<10000x128xf32, #tpu.memory_space<hbm>>
      %dma_wait3A_155 = arith.constant 0 : i32
      %dma_wait3A_156 = tpu.memref_slice %dma_wait3A_154[%mul3A_2, %dma_wait3A_155] : memref<10000x128xf32, #tpu.memory_space<hbm>> -> memref<624x128xf32, #tpu.memory_space<hbm>>
      %dma_wait3A_157 = arith.constant 0 : i32
      %dma_wait3A_158 = tpu.memref_slice %arg22[%mul3A_2, %dma_wait3A_157] : memref<10000x128xf32, #tpu.memory_space<vmem_shared>> -> memref<624x128xf32, #tpu.memory_space<vmem_shared>>
      tpu.wait_dma2 semaphore(%run_scoped3A : memref<!tpu.dma_semaphore, #tpu.memory_space<semaphore_mem>>) src(%dma_wait3A_158 : memref<624x128xf32, #tpu.memory_space<vmem_shared>>) dst(%dma_wait3A_156 : memref<624x128xf32, #tpu.memory_space<hbm>>)
      tpu.yield
    }) : () -> ()
    %eq3A_139 = arith.constant 15 : i32
    %eq3A_140 = arith.cmpi eq, %arg1, %eq3A_139 : i32
    %convert_element_type3A_141 = arith.extui %eq3A_140 : i1 to i32
    %cond3A_142 = arith.constant 0 : i32
    %cond3A_143 = arith.cmpi ne, %convert_element_type3A_141, %cond3A_142 : i32
    scf.if %cond3A_143 {
      "tpu.region"() ({
        %run_scoped3A = tpu.sem_alloc : memref<!tpu.dma_semaphore, #tpu.memory_space<semaphore_mem>>
        %dma_start3A = arith.constant 0 : i32
        %dma_start3A_145 = arith.constant 0 : i32
        %dma_start3A_146 = tpu.memref_slice %arg15[%arg0, %dma_start3A, %dma_start3A_145] : memref<2x10000x128xf32, #tpu.memory_space<hbm>> -> memref<1x10000x128xf32, #tpu.memory_space<hbm>>
        %dma_start3A_147 = tpu.memref_squeeze %dma_start3A_146 : memref<1x10000x128xf32, #tpu.memory_space<hbm>> -> memref<10000x128xf32, #tpu.memory_space<hbm>>
        %dma_start3A_148 = arith.constant 9984 : i32
        %dma_start3A_149 = arith.constant 0 : i32
        %dma_start3A_150 = tpu.memref_slice %dma_start3A_147[%dma_start3A_148, %dma_start3A_149] : memref<10000x128xf32, #tpu.memory_space<hbm>> -> memref<16x128xf32, #tpu.memory_space<hbm>>
        %dma_start3A_151 = arith.constant 9984 : i32
        %dma_start3A_152 = arith.constant 0 : i32
        %dma_start3A_153 = tpu.memref_slice %arg22[%dma_start3A_151, %dma_start3A_152] : memref<10000x128xf32, #tpu.memory_space<vmem_shared>> -> memref<16x128xf32, #tpu.memory_space<vmem_shared>>
        tpu.enqueue_dma source(%dma_start3A_153 : memref<16x128xf32, #tpu.memory_space<vmem_shared>>) target(%dma_start3A_150 : memref<16x128xf32, #tpu.memory_space<hbm>>) target_semaphore(%run_scoped3A : memref<!tpu.dma_semaphore, #tpu.memory_space<semaphore_mem>>)
        %dma_wait3A = arith.constant 0 : i32
        %dma_wait3A_154 = arith.constant 0 : i32
        %dma_wait3A_155 = tpu.memref_slice %arg15[%arg0, %dma_wait3A, %dma_wait3A_154] : memref<2x10000x128xf32, #tpu.memory_space<hbm>> -> memref<1x10000x128xf32, #tpu.memory_space<hbm>>
        %dma_wait3A_156 = tpu.memref_squeeze %dma_wait3A_155 : memref<1x10000x128xf32, #tpu.memory_space<hbm>> -> memref<10000x128xf32, #tpu.memory_space<hbm>>
        %dma_wait3A_157 = arith.constant 9984 : i32
        %dma_wait3A_158 = arith.constant 0 : i32
        %dma_wait3A_159 = tpu.memref_slice %dma_wait3A_156[%dma_wait3A_157, %dma_wait3A_158] : memref<10000x128xf32, #tpu.memory_space<hbm>> -> memref<16x128xf32, #tpu.memory_space<hbm>>
        %dma_wait3A_160 = arith.constant 9984 : i32
        %dma_wait3A_161 = arith.constant 0 : i32
        %dma_wait3A_162 = tpu.memref_slice %arg22[%dma_wait3A_160, %dma_wait3A_161] : memref<10000x128xf32, #tpu.memory_space<vmem_shared>> -> memref<16x128xf32, #tpu.memory_space<vmem_shared>>
        tpu.wait_dma2 semaphore(%run_scoped3A : memref<!tpu.dma_semaphore, #tpu.memory_space<semaphore_mem>>) src(%dma_wait3A_162 : memref<16x128xf32, #tpu.memory_space<vmem_shared>>) dst(%dma_wait3A_159 : memref<16x128xf32, #tpu.memory_space<hbm>>)
        tpu.yield
      }) : () -> ()
    } else {
    }
    %barrier3A_144 = arith.constant 0 : index
    tpu.barrier barrier_id(%barrier3A_144)
    return
  }
}

#map = affine_map<(d0, d1) -> (0, 0)>
#map1 = affine_map<(d0, d1) -> (0)>
module attributes {stable_mosaic.version = 14 : i64} {
  func.func @gather_kernel(%arg0: i32, %arg1: i32, %arg2: memref<10000x256xi32, #tpu.memory_space<hbm>>, %arg3: memref<320000xi32, #tpu.memory_space<hbm>>, %arg4: memref<80000x256xi32, #tpu.memory_space<hbm>>, %arg5: memref<80000x256xi32, #tpu.memory_space<hbm>>, %arg6: memref<80xi32, #tpu.memory_space<vmem>>, %arg7: memref<80xi32, #tpu.memory_space<vmem>>, %arg8: memref<80x256xi32, #tpu.memory_space<vmem>>, %arg9: memref<80x256xi32, #tpu.memory_space<vmem>>, %arg10: memref<!tpu.dma_semaphore, #tpu.memory_space<semaphore_mem>>, %arg11: memref<!tpu.dma_semaphore, #tpu.memory_space<semaphore_mem>>, %arg12: memref<!tpu.dma_semaphore, #tpu.memory_space<semaphore_mem>>, %arg13: memref<80xi32, #tpu.memory_space<vmem>>, %arg14: memref<80xi32, #tpu.memory_space<vmem>>, %arg15: memref<80x256xi32, #tpu.memory_space<vmem>>, %arg16: memref<80x256xi32, #tpu.memory_space<vmem>>, %arg17: memref<!tpu.dma_semaphore, #tpu.memory_space<semaphore_mem>>, %arg18: memref<!tpu.dma_semaphore, #tpu.memory_space<semaphore_mem>>, %arg19: memref<!tpu.dma_semaphore, #tpu.memory_space<semaphore_mem>>) attributes {dimension_semantics = [#tpu.dimension_semantics<core_parallel>, #tpu.dimension_semantics<subcore_parallel>], iteration_bounds = array<i64: 2, 16>, scalar_prefetch = 0 : i64, scratch_operands = 14 : i64, tpu.core_type = #tpu.core_type<sc_vector_subcore>, window_params = [{transform_indices = #map}, {transform_indices = #map1}, {transform_indices = #map}, {transform_indices = #map}]} {
    %mul3A = arith.constant 2 : i32
    %mul3A_0 = arith.muli %arg1, %mul3A : i32
    %add3A = arith.addi %mul3A_0, %arg0 : i32
    %add3A_1 = arith.constant 0 : i32
    %add3A_2 = arith.addi %add3A, %add3A_1 : i32
    %lt3A = arith.constant 1000 : i32
    %lt3A_3 = arith.cmpi slt, %add3A_2, %lt3A : i32
    %convert_element_type3A = arith.extui %lt3A_3 : i1 to i32
    %cond3A = arith.constant 0 : i32
    %cond3A_4 = arith.cmpi ne, %convert_element_type3A, %cond3A : i32
    scf.if %cond3A_4 {
      %mul3A_48 = arith.constant 80 : i32
      %mul3A_49 = arith.muli %add3A_2, %mul3A_48 : i32
      %add3A_50 = arith.constant 80000 : i32
      %add3A_51 = arith.addi %add3A_50, %mul3A_49 : i32
      %dma_start3A = tpu.memref_slice %arg3[%add3A_51] : memref<320000xi32, #tpu.memory_space<hbm>> -> memref<80xi32, #tpu.memory_space<hbm>>
      %dma_start3A_52 = tpu.memref_slice %arg3[%add3A_51] : memref<320000xi32, #tpu.memory_space<hbm>> -> memref<80xi32, #tpu.memory_space<hbm>>
      tpu.enqueue_dma source(%dma_start3A_52 : memref<80xi32, #tpu.memory_space<hbm>>) target(%arg6 : memref<80xi32, #tpu.memory_space<vmem>>) target_semaphore(%arg10 : memref<!tpu.dma_semaphore, #tpu.memory_space<semaphore_mem>>)
      %add3A_53 = arith.constant 240000 : i32
      %add3A_54 = arith.addi %add3A_53, %mul3A_49 : i32
      %dma_start3A_55 = tpu.memref_slice %arg3[%add3A_54] : memref<320000xi32, #tpu.memory_space<hbm>> -> memref<80xi32, #tpu.memory_space<hbm>>
      %dma_start3A_56 = tpu.memref_slice %arg3[%add3A_54] : memref<320000xi32, #tpu.memory_space<hbm>> -> memref<80xi32, #tpu.memory_space<hbm>>
      tpu.enqueue_dma source(%dma_start3A_56 : memref<80xi32, #tpu.memory_space<hbm>>) target(%arg7 : memref<80xi32, #tpu.memory_space<vmem>>) target_semaphore(%arg10 : memref<!tpu.dma_semaphore, #tpu.memory_space<semaphore_mem>>)
    } else {
    }
    %add3A_5 = arith.constant 32 : i32
    %add3A_6 = arith.addi %add3A, %add3A_5 : i32
    %lt3A_7 = arith.constant 1000 : i32
    %lt3A_8 = arith.cmpi slt, %add3A_6, %lt3A_7 : i32
    %convert_element_type3A_9 = arith.extui %lt3A_8 : i1 to i32
    %cond3A_10 = arith.constant 0 : i32
    %cond3A_11 = arith.cmpi ne, %convert_element_type3A_9, %cond3A_10 : i32
    scf.if %cond3A_11 {
      %mul3A_48 = arith.constant 80 : i32
      %mul3A_49 = arith.muli %add3A_6, %mul3A_48 : i32
      %add3A_50 = arith.constant 80000 : i32
      %add3A_51 = arith.addi %add3A_50, %mul3A_49 : i32
      %dma_start3A = tpu.memref_slice %arg3[%add3A_51] : memref<320000xi32, #tpu.memory_space<hbm>> -> memref<80xi32, #tpu.memory_space<hbm>>
      %dma_start3A_52 = tpu.memref_slice %arg3[%add3A_51] : memref<320000xi32, #tpu.memory_space<hbm>> -> memref<80xi32, #tpu.memory_space<hbm>>
      tpu.enqueue_dma source(%dma_start3A_52 : memref<80xi32, #tpu.memory_space<hbm>>) target(%arg13 : memref<80xi32, #tpu.memory_space<vmem>>) target_semaphore(%arg17 : memref<!tpu.dma_semaphore, #tpu.memory_space<semaphore_mem>>)
      %add3A_53 = arith.constant 240000 : i32
      %add3A_54 = arith.addi %add3A_53, %mul3A_49 : i32
      %dma_start3A_55 = tpu.memref_slice %arg3[%add3A_54] : memref<320000xi32, #tpu.memory_space<hbm>> -> memref<80xi32, #tpu.memory_space<hbm>>
      %dma_start3A_56 = tpu.memref_slice %arg3[%add3A_54] : memref<320000xi32, #tpu.memory_space<hbm>> -> memref<80xi32, #tpu.memory_space<hbm>>
      tpu.enqueue_dma source(%dma_start3A_56 : memref<80xi32, #tpu.memory_space<hbm>>) target(%arg14 : memref<80xi32, #tpu.memory_space<vmem>>) target_semaphore(%arg17 : memref<!tpu.dma_semaphore, #tpu.memory_space<semaphore_mem>>)
    } else {
    }
    %add3A_12 = arith.constant -64 : i32
    %add3A_13 = arith.addi %add3A, %add3A_12 : i32
    %ge3A = arith.constant 0 : i32
    %ge3A_14 = arith.cmpi sge, %add3A_13, %ge3A : i32
    %lt3A_15 = arith.constant 1000 : i32
    %lt3A_16 = arith.cmpi slt, %add3A_13, %lt3A_15 : i32
    %and3A = arith.andi %ge3A_14, %lt3A_16 : i1
    %convert_element_type3A_17 = arith.extui %and3A : i1 to i32
    %cond3A_18 = arith.constant 0 : i32
    %cond3A_19 = arith.cmpi ne, %convert_element_type3A_17, %cond3A_18 : i32
    scf.if %cond3A_19 {
      %mul3A_48 = arith.constant 80 : i32
      %mul3A_49 = arith.muli %add3A_13, %mul3A_48 : i32
      %dma_wait3A = arith.constant 0 : i32
      %dma_wait3A_50 = tpu.memref_slice %arg4[%mul3A_49, %dma_wait3A] : memref<80000x256xi32, #tpu.memory_space<hbm>> -> memref<80x256xi32, #tpu.memory_space<hbm>>
      %dma_wait3A_51 = arith.constant 0 : i32
      %dma_wait3A_52 = tpu.memref_slice %arg4[%mul3A_49, %dma_wait3A_51] : memref<80000x256xi32, #tpu.memory_space<hbm>> -> memref<80x256xi32, #tpu.memory_space<hbm>>
      tpu.wait_dma2 semaphore(%arg12 : memref<!tpu.dma_semaphore, #tpu.memory_space<semaphore_mem>>) src(%arg8 : memref<80x256xi32, #tpu.memory_space<vmem>>) dst(%dma_wait3A_52 : memref<80x256xi32, #tpu.memory_space<hbm>>)
      %dma_wait3A_53 = arith.constant 0 : i32
      %dma_wait3A_54 = tpu.memref_slice %arg5[%mul3A_49, %dma_wait3A_53] : memref<80000x256xi32, #tpu.memory_space<hbm>> -> memref<80x256xi32, #tpu.memory_space<hbm>>
      %dma_wait3A_55 = arith.constant 0 : i32
      %dma_wait3A_56 = tpu.memref_slice %arg5[%mul3A_49, %dma_wait3A_55] : memref<80000x256xi32, #tpu.memory_space<hbm>> -> memref<80x256xi32, #tpu.memory_space<hbm>>
      tpu.wait_dma2 semaphore(%arg12 : memref<!tpu.dma_semaphore, #tpu.memory_space<semaphore_mem>>) src(%arg9 : memref<80x256xi32, #tpu.memory_space<vmem>>) dst(%dma_wait3A_56 : memref<80x256xi32, #tpu.memory_space<hbm>>)
    } else {
    }
    %add3A_20 = arith.constant 0 : i32
    %add3A_21 = arith.addi %add3A, %add3A_20 : i32
    %lt3A_22 = arith.constant 1000 : i32
    %lt3A_23 = arith.cmpi slt, %add3A_21, %lt3A_22 : i32
    %convert_element_type3A_24 = arith.extui %lt3A_23 : i1 to i32
    %cond3A_25 = arith.constant 0 : i32
    %cond3A_26 = arith.cmpi ne, %convert_element_type3A_24, %cond3A_25 : i32
    scf.if %cond3A_26 {
      %mul3A_48 = arith.constant 80 : i32
      %mul3A_49 = arith.muli %add3A_21, %mul3A_48 : i32
      %add3A_50 = arith.constant 80000 : i32
      %add3A_51 = arith.addi %add3A_50, %mul3A_49 : i32
      %dma_wait3A = tpu.memref_slice %arg3[%add3A_51] : memref<320000xi32, #tpu.memory_space<hbm>> -> memref<80xi32, #tpu.memory_space<hbm>>
      %dma_wait3A_52 = tpu.memref_slice %arg3[%add3A_51] : memref<320000xi32, #tpu.memory_space<hbm>> -> memref<80xi32, #tpu.memory_space<hbm>>
      tpu.wait_dma2 semaphore(%arg10 : memref<!tpu.dma_semaphore, #tpu.memory_space<semaphore_mem>>) src(%dma_wait3A_52 : memref<80xi32, #tpu.memory_space<hbm>>) dst(%arg6 : memref<80xi32, #tpu.memory_space<vmem>>)
      %add3A_53 = arith.constant 80000 : i32
      %add3A_54 = arith.addi %add3A_53, %mul3A_49 : i32
      %dma_wait3A_55 = tpu.memref_slice %arg3[%add3A_54] : memref<320000xi32, #tpu.memory_space<hbm>> -> memref<80xi32, #tpu.memory_space<hbm>>
      %dma_wait3A_56 = tpu.memref_slice %arg3[%add3A_54] : memref<320000xi32, #tpu.memory_space<hbm>> -> memref<80xi32, #tpu.memory_space<hbm>>
      tpu.wait_dma2 semaphore(%arg10 : memref<!tpu.dma_semaphore, #tpu.memory_space<semaphore_mem>>) src(%dma_wait3A_56 : memref<80xi32, #tpu.memory_space<hbm>>) dst(%arg7 : memref<80xi32, #tpu.memory_space<vmem>>)
      %dma_start3A = arith.constant 0 : i32
      %dma_start3A_57 = arith.constant 0 : i32
      %dma_start3A_58 = tpu.memref_slice %arg2[%dma_start3A, %dma_start3A_57] : memref<10000x256xi32, #tpu.memory_space<hbm>> -> memref<10000x256xi32, #tpu.memory_space<hbm>>
      tpu.enqueue_indirect_dma source(%dma_start3A_58 : memref<10000x256xi32, #tpu.memory_space<hbm>>) target(%arg8 : memref<80x256xi32, #tpu.memory_space<vmem>>) offsets(%arg6 : memref<80xi32, #tpu.memory_space<vmem>>) semaphore(%arg11 : memref<!tpu.dma_semaphore, #tpu.memory_space<semaphore_mem>>)
      %dma_start3A_59 = arith.constant 0 : i32
      %dma_start3A_60 = arith.constant 0 : i32
      %dma_start3A_61 = tpu.memref_slice %arg2[%dma_start3A_59, %dma_start3A_60] : memref<10000x256xi32, #tpu.memory_space<hbm>> -> memref<10000x256xi32, #tpu.memory_space<hbm>>
      tpu.enqueue_indirect_dma source(%dma_start3A_61 : memref<10000x256xi32, #tpu.memory_space<hbm>>) target(%arg9 : memref<80x256xi32, #tpu.memory_space<vmem>>) offsets(%arg7 : memref<80xi32, #tpu.memory_space<vmem>>) semaphore(%arg11 : memref<!tpu.dma_semaphore, #tpu.memory_space<semaphore_mem>>)
    } else {
    }
    %add3A_27 = arith.constant -32 : i32
    %add3A_28 = arith.addi %add3A, %add3A_27 : i32
    %ge3A_29 = arith.constant 0 : i32
    %ge3A_30 = arith.cmpi sge, %add3A_28, %ge3A_29 : i32
    %lt3A_31 = arith.constant 1000 : i32
    %lt3A_32 = arith.cmpi slt, %add3A_28, %lt3A_31 : i32
    %and3A_33 = arith.andi %ge3A_30, %lt3A_32 : i1
    %convert_element_type3A_34 = arith.extui %and3A_33 : i1 to i32
    %cond3A_35 = arith.constant 0 : i32
    %cond3A_36 = arith.cmpi ne, %convert_element_type3A_34, %cond3A_35 : i32
    scf.if %cond3A_36 {
      %mul3A_48 = arith.constant 80 : i32
      %mul3A_49 = arith.muli %add3A_28, %mul3A_48 : i32
      %dma_wait3A = arith.constant 0 : i32
      %dma_wait3A_50 = tpu.memref_slice %arg4[%mul3A_49, %dma_wait3A] : memref<80000x256xi32, #tpu.memory_space<hbm>> -> memref<80x256xi32, #tpu.memory_space<hbm>>
      %dma_wait3A_51 = arith.constant 0 : i32
      %dma_wait3A_52 = tpu.memref_slice %arg4[%mul3A_49, %dma_wait3A_51] : memref<80000x256xi32, #tpu.memory_space<hbm>> -> memref<80x256xi32, #tpu.memory_space<hbm>>
      tpu.wait_dma2 semaphore(%arg19 : memref<!tpu.dma_semaphore, #tpu.memory_space<semaphore_mem>>) src(%arg15 : memref<80x256xi32, #tpu.memory_space<vmem>>) dst(%dma_wait3A_52 : memref<80x256xi32, #tpu.memory_space<hbm>>)
      %dma_wait3A_53 = arith.constant 0 : i32
      %dma_wait3A_54 = tpu.memref_slice %arg5[%mul3A_49, %dma_wait3A_53] : memref<80000x256xi32, #tpu.memory_space<hbm>> -> memref<80x256xi32, #tpu.memory_space<hbm>>
      %dma_wait3A_55 = arith.constant 0 : i32
      %dma_wait3A_56 = tpu.memref_slice %arg5[%mul3A_49, %dma_wait3A_55] : memref<80000x256xi32, #tpu.memory_space<hbm>> -> memref<80x256xi32, #tpu.memory_space<hbm>>
      tpu.wait_dma2 semaphore(%arg19 : memref<!tpu.dma_semaphore, #tpu.memory_space<semaphore_mem>>) src(%arg16 : memref<80x256xi32, #tpu.memory_space<vmem>>) dst(%dma_wait3A_56 : memref<80x256xi32, #tpu.memory_space<hbm>>)
    } else {
    }
    %add3A_37 = arith.constant 32 : i32
    %add3A_38 = arith.addi %add3A, %add3A_37 : i32
    %lt3A_39 = arith.constant 1000 : i32
    %lt3A_40 = arith.cmpi slt, %add3A_38, %lt3A_39 : i32
    %convert_element_type3A_41 = arith.extui %lt3A_40 : i1 to i32
    %cond3A_42 = arith.constant 0 : i32
    %cond3A_43 = arith.cmpi ne, %convert_element_type3A_41, %cond3A_42 : i32
    scf.if %cond3A_43 {
      %mul3A_48 = arith.constant 80 : i32
      %mul3A_49 = arith.muli %add3A_38, %mul3A_48 : i32
      %add3A_50 = arith.constant 80000 : i32
      %add3A_51 = arith.addi %add3A_50, %mul3A_49 : i32
      %dma_wait3A = tpu.memref_slice %arg3[%add3A_51] : memref<320000xi32, #tpu.memory_space<hbm>> -> memref<80xi32, #tpu.memory_space<hbm>>
      %dma_wait3A_52 = tpu.memref_slice %arg3[%add3A_51] : memref<320000xi32, #tpu.memory_space<hbm>> -> memref<80xi32, #tpu.memory_space<hbm>>
      tpu.wait_dma2 semaphore(%arg17 : memref<!tpu.dma_semaphore, #tpu.memory_space<semaphore_mem>>) src(%dma_wait3A_52 : memref<80xi32, #tpu.memory_space<hbm>>) dst(%arg13 : memref<80xi32, #tpu.memory_space<vmem>>)
      %add3A_53 = arith.constant 80000 : i32
      %add3A_54 = arith.addi %add3A_53, %mul3A_49 : i32
      %dma_wait3A_55 = tpu.memref_slice %arg3[%add3A_54] : memref<320000xi32, #tpu.memory_space<hbm>> -> memref<80xi32, #tpu.memory_space<hbm>>
      %dma_wait3A_56 = tpu.memref_slice %arg3[%add3A_54] : memref<320000xi32, #tpu.memory_space<hbm>> -> memref<80xi32, #tpu.memory_space<hbm>>
      tpu.wait_dma2 semaphore(%arg17 : memref<!tpu.dma_semaphore, #tpu.memory_space<semaphore_mem>>) src(%dma_wait3A_56 : memref<80xi32, #tpu.memory_space<hbm>>) dst(%arg14 : memref<80xi32, #tpu.memory_space<vmem>>)
      %dma_start3A = arith.constant 0 : i32
      %dma_start3A_57 = arith.constant 0 : i32
      %dma_start3A_58 = tpu.memref_slice %arg2[%dma_start3A, %dma_start3A_57] : memref<10000x256xi32, #tpu.memory_space<hbm>> -> memref<10000x256xi32, #tpu.memory_space<hbm>>
      tpu.enqueue_indirect_dma source(%dma_start3A_58 : memref<10000x256xi32, #tpu.memory_space<hbm>>) target(%arg15 : memref<80x256xi32, #tpu.memory_space<vmem>>) offsets(%arg13 : memref<80xi32, #tpu.memory_space<vmem>>) semaphore(%arg18 : memref<!tpu.dma_semaphore, #tpu.memory_space<semaphore_mem>>)
      %dma_start3A_59 = arith.constant 0 : i32
      %dma_start3A_60 = arith.constant 0 : i32
      %dma_start3A_61 = tpu.memref_slice %arg2[%dma_start3A_59, %dma_start3A_60] : memref<10000x256xi32, #tpu.memory_space<hbm>> -> memref<10000x256xi32, #tpu.memory_space<hbm>>
      tpu.enqueue_indirect_dma source(%dma_start3A_61 : memref<10000x256xi32, #tpu.memory_space<hbm>>) target(%arg16 : memref<80x256xi32, #tpu.memory_space<vmem>>) offsets(%arg14 : memref<80xi32, #tpu.memory_space<vmem>>) semaphore(%arg18 : memref<!tpu.dma_semaphore, #tpu.memory_space<semaphore_mem>>)
    } else {
    }
    %scan3A = arith.constant 0 : i32
    %scan3A_44 = arith.constant 16 : i32
    %scan3A_45 = arith.addi %scan3A, %scan3A_44 : i32
    %scan3A_46 = arith.constant 1 : i32
    scf.for %scan3A_48 = %scan3A to %scan3A_45 step %scan3A_46  : i32 {
      %mul3A_49 = arith.constant 2 : i32
      %mul3A_50 = arith.muli %scan3A_48, %mul3A_49 : i32
      %add3A_51 = arith.constant 0 : i32
      %add3A_52 = arith.addi %add3A_51, %mul3A_50 : i32
      %mul3A_53 = arith.constant 32 : i32
      %mul3A_54 = arith.muli %mul3A_53, %add3A_52 : i32
      %add3A_55 = arith.addi %add3A, %mul3A_54 : i32
      %lt3A_56 = arith.constant 1000 : i32
      %lt3A_57 = arith.cmpi slt, %add3A_55, %lt3A_56 : i32
      %convert_element_type3A_58 = arith.extui %lt3A_57 : i1 to i32
      %cond3A_59 = arith.constant 0 : i32
      %cond3A_60 = arith.cmpi ne, %convert_element_type3A_58, %cond3A_59 : i32
      scf.if %cond3A_60 {
        %mul3A_136 = arith.constant 80 : i32
        %mul3A_137 = arith.muli %add3A_55, %mul3A_136 : i32
        %dma_wait3A = arith.constant 0 : i32
        %dma_wait3A_138 = arith.constant 0 : i32
        %dma_wait3A_139 = tpu.memref_slice %arg2[%dma_wait3A, %dma_wait3A_138] : memref<10000x256xi32, #tpu.memory_space<hbm>> -> memref<10000x256xi32, #tpu.memory_space<hbm>>
        tpu.wait_indirect_dma semaphore(%arg11 : memref<!tpu.dma_semaphore, #tpu.memory_space<semaphore_mem>>) src(%dma_wait3A_139 : memref<10000x256xi32, #tpu.memory_space<hbm>>) dst(%arg8 : memref<80x256xi32, #tpu.memory_space<vmem>>)
        %dma_wait3A_140 = arith.constant 0 : i32
        %dma_wait3A_141 = arith.constant 0 : i32
        %dma_wait3A_142 = tpu.memref_slice %arg2[%dma_wait3A_140, %dma_wait3A_141] : memref<10000x256xi32, #tpu.memory_space<hbm>> -> memref<10000x256xi32, #tpu.memory_space<hbm>>
        tpu.wait_indirect_dma semaphore(%arg11 : memref<!tpu.dma_semaphore, #tpu.memory_space<semaphore_mem>>) src(%dma_wait3A_142 : memref<10000x256xi32, #tpu.memory_space<hbm>>) dst(%arg9 : memref<80x256xi32, #tpu.memory_space<vmem>>)
        %dma_start3A = arith.constant 0 : i32
        %dma_start3A_143 = tpu.memref_slice %arg4[%mul3A_137, %dma_start3A] : memref<80000x256xi32, #tpu.memory_space<hbm>> -> memref<80x256xi32, #tpu.memory_space<hbm>>
        %dma_start3A_144 = arith.constant 0 : i32
        %dma_start3A_145 = tpu.memref_slice %arg4[%mul3A_137, %dma_start3A_144] : memref<80000x256xi32, #tpu.memory_space<hbm>> -> memref<80x256xi32, #tpu.memory_space<hbm>>
        tpu.enqueue_dma source(%arg8 : memref<80x256xi32, #tpu.memory_space<vmem>>) target(%dma_start3A_145 : memref<80x256xi32, #tpu.memory_space<hbm>>) target_semaphore(%arg12 : memref<!tpu.dma_semaphore, #tpu.memory_space<semaphore_mem>>)
        %dma_start3A_146 = arith.constant 0 : i32
        %dma_start3A_147 = tpu.memref_slice %arg5[%mul3A_137, %dma_start3A_146] : memref<80000x256xi32, #tpu.memory_space<hbm>> -> memref<80x256xi32, #tpu.memory_space<hbm>>
        %dma_start3A_148 = arith.constant 0 : i32
        %dma_start3A_149 = tpu.memref_slice %arg5[%mul3A_137, %dma_start3A_148] : memref<80000x256xi32, #tpu.memory_space<hbm>> -> memref<80x256xi32, #tpu.memory_space<hbm>>
        tpu.enqueue_dma source(%arg9 : memref<80x256xi32, #tpu.memory_space<vmem>>) target(%dma_start3A_149 : memref<80x256xi32, #tpu.memory_space<hbm>>) target_semaphore(%arg12 : memref<!tpu.dma_semaphore, #tpu.memory_space<semaphore_mem>>)
      } else {
      }
      %add3A_61 = arith.constant 2 : i32
      %add3A_62 = arith.addi %add3A_52, %add3A_61 : i32
      %mul3A_63 = arith.constant 32 : i32
      %mul3A_64 = arith.muli %mul3A_63, %add3A_62 : i32
      %add3A_65 = arith.addi %add3A, %mul3A_64 : i32
      %lt3A_66 = arith.constant 1000 : i32
      %lt3A_67 = arith.cmpi slt, %add3A_65, %lt3A_66 : i32
      %convert_element_type3A_68 = arith.extui %lt3A_67 : i1 to i32
      %cond3A_69 = arith.constant 0 : i32
      %cond3A_70 = arith.cmpi ne, %convert_element_type3A_68, %cond3A_69 : i32
      scf.if %cond3A_70 {
        %mul3A_136 = arith.constant 80 : i32
        %mul3A_137 = arith.muli %add3A_65, %mul3A_136 : i32
        %add3A_138 = arith.constant 80000 : i32
        %add3A_139 = arith.addi %add3A_138, %mul3A_137 : i32
        %dma_start3A = tpu.memref_slice %arg3[%add3A_139] : memref<320000xi32, #tpu.memory_space<hbm>> -> memref<80xi32, #tpu.memory_space<hbm>>
        %dma_start3A_140 = tpu.memref_slice %arg3[%add3A_139] : memref<320000xi32, #tpu.memory_space<hbm>> -> memref<80xi32, #tpu.memory_space<hbm>>
        tpu.enqueue_dma source(%dma_start3A_140 : memref<80xi32, #tpu.memory_space<hbm>>) target(%arg6 : memref<80xi32, #tpu.memory_space<vmem>>) target_semaphore(%arg10 : memref<!tpu.dma_semaphore, #tpu.memory_space<semaphore_mem>>)
        %add3A_141 = arith.constant 240000 : i32
        %add3A_142 = arith.addi %add3A_141, %mul3A_137 : i32
        %dma_start3A_143 = tpu.memref_slice %arg3[%add3A_142] : memref<320000xi32, #tpu.memory_space<hbm>> -> memref<80xi32, #tpu.memory_space<hbm>>
        %dma_start3A_144 = tpu.memref_slice %arg3[%add3A_142] : memref<320000xi32, #tpu.memory_space<hbm>> -> memref<80xi32, #tpu.memory_space<hbm>>
        tpu.enqueue_dma source(%dma_start3A_144 : memref<80xi32, #tpu.memory_space<hbm>>) target(%arg7 : memref<80xi32, #tpu.memory_space<vmem>>) target_semaphore(%arg10 : memref<!tpu.dma_semaphore, #tpu.memory_space<semaphore_mem>>)
      } else {
      }
      %add3A_71 = arith.constant 1 : i32
      %add3A_72 = arith.addi %add3A_52, %add3A_71 : i32
      %mul3A_73 = arith.constant 32 : i32
      %mul3A_74 = arith.muli %mul3A_73, %add3A_72 : i32
      %add3A_75 = arith.addi %add3A, %mul3A_74 : i32
      %lt3A_76 = arith.constant 1000 : i32
      %lt3A_77 = arith.cmpi slt, %add3A_75, %lt3A_76 : i32
      %convert_element_type3A_78 = arith.extui %lt3A_77 : i1 to i32
      %cond3A_79 = arith.constant 0 : i32
      %cond3A_80 = arith.cmpi ne, %convert_element_type3A_78, %cond3A_79 : i32
      scf.if %cond3A_80 {
        %mul3A_136 = arith.constant 80 : i32
        %mul3A_137 = arith.muli %add3A_75, %mul3A_136 : i32
        %dma_wait3A = arith.constant 0 : i32
        %dma_wait3A_138 = arith.constant 0 : i32
        %dma_wait3A_139 = tpu.memref_slice %arg2[%dma_wait3A, %dma_wait3A_138] : memref<10000x256xi32, #tpu.memory_space<hbm>> -> memref<10000x256xi32, #tpu.memory_space<hbm>>
        tpu.wait_indirect_dma semaphore(%arg18 : memref<!tpu.dma_semaphore, #tpu.memory_space<semaphore_mem>>) src(%dma_wait3A_139 : memref<10000x256xi32, #tpu.memory_space<hbm>>) dst(%arg15 : memref<80x256xi32, #tpu.memory_space<vmem>>)
        %dma_wait3A_140 = arith.constant 0 : i32
        %dma_wait3A_141 = arith.constant 0 : i32
        %dma_wait3A_142 = tpu.memref_slice %arg2[%dma_wait3A_140, %dma_wait3A_141] : memref<10000x256xi32, #tpu.memory_space<hbm>> -> memref<10000x256xi32, #tpu.memory_space<hbm>>
        tpu.wait_indirect_dma semaphore(%arg18 : memref<!tpu.dma_semaphore, #tpu.memory_space<semaphore_mem>>) src(%dma_wait3A_142 : memref<10000x256xi32, #tpu.memory_space<hbm>>) dst(%arg16 : memref<80x256xi32, #tpu.memory_space<vmem>>)
        %dma_start3A = arith.constant 0 : i32
        %dma_start3A_143 = tpu.memref_slice %arg4[%mul3A_137, %dma_start3A] : memref<80000x256xi32, #tpu.memory_space<hbm>> -> memref<80x256xi32, #tpu.memory_space<hbm>>
        %dma_start3A_144 = arith.constant 0 : i32
        %dma_start3A_145 = tpu.memref_slice %arg4[%mul3A_137, %dma_start3A_144] : memref<80000x256xi32, #tpu.memory_space<hbm>> -> memref<80x256xi32, #tpu.memory_space<hbm>>
        tpu.enqueue_dma source(%arg15 : memref<80x256xi32, #tpu.memory_space<vmem>>) target(%dma_start3A_145 : memref<80x256xi32, #tpu.memory_space<hbm>>) target_semaphore(%arg19 : memref<!tpu.dma_semaphore, #tpu.memory_space<semaphore_mem>>)
        %dma_start3A_146 = arith.constant 0 : i32
        %dma_start3A_147 = tpu.memref_slice %arg5[%mul3A_137, %dma_start3A_146] : memref<80000x256xi32, #tpu.memory_space<hbm>> -> memref<80x256xi32, #tpu.memory_space<hbm>>
        %dma_start3A_148 = arith.constant 0 : i32
        %dma_start3A_149 = tpu.memref_slice %arg5[%mul3A_137, %dma_start3A_148] : memref<80000x256xi32, #tpu.memory_space<hbm>> -> memref<80x256xi32, #tpu.memory_space<hbm>>
        tpu.enqueue_dma source(%arg16 : memref<80x256xi32, #tpu.memory_space<vmem>>) target(%dma_start3A_149 : memref<80x256xi32, #tpu.memory_space<hbm>>) target_semaphore(%arg19 : memref<!tpu.dma_semaphore, #tpu.memory_space<semaphore_mem>>)
      } else {
      }
      %add3A_81 = arith.constant 3 : i32
      %add3A_82 = arith.addi %add3A_52, %add3A_81 : i32
      %mul3A_83 = arith.constant 32 : i32
      %mul3A_84 = arith.muli %mul3A_83, %add3A_82 : i32
      %add3A_85 = arith.addi %add3A, %mul3A_84 : i32
      %lt3A_86 = arith.constant 1000 : i32
      %lt3A_87 = arith.cmpi slt, %add3A_85, %lt3A_86 : i32
      %convert_element_type3A_88 = arith.extui %lt3A_87 : i1 to i32
      %cond3A_89 = arith.constant 0 : i32
      %cond3A_90 = arith.cmpi ne, %convert_element_type3A_88, %cond3A_89 : i32
      scf.if %cond3A_90 {
        %mul3A_136 = arith.constant 80 : i32
        %mul3A_137 = arith.muli %add3A_85, %mul3A_136 : i32
        %add3A_138 = arith.constant 80000 : i32
        %add3A_139 = arith.addi %add3A_138, %mul3A_137 : i32
        %dma_start3A = tpu.memref_slice %arg3[%add3A_139] : memref<320000xi32, #tpu.memory_space<hbm>> -> memref<80xi32, #tpu.memory_space<hbm>>
        %dma_start3A_140 = tpu.memref_slice %arg3[%add3A_139] : memref<320000xi32, #tpu.memory_space<hbm>> -> memref<80xi32, #tpu.memory_space<hbm>>
        tpu.enqueue_dma source(%dma_start3A_140 : memref<80xi32, #tpu.memory_space<hbm>>) target(%arg13 : memref<80xi32, #tpu.memory_space<vmem>>) target_semaphore(%arg17 : memref<!tpu.dma_semaphore, #tpu.memory_space<semaphore_mem>>)
        %add3A_141 = arith.constant 240000 : i32
        %add3A_142 = arith.addi %add3A_141, %mul3A_137 : i32
        %dma_start3A_143 = tpu.memref_slice %arg3[%add3A_142] : memref<320000xi32, #tpu.memory_space<hbm>> -> memref<80xi32, #tpu.memory_space<hbm>>
        %dma_start3A_144 = tpu.memref_slice %arg3[%add3A_142] : memref<320000xi32, #tpu.memory_space<hbm>> -> memref<80xi32, #tpu.memory_space<hbm>>
        tpu.enqueue_dma source(%dma_start3A_144 : memref<80xi32, #tpu.memory_space<hbm>>) target(%arg14 : memref<80xi32, #tpu.memory_space<vmem>>) target_semaphore(%arg17 : memref<!tpu.dma_semaphore, #tpu.memory_space<semaphore_mem>>)
      } else {
      }
      %add3A_91 = arith.constant 2 : i32
      %add3A_92 = arith.addi %add3A_52, %add3A_91 : i32
      %sub3A = arith.constant 2 : i32
      %sub3A_93 = arith.subi %add3A_92, %sub3A : i32
      %mul3A_94 = arith.constant 32 : i32
      %mul3A_95 = arith.muli %mul3A_94, %sub3A_93 : i32
      %add3A_96 = arith.addi %add3A, %mul3A_95 : i32
      %ge3A_97 = arith.constant 0 : i32
      %ge3A_98 = arith.cmpi sge, %add3A_96, %ge3A_97 : i32
      %lt3A_99 = arith.constant 1000 : i32
      %lt3A_100 = arith.cmpi slt, %add3A_96, %lt3A_99 : i32
      %and3A_101 = arith.andi %ge3A_98, %lt3A_100 : i1
      %convert_element_type3A_102 = arith.extui %and3A_101 : i1 to i32
      %cond3A_103 = arith.constant 0 : i32
      %cond3A_104 = arith.cmpi ne, %convert_element_type3A_102, %cond3A_103 : i32
      scf.if %cond3A_104 {
        %mul3A_136 = arith.constant 80 : i32
        %mul3A_137 = arith.muli %add3A_96, %mul3A_136 : i32
        %dma_wait3A = arith.constant 0 : i32
        %dma_wait3A_138 = tpu.memref_slice %arg4[%mul3A_137, %dma_wait3A] : memref<80000x256xi32, #tpu.memory_space<hbm>> -> memref<80x256xi32, #tpu.memory_space<hbm>>
        %dma_wait3A_139 = arith.constant 0 : i32
        %dma_wait3A_140 = tpu.memref_slice %arg4[%mul3A_137, %dma_wait3A_139] : memref<80000x256xi32, #tpu.memory_space<hbm>> -> memref<80x256xi32, #tpu.memory_space<hbm>>
        tpu.wait_dma2 semaphore(%arg12 : memref<!tpu.dma_semaphore, #tpu.memory_space<semaphore_mem>>) src(%arg8 : memref<80x256xi32, #tpu.memory_space<vmem>>) dst(%dma_wait3A_140 : memref<80x256xi32, #tpu.memory_space<hbm>>)
        %dma_wait3A_141 = arith.constant 0 : i32
        %dma_wait3A_142 = tpu.memref_slice %arg5[%mul3A_137, %dma_wait3A_141] : memref<80000x256xi32, #tpu.memory_space<hbm>> -> memref<80x256xi32, #tpu.memory_space<hbm>>
        %dma_wait3A_143 = arith.constant 0 : i32
        %dma_wait3A_144 = tpu.memref_slice %arg5[%mul3A_137, %dma_wait3A_143] : memref<80000x256xi32, #tpu.memory_space<hbm>> -> memref<80x256xi32, #tpu.memory_space<hbm>>
        tpu.wait_dma2 semaphore(%arg12 : memref<!tpu.dma_semaphore, #tpu.memory_space<semaphore_mem>>) src(%arg9 : memref<80x256xi32, #tpu.memory_space<vmem>>) dst(%dma_wait3A_144 : memref<80x256xi32, #tpu.memory_space<hbm>>)
      } else {
      }
      %mul3A_105 = arith.constant 32 : i32
      %mul3A_106 = arith.muli %mul3A_105, %add3A_92 : i32
      %add3A_107 = arith.addi %add3A, %mul3A_106 : i32
      %lt3A_108 = arith.constant 1000 : i32
      %lt3A_109 = arith.cmpi slt, %add3A_107, %lt3A_108 : i32
      %convert_element_type3A_110 = arith.extui %lt3A_109 : i1 to i32
      %cond3A_111 = arith.constant 0 : i32
      %cond3A_112 = arith.cmpi ne, %convert_element_type3A_110, %cond3A_111 : i32
      scf.if %cond3A_112 {
        %mul3A_136 = arith.constant 80 : i32
        %mul3A_137 = arith.muli %add3A_107, %mul3A_136 : i32
        %add3A_138 = arith.constant 80000 : i32
        %add3A_139 = arith.addi %add3A_138, %mul3A_137 : i32
        %dma_wait3A = tpu.memref_slice %arg3[%add3A_139] : memref<320000xi32, #tpu.memory_space<hbm>> -> memref<80xi32, #tpu.memory_space<hbm>>
        %dma_wait3A_140 = tpu.memref_slice %arg3[%add3A_139] : memref<320000xi32, #tpu.memory_space<hbm>> -> memref<80xi32, #tpu.memory_space<hbm>>
        tpu.wait_dma2 semaphore(%arg10 : memref<!tpu.dma_semaphore, #tpu.memory_space<semaphore_mem>>) src(%dma_wait3A_140 : memref<80xi32, #tpu.memory_space<hbm>>) dst(%arg6 : memref<80xi32, #tpu.memory_space<vmem>>)
        %add3A_141 = arith.constant 80000 : i32
        %add3A_142 = arith.addi %add3A_141, %mul3A_137 : i32
        %dma_wait3A_143 = tpu.memref_slice %arg3[%add3A_142] : memref<320000xi32, #tpu.memory_space<hbm>> -> memref<80xi32, #tpu.memory_space<hbm>>
        %dma_wait3A_144 = tpu.memref_slice %arg3[%add3A_142] : memref<320000xi32, #tpu.memory_space<hbm>> -> memref<80xi32, #tpu.memory_space<hbm>>
        tpu.wait_dma2 semaphore(%arg10 : memref<!tpu.dma_semaphore, #tpu.memory_space<semaphore_mem>>) src(%dma_wait3A_144 : memref<80xi32, #tpu.memory_space<hbm>>) dst(%arg7 : memref<80xi32, #tpu.memory_space<vmem>>)
        %dma_start3A = arith.constant 0 : i32
        %dma_start3A_145 = arith.constant 0 : i32
        %dma_start3A_146 = tpu.memref_slice %arg2[%dma_start3A, %dma_start3A_145] : memref<10000x256xi32, #tpu.memory_space<hbm>> -> memref<10000x256xi32, #tpu.memory_space<hbm>>
        tpu.enqueue_indirect_dma source(%dma_start3A_146 : memref<10000x256xi32, #tpu.memory_space<hbm>>) target(%arg8 : memref<80x256xi32, #tpu.memory_space<vmem>>) offsets(%arg6 : memref<80xi32, #tpu.memory_space<vmem>>) semaphore(%arg11 : memref<!tpu.dma_semaphore, #tpu.memory_space<semaphore_mem>>)
        %dma_start3A_147 = arith.constant 0 : i32
        %dma_start3A_148 = arith.constant 0 : i32
        %dma_start3A_149 = tpu.memref_slice %arg2[%dma_start3A_147, %dma_start3A_148] : memref<10000x256xi32, #tpu.memory_space<hbm>> -> memref<10000x256xi32, #tpu.memory_space<hbm>>
        tpu.enqueue_indirect_dma source(%dma_start3A_149 : memref<10000x256xi32, #tpu.memory_space<hbm>>) target(%arg9 : memref<80x256xi32, #tpu.memory_space<vmem>>) offsets(%arg7 : memref<80xi32, #tpu.memory_space<vmem>>) semaphore(%arg11 : memref<!tpu.dma_semaphore, #tpu.memory_space<semaphore_mem>>)
      } else {
      }
      %add3A_113 = arith.constant 3 : i32
      %add3A_114 = arith.addi %add3A_52, %add3A_113 : i32
      %sub3A_115 = arith.constant 2 : i32
      %sub3A_116 = arith.subi %add3A_114, %sub3A_115 : i32
      %mul3A_117 = arith.constant 32 : i32
      %mul3A_118 = arith.muli %mul3A_117, %sub3A_116 : i32
      %add3A_119 = arith.addi %add3A, %mul3A_118 : i32
      %ge3A_120 = arith.constant 0 : i32
      %ge3A_121 = arith.cmpi sge, %add3A_119, %ge3A_120 : i32
      %lt3A_122 = arith.constant 1000 : i32
      %lt3A_123 = arith.cmpi slt, %add3A_119, %lt3A_122 : i32
      %and3A_124 = arith.andi %ge3A_121, %lt3A_123 : i1
      %convert_element_type3A_125 = arith.extui %and3A_124 : i1 to i32
      %cond3A_126 = arith.constant 0 : i32
      %cond3A_127 = arith.cmpi ne, %convert_element_type3A_125, %cond3A_126 : i32
      scf.if %cond3A_127 {
        %mul3A_136 = arith.constant 80 : i32
        %mul3A_137 = arith.muli %add3A_119, %mul3A_136 : i32
        %dma_wait3A = arith.constant 0 : i32
        %dma_wait3A_138 = tpu.memref_slice %arg4[%mul3A_137, %dma_wait3A] : memref<80000x256xi32, #tpu.memory_space<hbm>> -> memref<80x256xi32, #tpu.memory_space<hbm>>
        %dma_wait3A_139 = arith.constant 0 : i32
        %dma_wait3A_140 = tpu.memref_slice %arg4[%mul3A_137, %dma_wait3A_139] : memref<80000x256xi32, #tpu.memory_space<hbm>> -> memref<80x256xi32, #tpu.memory_space<hbm>>
        tpu.wait_dma2 semaphore(%arg19 : memref<!tpu.dma_semaphore, #tpu.memory_space<semaphore_mem>>) src(%arg15 : memref<80x256xi32, #tpu.memory_space<vmem>>) dst(%dma_wait3A_140 : memref<80x256xi32, #tpu.memory_space<hbm>>)
        %dma_wait3A_141 = arith.constant 0 : i32
        %dma_wait3A_142 = tpu.memref_slice %arg5[%mul3A_137, %dma_wait3A_141] : memref<80000x256xi32, #tpu.memory_space<hbm>> -> memref<80x256xi32, #tpu.memory_space<hbm>>
        %dma_wait3A_143 = arith.constant 0 : i32
        %dma_wait3A_144 = tpu.memref_slice %arg5[%mul3A_137, %dma_wait3A_143] : memref<80000x256xi32, #tpu.memory_space<hbm>> -> memref<80x256xi32, #tpu.memory_space<hbm>>
        tpu.wait_dma2 semaphore(%arg19 : memref<!tpu.dma_semaphore, #tpu.memory_space<semaphore_mem>>) src(%arg16 : memref<80x256xi32, #tpu.memory_space<vmem>>) dst(%dma_wait3A_144 : memref<80x256xi32, #tpu.memory_space<hbm>>)
      } else {
      }
      %mul3A_128 = arith.constant 32 : i32
      %mul3A_129 = arith.muli %mul3A_128, %add3A_114 : i32
      %add3A_130 = arith.addi %add3A, %mul3A_129 : i32
      %lt3A_131 = arith.constant 1000 : i32
      %lt3A_132 = arith.cmpi slt, %add3A_130, %lt3A_131 : i32
      %convert_element_type3A_133 = arith.extui %lt3A_132 : i1 to i32
      %cond3A_134 = arith.constant 0 : i32
      %cond3A_135 = arith.cmpi ne, %convert_element_type3A_133, %cond3A_134 : i32
      scf.if %cond3A_135 {
        %mul3A_136 = arith.constant 80 : i32
        %mul3A_137 = arith.muli %add3A_130, %mul3A_136 : i32
        %add3A_138 = arith.constant 80000 : i32
        %add3A_139 = arith.addi %add3A_138, %mul3A_137 : i32
        %dma_wait3A = tpu.memref_slice %arg3[%add3A_139] : memref<320000xi32, #tpu.memory_space<hbm>> -> memref<80xi32, #tpu.memory_space<hbm>>
        %dma_wait3A_140 = tpu.memref_slice %arg3[%add3A_139] : memref<320000xi32, #tpu.memory_space<hbm>> -> memref<80xi32, #tpu.memory_space<hbm>>
        tpu.wait_dma2 semaphore(%arg17 : memref<!tpu.dma_semaphore, #tpu.memory_space<semaphore_mem>>) src(%dma_wait3A_140 : memref<80xi32, #tpu.memory_space<hbm>>) dst(%arg13 : memref<80xi32, #tpu.memory_space<vmem>>)
        %add3A_141 = arith.constant 80000 : i32
        %add3A_142 = arith.addi %add3A_141, %mul3A_137 : i32
        %dma_wait3A_143 = tpu.memref_slice %arg3[%add3A_142] : memref<320000xi32, #tpu.memory_space<hbm>> -> memref<80xi32, #tpu.memory_space<hbm>>
        %dma_wait3A_144 = tpu.memref_slice %arg3[%add3A_142] : memref<320000xi32, #tpu.memory_space<hbm>> -> memref<80xi32, #tpu.memory_space<hbm>>
        tpu.wait_dma2 semaphore(%arg17 : memref<!tpu.dma_semaphore, #tpu.memory_space<semaphore_mem>>) src(%dma_wait3A_144 : memref<80xi32, #tpu.memory_space<hbm>>) dst(%arg14 : memref<80xi32, #tpu.memory_space<vmem>>)
        %dma_start3A = arith.constant 0 : i32
        %dma_start3A_145 = arith.constant 0 : i32
        %dma_start3A_146 = tpu.memref_slice %arg2[%dma_start3A, %dma_start3A_145] : memref<10000x256xi32, #tpu.memory_space<hbm>> -> memref<10000x256xi32, #tpu.memory_space<hbm>>
        tpu.enqueue_indirect_dma source(%dma_start3A_146 : memref<10000x256xi32, #tpu.memory_space<hbm>>) target(%arg15 : memref<80x256xi32, #tpu.memory_space<vmem>>) offsets(%arg13 : memref<80xi32, #tpu.memory_space<vmem>>) semaphore(%arg18 : memref<!tpu.dma_semaphore, #tpu.memory_space<semaphore_mem>>)
        %dma_start3A_147 = arith.constant 0 : i32
        %dma_start3A_148 = arith.constant 0 : i32
        %dma_start3A_149 = tpu.memref_slice %arg2[%dma_start3A_147, %dma_start3A_148] : memref<10000x256xi32, #tpu.memory_space<hbm>> -> memref<10000x256xi32, #tpu.memory_space<hbm>>
        tpu.enqueue_indirect_dma source(%dma_start3A_149 : memref<10000x256xi32, #tpu.memory_space<hbm>>) target(%arg16 : memref<80x256xi32, #tpu.memory_space<vmem>>) offsets(%arg14 : memref<80xi32, #tpu.memory_space<vmem>>) semaphore(%arg18 : memref<!tpu.dma_semaphore, #tpu.memory_space<semaphore_mem>>)
      } else {
      }
    }
    %scan3A_47 = arith.constant 16 : i32
    return
  }
}

#map = affine_map<(d0, d1) -> (0, 0)>
#map1 = affine_map<(d0, d1) -> (0)>
module attributes {stable_mosaic.version = 14 : i64} {
  func.func @gather_kernel(%arg0: i32, %arg1: i32, %arg2: memref<10000x256xi32, #tpu.memory_space<hbm>>, %arg3: memref<320000xi32, #tpu.memory_space<hbm>>, %arg4: memref<80000x256xi32, #tpu.memory_space<hbm>>, %arg5: memref<80000x256xi32, #tpu.memory_space<hbm>>, %arg6: memref<80xi32, #tpu.memory_space<vmem>>, %arg7: memref<80xi32, #tpu.memory_space<vmem>>, %arg8: memref<80x256xi32, #tpu.memory_space<vmem>>, %arg9: memref<80x256xi32, #tpu.memory_space<vmem>>, %arg10: memref<!tpu.dma_semaphore, #tpu.memory_space<semaphore_mem>>, %arg11: memref<!tpu.dma_semaphore, #tpu.memory_space<semaphore_mem>>, %arg12: memref<!tpu.dma_semaphore, #tpu.memory_space<semaphore_mem>>, %arg13: memref<80xi32, #tpu.memory_space<vmem>>, %arg14: memref<80xi32, #tpu.memory_space<vmem>>, %arg15: memref<80x256xi32, #tpu.memory_space<vmem>>, %arg16: memref<80x256xi32, #tpu.memory_space<vmem>>, %arg17: memref<!tpu.dma_semaphore, #tpu.memory_space<semaphore_mem>>, %arg18: memref<!tpu.dma_semaphore, #tpu.memory_space<semaphore_mem>>, %arg19: memref<!tpu.dma_semaphore, #tpu.memory_space<semaphore_mem>>) attributes {dimension_semantics = [#tpu.dimension_semantics<core_parallel>, #tpu.dimension_semantics<subcore_parallel>], iteration_bounds = array<i64: 2, 16>, scalar_prefetch = 0 : i64, scratch_operands = 14 : i64, tpu.core_type = #tpu.core_type<sc_vector_subcore>, window_params = [{transform_indices = #map}, {transform_indices = #map1}, {transform_indices = #map}, {transform_indices = #map}]} {
    %mul3A = arith.constant 2 : i32
    %mul3A_0 = arith.muli %arg1, %mul3A : i32
    %add3A = arith.addi %mul3A_0, %arg0 : i32
    %add3A_1 = arith.constant 0 : i32
    %add3A_2 = arith.addi %add3A, %add3A_1 : i32
    %lt3A = arith.constant 1000 : i32
    %lt3A_3 = arith.cmpi slt, %add3A_2, %lt3A : i32
    %convert_element_type3A = arith.extui %lt3A_3 : i1 to i32
    %cond3A = arith.constant 0 : i32
    %cond3A_4 = arith.cmpi ne, %convert_element_type3A, %cond3A : i32
    scf.if %cond3A_4 {
      %mul3A_48 = arith.constant 80 : i32
      %mul3A_49 = arith.muli %add3A_2, %mul3A_48 : i32
      %add3A_50 = arith.constant 0 : i32
      %add3A_51 = arith.addi %add3A_50, %mul3A_49 : i32
      %dma_start3A = tpu.memref_slice %arg3[%add3A_51] : memref<320000xi32, #tpu.memory_space<hbm>> -> memref<80xi32, #tpu.memory_space<hbm>>
      %dma_start3A_52 = tpu.memref_slice %arg3[%add3A_51] : memref<320000xi32, #tpu.memory_space<hbm>> -> memref<80xi32, #tpu.memory_space<hbm>>
      tpu.enqueue_dma source(%dma_start3A_52 : memref<80xi32, #tpu.memory_space<hbm>>) target(%arg6 : memref<80xi32, #tpu.memory_space<vmem>>) target_semaphore(%arg10 : memref<!tpu.dma_semaphore, #tpu.memory_space<semaphore_mem>>)
      %add3A_53 = arith.constant 160000 : i32
      %add3A_54 = arith.addi %add3A_53, %mul3A_49 : i32
      %dma_start3A_55 = tpu.memref_slice %arg3[%add3A_54] : memref<320000xi32, #tpu.memory_space<hbm>> -> memref<80xi32, #tpu.memory_space<hbm>>
      %dma_start3A_56 = tpu.memref_slice %arg3[%add3A_54] : memref<320000xi32, #tpu.memory_space<hbm>> -> memref<80xi32, #tpu.memory_space<hbm>>
      tpu.enqueue_dma source(%dma_start3A_56 : memref<80xi32, #tpu.memory_space<hbm>>) target(%arg7 : memref<80xi32, #tpu.memory_space<vmem>>) target_semaphore(%arg10 : memref<!tpu.dma_semaphore, #tpu.memory_space<semaphore_mem>>)
    } else {
    }
    %add3A_5 = arith.constant 32 : i32
    %add3A_6 = arith.addi %add3A, %add3A_5 : i32
    %lt3A_7 = arith.constant 1000 : i32
    %lt3A_8 = arith.cmpi slt, %add3A_6, %lt3A_7 : i32
    %convert_element_type3A_9 = arith.extui %lt3A_8 : i1 to i32
    %cond3A_10 = arith.constant 0 : i32
    %cond3A_11 = arith.cmpi ne, %convert_element_type3A_9, %cond3A_10 : i32
    scf.if %cond3A_11 {
      %mul3A_48 = arith.constant 80 : i32
      %mul3A_49 = arith.muli %add3A_6, %mul3A_48 : i32
      %add3A_50 = arith.constant 0 : i32
      %add3A_51 = arith.addi %add3A_50, %mul3A_49 : i32
      %dma_start3A = tpu.memref_slice %arg3[%add3A_51] : memref<320000xi32, #tpu.memory_space<hbm>> -> memref<80xi32, #tpu.memory_space<hbm>>
      %dma_start3A_52 = tpu.memref_slice %arg3[%add3A_51] : memref<320000xi32, #tpu.memory_space<hbm>> -> memref<80xi32, #tpu.memory_space<hbm>>
      tpu.enqueue_dma source(%dma_start3A_52 : memref<80xi32, #tpu.memory_space<hbm>>) target(%arg13 : memref<80xi32, #tpu.memory_space<vmem>>) target_semaphore(%arg17 : memref<!tpu.dma_semaphore, #tpu.memory_space<semaphore_mem>>)
      %add3A_53 = arith.constant 160000 : i32
      %add3A_54 = arith.addi %add3A_53, %mul3A_49 : i32
      %dma_start3A_55 = tpu.memref_slice %arg3[%add3A_54] : memref<320000xi32, #tpu.memory_space<hbm>> -> memref<80xi32, #tpu.memory_space<hbm>>
      %dma_start3A_56 = tpu.memref_slice %arg3[%add3A_54] : memref<320000xi32, #tpu.memory_space<hbm>> -> memref<80xi32, #tpu.memory_space<hbm>>
      tpu.enqueue_dma source(%dma_start3A_56 : memref<80xi32, #tpu.memory_space<hbm>>) target(%arg14 : memref<80xi32, #tpu.memory_space<vmem>>) target_semaphore(%arg17 : memref<!tpu.dma_semaphore, #tpu.memory_space<semaphore_mem>>)
    } else {
    }
    %add3A_12 = arith.constant -64 : i32
    %add3A_13 = arith.addi %add3A, %add3A_12 : i32
    %ge3A = arith.constant 0 : i32
    %ge3A_14 = arith.cmpi sge, %add3A_13, %ge3A : i32
    %lt3A_15 = arith.constant 1000 : i32
    %lt3A_16 = arith.cmpi slt, %add3A_13, %lt3A_15 : i32
    %and3A = arith.andi %ge3A_14, %lt3A_16 : i1
    %convert_element_type3A_17 = arith.extui %and3A : i1 to i32
    %cond3A_18 = arith.constant 0 : i32
    %cond3A_19 = arith.cmpi ne, %convert_element_type3A_17, %cond3A_18 : i32
    scf.if %cond3A_19 {
      %mul3A_48 = arith.constant 80 : i32
      %mul3A_49 = arith.muli %add3A_13, %mul3A_48 : i32
      %dma_wait3A = arith.constant 0 : i32
      %dma_wait3A_50 = tpu.memref_slice %arg4[%mul3A_49, %dma_wait3A] : memref<80000x256xi32, #tpu.memory_space<hbm>> -> memref<80x256xi32, #tpu.memory_space<hbm>>
      %dma_wait3A_51 = arith.constant 0 : i32
      %dma_wait3A_52 = tpu.memref_slice %arg4[%mul3A_49, %dma_wait3A_51] : memref<80000x256xi32, #tpu.memory_space<hbm>> -> memref<80x256xi32, #tpu.memory_space<hbm>>
      tpu.wait_dma2 semaphore(%arg12 : memref<!tpu.dma_semaphore, #tpu.memory_space<semaphore_mem>>) src(%arg8 : memref<80x256xi32, #tpu.memory_space<vmem>>) dst(%dma_wait3A_52 : memref<80x256xi32, #tpu.memory_space<hbm>>)
      %dma_wait3A_53 = arith.constant 0 : i32
      %dma_wait3A_54 = tpu.memref_slice %arg5[%mul3A_49, %dma_wait3A_53] : memref<80000x256xi32, #tpu.memory_space<hbm>> -> memref<80x256xi32, #tpu.memory_space<hbm>>
      %dma_wait3A_55 = arith.constant 0 : i32
      %dma_wait3A_56 = tpu.memref_slice %arg5[%mul3A_49, %dma_wait3A_55] : memref<80000x256xi32, #tpu.memory_space<hbm>> -> memref<80x256xi32, #tpu.memory_space<hbm>>
      tpu.wait_dma2 semaphore(%arg12 : memref<!tpu.dma_semaphore, #tpu.memory_space<semaphore_mem>>) src(%arg9 : memref<80x256xi32, #tpu.memory_space<vmem>>) dst(%dma_wait3A_56 : memref<80x256xi32, #tpu.memory_space<hbm>>)
    } else {
    }
    %add3A_20 = arith.constant 0 : i32
    %add3A_21 = arith.addi %add3A, %add3A_20 : i32
    %lt3A_22 = arith.constant 1000 : i32
    %lt3A_23 = arith.cmpi slt, %add3A_21, %lt3A_22 : i32
    %convert_element_type3A_24 = arith.extui %lt3A_23 : i1 to i32
    %cond3A_25 = arith.constant 0 : i32
    %cond3A_26 = arith.cmpi ne, %convert_element_type3A_24, %cond3A_25 : i32
    scf.if %cond3A_26 {
      %mul3A_48 = arith.constant 80 : i32
      %mul3A_49 = arith.muli %add3A_21, %mul3A_48 : i32
      %add3A_50 = arith.constant 0 : i32
      %add3A_51 = arith.addi %add3A_50, %mul3A_49 : i32
      %dma_wait3A = tpu.memref_slice %arg3[%add3A_51] : memref<320000xi32, #tpu.memory_space<hbm>> -> memref<80xi32, #tpu.memory_space<hbm>>
      %dma_wait3A_52 = tpu.memref_slice %arg3[%add3A_51] : memref<320000xi32, #tpu.memory_space<hbm>> -> memref<80xi32, #tpu.memory_space<hbm>>
      tpu.wait_dma2 semaphore(%arg10 : memref<!tpu.dma_semaphore, #tpu.memory_space<semaphore_mem>>) src(%dma_wait3A_52 : memref<80xi32, #tpu.memory_space<hbm>>) dst(%arg6 : memref<80xi32, #tpu.memory_space<vmem>>)
      %add3A_53 = arith.constant 0 : i32
      %add3A_54 = arith.addi %add3A_53, %mul3A_49 : i32
      %dma_wait3A_55 = tpu.memref_slice %arg3[%add3A_54] : memref<320000xi32, #tpu.memory_space<hbm>> -> memref<80xi32, #tpu.memory_space<hbm>>
      %dma_wait3A_56 = tpu.memref_slice %arg3[%add3A_54] : memref<320000xi32, #tpu.memory_space<hbm>> -> memref<80xi32, #tpu.memory_space<hbm>>
      tpu.wait_dma2 semaphore(%arg10 : memref<!tpu.dma_semaphore, #tpu.memory_space<semaphore_mem>>) src(%dma_wait3A_56 : memref<80xi32, #tpu.memory_space<hbm>>) dst(%arg7 : memref<80xi32, #tpu.memory_space<vmem>>)
      %dma_start3A = arith.constant 0 : i32
      %dma_start3A_57 = arith.constant 0 : i32
      %dma_start3A_58 = tpu.memref_slice %arg2[%dma_start3A, %dma_start3A_57] : memref<10000x256xi32, #tpu.memory_space<hbm>> -> memref<10000x256xi32, #tpu.memory_space<hbm>>
      tpu.enqueue_indirect_dma source(%dma_start3A_58 : memref<10000x256xi32, #tpu.memory_space<hbm>>) target(%arg8 : memref<80x256xi32, #tpu.memory_space<vmem>>) offsets(%arg6 : memref<80xi32, #tpu.memory_space<vmem>>) semaphore(%arg11 : memref<!tpu.dma_semaphore, #tpu.memory_space<semaphore_mem>>)
      %dma_start3A_59 = arith.constant 0 : i32
      %dma_start3A_60 = arith.constant 0 : i32
      %dma_start3A_61 = tpu.memref_slice %arg2[%dma_start3A_59, %dma_start3A_60] : memref<10000x256xi32, #tpu.memory_space<hbm>> -> memref<10000x256xi32, #tpu.memory_space<hbm>>
      tpu.enqueue_indirect_dma source(%dma_start3A_61 : memref<10000x256xi32, #tpu.memory_space<hbm>>) target(%arg9 : memref<80x256xi32, #tpu.memory_space<vmem>>) offsets(%arg7 : memref<80xi32, #tpu.memory_space<vmem>>) semaphore(%arg11 : memref<!tpu.dma_semaphore, #tpu.memory_space<semaphore_mem>>)
    } else {
    }
    %add3A_27 = arith.constant -32 : i32
    %add3A_28 = arith.addi %add3A, %add3A_27 : i32
    %ge3A_29 = arith.constant 0 : i32
    %ge3A_30 = arith.cmpi sge, %add3A_28, %ge3A_29 : i32
    %lt3A_31 = arith.constant 1000 : i32
    %lt3A_32 = arith.cmpi slt, %add3A_28, %lt3A_31 : i32
    %and3A_33 = arith.andi %ge3A_30, %lt3A_32 : i1
    %convert_element_type3A_34 = arith.extui %and3A_33 : i1 to i32
    %cond3A_35 = arith.constant 0 : i32
    %cond3A_36 = arith.cmpi ne, %convert_element_type3A_34, %cond3A_35 : i32
    scf.if %cond3A_36 {
      %mul3A_48 = arith.constant 80 : i32
      %mul3A_49 = arith.muli %add3A_28, %mul3A_48 : i32
      %dma_wait3A = arith.constant 0 : i32
      %dma_wait3A_50 = tpu.memref_slice %arg4[%mul3A_49, %dma_wait3A] : memref<80000x256xi32, #tpu.memory_space<hbm>> -> memref<80x256xi32, #tpu.memory_space<hbm>>
      %dma_wait3A_51 = arith.constant 0 : i32
      %dma_wait3A_52 = tpu.memref_slice %arg4[%mul3A_49, %dma_wait3A_51] : memref<80000x256xi32, #tpu.memory_space<hbm>> -> memref<80x256xi32, #tpu.memory_space<hbm>>
      tpu.wait_dma2 semaphore(%arg19 : memref<!tpu.dma_semaphore, #tpu.memory_space<semaphore_mem>>) src(%arg15 : memref<80x256xi32, #tpu.memory_space<vmem>>) dst(%dma_wait3A_52 : memref<80x256xi32, #tpu.memory_space<hbm>>)
      %dma_wait3A_53 = arith.constant 0 : i32
      %dma_wait3A_54 = tpu.memref_slice %arg5[%mul3A_49, %dma_wait3A_53] : memref<80000x256xi32, #tpu.memory_space<hbm>> -> memref<80x256xi32, #tpu.memory_space<hbm>>
      %dma_wait3A_55 = arith.constant 0 : i32
      %dma_wait3A_56 = tpu.memref_slice %arg5[%mul3A_49, %dma_wait3A_55] : memref<80000x256xi32, #tpu.memory_space<hbm>> -> memref<80x256xi32, #tpu.memory_space<hbm>>
      tpu.wait_dma2 semaphore(%arg19 : memref<!tpu.dma_semaphore, #tpu.memory_space<semaphore_mem>>) src(%arg16 : memref<80x256xi32, #tpu.memory_space<vmem>>) dst(%dma_wait3A_56 : memref<80x256xi32, #tpu.memory_space<hbm>>)
    } else {
    }
    %add3A_37 = arith.constant 32 : i32
    %add3A_38 = arith.addi %add3A, %add3A_37 : i32
    %lt3A_39 = arith.constant 1000 : i32
    %lt3A_40 = arith.cmpi slt, %add3A_38, %lt3A_39 : i32
    %convert_element_type3A_41 = arith.extui %lt3A_40 : i1 to i32
    %cond3A_42 = arith.constant 0 : i32
    %cond3A_43 = arith.cmpi ne, %convert_element_type3A_41, %cond3A_42 : i32
    scf.if %cond3A_43 {
      %mul3A_48 = arith.constant 80 : i32
      %mul3A_49 = arith.muli %add3A_38, %mul3A_48 : i32
      %add3A_50 = arith.constant 0 : i32
      %add3A_51 = arith.addi %add3A_50, %mul3A_49 : i32
      %dma_wait3A = tpu.memref_slice %arg3[%add3A_51] : memref<320000xi32, #tpu.memory_space<hbm>> -> memref<80xi32, #tpu.memory_space<hbm>>
      %dma_wait3A_52 = tpu.memref_slice %arg3[%add3A_51] : memref<320000xi32, #tpu.memory_space<hbm>> -> memref<80xi32, #tpu.memory_space<hbm>>
      tpu.wait_dma2 semaphore(%arg17 : memref<!tpu.dma_semaphore, #tpu.memory_space<semaphore_mem>>) src(%dma_wait3A_52 : memref<80xi32, #tpu.memory_space<hbm>>) dst(%arg13 : memref<80xi32, #tpu.memory_space<vmem>>)
      %add3A_53 = arith.constant 0 : i32
      %add3A_54 = arith.addi %add3A_53, %mul3A_49 : i32
      %dma_wait3A_55 = tpu.memref_slice %arg3[%add3A_54] : memref<320000xi32, #tpu.memory_space<hbm>> -> memref<80xi32, #tpu.memory_space<hbm>>
      %dma_wait3A_56 = tpu.memref_slice %arg3[%add3A_54] : memref<320000xi32, #tpu.memory_space<hbm>> -> memref<80xi32, #tpu.memory_space<hbm>>
      tpu.wait_dma2 semaphore(%arg17 : memref<!tpu.dma_semaphore, #tpu.memory_space<semaphore_mem>>) src(%dma_wait3A_56 : memref<80xi32, #tpu.memory_space<hbm>>) dst(%arg14 : memref<80xi32, #tpu.memory_space<vmem>>)
      %dma_start3A = arith.constant 0 : i32
      %dma_start3A_57 = arith.constant 0 : i32
      %dma_start3A_58 = tpu.memref_slice %arg2[%dma_start3A, %dma_start3A_57] : memref<10000x256xi32, #tpu.memory_space<hbm>> -> memref<10000x256xi32, #tpu.memory_space<hbm>>
      tpu.enqueue_indirect_dma source(%dma_start3A_58 : memref<10000x256xi32, #tpu.memory_space<hbm>>) target(%arg15 : memref<80x256xi32, #tpu.memory_space<vmem>>) offsets(%arg13 : memref<80xi32, #tpu.memory_space<vmem>>) semaphore(%arg18 : memref<!tpu.dma_semaphore, #tpu.memory_space<semaphore_mem>>)
      %dma_start3A_59 = arith.constant 0 : i32
      %dma_start3A_60 = arith.constant 0 : i32
      %dma_start3A_61 = tpu.memref_slice %arg2[%dma_start3A_59, %dma_start3A_60] : memref<10000x256xi32, #tpu.memory_space<hbm>> -> memref<10000x256xi32, #tpu.memory_space<hbm>>
      tpu.enqueue_indirect_dma source(%dma_start3A_61 : memref<10000x256xi32, #tpu.memory_space<hbm>>) target(%arg16 : memref<80x256xi32, #tpu.memory_space<vmem>>) offsets(%arg14 : memref<80xi32, #tpu.memory_space<vmem>>) semaphore(%arg18 : memref<!tpu.dma_semaphore, #tpu.memory_space<semaphore_mem>>)
    } else {
    }
    %scan3A = arith.constant 0 : i32
    %scan3A_44 = arith.constant 16 : i32
    %scan3A_45 = arith.addi %scan3A, %scan3A_44 : i32
    %scan3A_46 = arith.constant 1 : i32
    scf.for %scan3A_48 = %scan3A to %scan3A_45 step %scan3A_46  : i32 {
      %mul3A_49 = arith.constant 2 : i32
      %mul3A_50 = arith.muli %scan3A_48, %mul3A_49 : i32
      %add3A_51 = arith.constant 0 : i32
      %add3A_52 = arith.addi %add3A_51, %mul3A_50 : i32
      %mul3A_53 = arith.constant 32 : i32
      %mul3A_54 = arith.muli %mul3A_53, %add3A_52 : i32
      %add3A_55 = arith.addi %add3A, %mul3A_54 : i32
      %lt3A_56 = arith.constant 1000 : i32
      %lt3A_57 = arith.cmpi slt, %add3A_55, %lt3A_56 : i32
      %convert_element_type3A_58 = arith.extui %lt3A_57 : i1 to i32
      %cond3A_59 = arith.constant 0 : i32
      %cond3A_60 = arith.cmpi ne, %convert_element_type3A_58, %cond3A_59 : i32
      scf.if %cond3A_60 {
        %mul3A_136 = arith.constant 80 : i32
        %mul3A_137 = arith.muli %add3A_55, %mul3A_136 : i32
        %dma_wait3A = arith.constant 0 : i32
        %dma_wait3A_138 = arith.constant 0 : i32
        %dma_wait3A_139 = tpu.memref_slice %arg2[%dma_wait3A, %dma_wait3A_138] : memref<10000x256xi32, #tpu.memory_space<hbm>> -> memref<10000x256xi32, #tpu.memory_space<hbm>>
        tpu.wait_indirect_dma semaphore(%arg11 : memref<!tpu.dma_semaphore, #tpu.memory_space<semaphore_mem>>) src(%dma_wait3A_139 : memref<10000x256xi32, #tpu.memory_space<hbm>>) dst(%arg8 : memref<80x256xi32, #tpu.memory_space<vmem>>)
        %dma_wait3A_140 = arith.constant 0 : i32
        %dma_wait3A_141 = arith.constant 0 : i32
        %dma_wait3A_142 = tpu.memref_slice %arg2[%dma_wait3A_140, %dma_wait3A_141] : memref<10000x256xi32, #tpu.memory_space<hbm>> -> memref<10000x256xi32, #tpu.memory_space<hbm>>
        tpu.wait_indirect_dma semaphore(%arg11 : memref<!tpu.dma_semaphore, #tpu.memory_space<semaphore_mem>>) src(%dma_wait3A_142 : memref<10000x256xi32, #tpu.memory_space<hbm>>) dst(%arg9 : memref<80x256xi32, #tpu.memory_space<vmem>>)
        %dma_start3A = arith.constant 0 : i32
        %dma_start3A_143 = tpu.memref_slice %arg4[%mul3A_137, %dma_start3A] : memref<80000x256xi32, #tpu.memory_space<hbm>> -> memref<80x256xi32, #tpu.memory_space<hbm>>
        %dma_start3A_144 = arith.constant 0 : i32
        %dma_start3A_145 = tpu.memref_slice %arg4[%mul3A_137, %dma_start3A_144] : memref<80000x256xi32, #tpu.memory_space<hbm>> -> memref<80x256xi32, #tpu.memory_space<hbm>>
        tpu.enqueue_dma source(%arg8 : memref<80x256xi32, #tpu.memory_space<vmem>>) target(%dma_start3A_145 : memref<80x256xi32, #tpu.memory_space<hbm>>) target_semaphore(%arg12 : memref<!tpu.dma_semaphore, #tpu.memory_space<semaphore_mem>>)
        %dma_start3A_146 = arith.constant 0 : i32
        %dma_start3A_147 = tpu.memref_slice %arg5[%mul3A_137, %dma_start3A_146] : memref<80000x256xi32, #tpu.memory_space<hbm>> -> memref<80x256xi32, #tpu.memory_space<hbm>>
        %dma_start3A_148 = arith.constant 0 : i32
        %dma_start3A_149 = tpu.memref_slice %arg5[%mul3A_137, %dma_start3A_148] : memref<80000x256xi32, #tpu.memory_space<hbm>> -> memref<80x256xi32, #tpu.memory_space<hbm>>
        tpu.enqueue_dma source(%arg9 : memref<80x256xi32, #tpu.memory_space<vmem>>) target(%dma_start3A_149 : memref<80x256xi32, #tpu.memory_space<hbm>>) target_semaphore(%arg12 : memref<!tpu.dma_semaphore, #tpu.memory_space<semaphore_mem>>)
      } else {
      }
      %add3A_61 = arith.constant 2 : i32
      %add3A_62 = arith.addi %add3A_52, %add3A_61 : i32
      %mul3A_63 = arith.constant 32 : i32
      %mul3A_64 = arith.muli %mul3A_63, %add3A_62 : i32
      %add3A_65 = arith.addi %add3A, %mul3A_64 : i32
      %lt3A_66 = arith.constant 1000 : i32
      %lt3A_67 = arith.cmpi slt, %add3A_65, %lt3A_66 : i32
      %convert_element_type3A_68 = arith.extui %lt3A_67 : i1 to i32
      %cond3A_69 = arith.constant 0 : i32
      %cond3A_70 = arith.cmpi ne, %convert_element_type3A_68, %cond3A_69 : i32
      scf.if %cond3A_70 {
        %mul3A_136 = arith.constant 80 : i32
        %mul3A_137 = arith.muli %add3A_65, %mul3A_136 : i32
        %add3A_138 = arith.constant 0 : i32
        %add3A_139 = arith.addi %add3A_138, %mul3A_137 : i32
        %dma_start3A = tpu.memref_slice %arg3[%add3A_139] : memref<320000xi32, #tpu.memory_space<hbm>> -> memref<80xi32, #tpu.memory_space<hbm>>
        %dma_start3A_140 = tpu.memref_slice %arg3[%add3A_139] : memref<320000xi32, #tpu.memory_space<hbm>> -> memref<80xi32, #tpu.memory_space<hbm>>
        tpu.enqueue_dma source(%dma_start3A_140 : memref<80xi32, #tpu.memory_space<hbm>>) target(%arg6 : memref<80xi32, #tpu.memory_space<vmem>>) target_semaphore(%arg10 : memref<!tpu.dma_semaphore, #tpu.memory_space<semaphore_mem>>)
        %add3A_141 = arith.constant 160000 : i32
        %add3A_142 = arith.addi %add3A_141, %mul3A_137 : i32
        %dma_start3A_143 = tpu.memref_slice %arg3[%add3A_142] : memref<320000xi32, #tpu.memory_space<hbm>> -> memref<80xi32, #tpu.memory_space<hbm>>
        %dma_start3A_144 = tpu.memref_slice %arg3[%add3A_142] : memref<320000xi32, #tpu.memory_space<hbm>> -> memref<80xi32, #tpu.memory_space<hbm>>
        tpu.enqueue_dma source(%dma_start3A_144 : memref<80xi32, #tpu.memory_space<hbm>>) target(%arg7 : memref<80xi32, #tpu.memory_space<vmem>>) target_semaphore(%arg10 : memref<!tpu.dma_semaphore, #tpu.memory_space<semaphore_mem>>)
      } else {
      }
      %add3A_71 = arith.constant 1 : i32
      %add3A_72 = arith.addi %add3A_52, %add3A_71 : i32
      %mul3A_73 = arith.constant 32 : i32
      %mul3A_74 = arith.muli %mul3A_73, %add3A_72 : i32
      %add3A_75 = arith.addi %add3A, %mul3A_74 : i32
      %lt3A_76 = arith.constant 1000 : i32
      %lt3A_77 = arith.cmpi slt, %add3A_75, %lt3A_76 : i32
      %convert_element_type3A_78 = arith.extui %lt3A_77 : i1 to i32
      %cond3A_79 = arith.constant 0 : i32
      %cond3A_80 = arith.cmpi ne, %convert_element_type3A_78, %cond3A_79 : i32
      scf.if %cond3A_80 {
        %mul3A_136 = arith.constant 80 : i32
        %mul3A_137 = arith.muli %add3A_75, %mul3A_136 : i32
        %dma_wait3A = arith.constant 0 : i32
        %dma_wait3A_138 = arith.constant 0 : i32
        %dma_wait3A_139 = tpu.memref_slice %arg2[%dma_wait3A, %dma_wait3A_138] : memref<10000x256xi32, #tpu.memory_space<hbm>> -> memref<10000x256xi32, #tpu.memory_space<hbm>>
        tpu.wait_indirect_dma semaphore(%arg18 : memref<!tpu.dma_semaphore, #tpu.memory_space<semaphore_mem>>) src(%dma_wait3A_139 : memref<10000x256xi32, #tpu.memory_space<hbm>>) dst(%arg15 : memref<80x256xi32, #tpu.memory_space<vmem>>)
        %dma_wait3A_140 = arith.constant 0 : i32
        %dma_wait3A_141 = arith.constant 0 : i32
        %dma_wait3A_142 = tpu.memref_slice %arg2[%dma_wait3A_140, %dma_wait3A_141] : memref<10000x256xi32, #tpu.memory_space<hbm>> -> memref<10000x256xi32, #tpu.memory_space<hbm>>
        tpu.wait_indirect_dma semaphore(%arg18 : memref<!tpu.dma_semaphore, #tpu.memory_space<semaphore_mem>>) src(%dma_wait3A_142 : memref<10000x256xi32, #tpu.memory_space<hbm>>) dst(%arg16 : memref<80x256xi32, #tpu.memory_space<vmem>>)
        %dma_start3A = arith.constant 0 : i32
        %dma_start3A_143 = tpu.memref_slice %arg4[%mul3A_137, %dma_start3A] : memref<80000x256xi32, #tpu.memory_space<hbm>> -> memref<80x256xi32, #tpu.memory_space<hbm>>
        %dma_start3A_144 = arith.constant 0 : i32
        %dma_start3A_145 = tpu.memref_slice %arg4[%mul3A_137, %dma_start3A_144] : memref<80000x256xi32, #tpu.memory_space<hbm>> -> memref<80x256xi32, #tpu.memory_space<hbm>>
        tpu.enqueue_dma source(%arg15 : memref<80x256xi32, #tpu.memory_space<vmem>>) target(%dma_start3A_145 : memref<80x256xi32, #tpu.memory_space<hbm>>) target_semaphore(%arg19 : memref<!tpu.dma_semaphore, #tpu.memory_space<semaphore_mem>>)
        %dma_start3A_146 = arith.constant 0 : i32
        %dma_start3A_147 = tpu.memref_slice %arg5[%mul3A_137, %dma_start3A_146] : memref<80000x256xi32, #tpu.memory_space<hbm>> -> memref<80x256xi32, #tpu.memory_space<hbm>>
        %dma_start3A_148 = arith.constant 0 : i32
        %dma_start3A_149 = tpu.memref_slice %arg5[%mul3A_137, %dma_start3A_148] : memref<80000x256xi32, #tpu.memory_space<hbm>> -> memref<80x256xi32, #tpu.memory_space<hbm>>
        tpu.enqueue_dma source(%arg16 : memref<80x256xi32, #tpu.memory_space<vmem>>) target(%dma_start3A_149 : memref<80x256xi32, #tpu.memory_space<hbm>>) target_semaphore(%arg19 : memref<!tpu.dma_semaphore, #tpu.memory_space<semaphore_mem>>)
      } else {
      }
      %add3A_81 = arith.constant 3 : i32
      %add3A_82 = arith.addi %add3A_52, %add3A_81 : i32
      %mul3A_83 = arith.constant 32 : i32
      %mul3A_84 = arith.muli %mul3A_83, %add3A_82 : i32
      %add3A_85 = arith.addi %add3A, %mul3A_84 : i32
      %lt3A_86 = arith.constant 1000 : i32
      %lt3A_87 = arith.cmpi slt, %add3A_85, %lt3A_86 : i32
      %convert_element_type3A_88 = arith.extui %lt3A_87 : i1 to i32
      %cond3A_89 = arith.constant 0 : i32
      %cond3A_90 = arith.cmpi ne, %convert_element_type3A_88, %cond3A_89 : i32
      scf.if %cond3A_90 {
        %mul3A_136 = arith.constant 80 : i32
        %mul3A_137 = arith.muli %add3A_85, %mul3A_136 : i32
        %add3A_138 = arith.constant 0 : i32
        %add3A_139 = arith.addi %add3A_138, %mul3A_137 : i32
        %dma_start3A = tpu.memref_slice %arg3[%add3A_139] : memref<320000xi32, #tpu.memory_space<hbm>> -> memref<80xi32, #tpu.memory_space<hbm>>
        %dma_start3A_140 = tpu.memref_slice %arg3[%add3A_139] : memref<320000xi32, #tpu.memory_space<hbm>> -> memref<80xi32, #tpu.memory_space<hbm>>
        tpu.enqueue_dma source(%dma_start3A_140 : memref<80xi32, #tpu.memory_space<hbm>>) target(%arg13 : memref<80xi32, #tpu.memory_space<vmem>>) target_semaphore(%arg17 : memref<!tpu.dma_semaphore, #tpu.memory_space<semaphore_mem>>)
        %add3A_141 = arith.constant 160000 : i32
        %add3A_142 = arith.addi %add3A_141, %mul3A_137 : i32
        %dma_start3A_143 = tpu.memref_slice %arg3[%add3A_142] : memref<320000xi32, #tpu.memory_space<hbm>> -> memref<80xi32, #tpu.memory_space<hbm>>
        %dma_start3A_144 = tpu.memref_slice %arg3[%add3A_142] : memref<320000xi32, #tpu.memory_space<hbm>> -> memref<80xi32, #tpu.memory_space<hbm>>
        tpu.enqueue_dma source(%dma_start3A_144 : memref<80xi32, #tpu.memory_space<hbm>>) target(%arg14 : memref<80xi32, #tpu.memory_space<vmem>>) target_semaphore(%arg17 : memref<!tpu.dma_semaphore, #tpu.memory_space<semaphore_mem>>)
      } else {
      }
      %add3A_91 = arith.constant 2 : i32
      %add3A_92 = arith.addi %add3A_52, %add3A_91 : i32
      %sub3A = arith.constant 2 : i32
      %sub3A_93 = arith.subi %add3A_92, %sub3A : i32
      %mul3A_94 = arith.constant 32 : i32
      %mul3A_95 = arith.muli %mul3A_94, %sub3A_93 : i32
      %add3A_96 = arith.addi %add3A, %mul3A_95 : i32
      %ge3A_97 = arith.constant 0 : i32
      %ge3A_98 = arith.cmpi sge, %add3A_96, %ge3A_97 : i32
      %lt3A_99 = arith.constant 1000 : i32
      %lt3A_100 = arith.cmpi slt, %add3A_96, %lt3A_99 : i32
      %and3A_101 = arith.andi %ge3A_98, %lt3A_100 : i1
      %convert_element_type3A_102 = arith.extui %and3A_101 : i1 to i32
      %cond3A_103 = arith.constant 0 : i32
      %cond3A_104 = arith.cmpi ne, %convert_element_type3A_102, %cond3A_103 : i32
      scf.if %cond3A_104 {
        %mul3A_136 = arith.constant 80 : i32
        %mul3A_137 = arith.muli %add3A_96, %mul3A_136 : i32
        %dma_wait3A = arith.constant 0 : i32
        %dma_wait3A_138 = tpu.memref_slice %arg4[%mul3A_137, %dma_wait3A] : memref<80000x256xi32, #tpu.memory_space<hbm>> -> memref<80x256xi32, #tpu.memory_space<hbm>>
        %dma_wait3A_139 = arith.constant 0 : i32
        %dma_wait3A_140 = tpu.memref_slice %arg4[%mul3A_137, %dma_wait3A_139] : memref<80000x256xi32, #tpu.memory_space<hbm>> -> memref<80x256xi32, #tpu.memory_space<hbm>>
        tpu.wait_dma2 semaphore(%arg12 : memref<!tpu.dma_semaphore, #tpu.memory_space<semaphore_mem>>) src(%arg8 : memref<80x256xi32, #tpu.memory_space<vmem>>) dst(%dma_wait3A_140 : memref<80x256xi32, #tpu.memory_space<hbm>>)
        %dma_wait3A_141 = arith.constant 0 : i32
        %dma_wait3A_142 = tpu.memref_slice %arg5[%mul3A_137, %dma_wait3A_141] : memref<80000x256xi32, #tpu.memory_space<hbm>> -> memref<80x256xi32, #tpu.memory_space<hbm>>
        %dma_wait3A_143 = arith.constant 0 : i32
        %dma_wait3A_144 = tpu.memref_slice %arg5[%mul3A_137, %dma_wait3A_143] : memref<80000x256xi32, #tpu.memory_space<hbm>> -> memref<80x256xi32, #tpu.memory_space<hbm>>
        tpu.wait_dma2 semaphore(%arg12 : memref<!tpu.dma_semaphore, #tpu.memory_space<semaphore_mem>>) src(%arg9 : memref<80x256xi32, #tpu.memory_space<vmem>>) dst(%dma_wait3A_144 : memref<80x256xi32, #tpu.memory_space<hbm>>)
      } else {
      }
      %mul3A_105 = arith.constant 32 : i32
      %mul3A_106 = arith.muli %mul3A_105, %add3A_92 : i32
      %add3A_107 = arith.addi %add3A, %mul3A_106 : i32
      %lt3A_108 = arith.constant 1000 : i32
      %lt3A_109 = arith.cmpi slt, %add3A_107, %lt3A_108 : i32
      %convert_element_type3A_110 = arith.extui %lt3A_109 : i1 to i32
      %cond3A_111 = arith.constant 0 : i32
      %cond3A_112 = arith.cmpi ne, %convert_element_type3A_110, %cond3A_111 : i32
      scf.if %cond3A_112 {
        %mul3A_136 = arith.constant 80 : i32
        %mul3A_137 = arith.muli %add3A_107, %mul3A_136 : i32
        %add3A_138 = arith.constant 0 : i32
        %add3A_139 = arith.addi %add3A_138, %mul3A_137 : i32
        %dma_wait3A = tpu.memref_slice %arg3[%add3A_139] : memref<320000xi32, #tpu.memory_space<hbm>> -> memref<80xi32, #tpu.memory_space<hbm>>
        %dma_wait3A_140 = tpu.memref_slice %arg3[%add3A_139] : memref<320000xi32, #tpu.memory_space<hbm>> -> memref<80xi32, #tpu.memory_space<hbm>>
        tpu.wait_dma2 semaphore(%arg10 : memref<!tpu.dma_semaphore, #tpu.memory_space<semaphore_mem>>) src(%dma_wait3A_140 : memref<80xi32, #tpu.memory_space<hbm>>) dst(%arg6 : memref<80xi32, #tpu.memory_space<vmem>>)
        %add3A_141 = arith.constant 0 : i32
        %add3A_142 = arith.addi %add3A_141, %mul3A_137 : i32
        %dma_wait3A_143 = tpu.memref_slice %arg3[%add3A_142] : memref<320000xi32, #tpu.memory_space<hbm>> -> memref<80xi32, #tpu.memory_space<hbm>>
        %dma_wait3A_144 = tpu.memref_slice %arg3[%add3A_142] : memref<320000xi32, #tpu.memory_space<hbm>> -> memref<80xi32, #tpu.memory_space<hbm>>
        tpu.wait_dma2 semaphore(%arg10 : memref<!tpu.dma_semaphore, #tpu.memory_space<semaphore_mem>>) src(%dma_wait3A_144 : memref<80xi32, #tpu.memory_space<hbm>>) dst(%arg7 : memref<80xi32, #tpu.memory_space<vmem>>)
        %dma_start3A = arith.constant 0 : i32
        %dma_start3A_145 = arith.constant 0 : i32
        %dma_start3A_146 = tpu.memref_slice %arg2[%dma_start3A, %dma_start3A_145] : memref<10000x256xi32, #tpu.memory_space<hbm>> -> memref<10000x256xi32, #tpu.memory_space<hbm>>
        tpu.enqueue_indirect_dma source(%dma_start3A_146 : memref<10000x256xi32, #tpu.memory_space<hbm>>) target(%arg8 : memref<80x256xi32, #tpu.memory_space<vmem>>) offsets(%arg6 : memref<80xi32, #tpu.memory_space<vmem>>) semaphore(%arg11 : memref<!tpu.dma_semaphore, #tpu.memory_space<semaphore_mem>>)
        %dma_start3A_147 = arith.constant 0 : i32
        %dma_start3A_148 = arith.constant 0 : i32
        %dma_start3A_149 = tpu.memref_slice %arg2[%dma_start3A_147, %dma_start3A_148] : memref<10000x256xi32, #tpu.memory_space<hbm>> -> memref<10000x256xi32, #tpu.memory_space<hbm>>
        tpu.enqueue_indirect_dma source(%dma_start3A_149 : memref<10000x256xi32, #tpu.memory_space<hbm>>) target(%arg9 : memref<80x256xi32, #tpu.memory_space<vmem>>) offsets(%arg7 : memref<80xi32, #tpu.memory_space<vmem>>) semaphore(%arg11 : memref<!tpu.dma_semaphore, #tpu.memory_space<semaphore_mem>>)
      } else {
      }
      %add3A_113 = arith.constant 3 : i32
      %add3A_114 = arith.addi %add3A_52, %add3A_113 : i32
      %sub3A_115 = arith.constant 2 : i32
      %sub3A_116 = arith.subi %add3A_114, %sub3A_115 : i32
      %mul3A_117 = arith.constant 32 : i32
      %mul3A_118 = arith.muli %mul3A_117, %sub3A_116 : i32
      %add3A_119 = arith.addi %add3A, %mul3A_118 : i32
      %ge3A_120 = arith.constant 0 : i32
      %ge3A_121 = arith.cmpi sge, %add3A_119, %ge3A_120 : i32
      %lt3A_122 = arith.constant 1000 : i32
      %lt3A_123 = arith.cmpi slt, %add3A_119, %lt3A_122 : i32
      %and3A_124 = arith.andi %ge3A_121, %lt3A_123 : i1
      %convert_element_type3A_125 = arith.extui %and3A_124 : i1 to i32
      %cond3A_126 = arith.constant 0 : i32
      %cond3A_127 = arith.cmpi ne, %convert_element_type3A_125, %cond3A_126 : i32
      scf.if %cond3A_127 {
        %mul3A_136 = arith.constant 80 : i32
        %mul3A_137 = arith.muli %add3A_119, %mul3A_136 : i32
        %dma_wait3A = arith.constant 0 : i32
        %dma_wait3A_138 = tpu.memref_slice %arg4[%mul3A_137, %dma_wait3A] : memref<80000x256xi32, #tpu.memory_space<hbm>> -> memref<80x256xi32, #tpu.memory_space<hbm>>
        %dma_wait3A_139 = arith.constant 0 : i32
        %dma_wait3A_140 = tpu.memref_slice %arg4[%mul3A_137, %dma_wait3A_139] : memref<80000x256xi32, #tpu.memory_space<hbm>> -> memref<80x256xi32, #tpu.memory_space<hbm>>
        tpu.wait_dma2 semaphore(%arg19 : memref<!tpu.dma_semaphore, #tpu.memory_space<semaphore_mem>>) src(%arg15 : memref<80x256xi32, #tpu.memory_space<vmem>>) dst(%dma_wait3A_140 : memref<80x256xi32, #tpu.memory_space<hbm>>)
        %dma_wait3A_141 = arith.constant 0 : i32
        %dma_wait3A_142 = tpu.memref_slice %arg5[%mul3A_137, %dma_wait3A_141] : memref<80000x256xi32, #tpu.memory_space<hbm>> -> memref<80x256xi32, #tpu.memory_space<hbm>>
        %dma_wait3A_143 = arith.constant 0 : i32
        %dma_wait3A_144 = tpu.memref_slice %arg5[%mul3A_137, %dma_wait3A_143] : memref<80000x256xi32, #tpu.memory_space<hbm>> -> memref<80x256xi32, #tpu.memory_space<hbm>>
        tpu.wait_dma2 semaphore(%arg19 : memref<!tpu.dma_semaphore, #tpu.memory_space<semaphore_mem>>) src(%arg16 : memref<80x256xi32, #tpu.memory_space<vmem>>) dst(%dma_wait3A_144 : memref<80x256xi32, #tpu.memory_space<hbm>>)
      } else {
      }
      %mul3A_128 = arith.constant 32 : i32
      %mul3A_129 = arith.muli %mul3A_128, %add3A_114 : i32
      %add3A_130 = arith.addi %add3A, %mul3A_129 : i32
      %lt3A_131 = arith.constant 1000 : i32
      %lt3A_132 = arith.cmpi slt, %add3A_130, %lt3A_131 : i32
      %convert_element_type3A_133 = arith.extui %lt3A_132 : i1 to i32
      %cond3A_134 = arith.constant 0 : i32
      %cond3A_135 = arith.cmpi ne, %convert_element_type3A_133, %cond3A_134 : i32
      scf.if %cond3A_135 {
        %mul3A_136 = arith.constant 80 : i32
        %mul3A_137 = arith.muli %add3A_130, %mul3A_136 : i32
        %add3A_138 = arith.constant 0 : i32
        %add3A_139 = arith.addi %add3A_138, %mul3A_137 : i32
        %dma_wait3A = tpu.memref_slice %arg3[%add3A_139] : memref<320000xi32, #tpu.memory_space<hbm>> -> memref<80xi32, #tpu.memory_space<hbm>>
        %dma_wait3A_140 = tpu.memref_slice %arg3[%add3A_139] : memref<320000xi32, #tpu.memory_space<hbm>> -> memref<80xi32, #tpu.memory_space<hbm>>
        tpu.wait_dma2 semaphore(%arg17 : memref<!tpu.dma_semaphore, #tpu.memory_space<semaphore_mem>>) src(%dma_wait3A_140 : memref<80xi32, #tpu.memory_space<hbm>>) dst(%arg13 : memref<80xi32, #tpu.memory_space<vmem>>)
        %add3A_141 = arith.constant 0 : i32
        %add3A_142 = arith.addi %add3A_141, %mul3A_137 : i32
        %dma_wait3A_143 = tpu.memref_slice %arg3[%add3A_142] : memref<320000xi32, #tpu.memory_space<hbm>> -> memref<80xi32, #tpu.memory_space<hbm>>
        %dma_wait3A_144 = tpu.memref_slice %arg3[%add3A_142] : memref<320000xi32, #tpu.memory_space<hbm>> -> memref<80xi32, #tpu.memory_space<hbm>>
        tpu.wait_dma2 semaphore(%arg17 : memref<!tpu.dma_semaphore, #tpu.memory_space<semaphore_mem>>) src(%dma_wait3A_144 : memref<80xi32, #tpu.memory_space<hbm>>) dst(%arg14 : memref<80xi32, #tpu.memory_space<vmem>>)
        %dma_start3A = arith.constant 0 : i32
        %dma_start3A_145 = arith.constant 0 : i32
        %dma_start3A_146 = tpu.memref_slice %arg2[%dma_start3A, %dma_start3A_145] : memref<10000x256xi32, #tpu.memory_space<hbm>> -> memref<10000x256xi32, #tpu.memory_space<hbm>>
        tpu.enqueue_indirect_dma source(%dma_start3A_146 : memref<10000x256xi32, #tpu.memory_space<hbm>>) target(%arg15 : memref<80x256xi32, #tpu.memory_space<vmem>>) offsets(%arg13 : memref<80xi32, #tpu.memory_space<vmem>>) semaphore(%arg18 : memref<!tpu.dma_semaphore, #tpu.memory_space<semaphore_mem>>)
        %dma_start3A_147 = arith.constant 0 : i32
        %dma_start3A_148 = arith.constant 0 : i32
        %dma_start3A_149 = tpu.memref_slice %arg2[%dma_start3A_147, %dma_start3A_148] : memref<10000x256xi32, #tpu.memory_space<hbm>> -> memref<10000x256xi32, #tpu.memory_space<hbm>>
        tpu.enqueue_indirect_dma source(%dma_start3A_149 : memref<10000x256xi32, #tpu.memory_space<hbm>>) target(%arg16 : memref<80x256xi32, #tpu.memory_space<vmem>>) offsets(%arg14 : memref<80xi32, #tpu.memory_space<vmem>>) semaphore(%arg18 : memref<!tpu.dma_semaphore, #tpu.memory_space<semaphore_mem>>)
      } else {
      }
    }
    %scan3A_47 = arith.constant 16 : i32
    return
  }
}

module attributes {stable_mosaic.version = 14 : i64} {
  func.func @_edge_body(%arg0: i32, %arg1: memref<1600x256xi32, #tpu.memory_space<vmem>>, %arg2: memref<1600x256xi32, #tpu.memory_space<vmem>>, %arg3: memref<1600x16xbf16, #tpu.memory_space<vmem>>, %arg4: memref<128x128xbf16, #tpu.memory_space<vmem>>, %arg5: memref<16x128xbf16, #tpu.memory_space<vmem>>, %arg6: memref<1x128xf32, #tpu.memory_space<vmem>>, %arg7: memref<128x128xbf16, #tpu.memory_space<vmem>>, %arg8: memref<1x128xf32, #tpu.memory_space<vmem>>, %arg9: memref<128x128xbf16, #tpu.memory_space<vmem>>, %arg10: memref<16x128xbf16, #tpu.memory_space<vmem>>, %arg11: memref<1x128xf32, #tpu.memory_space<vmem>>, %arg12: memref<128x128xbf16, #tpu.memory_space<vmem>>, %arg13: memref<1x128xf32, #tpu.memory_space<vmem>>, %arg14: memref<1600x128xf32, #tpu.memory_space<vmem>>, %arg15: memref<1600x128xf32, #tpu.memory_space<vmem>>, %arg16: memref<1600x128xf32, #tpu.memory_space<vmem>>, %arg17: memref<1600x128xf32, #tpu.memory_space<vmem>>) attributes {dimension_semantics = [#tpu.dimension_semantics<arbitrary>], iteration_bounds = array<i64: 50>, scalar_prefetch = 0 : i64, scratch_operands = 0 : i64, tpu.core_type = #tpu.core_type<tc>, window_params = [{transform_indices = @transform_0, window_bounds = array<i64: 1600, 256>}, {transform_indices = @transform_1, window_bounds = array<i64: 1600, 256>}, {transform_indices = @transform_2, window_bounds = array<i64: 1600, 16>}, {pipeline_mode = #tpu.pipeline_mode<synchronous>, transform_indices = @transform_3, window_bounds = array<i64: 128, 128>}, {pipeline_mode = #tpu.pipeline_mode<synchronous>, transform_indices = @transform_4, window_bounds = array<i64: 16, 128>}, {pipeline_mode = #tpu.pipeline_mode<synchronous>, transform_indices = @transform_5, window_bounds = array<i64: 1, 128>}, {pipeline_mode = #tpu.pipeline_mode<synchronous>, transform_indices = @transform_6, window_bounds = array<i64: 128, 128>}, {pipeline_mode = #tpu.pipeline_mode<synchronous>, transform_indices = @transform_7, window_bounds = array<i64: 1, 128>}, {pipeline_mode = #tpu.pipeline_mode<synchronous>, transform_indices = @transform_8, window_bounds = array<i64: 128, 128>}, {pipeline_mode = #tpu.pipeline_mode<synchronous>, transform_indices = @transform_9, window_bounds = array<i64: 16, 128>}, {pipeline_mode = #tpu.pipeline_mode<synchronous>, transform_indices = @transform_10, window_bounds = array<i64: 1, 128>}, {pipeline_mode = #tpu.pipeline_mode<synchronous>, transform_indices = @transform_11, window_bounds = array<i64: 128, 128>}, {pipeline_mode = #tpu.pipeline_mode<synchronous>, transform_indices = @transform_12, window_bounds = array<i64: 1, 128>}, {transform_indices = @transform_13, window_bounds = array<i64: 1600, 128>}, {transform_indices = @transform_14, window_bounds = array<i64: 1600, 128>}, {transform_indices = @transform_15, window_bounds = array<i64: 1600, 128>}, {transform_indices = @transform_16, window_bounds = array<i64: 1600, 128>}]} {
    %get3A = arith.constant 0 : index
    %get3A_0 = arith.constant 0 : index
    %get3A_1 = vector.load %arg1[%get3A, %get3A_0] : memref<1600x256xi32, #tpu.memory_space<vmem>>, vector<1600x128xi32>
    %get3A_2 = arith.constant 0 : index
    %get3A_3 = arith.constant 128 : index
    %get3A_4 = vector.load %arg1[%get3A_2, %get3A_3] : memref<1600x256xi32, #tpu.memory_space<vmem>>, vector<1600x128xi32>
    %get3A_5 = arith.constant 0 : index
    %get3A_6 = arith.constant 0 : index
    %get3A_7 = vector.load %arg2[%get3A_5, %get3A_6] : memref<1600x256xi32, #tpu.memory_space<vmem>>, vector<1600x128xi32>
    %get3A_8 = arith.constant 0 : index
    %get3A_9 = arith.constant 128 : index
    %get3A_10 = vector.load %arg2[%get3A_8, %get3A_9] : memref<1600x256xi32, #tpu.memory_space<vmem>>, vector<1600x128xi32>
    %shift_left3A = arith.constant 16 : i32
    %shift_left3A_11 = vector.broadcast %shift_left3A : i32 to vector<1600x128xi32>
    %shift_left3A_12 = arith.shli %get3A_1, %shift_left3A_11 : vector<1600x128xi32>
    %bitcast_convert_type3A = tpu.bitcast %shift_left3A_12 : vector<1600x128xi32> -> vector<1600x128xf32>
    %convert_element_type3A = arith.truncf %bitcast_convert_type3A : vector<1600x128xf32> to vector<1600x128xbf16>
    %get3A_13 = arith.constant 0 : index
    %get3A_14 = arith.constant 0 : index
    %get3A_15 = vector.load %arg3[%get3A_13, %get3A_14] : memref<1600x16xbf16, #tpu.memory_space<vmem>>, vector<1600x16xbf16>
    %get3A_16 = arith.constant 0 : index
    %get3A_17 = arith.constant 0 : index
    %get3A_18 = vector.load %arg4[%get3A_16, %get3A_17] : memref<128x128xbf16, #tpu.memory_space<vmem>>, vector<128x128xbf16>
    %dot_general3A = arith.constant dense<0.000000e+00> : vector<1600x128xf32>
    %dot_general3A_19 = tpu.matmul %convert_element_type3A, %get3A_18, %dot_general3A {dimension_numbers = #tpu.dot_dimension_numbers<[1], [0], [0], [1], [0, 0, 1, 1], [], []>, transpose_lhs_hint = false} : vector<1600x128xbf16>, vector<128x128xbf16>, vector<1600x128xf32> -> vector<1600x128xf32>
    %get3A_20 = arith.constant 0 : index
    %get3A_21 = arith.constant 0 : index
    %get3A_22 = vector.load %arg5[%get3A_20, %get3A_21] : memref<16x128xbf16, #tpu.memory_space<vmem>>, vector<16x128xbf16>
    %dot_general3A_23 = arith.constant dense<0.000000e+00> : vector<1600x128xf32>
    %dot_general3A_24 = tpu.matmul %get3A_15, %get3A_22, %dot_general3A_23 {dimension_numbers = #tpu.dot_dimension_numbers<[1], [0], [0], [1], [0, 0, 1, 1], [], []>, transpose_lhs_hint = false} : vector<1600x16xbf16>, vector<16x128xbf16>, vector<1600x128xf32> -> vector<1600x128xf32>
    %add3A = arith.addf %dot_general3A_19, %dot_general3A_24 : vector<1600x128xf32>
    %get3A_25 = arith.constant 0 : index
    %get3A_26 = arith.constant 0 : index
    %get3A_27 = vector.load %arg6[%get3A_25, %get3A_26] : memref<1x128xf32, #tpu.memory_space<vmem>>, vector<1x128xf32>
    %add3A_28 = vector.broadcast %get3A_27 : vector<1x128xf32> to vector<1600x128xf32>
    %add3A_29 = arith.addf %add3A, %add3A_28 : vector<1600x128xf32>
    %logistic3A = arith.negf %add3A_29 : vector<1600x128xf32>
    %logistic3A_30 = math.exp %logistic3A : vector<1600x128xf32>
    %logistic3A_31 = arith.constant 1.000000e+00 : f32
    %logistic3A_32 = vector.broadcast %logistic3A_31 : f32 to vector<1600x128xf32>
    %logistic3A_33 = arith.addf %logistic3A_32, %logistic3A_30 : vector<1600x128xf32>
    %logistic3A_34 = arith.divf %logistic3A_32, %logistic3A_33 : vector<1600x128xf32>
    %mul3A = arith.mulf %add3A_29, %logistic3A_34 : vector<1600x128xf32>
    %convert_element_type3A_35 = arith.truncf %mul3A : vector<1600x128xf32> to vector<1600x128xbf16>
    %get3A_36 = arith.constant 0 : index
    %get3A_37 = arith.constant 0 : index
    %get3A_38 = vector.load %arg7[%get3A_36, %get3A_37] : memref<128x128xbf16, #tpu.memory_space<vmem>>, vector<128x128xbf16>
    %dot_general3A_39 = arith.constant dense<0.000000e+00> : vector<1600x128xf32>
    %dot_general3A_40 = tpu.matmul %convert_element_type3A_35, %get3A_38, %dot_general3A_39 {dimension_numbers = #tpu.dot_dimension_numbers<[1], [0], [0], [1], [0, 0, 1, 1], [], []>, transpose_lhs_hint = false} : vector<1600x128xbf16>, vector<128x128xbf16>, vector<1600x128xf32> -> vector<1600x128xf32>
    %get3A_41 = arith.constant 0 : index
    %get3A_42 = arith.constant 0 : index
    %get3A_43 = vector.load %arg8[%get3A_41, %get3A_42] : memref<1x128xf32, #tpu.memory_space<vmem>>, vector<1x128xf32>
    %add3A_44 = vector.broadcast %get3A_43 : vector<1x128xf32> to vector<1600x128xf32>
    %add3A_45 = arith.addf %dot_general3A_40, %add3A_44 : vector<1600x128xf32>
    %swap3A = arith.constant 0 : index
    %swap3A_46 = arith.constant 0 : index
    %swap3A_47 = vector.load %arg14[%swap3A, %swap3A_46] : memref<1600x128xf32, #tpu.memory_space<vmem>>, vector<1600x128xf32>
    tpu.vector_store %arg14[%swap3A, %swap3A_46], %add3A_45 {strides = array<i32>} : memref<1600x128xf32, #tpu.memory_space<vmem>>, vector<1600x128xf32>,
    %get3A_48 = arith.constant 0 : index
    %get3A_49 = arith.constant 0 : index
    %get3A_50 = vector.load %arg9[%get3A_48, %get3A_49] : memref<128x128xbf16, #tpu.memory_space<vmem>>, vector<128x128xbf16>
    %dot_general3A_51 = arith.constant dense<0.000000e+00> : vector<1600x128xf32>
    %dot_general3A_52 = tpu.matmul %convert_element_type3A, %get3A_50, %dot_general3A_51 {dimension_numbers = #tpu.dot_dimension_numbers<[1], [0], [0], [1], [0, 0, 1, 1], [], []>, transpose_lhs_hint = false} : vector<1600x128xbf16>, vector<128x128xbf16>, vector<1600x128xf32> -> vector<1600x128xf32>
    %get3A_53 = arith.constant 0 : index
    %get3A_54 = arith.constant 0 : index
    %get3A_55 = vector.load %arg10[%get3A_53, %get3A_54] : memref<16x128xbf16, #tpu.memory_space<vmem>>, vector<16x128xbf16>
    %dot_general3A_56 = arith.constant dense<0.000000e+00> : vector<1600x128xf32>
    %dot_general3A_57 = tpu.matmul %get3A_15, %get3A_55, %dot_general3A_56 {dimension_numbers = #tpu.dot_dimension_numbers<[1], [0], [0], [1], [0, 0, 1, 1], [], []>, transpose_lhs_hint = false} : vector<1600x16xbf16>, vector<16x128xbf16>, vector<1600x128xf32> -> vector<1600x128xf32>
    %add3A_58 = arith.addf %dot_general3A_52, %dot_general3A_57 : vector<1600x128xf32>
    %get3A_59 = arith.constant 0 : index
    %get3A_60 = arith.constant 0 : index
    %get3A_61 = vector.load %arg11[%get3A_59, %get3A_60] : memref<1x128xf32, #tpu.memory_space<vmem>>, vector<1x128xf32>
    %add3A_62 = vector.broadcast %get3A_61 : vector<1x128xf32> to vector<1600x128xf32>
    %add3A_63 = arith.addf %add3A_58, %add3A_62 : vector<1600x128xf32>
    %logistic3A_64 = arith.negf %add3A_63 : vector<1600x128xf32>
    %logistic3A_65 = math.exp %logistic3A_64 : vector<1600x128xf32>
    %logistic3A_66 = arith.constant 1.000000e+00 : f32
    %logistic3A_67 = vector.broadcast %logistic3A_66 : f32 to vector<1600x128xf32>
    %logistic3A_68 = arith.addf %logistic3A_67, %logistic3A_65 : vector<1600x128xf32>
    %logistic3A_69 = arith.divf %logistic3A_67, %logistic3A_68 : vector<1600x128xf32>
    %mul3A_70 = arith.mulf %add3A_63, %logistic3A_69 : vector<1600x128xf32>
    %convert_element_type3A_71 = arith.truncf %mul3A_70 : vector<1600x128xf32> to vector<1600x128xbf16>
    %get3A_72 = arith.constant 0 : index
    %get3A_73 = arith.constant 0 : index
    %get3A_74 = vector.load %arg12[%get3A_72, %get3A_73] : memref<128x128xbf16, #tpu.memory_space<vmem>>, vector<128x128xbf16>
    %dot_general3A_75 = arith.constant dense<0.000000e+00> : vector<1600x128xf32>
    %dot_general3A_76 = tpu.matmul %convert_element_type3A_71, %get3A_74, %dot_general3A_75 {dimension_numbers = #tpu.dot_dimension_numbers<[1], [0], [0], [1], [0, 0, 1, 1], [], []>, transpose_lhs_hint = false} : vector<1600x128xbf16>, vector<128x128xbf16>, vector<1600x128xf32> -> vector<1600x128xf32>
    %get3A_77 = arith.constant 0 : index
    %get3A_78 = arith.constant 0 : index
    %get3A_79 = vector.load %arg13[%get3A_77, %get3A_78] : memref<1x128xf32, #tpu.memory_space<vmem>>, vector<1x128xf32>
    %add3A_80 = vector.broadcast %get3A_79 : vector<1x128xf32> to vector<1600x128xf32>
    %add3A_81 = arith.addf %dot_general3A_76, %add3A_80 : vector<1600x128xf32>
    %and3A = arith.constant -65536 : i32
    %and3A_82 = vector.broadcast %and3A : i32 to vector<1600x128xi32>
    %and3A_83 = arith.andi %get3A_1, %and3A_82 : vector<1600x128xi32>
    %bitcast_convert_type3A_84 = tpu.bitcast %and3A_83 : vector<1600x128xi32> -> vector<1600x128xf32>
    %and3A_85 = arith.constant -65536 : i32
    %and3A_86 = vector.broadcast %and3A_85 : i32 to vector<1600x128xi32>
    %and3A_87 = arith.andi %get3A_7, %and3A_86 : vector<1600x128xi32>
    %bitcast_convert_type3A_88 = tpu.bitcast %and3A_87 : vector<1600x128xi32> -> vector<1600x128xf32>
    %sub3A = arith.subf %bitcast_convert_type3A_84, %bitcast_convert_type3A_88 : vector<1600x128xf32>
    %shift_left3A_89 = arith.constant 16 : i32
    %shift_left3A_90 = vector.broadcast %shift_left3A_89 : i32 to vector<1600x128xi32>
    %shift_left3A_91 = arith.shli %get3A_4, %shift_left3A_90 : vector<1600x128xi32>
    %bitcast_convert_type3A_92 = tpu.bitcast %shift_left3A_91 : vector<1600x128xi32> -> vector<1600x128xf32>
    %shift_left3A_93 = arith.constant 16 : i32
    %shift_left3A_94 = vector.broadcast %shift_left3A_93 : i32 to vector<1600x128xi32>
    %shift_left3A_95 = arith.shli %get3A_10, %shift_left3A_94 : vector<1600x128xi32>
    %bitcast_convert_type3A_96 = tpu.bitcast %shift_left3A_95 : vector<1600x128xi32> -> vector<1600x128xf32>
    %sub3A_97 = arith.subf %bitcast_convert_type3A_92, %bitcast_convert_type3A_96 : vector<1600x128xf32>
    %and3A_98 = arith.constant -65536 : i32
    %and3A_99 = vector.broadcast %and3A_98 : i32 to vector<1600x128xi32>
    %and3A_100 = arith.andi %get3A_4, %and3A_99 : vector<1600x128xi32>
    %bitcast_convert_type3A_101 = tpu.bitcast %and3A_100 : vector<1600x128xi32> -> vector<1600x128xf32>
    %and3A_102 = arith.constant -65536 : i32
    %and3A_103 = vector.broadcast %and3A_102 : i32 to vector<1600x128xi32>
    %and3A_104 = arith.andi %get3A_10, %and3A_103 : vector<1600x128xi32>
    %bitcast_convert_type3A_105 = tpu.bitcast %and3A_104 : vector<1600x128xi32> -> vector<1600x128xf32>
    %sub3A_106 = arith.subf %bitcast_convert_type3A_101, %bitcast_convert_type3A_105 : vector<1600x128xf32>
    %mul3A_107 = arith.mulf %sub3A, %sub3A : vector<1600x128xf32>
    %mul3A_108 = arith.mulf %sub3A_97, %sub3A_97 : vector<1600x128xf32>
    %add3A_109 = arith.addf %mul3A_107, %mul3A_108 : vector<1600x128xf32>
    %mul3A_110 = arith.mulf %sub3A_106, %sub3A_106 : vector<1600x128xf32>
    %add3A_111 = arith.addf %add3A_109, %mul3A_110 : vector<1600x128xf32>
    %sqrt3A = math.sqrt %add3A_111 : vector<1600x128xf32>
    %add3A_112 = arith.constant 9.99999993E-9 : f32
    %add3A_113 = vector.broadcast %add3A_112 : f32 to vector<1600x128xf32>
    %add3A_114 = arith.addf %sqrt3A, %add3A_113 : vector<1600x128xf32>
    %div3A = arith.divf %add3A_81, %add3A_114 : vector<1600x128xf32>
    %mul3A_115 = arith.mulf %div3A, %sub3A : vector<1600x128xf32>
    %swap3A_116 = arith.constant 0 : index
    %swap3A_117 = arith.constant 0 : index
    %swap3A_118 = vector.load %arg15[%swap3A_116, %swap3A_117] : memref<1600x128xf32, #tpu.memory_space<vmem>>, vector<1600x128xf32>
    tpu.vector_store %arg15[%swap3A_116, %swap3A_117], %mul3A_115 {strides = array<i32>} : memref<1600x128xf32, #tpu.memory_space<vmem>>, vector<1600x128xf32>,
    %mul3A_119 = arith.mulf %div3A, %sub3A_97 : vector<1600x128xf32>
    %swap3A_120 = arith.constant 0 : index
    %swap3A_121 = arith.constant 0 : index
    %swap3A_122 = vector.load %arg16[%swap3A_120, %swap3A_121] : memref<1600x128xf32, #tpu.memory_space<vmem>>, vector<1600x128xf32>
    tpu.vector_store %arg16[%swap3A_120, %swap3A_121], %mul3A_119 {strides = array<i32>} : memref<1600x128xf32, #tpu.memory_space<vmem>>, vector<1600x128xf32>,
    %mul3A_123 = arith.mulf %div3A, %sub3A_106 : vector<1600x128xf32>
    %swap3A_124 = arith.constant 0 : index
    %swap3A_125 = arith.constant 0 : index
    %swap3A_126 = vector.load %arg17[%swap3A_124, %swap3A_125] : memref<1600x128xf32, #tpu.memory_space<vmem>>, vector<1600x128xf32>
    tpu.vector_store %arg17[%swap3A_124, %swap3A_125], %mul3A_123 {strides = array<i32>} : memref<1600x128xf32, #tpu.memory_space<vmem>>, vector<1600x128xf32>,
    return
  }
  func.func @transform_0(%arg0: i32) -> (i32, i32) {
    %c0_i32 = arith.constant 0 : i32
    %c0_i32_0 = arith.constant 0 : i32
    return %arg0, %c0_i32 : i32, i32
  }
  func.func @transform_1(%arg0: i32) -> (i32, i32) {
    %c0_i32 = arith.constant 0 : i32
    %c0_i32_0 = arith.constant 0 : i32
    return %arg0, %c0_i32 : i32, i32
  }
  func.func @transform_2(%arg0: i32) -> (i32, i32) {
    %c0_i32 = arith.constant 0 : i32
    %c0_i32_0 = arith.constant 0 : i32
    return %arg0, %c0_i32 : i32, i32
  }
  func.func @transform_3(%arg0: i32) -> (i32, i32) {
    %c0_i32 = arith.constant 0 : i32
    %c0_i32_0 = arith.constant 0 : i32
    %c0_i32_1 = arith.constant 0 : i32
    return %c0_i32, %c0_i32_0 : i32, i32
  }
  func.func @transform_4(%arg0: i32) -> (i32, i32) {
    %c0_i32 = arith.constant 0 : i32
    %c0_i32_0 = arith.constant 0 : i32
    %c0_i32_1 = arith.constant 0 : i32
    return %c0_i32, %c0_i32_0 : i32, i32
  }
  func.func @transform_5(%arg0: i32) -> (i32, i32) {
    %c0_i32 = arith.constant 0 : i32
    %c0_i32_0 = arith.constant 0 : i32
    %c0_i32_1 = arith.constant 0 : i32
    return %c0_i32, %c0_i32_0 : i32, i32
  }
  func.func @transform_6(%arg0: i32) -> (i32, i32) {
    %c0_i32 = arith.constant 0 : i32
    %c0_i32_0 = arith.constant 0 : i32
    %c0_i32_1 = arith.constant 0 : i32
    return %c0_i32, %c0_i32_0 : i32, i32
  }
  func.func @transform_7(%arg0: i32) -> (i32, i32) {
    %c0_i32 = arith.constant 0 : i32
    %c0_i32_0 = arith.constant 0 : i32
    %c0_i32_1 = arith.constant 0 : i32
    return %c0_i32, %c0_i32_0 : i32, i32
  }
  func.func @transform_8(%arg0: i32) -> (i32, i32) {
    %c0_i32 = arith.constant 0 : i32
    %c0_i32_0 = arith.constant 0 : i32
    %c0_i32_1 = arith.constant 0 : i32
    return %c0_i32, %c0_i32_0 : i32, i32
  }
  func.func @transform_9(%arg0: i32) -> (i32, i32) {
    %c0_i32 = arith.constant 0 : i32
    %c0_i32_0 = arith.constant 0 : i32
    %c0_i32_1 = arith.constant 0 : i32
    return %c0_i32, %c0_i32_0 : i32, i32
  }
  func.func @transform_10(%arg0: i32) -> (i32, i32) {
    %c0_i32 = arith.constant 0 : i32
    %c0_i32_0 = arith.constant 0 : i32
    %c0_i32_1 = arith.constant 0 : i32
    return %c0_i32, %c0_i32_0 : i32, i32
  }
  func.func @transform_11(%arg0: i32) -> (i32, i32) {
    %c0_i32 = arith.constant 0 : i32
    %c0_i32_0 = arith.constant 0 : i32
    %c0_i32_1 = arith.constant 0 : i32
    return %c0_i32, %c0_i32_0 : i32, i32
  }
  func.func @transform_12(%arg0: i32) -> (i32, i32) {
    %c0_i32 = arith.constant 0 : i32
    %c0_i32_0 = arith.constant 0 : i32
    %c0_i32_1 = arith.constant 0 : i32
    return %c0_i32, %c0_i32_0 : i32, i32
  }
  func.func @transform_13(%arg0: i32) -> (i32, i32) {
    %c0_i32 = arith.constant 0 : i32
    %c0_i32_0 = arith.constant 0 : i32
    return %arg0, %c0_i32 : i32, i32
  }
  func.func @transform_14(%arg0: i32) -> (i32, i32) {
    %c0_i32 = arith.constant 0 : i32
    %c0_i32_0 = arith.constant 0 : i32
    return %arg0, %c0_i32 : i32, i32
  }
  func.func @transform_15(%arg0: i32) -> (i32, i32) {
    %c0_i32 = arith.constant 0 : i32
    %c0_i32_0 = arith.constant 0 : i32
    return %arg0, %c0_i32 : i32, i32
  }
  func.func @transform_16(%arg0: i32) -> (i32, i32) {
    %c0_i32 = arith.constant 0 : i32
    %c0_i32_0 = arith.constant 0 : i32
    return %arg0, %c0_i32 : i32, i32
  }
}

module attributes {stable_mosaic.version = 14 : i64} {
  func.func @_node_body(%arg0: i32, %arg1: memref<2000x128xf32, #tpu.memory_space<vmem>>, %arg2: memref<2000x384xf32, #tpu.memory_space<vmem>>, %arg3: memref<2x2000x128xf32, #tpu.memory_space<vmem>>, %arg4: memref<2x2000x128xf32, #tpu.memory_space<vmem>>, %arg5: memref<2x2000x128xf32, #tpu.memory_space<vmem>>, %arg6: memref<2x2000x128xf32, #tpu.memory_space<vmem>>, %arg7: memref<128x128xbf16, #tpu.memory_space<vmem>>, %arg8: memref<128x128xbf16, #tpu.memory_space<vmem>>, %arg9: memref<1x128xf32, #tpu.memory_space<vmem>>, %arg10: memref<128x128xbf16, #tpu.memory_space<vmem>>, %arg11: memref<1x128xf32, #tpu.memory_space<vmem>>, %arg12: memref<128x128xbf16, #tpu.memory_space<vmem>>, %arg13: memref<128x128xbf16, #tpu.memory_space<vmem>>, %arg14: memref<1x128xf32, #tpu.memory_space<vmem>>, %arg15: memref<128x128xbf16, #tpu.memory_space<vmem>>, %arg16: memref<1x128xf32, #tpu.memory_space<vmem>>, %arg17: memref<2000x128xf32, #tpu.memory_space<vmem>>, %arg18: memref<2000x384xf32, #tpu.memory_space<vmem>>) attributes {dimension_semantics = [#tpu.dimension_semantics<arbitrary>], iteration_bounds = array<i64: 5>, scalar_prefetch = 0 : i64, scratch_operands = 0 : i64, tpu.core_type = #tpu.core_type<tc>, window_params = [{transform_indices = @transform_0, window_bounds = array<i64: 2000, 128>}, {transform_indices = @transform_1, window_bounds = array<i64: 2000, 384>}, {transform_indices = @transform_2, window_bounds = array<i64: 2, 2000, 128>}, {transform_indices = @transform_3, window_bounds = array<i64: 2, 2000, 128>}, {transform_indices = @transform_4, window_bounds = array<i64: 2, 2000, 128>}, {transform_indices = @transform_5, window_bounds = array<i64: 2, 2000, 128>}, {pipeline_mode = #tpu.pipeline_mode<synchronous>, transform_indices = @transform_6, window_bounds = array<i64: 128, 128>}, {pipeline_mode = #tpu.pipeline_mode<synchronous>, transform_indices = @transform_7, window_bounds = array<i64: 128, 128>}, {pipeline_mode = #tpu.pipeline_mode<synchronous>, transform_indices = @transform_8, window_bounds = array<i64: 1, 128>}, {pipeline_mode = #tpu.pipeline_mode<synchronous>, transform_indices = @transform_9, window_bounds = array<i64: 128, 128>}, {pipeline_mode = #tpu.pipeline_mode<synchronous>, transform_indices = @transform_10, window_bounds = array<i64: 1, 128>}, {pipeline_mode = #tpu.pipeline_mode<synchronous>, transform_indices = @transform_11, window_bounds = array<i64: 128, 128>}, {pipeline_mode = #tpu.pipeline_mode<synchronous>, transform_indices = @transform_12, window_bounds = array<i64: 128, 128>}, {pipeline_mode = #tpu.pipeline_mode<synchronous>, transform_indices = @transform_13, window_bounds = array<i64: 1, 128>}, {pipeline_mode = #tpu.pipeline_mode<synchronous>, transform_indices = @transform_14, window_bounds = array<i64: 128, 128>}, {pipeline_mode = #tpu.pipeline_mode<synchronous>, transform_indices = @transform_15, window_bounds = array<i64: 1, 128>}, {transform_indices = @transform_16, window_bounds = array<i64: 2000, 128>}, {transform_indices = @transform_17, window_bounds = array<i64: 2000, 384>}]} {
    %get3A = arith.constant 0 : index
    %get3A_0 = arith.constant 0 : index
    %get3A_1 = vector.load %arg1[%get3A, %get3A_0] : memref<2000x128xf32, #tpu.memory_space<vmem>>, vector<2000x128xf32>
    %get3A_2 = arith.constant 0 : index
    %get3A_3 = arith.constant 0 : index
    %get3A_4 = arith.constant 0 : index
    %get3A_5 = vector.load %arg3[%get3A_2, %get3A_3, %get3A_4] : memref<2x2000x128xf32, #tpu.memory_space<vmem>>, vector<1x2000x128xf32>
    %get3A_6 = vector.shape_cast %get3A_5 : vector<1x2000x128xf32> to vector<2000x128xf32>
    %get3A_7 = arith.constant 1 : index
    %get3A_8 = arith.constant 0 : index
    %get3A_9 = arith.constant 0 : index
    %get3A_10 = vector.load %arg3[%get3A_7, %get3A_8, %get3A_9] : memref<2x2000x128xf32, #tpu.memory_space<vmem>>, vector<1x2000x128xf32>
    %get3A_11 = vector.shape_cast %get3A_10 : vector<1x2000x128xf32> to vector<2000x128xf32>
    %add3A = arith.addf %get3A_6, %get3A_11 : vector<2000x128xf32>
    %convert_element_type3A = arith.truncf %add3A : vector<2000x128xf32> to vector<2000x128xbf16>
    %convert_element_type3A_12 = arith.truncf %get3A_1 : vector<2000x128xf32> to vector<2000x128xbf16>
    %get3A_13 = arith.constant 0 : index
    %get3A_14 = arith.constant 0 : index
    %get3A_15 = vector.load %arg7[%get3A_13, %get3A_14] : memref<128x128xbf16, #tpu.memory_space<vmem>>, vector<128x128xbf16>
    %dot_general3A = arith.constant dense<0.000000e+00> : vector<2000x128xf32>
    %dot_general3A_16 = tpu.matmul %convert_element_type3A_12, %get3A_15, %dot_general3A {dimension_numbers = #tpu.dot_dimension_numbers<[1], [0], [0], [1], [0, 0, 1, 1], [], []>, transpose_lhs_hint = false} : vector<2000x128xbf16>, vector<128x128xbf16>, vector<2000x128xf32> -> vector<2000x128xf32>
    %get3A_17 = arith.constant 0 : index
    %get3A_18 = arith.constant 0 : index
    %get3A_19 = vector.load %arg8[%get3A_17, %get3A_18] : memref<128x128xbf16, #tpu.memory_space<vmem>>, vector<128x128xbf16>
    %dot_general3A_20 = arith.constant dense<0.000000e+00> : vector<2000x128xf32>
    %dot_general3A_21 = tpu.matmul %convert_element_type3A, %get3A_19, %dot_general3A_20 {dimension_numbers = #tpu.dot_dimension_numbers<[1], [0], [0], [1], [0, 0, 1, 1], [], []>, transpose_lhs_hint = false} : vector<2000x128xbf16>, vector<128x128xbf16>, vector<2000x128xf32> -> vector<2000x128xf32>
    %add3A_22 = arith.addf %dot_general3A_16, %dot_general3A_21 : vector<2000x128xf32>
    %get3A_23 = arith.constant 0 : index
    %get3A_24 = arith.constant 0 : index
    %get3A_25 = vector.load %arg9[%get3A_23, %get3A_24] : memref<1x128xf32, #tpu.memory_space<vmem>>, vector<1x128xf32>
    %add3A_26 = vector.broadcast %get3A_25 : vector<1x128xf32> to vector<2000x128xf32>
    %add3A_27 = arith.addf %add3A_22, %add3A_26 : vector<2000x128xf32>
    %logistic3A = arith.negf %add3A_27 : vector<2000x128xf32>
    %logistic3A_28 = math.exp %logistic3A : vector<2000x128xf32>
    %logistic3A_29 = arith.constant 1.000000e+00 : f32
    %logistic3A_30 = vector.broadcast %logistic3A_29 : f32 to vector<2000x128xf32>
    %logistic3A_31 = arith.addf %logistic3A_30, %logistic3A_28 : vector<2000x128xf32>
    %logistic3A_32 = arith.divf %logistic3A_30, %logistic3A_31 : vector<2000x128xf32>
    %mul3A = arith.mulf %add3A_27, %logistic3A_32 : vector<2000x128xf32>
    %convert_element_type3A_33 = arith.truncf %mul3A : vector<2000x128xf32> to vector<2000x128xbf16>
    %get3A_34 = arith.constant 0 : index
    %get3A_35 = arith.constant 0 : index
    %get3A_36 = vector.load %arg10[%get3A_34, %get3A_35] : memref<128x128xbf16, #tpu.memory_space<vmem>>, vector<128x128xbf16>
    %dot_general3A_37 = arith.constant dense<0.000000e+00> : vector<2000x128xf32>
    %dot_general3A_38 = tpu.matmul %convert_element_type3A_33, %get3A_36, %dot_general3A_37 {dimension_numbers = #tpu.dot_dimension_numbers<[1], [0], [0], [1], [0, 0, 1, 1], [], []>, transpose_lhs_hint = false} : vector<2000x128xbf16>, vector<128x128xbf16>, vector<2000x128xf32> -> vector<2000x128xf32>
    %get3A_39 = arith.constant 0 : index
    %get3A_40 = arith.constant 0 : index
    %get3A_41 = vector.load %arg11[%get3A_39, %get3A_40] : memref<1x128xf32, #tpu.memory_space<vmem>>, vector<1x128xf32>
    %add3A_42 = vector.broadcast %get3A_41 : vector<1x128xf32> to vector<2000x128xf32>
    %add3A_43 = arith.addf %dot_general3A_38, %add3A_42 : vector<2000x128xf32>
    %add3A_44 = arith.addf %get3A_1, %add3A_43 : vector<2000x128xf32>
    %swap3A = arith.constant 0 : index
    %swap3A_45 = arith.constant 0 : index
    %swap3A_46 = vector.load %arg17[%swap3A, %swap3A_45] : memref<2000x128xf32, #tpu.memory_space<vmem>>, vector<2000x128xf32>
    tpu.vector_store %arg17[%swap3A, %swap3A_45], %add3A_44 {strides = array<i32>} : memref<2000x128xf32, #tpu.memory_space<vmem>>, vector<2000x128xf32>,
    %get3A_47 = arith.constant 0 : index
    %get3A_48 = arith.constant 0 : index
    %get3A_49 = vector.load %arg2[%get3A_47, %get3A_48] : memref<2000x384xf32, #tpu.memory_space<vmem>>, vector<2000x128xf32>
    %get3A_50 = arith.constant 0 : index
    %get3A_51 = arith.constant 0 : index
    %get3A_52 = arith.constant 0 : index
    %get3A_53 = vector.load %arg4[%get3A_50, %get3A_51, %get3A_52] : memref<2x2000x128xf32, #tpu.memory_space<vmem>>, vector<1x2000x128xf32>
    %get3A_54 = vector.shape_cast %get3A_53 : vector<1x2000x128xf32> to vector<2000x128xf32>
    %get3A_55 = arith.constant 1 : index
    %get3A_56 = arith.constant 0 : index
    %get3A_57 = arith.constant 0 : index
    %get3A_58 = vector.load %arg4[%get3A_55, %get3A_56, %get3A_57] : memref<2x2000x128xf32, #tpu.memory_space<vmem>>, vector<1x2000x128xf32>
    %get3A_59 = vector.shape_cast %get3A_58 : vector<1x2000x128xf32> to vector<2000x128xf32>
    %add3A_60 = arith.addf %get3A_54, %get3A_59 : vector<2000x128xf32>
    %convert_element_type3A_61 = arith.truncf %add3A_60 : vector<2000x128xf32> to vector<2000x128xbf16>
    %convert_element_type3A_62 = arith.truncf %get3A_49 : vector<2000x128xf32> to vector<2000x128xbf16>
    %get3A_63 = arith.constant 0 : index
    %get3A_64 = arith.constant 0 : index
    %get3A_65 = vector.load %arg12[%get3A_63, %get3A_64] : memref<128x128xbf16, #tpu.memory_space<vmem>>, vector<128x128xbf16>
    %dot_general3A_66 = arith.constant dense<0.000000e+00> : vector<2000x128xf32>
    %dot_general3A_67 = tpu.matmul %convert_element_type3A_62, %get3A_65, %dot_general3A_66 {dimension_numbers = #tpu.dot_dimension_numbers<[1], [0], [0], [1], [0, 0, 1, 1], [], []>, transpose_lhs_hint = false} : vector<2000x128xbf16>, vector<128x128xbf16>, vector<2000x128xf32> -> vector<2000x128xf32>
    %get3A_68 = arith.constant 0 : index
    %get3A_69 = arith.constant 0 : index
    %get3A_70 = vector.load %arg13[%get3A_68, %get3A_69] : memref<128x128xbf16, #tpu.memory_space<vmem>>, vector<128x128xbf16>
    %dot_general3A_71 = arith.constant dense<0.000000e+00> : vector<2000x128xf32>
    %dot_general3A_72 = tpu.matmul %convert_element_type3A_61, %get3A_70, %dot_general3A_71 {dimension_numbers = #tpu.dot_dimension_numbers<[1], [0], [0], [1], [0, 0, 1, 1], [], []>, transpose_lhs_hint = false} : vector<2000x128xbf16>, vector<128x128xbf16>, vector<2000x128xf32> -> vector<2000x128xf32>
    %add3A_73 = arith.addf %dot_general3A_67, %dot_general3A_72 : vector<2000x128xf32>
    %get3A_74 = arith.constant 0 : index
    %get3A_75 = arith.constant 0 : index
    %get3A_76 = vector.load %arg14[%get3A_74, %get3A_75] : memref<1x128xf32, #tpu.memory_space<vmem>>, vector<1x128xf32>
    %add3A_77 = vector.broadcast %get3A_76 : vector<1x128xf32> to vector<2000x128xf32>
    %add3A_78 = arith.addf %add3A_73, %add3A_77 : vector<2000x128xf32>
    %logistic3A_79 = arith.negf %add3A_78 : vector<2000x128xf32>
    %logistic3A_80 = math.exp %logistic3A_79 : vector<2000x128xf32>
    %logistic3A_81 = arith.constant 1.000000e+00 : f32
    %logistic3A_82 = vector.broadcast %logistic3A_81 : f32 to vector<2000x128xf32>
    %logistic3A_83 = arith.addf %logistic3A_82, %logistic3A_80 : vector<2000x128xf32>
    %logistic3A_84 = arith.divf %logistic3A_82, %logistic3A_83 : vector<2000x128xf32>
    %mul3A_85 = arith.mulf %add3A_78, %logistic3A_84 : vector<2000x128xf32>
    %convert_element_type3A_86 = arith.truncf %mul3A_85 : vector<2000x128xf32> to vector<2000x128xbf16>
    %get3A_87 = arith.constant 0 : index
    %get3A_88 = arith.constant 0 : index
    %get3A_89 = vector.load %arg15[%get3A_87, %get3A_88] : memref<128x128xbf16, #tpu.memory_space<vmem>>, vector<128x128xbf16>
    %dot_general3A_90 = arith.constant dense<0.000000e+00> : vector<2000x128xf32>
    %dot_general3A_91 = tpu.matmul %convert_element_type3A_86, %get3A_89, %dot_general3A_90 {dimension_numbers = #tpu.dot_dimension_numbers<[1], [0], [0], [1], [0, 0, 1, 1], [], []>, transpose_lhs_hint = false} : vector<2000x128xbf16>, vector<128x128xbf16>, vector<2000x128xf32> -> vector<2000x128xf32>
    %get3A_92 = arith.constant 0 : index
    %get3A_93 = arith.constant 0 : index
    %get3A_94 = vector.load %arg16[%get3A_92, %get3A_93] : memref<1x128xf32, #tpu.memory_space<vmem>>, vector<1x128xf32>
    %add3A_95 = vector.broadcast %get3A_94 : vector<1x128xf32> to vector<2000x128xf32>
    %add3A_96 = arith.addf %dot_general3A_91, %add3A_95 : vector<2000x128xf32>
    %add3A_97 = arith.addf %get3A_49, %add3A_96 : vector<2000x128xf32>
    %swap3A_98 = arith.constant 0 : index
    %swap3A_99 = arith.constant 0 : index
    %swap3A_100 = vector.load %arg18[%swap3A_98, %swap3A_99] : memref<2000x384xf32, #tpu.memory_space<vmem>>, vector<2000x128xf32>
    tpu.vector_store %arg18[%swap3A_98, %swap3A_99], %add3A_97 {strides = array<i32>} : memref<2000x384xf32, #tpu.memory_space<vmem>>, vector<2000x128xf32>,
    %get3A_101 = arith.constant 0 : index
    %get3A_102 = arith.constant 128 : index
    %get3A_103 = vector.load %arg2[%get3A_101, %get3A_102] : memref<2000x384xf32, #tpu.memory_space<vmem>>, vector<2000x128xf32>
    %get3A_104 = arith.constant 0 : index
    %get3A_105 = arith.constant 0 : index
    %get3A_106 = arith.constant 0 : index
    %get3A_107 = vector.load %arg5[%get3A_104, %get3A_105, %get3A_106] : memref<2x2000x128xf32, #tpu.memory_space<vmem>>, vector<1x2000x128xf32>
    %get3A_108 = vector.shape_cast %get3A_107 : vector<1x2000x128xf32> to vector<2000x128xf32>
    %get3A_109 = arith.constant 1 : index
    %get3A_110 = arith.constant 0 : index
    %get3A_111 = arith.constant 0 : index
    %get3A_112 = vector.load %arg5[%get3A_109, %get3A_110, %get3A_111] : memref<2x2000x128xf32, #tpu.memory_space<vmem>>, vector<1x2000x128xf32>
    %get3A_113 = vector.shape_cast %get3A_112 : vector<1x2000x128xf32> to vector<2000x128xf32>
    %add3A_114 = arith.addf %get3A_108, %get3A_113 : vector<2000x128xf32>
    %convert_element_type3A_115 = arith.truncf %add3A_114 : vector<2000x128xf32> to vector<2000x128xbf16>
    %convert_element_type3A_116 = arith.truncf %get3A_103 : vector<2000x128xf32> to vector<2000x128xbf16>
    %get3A_117 = arith.constant 0 : index
    %get3A_118 = arith.constant 0 : index
    %get3A_119 = vector.load %arg12[%get3A_117, %get3A_118] : memref<128x128xbf16, #tpu.memory_space<vmem>>, vector<128x128xbf16>
    %dot_general3A_120 = arith.constant dense<0.000000e+00> : vector<2000x128xf32>
    %dot_general3A_121 = tpu.matmul %convert_element_type3A_116, %get3A_119, %dot_general3A_120 {dimension_numbers = #tpu.dot_dimension_numbers<[1], [0], [0], [1], [0, 0, 1, 1], [], []>, transpose_lhs_hint = false} : vector<2000x128xbf16>, vector<128x128xbf16>, vector<2000x128xf32> -> vector<2000x128xf32>
    %get3A_122 = arith.constant 0 : index
    %get3A_123 = arith.constant 0 : index
    %get3A_124 = vector.load %arg13[%get3A_122, %get3A_123] : memref<128x128xbf16, #tpu.memory_space<vmem>>, vector<128x128xbf16>
    %dot_general3A_125 = arith.constant dense<0.000000e+00> : vector<2000x128xf32>
    %dot_general3A_126 = tpu.matmul %convert_element_type3A_115, %get3A_124, %dot_general3A_125 {dimension_numbers = #tpu.dot_dimension_numbers<[1], [0], [0], [1], [0, 0, 1, 1], [], []>, transpose_lhs_hint = false} : vector<2000x128xbf16>, vector<128x128xbf16>, vector<2000x128xf32> -> vector<2000x128xf32>
    %add3A_127 = arith.addf %dot_general3A_121, %dot_general3A_126 : vector<2000x128xf32>
    %get3A_128 = arith.constant 0 : index
    %get3A_129 = arith.constant 0 : index
    %get3A_130 = vector.load %arg14[%get3A_128, %get3A_129] : memref<1x128xf32, #tpu.memory_space<vmem>>, vector<1x128xf32>
    %add3A_131 = vector.broadcast %get3A_130 : vector<1x128xf32> to vector<2000x128xf32>
    %add3A_132 = arith.addf %add3A_127, %add3A_131 : vector<2000x128xf32>
    %logistic3A_133 = arith.negf %add3A_132 : vector<2000x128xf32>
    %logistic3A_134 = math.exp %logistic3A_133 : vector<2000x128xf32>
    %logistic3A_135 = arith.constant 1.000000e+00 : f32
    %logistic3A_136 = vector.broadcast %logistic3A_135 : f32 to vector<2000x128xf32>
    %logistic3A_137 = arith.addf %logistic3A_136, %logistic3A_134 : vector<2000x128xf32>
    %logistic3A_138 = arith.divf %logistic3A_136, %logistic3A_137 : vector<2000x128xf32>
    %mul3A_139 = arith.mulf %add3A_132, %logistic3A_138 : vector<2000x128xf32>
    %convert_element_type3A_140 = arith.truncf %mul3A_139 : vector<2000x128xf32> to vector<2000x128xbf16>
    %get3A_141 = arith.constant 0 : index
    %get3A_142 = arith.constant 0 : index
    %get3A_143 = vector.load %arg15[%get3A_141, %get3A_142] : memref<128x128xbf16, #tpu.memory_space<vmem>>, vector<128x128xbf16>
    %dot_general3A_144 = arith.constant dense<0.000000e+00> : vector<2000x128xf32>
    %dot_general3A_145 = tpu.matmul %convert_element_type3A_140, %get3A_143, %dot_general3A_144 {dimension_numbers = #tpu.dot_dimension_numbers<[1], [0], [0], [1], [0, 0, 1, 1], [], []>, transpose_lhs_hint = false} : vector<2000x128xbf16>, vector<128x128xbf16>, vector<2000x128xf32> -> vector<2000x128xf32>
    %get3A_146 = arith.constant 0 : index
    %get3A_147 = arith.constant 0 : index
    %get3A_148 = vector.load %arg16[%get3A_146, %get3A_147] : memref<1x128xf32, #tpu.memory_space<vmem>>, vector<1x128xf32>
    %add3A_149 = vector.broadcast %get3A_148 : vector<1x128xf32> to vector<2000x128xf32>
    %add3A_150 = arith.addf %dot_general3A_145, %add3A_149 : vector<2000x128xf32>
    %add3A_151 = arith.addf %get3A_103, %add3A_150 : vector<2000x128xf32>
    %swap3A_152 = arith.constant 0 : index
    %swap3A_153 = arith.constant 128 : index
    %swap3A_154 = vector.load %arg18[%swap3A_152, %swap3A_153] : memref<2000x384xf32, #tpu.memory_space<vmem>>, vector<2000x128xf32>
    tpu.vector_store %arg18[%swap3A_152, %swap3A_153], %add3A_151 {strides = array<i32>} : memref<2000x384xf32, #tpu.memory_space<vmem>>, vector<2000x128xf32>,
    %get3A_155 = arith.constant 0 : index
    %get3A_156 = arith.constant 256 : index
    %get3A_157 = vector.load %arg2[%get3A_155, %get3A_156] : memref<2000x384xf32, #tpu.memory_space<vmem>>, vector<2000x128xf32>
    %get3A_158 = arith.constant 0 : index
    %get3A_159 = arith.constant 0 : index
    %get3A_160 = arith.constant 0 : index
    %get3A_161 = vector.load %arg6[%get3A_158, %get3A_159, %get3A_160] : memref<2x2000x128xf32, #tpu.memory_space<vmem>>, vector<1x2000x128xf32>
    %get3A_162 = vector.shape_cast %get3A_161 : vector<1x2000x128xf32> to vector<2000x128xf32>
    %get3A_163 = arith.constant 1 : index
    %get3A_164 = arith.constant 0 : index
    %get3A_165 = arith.constant 0 : index
    %get3A_166 = vector.load %arg6[%get3A_163, %get3A_164, %get3A_165] : memref<2x2000x128xf32, #tpu.memory_space<vmem>>, vector<1x2000x128xf32>
    %get3A_167 = vector.shape_cast %get3A_166 : vector<1x2000x128xf32> to vector<2000x128xf32>
    %add3A_168 = arith.addf %get3A_162, %get3A_167 : vector<2000x128xf32>
    %convert_element_type3A_169 = arith.truncf %add3A_168 : vector<2000x128xf32> to vector<2000x128xbf16>
    %convert_element_type3A_170 = arith.truncf %get3A_157 : vector<2000x128xf32> to vector<2000x128xbf16>
    %get3A_171 = arith.constant 0 : index
    %get3A_172 = arith.constant 0 : index
    %get3A_173 = vector.load %arg12[%get3A_171, %get3A_172] : memref<128x128xbf16, #tpu.memory_space<vmem>>, vector<128x128xbf16>
    %dot_general3A_174 = arith.constant dense<0.000000e+00> : vector<2000x128xf32>
    %dot_general3A_175 = tpu.matmul %convert_element_type3A_170, %get3A_173, %dot_general3A_174 {dimension_numbers = #tpu.dot_dimension_numbers<[1], [0], [0], [1], [0, 0, 1, 1], [], []>, transpose_lhs_hint = false} : vector<2000x128xbf16>, vector<128x128xbf16>, vector<2000x128xf32> -> vector<2000x128xf32>
    %get3A_176 = arith.constant 0 : index
    %get3A_177 = arith.constant 0 : index
    %get3A_178 = vector.load %arg13[%get3A_176, %get3A_177] : memref<128x128xbf16, #tpu.memory_space<vmem>>, vector<128x128xbf16>
    %dot_general3A_179 = arith.constant dense<0.000000e+00> : vector<2000x128xf32>
    %dot_general3A_180 = tpu.matmul %convert_element_type3A_169, %get3A_178, %dot_general3A_179 {dimension_numbers = #tpu.dot_dimension_numbers<[1], [0], [0], [1], [0, 0, 1, 1], [], []>, transpose_lhs_hint = false} : vector<2000x128xbf16>, vector<128x128xbf16>, vector<2000x128xf32> -> vector<2000x128xf32>
    %add3A_181 = arith.addf %dot_general3A_175, %dot_general3A_180 : vector<2000x128xf32>
    %get3A_182 = arith.constant 0 : index
    %get3A_183 = arith.constant 0 : index
    %get3A_184 = vector.load %arg14[%get3A_182, %get3A_183] : memref<1x128xf32, #tpu.memory_space<vmem>>, vector<1x128xf32>
    %add3A_185 = vector.broadcast %get3A_184 : vector<1x128xf32> to vector<2000x128xf32>
    %add3A_186 = arith.addf %add3A_181, %add3A_185 : vector<2000x128xf32>
    %logistic3A_187 = arith.negf %add3A_186 : vector<2000x128xf32>
    %logistic3A_188 = math.exp %logistic3A_187 : vector<2000x128xf32>
    %logistic3A_189 = arith.constant 1.000000e+00 : f32
    %logistic3A_190 = vector.broadcast %logistic3A_189 : f32 to vector<2000x128xf32>
    %logistic3A_191 = arith.addf %logistic3A_190, %logistic3A_188 : vector<2000x128xf32>
    %logistic3A_192 = arith.divf %logistic3A_190, %logistic3A_191 : vector<2000x128xf32>
    %mul3A_193 = arith.mulf %add3A_186, %logistic3A_192 : vector<2000x128xf32>
    %convert_element_type3A_194 = arith.truncf %mul3A_193 : vector<2000x128xf32> to vector<2000x128xbf16>
    %get3A_195 = arith.constant 0 : index
    %get3A_196 = arith.constant 0 : index
    %get3A_197 = vector.load %arg15[%get3A_195, %get3A_196] : memref<128x128xbf16, #tpu.memory_space<vmem>>, vector<128x128xbf16>
    %dot_general3A_198 = arith.constant dense<0.000000e+00> : vector<2000x128xf32>
    %dot_general3A_199 = tpu.matmul %convert_element_type3A_194, %get3A_197, %dot_general3A_198 {dimension_numbers = #tpu.dot_dimension_numbers<[1], [0], [0], [1], [0, 0, 1, 1], [], []>, transpose_lhs_hint = false} : vector<2000x128xbf16>, vector<128x128xbf16>, vector<2000x128xf32> -> vector<2000x128xf32>
    %get3A_200 = arith.constant 0 : index
    %get3A_201 = arith.constant 0 : index
    %get3A_202 = vector.load %arg16[%get3A_200, %get3A_201] : memref<1x128xf32, #tpu.memory_space<vmem>>, vector<1x128xf32>
    %add3A_203 = vector.broadcast %get3A_202 : vector<1x128xf32> to vector<2000x128xf32>
    %add3A_204 = arith.addf %dot_general3A_199, %add3A_203 : vector<2000x128xf32>
    %add3A_205 = arith.addf %get3A_157, %add3A_204 : vector<2000x128xf32>
    %swap3A_206 = arith.constant 0 : index
    %swap3A_207 = arith.constant 256 : index
    %swap3A_208 = vector.load %arg18[%swap3A_206, %swap3A_207] : memref<2000x384xf32, #tpu.memory_space<vmem>>, vector<2000x128xf32>
    tpu.vector_store %arg18[%swap3A_206, %swap3A_207], %add3A_205 {strides = array<i32>} : memref<2000x384xf32, #tpu.memory_space<vmem>>, vector<2000x128xf32>,
    return
  }
  func.func @transform_0(%arg0: i32) -> (i32, i32) {
    %c0_i32 = arith.constant 0 : i32
    %c0_i32_0 = arith.constant 0 : i32
    return %arg0, %c0_i32 : i32, i32
  }
  func.func @transform_1(%arg0: i32) -> (i32, i32) {
    %c0_i32 = arith.constant 0 : i32
    %c0_i32_0 = arith.constant 0 : i32
    return %arg0, %c0_i32 : i32, i32
  }
  func.func @transform_2(%arg0: i32) -> (i32, i32, i32) {
    %c0_i32 = arith.constant 0 : i32
    %c0_i32_0 = arith.constant 0 : i32
    %c0_i32_1 = arith.constant 0 : i32
    return %c0_i32, %arg0, %c0_i32_0 : i32, i32, i32
  }
  func.func @transform_3(%arg0: i32) -> (i32, i32, i32) {
    %c0_i32 = arith.constant 0 : i32
    %c0_i32_0 = arith.constant 0 : i32
    %c0_i32_1 = arith.constant 0 : i32
    return %c0_i32, %arg0, %c0_i32_0 : i32, i32, i32
  }
  func.func @transform_4(%arg0: i32) -> (i32, i32, i32) {
    %c0_i32 = arith.constant 0 : i32
    %c0_i32_0 = arith.constant 0 : i32
    %c0_i32_1 = arith.constant 0 : i32
    return %c0_i32, %arg0, %c0_i32_0 : i32, i32, i32
  }
  func.func @transform_5(%arg0: i32) -> (i32, i32, i32) {
    %c0_i32 = arith.constant 0 : i32
    %c0_i32_0 = arith.constant 0 : i32
    %c0_i32_1 = arith.constant 0 : i32
    return %c0_i32, %arg0, %c0_i32_0 : i32, i32, i32
  }
  func.func @transform_6(%arg0: i32) -> (i32, i32) {
    %c0_i32 = arith.constant 0 : i32
    %c0_i32_0 = arith.constant 0 : i32
    %c0_i32_1 = arith.constant 0 : i32
    return %c0_i32, %c0_i32_0 : i32, i32
  }
  func.func @transform_7(%arg0: i32) -> (i32, i32) {
    %c0_i32 = arith.constant 0 : i32
    %c0_i32_0 = arith.constant 0 : i32
    %c0_i32_1 = arith.constant 0 : i32
    return %c0_i32, %c0_i32_0 : i32, i32
  }
  func.func @transform_8(%arg0: i32) -> (i32, i32) {
    %c0_i32 = arith.constant 0 : i32
    %c0_i32_0 = arith.constant 0 : i32
    %c0_i32_1 = arith.constant 0 : i32
    return %c0_i32, %c0_i32_0 : i32, i32
  }
  func.func @transform_9(%arg0: i32) -> (i32, i32) {
    %c0_i32 = arith.constant 0 : i32
    %c0_i32_0 = arith.constant 0 : i32
    %c0_i32_1 = arith.constant 0 : i32
    return %c0_i32, %c0_i32_0 : i32, i32
  }
  func.func @transform_10(%arg0: i32) -> (i32, i32) {
    %c0_i32 = arith.constant 0 : i32
    %c0_i32_0 = arith.constant 0 : i32
    %c0_i32_1 = arith.constant 0 : i32
    return %c0_i32, %c0_i32_0 : i32, i32
  }
  func.func @transform_11(%arg0: i32) -> (i32, i32) {
    %c0_i32 = arith.constant 0 : i32
    %c0_i32_0 = arith.constant 0 : i32
    %c0_i32_1 = arith.constant 0 : i32
    return %c0_i32, %c0_i32_0 : i32, i32
  }
  func.func @transform_12(%arg0: i32) -> (i32, i32) {
    %c0_i32 = arith.constant 0 : i32
    %c0_i32_0 = arith.constant 0 : i32
    %c0_i32_1 = arith.constant 0 : i32
    return %c0_i32, %c0_i32_0 : i32, i32
  }
  func.func @transform_13(%arg0: i32) -> (i32, i32) {
    %c0_i32 = arith.constant 0 : i32
    %c0_i32_0 = arith.constant 0 : i32
    %c0_i32_1 = arith.constant 0 : i32
    return %c0_i32, %c0_i32_0 : i32, i32
  }
  func.func @transform_14(%arg0: i32) -> (i32, i32) {
    %c0_i32 = arith.constant 0 : i32
    %c0_i32_0 = arith.constant 0 : i32
    %c0_i32_1 = arith.constant 0 : i32
    return %c0_i32, %c0_i32_0 : i32, i32
  }
  func.func @transform_15(%arg0: i32) -> (i32, i32) {
    %c0_i32 = arith.constant 0 : i32
    %c0_i32_0 = arith.constant 0 : i32
    %c0_i32_1 = arith.constant 0 : i32
    return %c0_i32, %c0_i32_0 : i32, i32
  }
  func.func @transform_16(%arg0: i32) -> (i32, i32) {
    %c0_i32 = arith.constant 0 : i32
    %c0_i32_0 = arith.constant 0 : i32
    return %arg0, %c0_i32 : i32, i32
  }
  func.func @transform_17(%arg0: i32) -> (i32, i32) {
    %c0_i32 = arith.constant 0 : i32
    %c0_i32_0 = arith.constant 0 : i32
    return %arg0, %c0_i32 : i32, i32
  }
}

</mosaic_0001>

<sc_bundles>
// kernel: kernel.11.cloned.1.call-start
scs
__scs_entry_jumppad:
0x0: {  	(pc) =	sbr.rel $0x88, $3  }
0x1: {  	(tag) =	ssettag $0x0;
	lr =	simm.s32 $0x1  }
0x2: {  	[smem:$0x3F8D] =	sst lr;
	_ =	strace $0xD0000000  }
0x3: {  	_ = 	snop  }
0x4: {  	_ = 	snop  }
0x5: {  	_ = 	snop  }
0x6: {  	_ = 	snop  }
0x7: {  	_ = 	snop  }
__scs_overlays_trampoline_lowered:
0x8: {  	[smem:$0x3F9C] =	sst s0  }
0x9: {  	[smem:$0x3F9D] =	sst s1  }
0xa: {  	[smem:$0x3F9E] =	sst s2  }
0xb: {  	[smem:$0x3F9F] =	sst s3  }
0xc: {  	[smem:$0x3FA0] =	sst s4  }
0xd: {  	[smem:$0x3FA1] =	sst s5  }
0xe: {  	[smem:$0x3FA2] =	sst s6  }
0xf: {  	[smem:$0x3FA3] =	sst s7  }
0x10: {  	[smem:$0x3FA4] =	sst s8  }
0x11: {  	[smem:$0x3FA5] =	sst s9;
	s0 =	simm.s32 @!p0 $0x0  }
0x12: {  	s1 =	sld [smem:$0x3F8B];
	s0 =	simm.s32 @p0 $0x1  }
0x13: {  	[smem:$0x3FA6] =	sst s0;
	s0 =	simm.s32 @!p1 $0x0  }
0x14: {  	s2 =	sld [smem:$0x3F8A];
	s0 =	simm.s32 @p1 $0x1  }
0x15: {  	[smem:$0x3FA7] =	sst s0;
	s0 =	simm.s32 @!p2 $0x0  }
0x16: {  	s3 =	sld [smem:$0x3FDB];
	s0 =	simm.s32 @p2 $0x1  }
0x17: {  	s4 =	simm.s32 $0x1BF5;
	[smem:$0x3FA9] =	sst s0  }
0x18: {  	s0 =	sld [smem:$0x3F8C];
	_ =	swait.ge [sflag:s4], $0x0  }
0x19: {  	s7 =	sld [smem:$0x3F8D]  }
0x1a: {  	s8 =	sadd.s32 $0xFFFFE003, lr  }
0x1b: {  	s9 =	sadd.s32 $0xFFFFFEF7, lr;
	s5 =	simm.s32 $0xFFFFFFFF;
	p2 =	slt.u32 s8, $0xFFFFF086  }
0x1c: {  	p1 =	slt.u32 s9, $0xF7A;
	s5 =	simm.s32 @!p2 $0x0  }
0x1d: {  	s5 =	simm.s32 @p1 $0x1;
	p0 =	seq.s32 s7, s2  }
0x1e: {  	s7 =	smul.u32 @!p0 $0xF7A, s2;
	p2 =	seq.s32 @!p0 s5, $0x0  }
0x1f: {  	s9 =	smul.u32 $0xF7A, s1;
	s8 =	simm.s32 @!p0 $0x1BF5;
	p2 =	por !p2, p0  }
0x20: {  	[sflag:s8] =	ssyncset.s32 @!p0 $0xFFFFF086;
	s6 =	sadd.s32 @!p0 s3, s7;
	s7 =	simm.s32 @!p0 $0x108  }
0x21: {  	s3 =	sadd.s32 s3, s9;
	s6 =	sadd.s32 @!p0 $0x88, s6;
	s7 =	simm.s32 @p2 $0x1082  }
0x22: {  	[simem:s7], [sflag:s8] =	dma.local @!p0 [hbm:s6], $0xF7A  }
0x23: {  	s9 =	sor.u32 $0xD0000000, s2;
	s6 =	simm.s32 $0x108;
	_ =	swait.ge @!p0 [sflag:s8], $0x0  }
0x24: {  	s3 =	sadd.s32 $0x88, s3;
	s6 =	simm.s32 @!p1 $0x1082;
	[sflag:s4] =	ssyncset.s32 $0xFFFFF086  }
0x25: {  	[simem:s6], [sflag:s4] =	dma.local [hbm:s3], $0xF7A  }
0x26: {  	[smem:$0x3F8D] =	sst s1;
	(tag) =	ssettag s2;
	_ =	strace s9  }
0x27: {  	s1 =	sld [smem:$0x3F9D]  }
0x28: {  	s2 =	sld [smem:$0x3F9E]  }
0x29: {  	s4 =	sld [smem:$0x3FA0]  }
0x2a: {  	p0 =	seq.s32 s5, $0x0;
	s5 =	sld [smem:$0x3FA1]  }
0x2b: {  	s6 =	sld [smem:$0x3FA2]  }
0x2c: {  	s7 =	sld [smem:$0x3FA3]  }
0x2d: {  	s3 =	simm.s32 $0x108;
	s8 =	sld [smem:$0x3FA4]  }
0x2e: {  	s3 =	simm.s32 @!p0 $0x1082;
	s9 =	sld [smem:$0x3FA5]  }
0x2f: {  	lr =	sadd.s32 s0, s3;
	s0 =	sld [smem:$0x3F9C]  }
0x30: {  	s3 =	sld [smem:$0x3F9F]  }
0x31: {  	[smem:$0x3FA8] =	sst s10  }
0x32: {  	s10 =	sld [smem:$0x3FA6];
	_ =	sdelay $0x3  }
0x33: {  	p0 =	seq.s32 s10, $0x1;
	s10 =	sld [smem:$0x3FA8];
	_ =	sdelay $0x3  }
0x34: {  	[smem:$0x3FA8] =	sst s10  }
0x35: {  	s10 =	sld [smem:$0x3FA7];
	_ =	sdelay $0x3  }
0x36: {  	p1 =	seq.s32 s10, $0x1;
	s10 =	sld [smem:$0x3FA8];
	_ =	sdelay $0x3  }
0x37: {  	[smem:$0x3FA8] =	sst s10  }
0x38: {  	s10 =	sld [smem:$0x3FA9]  }
0x39: {  	_ = 	snop;
	(pc) =	sbr.ind lr, $3  }
0x3a: {  	_ = 	snop  }
0x3b: {  	_ = 	snop  }
0x3c: {  	p2 =	seq.s32 s10, $0x1;
	s10 =	sld [smem:$0x3FA8]  }
0x3d: {  	_ =	shalt  }
0x3e: {  	_ =	shalt  }
0x3f: {  	_ =	shalt  }
0x40: {  	_ =	shalt  }
0x41: {  	_ =	shalt  }
0x42: {  	_ =	shalt  }
0x43: {  	_ =	shalt  }
0x44: {  	_ =	shalt  }
0x45: {  	_ =	shalt  }
0x46: {  	_ =	shalt  }
0x47: {  	_ =	shalt  }
0x48: {  	_ =	shalt  }
0x49: {  	_ =	shalt  }
0x4a: {  	_ =	shalt  }
0x4b: {  	_ =	shalt  }
0x4c: {  	_ =	shalt  }
0x4d: {  	_ =	shalt  }
0x4e: {  	_ =	shalt  }
0x4f: {  	_ =	shalt  }
0x50: {  	_ =	shalt  }
0x51: {  	_ =	shalt  }
0x52: {  	_ =	shalt  }
0x53: {  	_ =	shalt  }
0x54: {  	_ =	shalt  }
0x55: {  	_ =	shalt  }
0x56: {  	_ =	shalt  }
0x57: {  	_ =	shalt  }
0x58: {  	_ =	shalt  }
0x59: {  	_ =	shalt  }
0x5a: {  	_ =	shalt  }
0x5b: {  	_ =	shalt  }
0x5c: {  	_ =	shalt  }
0x5d: {  	_ =	shalt  }
0x5e: {  	_ =	shalt  }
0x5f: {  	_ =	shalt  }
0x60: {  	_ =	shalt  }
0x61: {  	_ =	shalt  }
0x62: {  	_ =	shalt  }
0x63: {  	_ =	shalt  }
0x64: {  	_ =	shalt  }
0x65: {  	_ =	shalt  }
0x66: {  	_ =	shalt  }
0x67: {  	_ =	shalt  }
0x68: {  	_ =	shalt  }
0x69: {  	_ =	shalt  }
0x6a: {  	_ =	shalt  }
0x6b: {  	_ =	shalt  }
0x6c: {  	_ =	shalt  }
0x6d: {  	_ =	shalt  }
0x6e: {  	_ =	shalt  }
0x6f: {  	_ =	shalt  }
0x70: {  	_ =	shalt  }
0x71: {  	_ =	shalt  }
0x72: {  	_ =	shalt  }
0x73: {  	_ =	shalt  }
0x74: {  	_ =	shalt  }
0x75: {  	_ =	shalt  }
0x76: {  	_ =	shalt  }
0x77: {  	_ =	shalt  }
0x78: {  	_ =	shalt  }
0x79: {  	_ =	shalt  }
0x7a: {  	_ =	shalt  }
0x7b: {  	_ =	shalt  }
0x7c: {  	_ =	shalt  }
0x7d: {  	_ =	shalt  }
0x7e: {  	_ =	shalt  }
0x7f: {  	_ =	shalt  }
0x80: {  	_ =	shalt  }
0x81: {  	_ =	shalt  }
0x82: {  	_ =	shalt  }
0x83: {  	_ =	shalt  }
0x84: {  	_ =	shalt  }
0x85: {  	_ =	shalt  }
0x86: {  	_ =	shalt  }
0x87: {  	_ =	shalt  }
.Lfunc_end0:
.L_simem_size_0:
called_computation.1_lowered:
.L_overlay_start_0:
0x88: {  	s2 =	sld [smem:$0x3FD9]  }
0x89: {  	s3 =	sld [smem:$0x3FFE];
	_ =	sdelay $0x1  }
0x8a: {  	s1 =	srdreg.scid  }
0x8b: {  	s0 =	sand.u32 $0x1, s1  }
0x8c: {  	s14 =	sshll.u32 s0, $0xA;
	s2 =	sadd.s32 s3, s2  }
0x8d: {  	s2 =	sadd.s32 s2, s14  }
0x8e: {  	[smem:$0x3FB4] =	sst s2  }
0x8f: {  	_ = 	snop  }
0x90: {  	s2 =	sld [smem:$0x3FD0];
	_ =	sdelay $0x2  }
0x91: {  	s15 =	simm.s32 $0xB;
	s4 =	simm.s32 $0x10  }
0x92: {  	[smem:s4], [sflag:s15] =	dma.local [hbm:s2], $0x1  }
0x93: {  	_ =	swait.eq [sflag:s15], $0x1  }
0x94: {  	[sflag:s15] =	ssyncset.done $0x0  }
0x95: {  	s16 =	sld [smem:$0x10];
	[sflag:s15] =	ssyncadd.s32 $0xFFFFFFFF  }
0x96: {  	s17 =	sld [smem:$0x11];
	(tm) =	ssettm $0x1  }
0x97: {  	s18 =	sld [smem:$0x3FFB];
	_ =	sdelay $0x3  }
0x98: {  	_ =	strace s18  }
0x99: {  	s4 =	sld [smem:$0x3FFC];
	_ =	sdelay $0x3  }
0x9a: {  	_ =	strace s4  }
0x9b: {  	s4 =	sld [smem:$0x3FFD];
	_ =	sdelay $0x3  }
0x9c: {  	_ =	strace s4  }
0x9d: {  	_ =	strace $0x8FFFFFFF  }
0x9e: {  	s19 =	sld [smem:$0x3FDB];
	_ =	sdelay $0x1  }
0x9f: {  	s5 =	simm.s32 $_scs_section_size  }
0xa0: {  	s6 =	simm.s32 $_size__tile_overlayer_lowered;
	s7 =	simm.s32 $_tile_overlayer_lowered  }
0xa1: {  	s22 =	simm.s32 $0x1BFF;
	s21 =	sshll.u32 s7, $0x1;
	s4 =	sadd.s32 s5, s19  }
0xa2: {  	s8 =	simm.s32 $0x0;
	s20 =	sshll.u32 s6, $0x1;
	s6 =	sadd.s32 s21, s4  }
0xa3: {  	[timem:s8], [sflag:s22] =	dma.local [hbm:s6], s20  }
0xa4: {  	_ =	swait.ge [sflag:s22], s20  }
0xa5: {  	s5 =	ssub.s32 $0x0, s20;
	[sflag:s22] =	ssyncset.done $0x0  }
0xa6: {  	[sflag:s22] =	ssyncadd.s32 s5;
	_ =	sdelay $0x1  }
0xa7: {  	s23 =	simm.s32 $0x1B8B  }
0xa8: {  	_ =	swait.ge [sflag:s23], $0x1  }
0xa9: {  	[sflag:s23] =	ssyncset.done $0x0  }
0xaa: {  	s25 =	simm.s32 $0x1B8E;
	s24 =	sld [smem:$0x3FFE];
	[sflag:s23] =	ssyncadd.s32 $0xFFFFFFFF  }
0xab: {  	s26 =	simm.s32 $execute0_lowered;
	[smem:$0x3FD2] =	sst s25  }
0xac: {  	s6 =	sshll.u32 s26, $0x1;
	_ =	strace $0x80000046;
	[dreg:$0x1] =	wrdreg $0xFFFFFFFF  }
0xad: {  	s28 =	simm.s32 $_size_execute0_lowered;
	s4 =	sadd.s32 s4, s6;
	[dreg:$0x0] =	wrdreg $0x0  }
0xae: {  	s6 =	sshll.u32 s28, $0x1;
	[dreg:$0x2] =	wrdreg s4  }
0xaf: {  	[dreg:$0x3] =	wrdreg s6  }
0xb0: {  	[dreg:$0x4] =	wrdreg $0xC0  }
0xb1: {  	_ =	task [dreg:s8], $0x5FFFF  }
0xb2: {  	[dreg:$0x1] =	wrdreg $0xFFFFFFFF  }
0xb3: {  	[dreg:$0x0] =	wrdreg $0x60  }
0xb4: {  	[dreg:$0x2] =	wrdreg s17  }
0xb5: {  	[dreg:$0x3] =	wrdreg s16  }
0xb6: {  	[dreg:$0x4] =	wrdreg s24  }
0xb7: {  	[dreg:$0x5] =	wrdreg $0xA  }
0xb8: {  	_ =	task.clear_ibuf [dreg:s8], $0x6FFFF;
	_ =	strace $0x90000046  }
0xb9: {  	s29 =	simm.s32 $0xA;
	_ =	strace $0x80000048  }
0xba: {  	_ =	swait.ge [sflag:s29], $0x1  }
0xbb: {  	[sflag:s29] =	ssyncadd.s32 $0xFFFFFFFF  }
0xbc: {  	_ =	strace $0x90000048  }
0xbd: {  	_ =	sfence  }
0xbe: {  	s30 =	sld [smem:$0x0];
	_ =	sdelay $0x2  }
0xbf: {  	s31 =	sshll.u32 s1, $0xD;
	s1 =	sshrl.u32 s1, $0x2  }
0xc0: {  	s3 =	sand.u32 $0x4000, s31;
	s1 =	sadd.s32 s1, s30  }
0xc1: {  	s0 =	sor.u32 s3, s0;
	s1 =	sshll.u32 s1, $0x11  }
0xc2: {  	s0 =	sor.u32 s1, s0  }
0xc3: {  	s0 =	sadd.s32 $0x8F2B, s0  }
0xc4: {  	[sflag:s0] =	ssyncadd.remote.s32 $0x1  }
0xc5: {  	_ =	sfence.sel $0xFFFF  }
0xc6: {  	[dreg:$0x0] =	wrdreg $0xFFFFFFFF;
	(pc) =	sbr.abs _section_cstart, $3  }
0xc7: {  	[dreg:$0x1] =	wrdreg $0xFFFFFFFF  }
0xc8: {  	_ =	task.clear_ibuf [dreg:s8], $0x2FFFF;
	_ =	strace $0x9FFFFFFF  }
0xc9: {  	(tm) =	ssettm $0x7FFFFFFF  }
tec
execute0_lowered:
.L_overlay_start_1:
0x0: {  	(tag) =	ssettag $0x1  }
0x1: {  	s1 =	rddreg [dreg:$0x0];
	s8 =	stileid.u32  }
0x2: {  	s0 =	srdreg.scid;
	s2 =	rddreg [dreg:$0x1]  }
0x3: {  	s4 =	rddreg [dreg:$0x2];
	s11 =	simm.s32 $0x4;
	s30 =	simm.s32 $0xEA00  }
0x4: {  	s31 =	simm.s32 $0xF200;
	s15 =	simm.s32 $0x2;
	s5 =	smul.u32 $0x1400, s8  }
0x5: {  	s0 =	sand.u32 $0x1, s0;
	s3 =	sshll.u32 s8, $0x1;
	s8 =	smul.u32 $0xA0, s8  }
0x6: {  	s16 =	simm.s32 $0x3;
	s6 =	sor.u32 s0, s3;
	s10 =	smul.u32 $0x50, s0  }
0x7: {  	s3 =	simm.s32 $0x0;
	s9 =	ssub.s32 $0x2, s0;
	s14 =	smul.u32 $0xA00, s0  }
0x8: {  	s0 =	simm.s32 $0xFA00;
	s7 =	smul.u32 $0x50, s6;
	[smem:$0x7FF] =	sst s3  }
0x9: {  	s4 =	sadd.s32 s5, s4;
	s17 =	sshrl.u32 s9, $0x1;
	s6 =	sor.u32 $0x60, s6  }
0xa: {  	_ =	strace $0x80000047;
	s5 =	ssub.s32 s9, s17;
	s8 =	sadd.s32 s10, s8  }
0xb: {  	[dreg:$0x9] =	wrdreg s6;
	s28 =	sadd.s32 $0x5800, s4;
	s29 =	sadd.s32 $0x276800, s4  }
0xc: {  	s17 =	simm.s32 $0x10200;
	s4 =	simm.s32 $0x11A00;
	s6 =	simm.s32 $0x12A00  }
0xd: {  	s7 =	sshrl.u32 s7, $0x3;
	s20 =	sadd.s32 $0x3C780, s8;
	s5 =	smax.u32 s5, $0x1  }
0xe: {  	s23 =	sadd.s32 $0x15680, s8;
	s24 =	sadd.s32 $0x3BD80, s8;
	[dreg:$0xa] =	wrdreg s28  }
0xf: {  	s8 =	sadd.s32 $0x14C80, s8;
	[dreg:$0xb] =	wrdreg s29;
	s7 =	sadd.s32 s2, s7  }
0x10: {  	s22 =	sshrl.u32 s20, $0x3;
	[dreg:$0x8] =	wrdreg s5;
	s5 =	sshrl.u32 s23, $0x3  }
0x11: {  	s25 =	sshrl.u32 s24, $0x3;
	s26 =	sshrl.u32 s8, $0x3;
	s20 =	simm.s32 $0x1  }
0x12: {  	s8 =	simm.s32 $0x13A00;
	s23 =	simm.s32 $0x0;
	s18 =	sadd.s32 $0x2710, s7  }
0x13: {  	s19 =	sadd.s32 $0x7530, s7;
	s21 =	sadd.s32 $0x2850, s7;
	s7 =	sadd.s32 $0x7670, s7  }
.Ltmp0:
0x14: {  	s9 =	sadd.s32 s22, s2;
	[dreg:$0x4] =	wrdreg s18;
	(pc) =	sbr.rel .LBB2_1-.Ltmp0, $4  }
0x15: {  	s10 =	sadd.s32 s5, s2;
	s12 =	sadd.s32 s25, s2;
	[dreg:$0x5] =	wrdreg s19  }
0x16: {  	v2 =	vlaneseq.u32;
	s13 =	sadd.s32 s26, s2;
	s2 =	simm.s32 $0x5100;
	[dreg:$0x6] =	wrdreg s21  }
0x17: {  	vm0 =	vmmov $0xffff;
	v1 =	vshrl.u32 v2, $0x3;
	s5 =	simm.s32 $0x12200;
	[dreg:$0x7] =	wrdreg s7;
	s21 =	simm.s32 $0x100  }
0x18: {  	v0 =	vand.u32 $0x7, v2;
	v2 =	vor.u32 $0x8, v2;
	v1 =	vmul.u32 $0x8, v1;
	s18 =	simm.s32 $0x10A00;
	s19 =	simm.s32 $0x11200;
	s7 =	simm.s32 $0x13200  }
.LBB2_7:
0x19: {  	s23 =	rddreg [dreg:$0xc]  }
0x1a: {  	s22 =	rddreg [dreg:$0x8];
	s23 =	sadd.s32 $0x1, s23  }
0x1b: {  	p0 =	sne.s32 s23, s22  }
.Ltmp1:
0x1c: {  	_ = 	snop;
	(pc) =	sbr.rel @!p0 .LBB2_8-.Ltmp1, $1  }
0x1d: {  	_ =	sdelay $0x3  }
.LBB2_1:
0x1e: {  	[dreg:$0xc] =	wrdreg s23  }
0x1f: {  	s22 =	rddreg [dreg:$0x4]  }
0x20: {  	[tilespmem:s3], [sflag:$0x1] =	stream.linear.gather [hbm4b:s22+s3], $0x50, $0x38;
	[tilespmem:$0x14200] =	vst v63  }
0x21: {  	s25 =	rddreg [dreg:$0x5];
	s26 =	simm.s32 $0x80  }
0x22: {  	[tilespmem:s26], [sflag:$0x1] =	stream.linear.gather [hbm4b:s25+s3], $0x50, $0x38;
	[tilespmem:$0x14200] =	vst v63  }
0x23: {  	s28 =	rddreg [dreg:$0x6];
	s29 =	simm.s32 $0xA100  }
0x24: {  	[tilespmem:s29], [sflag:$0x4] =	stream.linear.gather [hbm4b:s28+s3], $0x50, $0x38;
	[tilespmem:$0x14200] =	vst v63  }
0x25: {  	s24 =	rddreg [dreg:$0x7];
	s25 =	simm.s32 $0xA180  }
0x26: {  	[tilespmem:s25], [sflag:$0x4] =	stream.linear.gather [hbm4b:s24+s3], $0x50, $0x38;
	[tilespmem:$0x14200] =	vst v63  }
0x27: {  	_ =	swait.ge [sflag:s20], $0x50  }
0x28: {  	[sflag:s20] =	ssyncset.done $0x0  }
0x29: {  	[sflag:s20] =	ssyncadd.s32 $0xFFFFFFB0  }
0x2a: {  	_ =	swait.ge [sflag:s20], $0x50  }
0x2b: {  	[sflag:s20] =	ssyncset.done $0x0  }
0x2c: {  	[sflag:s20] =	ssyncadd.s32 $0xFFFFFFB0  }
0x2d: {  	v3 =	vld [tilespmem:$0x0];
	_ =	sdelay $0x4  }
0x2e: {  	v4 =	vshll.u32 v3, $0x1  }
0x2f: {  	v3 =	vand.u32 $0x7, v3;
	v4 =	vand.u32 $0xFFFFFFF0, v4  }
0x30: {  	v3 =	vor.u32 v3, v4  }
0x31: {  	v4 =	vperm.xlane v3, v0;
	_ =	sdelay $0x1  }
0x32: {  	v3 =	vperm.xlane v3, v2;
	v4 =	vadd.s32 v1, v4;
	_ =	sdelay $0x1  }
0x33: {  	v3 =	vadd.s32 v1, v3;
	_ =	sdelay $0x2  }
0x34: {  	[tilespmem:s21], [sflag:$0x2] =	stream.indirect_vreg.gather [hbm4b:s1+s3], $0x80, v4, vm0, $0xb8;
	[tilespmem:$0x14200] =	vst v63  }
0x35: {  	s26 =	simm.s32 $0x900  }
0x36: {  	[tilespmem:s26], [sflag:$0x2] =	stream.indirect_vreg.gather [hbm4b:s1+s3], $0x80, v3, vm0, $0xb8;
	[tilespmem:$0x14200] =	vst v63  }
0x37: {  	v3 =	vld [tilespmem:$0x10];
	_ =	sdelay $0x4  }
0x38: {  	v45 =	vshll.u32 v3, $0x1  }
0x39: {  	v3 =	vand.u32 $0x7, v3;
	v4 =	vand.u32 $0xFFFFFFF0, v45  }
0x3a: {  	v3 =	vor.u32 v3, v4  }
0x3b: {  	v4 =	vperm.xlane v3, v0;
	_ =	sdelay $0x1  }
0x3c: {  	v3 =	vperm.xlane v3, v2;
	v4 =	vadd.s32 v1, v4;
	_ =	sdelay $0x1  }
0x3d: {  	v3 =	vadd.s32 v1, v3;
	_ =	sdelay $0x1  }
0x3e: {  	s28 =	simm.s32 $0x1100  }
0x3f: {  	[tilespmem:s28], [sflag:$0x2] =	stream.indirect_vreg.gather [hbm4b:s1+s3], $0x80, v4, vm0, $0xb8;
	[tilespmem:$0x14200] =	vst v63  }
0x40: {  	s29 =	simm.s32 $0x1900  }
0x41: {  	[tilespmem:s29], [sflag:$0x2] =	stream.indirect_vreg.gather [hbm4b:s1+s3], $0x80, v3, vm0, $0xb8;
	[tilespmem:$0x14200] =	vst v63  }
0x42: {  	v3 =	vld [tilespmem:$0x20];
	_ =	sdelay $0x4  }
0x43: {  	v46 =	vshll.u32 v3, $0x1  }
0x44: {  	v3 =	vand.u32 $0x7, v3;
	v4 =	vand.u32 $0xFFFFFFF0, v46  }
0x45: {  	v3 =	vor.u32 v3, v4  }
0x46: {  	v4 =	vperm.xlane v3, v0;
	_ =	sdelay $0x1  }
0x47: {  	v3 =	vperm.xlane v3, v2;
	v4 =	vadd.s32 v1, v4;
	_ =	sdelay $0x1  }
0x48: {  	v3 =	vadd.s32 v1, v3;
	_ =	sdelay $0x1  }
0x49: {  	s23 =	simm.s32 $0x2100  }
0x4a: {  	[tilespmem:s23], [sflag:$0x2] =	stream.indirect_vreg.gather [hbm4b:s1+s3], $0x80, v4, vm0, $0xb8;
	[tilespmem:$0x14200] =	vst v63  }
0x4b: {  	s24 =	simm.s32 $0x2900  }
0x4c: {  	[tilespmem:s24], [sflag:$0x2] =	stream.indirect_vreg.gather [hbm4b:s1+s3], $0x80, v3, vm0, $0xb8;
	[tilespmem:$0x14200] =	vst v63  }
0x4d: {  	v3 =	vld [tilespmem:$0x30];
	_ =	sdelay $0x4  }
0x4e: {  	v47 =	vshll.u32 v3, $0x1  }
0x4f: {  	v3 =	vand.u32 $0x7, v3;
	v4 =	vand.u32 $0xFFFFFFF0, v47  }
0x50: {  	v3 =	vor.u32 v3, v4  }
0x51: {  	v4 =	vperm.xlane v3, v0;
	_ =	sdelay $0x1  }
0x52: {  	v3 =	vperm.xlane v3, v2;
	v4 =	vadd.s32 v1, v4;
	_ =	sdelay $0x1  }
0x53: {  	v3 =	vadd.s32 v1, v3;
	_ =	sdelay $0x1  }
0x54: {  	s25 =	simm.s32 $0x3100  }
0x55: {  	[tilespmem:s25], [sflag:$0x2] =	stream.indirect_vreg.gather [hbm4b:s1+s3], $0x80, v4, vm0, $0xb8;
	[tilespmem:$0x14200] =	vst v63  }
0x56: {  	s26 =	simm.s32 $0x3900  }
0x57: {  	[tilespmem:s26], [sflag:$0x2] =	stream.indirect_vreg.gather [hbm4b:s1+s3], $0x80, v3, vm0, $0xb8;
	[tilespmem:$0x14200] =	vst v63  }
0x58: {  	v3 =	vld [tilespmem:$0x40];
	_ =	sdelay $0x4  }
0x59: {  	v48 =	vshll.u32 v3, $0x1  }
0x5a: {  	v3 =	vand.u32 $0x7, v3;
	v4 =	vand.u32 $0xFFFFFFF0, v48  }
0x5b: {  	v3 =	vor.u32 v3, v4  }
0x5c: {  	v4 =	vperm.xlane v3, v0;
	_ =	sdelay $0x1  }
0x5d: {  	v3 =	vperm.xlane v3, v2;
	v4 =	vadd.s32 v1, v4;
	_ =	sdelay $0x1  }
0x5e: {  	v3 =	vadd.s32 v1, v3;
	_ =	sdelay $0x1  }
0x5f: {  	s28 =	simm.s32 $0x4100  }
0x60: {  	[tilespmem:s28], [sflag:$0x2] =	stream.indirect_vreg.gather [hbm4b:s1+s3], $0x80, v4, vm0, $0xb8;
	[tilespmem:$0x14200] =	vst v63  }
0x61: {  	s29 =	simm.s32 $0x4900  }
0x62: {  	[tilespmem:s29], [sflag:$0x2] =	stream.indirect_vreg.gather [hbm4b:s1+s3], $0x80, v3, vm0, $0xb8;
	[tilespmem:$0x14200] =	vst v63  }
0x63: {  	v3 =	vld [tilespmem:$0x80];
	_ =	sdelay $0x4  }
0x64: {  	v49 =	vshll.u32 v3, $0x1  }
0x65: {  	v3 =	vand.u32 $0x7, v3;
	v4 =	vand.u32 $0xFFFFFFF0, v49  }
0x66: {  	v3 =	vor.u32 v3, v4  }
0x67: {  	v4 =	vperm.xlane v3, v0;
	_ =	sdelay $0x1  }
0x68: {  	v3 =	vperm.xlane v3, v2;
	v4 =	vadd.s32 v1, v4;
	_ =	sdelay $0x1  }
0x69: {  	v3 =	vadd.s32 v1, v3;
	_ =	sdelay $0x2  }
0x6a: {  	[tilespmem:s2], [sflag:$0x2] =	stream.indirect_vreg.gather [hbm4b:s1+s3], $0x80, v4, vm0, $0xb8;
	[tilespmem:$0x14200] =	vst v63  }
0x6b: {  	s23 =	simm.s32 $0x5900  }
0x6c: {  	[tilespmem:s23], [sflag:$0x2] =	stream.indirect_vreg.gather [hbm4b:s1+s3], $0x80, v3, vm0, $0xb8;
	[tilespmem:$0x14200] =	vst v63  }
0x6d: {  	v3 =	vld [tilespmem:$0x90];
	_ =	sdelay $0x4  }
0x6e: {  	v50 =	vshll.u32 v3, $0x1  }
0x6f: {  	v3 =	vand.u32 $0x7, v3;
	v4 =	vand.u32 $0xFFFFFFF0, v50  }
0x70: {  	v3 =	vor.u32 v3, v4  }
0x71: {  	v4 =	vperm.xlane v3, v0;
	_ =	sdelay $0x1  }
0x72: {  	v3 =	vperm.xlane v3, v2;
	v4 =	vadd.s32 v1, v4;
	_ =	sdelay $0x1  }
0x73: {  	v3 =	vadd.s32 v1, v3;
	_ =	sdelay $0x1  }
0x74: {  	s24 =	simm.s32 $0x6100  }
0x75: {  	[tilespmem:s24], [sflag:$0x2] =	stream.indirect_vreg.gather [hbm4b:s1+s3], $0x80, v4, vm0, $0xb8;
	[tilespmem:$0x14200] =	vst v63  }
0x76: {  	s25 =	simm.s32 $0x6900  }
0x77: {  	[tilespmem:s25], [sflag:$0x2] =	stream.indirect_vreg.gather [hbm4b:s1+s3], $0x80, v3, vm0, $0xb8;
	[tilespmem:$0x14200] =	vst v63  }
0x78: {  	v3 =	vld [tilespmem:$0xA0];
	_ =	sdelay $0x4  }
0x79: {  	v51 =	vshll.u32 v3, $0x1  }
0x7a: {  	v3 =	vand.u32 $0x7, v3;
	v4 =	vand.u32 $0xFFFFFFF0, v51  }
0x7b: {  	v3 =	vor.u32 v3, v4  }
0x7c: {  	v4 =	vperm.xlane v3, v0;
	_ =	sdelay $0x1  }
0x7d: {  	v3 =	vperm.xlane v3, v2;
	v4 =	vadd.s32 v1, v4;
	_ =	sdelay $0x1  }
0x7e: {  	v3 =	vadd.s32 v1, v3;
	_ =	sdelay $0x1  }
0x7f: {  	s26 =	simm.s32 $0x7100  }
0x80: {  	[tilespmem:s26], [sflag:$0x2] =	stream.indirect_vreg.gather [hbm4b:s1+s3], $0x80, v4, vm0, $0xb8;
	[tilespmem:$0x14200] =	vst v63  }
0x81: {  	s28 =	simm.s32 $0x7900  }
0x82: {  	[tilespmem:s28], [sflag:$0x2] =	stream.indirect_vreg.gather [hbm4b:s1+s3], $0x80, v3, vm0, $0xb8;
	[tilespmem:$0x14200] =	vst v63  }
0x83: {  	v3 =	vld [tilespmem:$0xB0];
	_ =	sdelay $0x4  }
0x84: {  	v52 =	vshll.u32 v3, $0x1  }
0x85: {  	v3 =	vand.u32 $0x7, v3;
	v4 =	vand.u32 $0xFFFFFFF0, v52  }
0x86: {  	v3 =	vor.u32 v3, v4  }
0x87: {  	v4 =	vperm.xlane v3, v0;
	_ =	sdelay $0x1  }
0x88: {  	v3 =	vperm.xlane v3, v2;
	v4 =	vadd.s32 v1, v4;
	_ =	sdelay $0x1  }
0x89: {  	v3 =	vadd.s32 v1, v3;
	_ =	sdelay $0x1  }
0x8a: {  	s29 =	simm.s32 $0x8100  }
0x8b: {  	[tilespmem:s29], [sflag:$0x2] =	stream.indirect_vreg.gather [hbm4b:s1+s3], $0x80, v4, vm0, $0xb8;
	[tilespmem:$0x14200] =	vst v63  }
0x8c: {  	s23 =	simm.s32 $0x8900  }
0x8d: {  	[tilespmem:s23], [sflag:$0x2] =	stream.indirect_vreg.gather [hbm4b:s1+s3], $0x80, v3, vm0, $0xb8;
	[tilespmem:$0x14200] =	vst v63  }
0x8e: {  	v3 =	vld [tilespmem:$0xC0];
	_ =	sdelay $0x4  }
0x8f: {  	v53 =	vshll.u32 v3, $0x1  }
0x90: {  	v3 =	vand.u32 $0x7, v3;
	v4 =	vand.u32 $0xFFFFFFF0, v53  }
0x91: {  	v3 =	vor.u32 v3, v4  }
0x92: {  	v4 =	vperm.xlane v3, v0;
	_ =	sdelay $0x1  }
0x93: {  	v3 =	vperm.xlane v3, v2;
	v4 =	vadd.s32 v1, v4;
	_ =	sdelay $0x1  }
0x94: {  	v3 =	vadd.s32 v1, v3;
	_ =	sdelay $0x1  }
0x95: {  	s24 =	simm.s32 $0x9100  }
0x96: {  	[tilespmem:s24], [sflag:$0x2] =	stream.indirect_vreg.gather [hbm4b:s1+s3], $0x80, v4, vm0, $0xb8;
	[tilespmem:$0x14200] =	vst v63  }
0x97: {  	s25 =	simm.s32 $0x9900  }
0x98: {  	[tilespmem:s25], [sflag:$0x2] =	stream.indirect_vreg.gather [hbm4b:s1+s3], $0x80, v3, vm0, $0xb8;
	[tilespmem:$0x14200] =	vst v63  }
0x99: {  	_ =	swait.ge [sflag:s11], $0x50  }
0x9a: {  	[sflag:s11] =	ssyncset.done $0x0  }
0x9b: {  	[sflag:s11] =	ssyncadd.s32 $0xFFFFFFB0  }
0x9c: {  	_ =	swait.ge [sflag:s11], $0x50  }
0x9d: {  	[sflag:s11] =	ssyncset.done $0x0  }
0x9e: {  	[sflag:s11] =	ssyncadd.s32 $0xFFFFFFB0  }
0x9f: {  	v3 =	vld [tilespmem:$0xA100];
	_ =	sdelay $0x4  }
0xa0: {  	v54 =	vshll.u32 v3, $0x1  }
0xa1: {  	v3 =	vand.u32 $0x7, v3;
	v4 =	vand.u32 $0xFFFFFFF0, v54  }
0xa2: {  	v3 =	vor.u32 v3, v4  }
0xa3: {  	v4 =	vperm.xlane v3, v0;
	_ =	sdelay $0x1  }
0xa4: {  	v3 =	vperm.xlane v3, v2;
	v4 =	vadd.s32 v1, v4;
	_ =	sdelay $0x1  }
0xa5: {  	v3 =	vadd.s32 v1, v3;
	_ =	sdelay $0x1  }
0xa6: {  	s26 =	simm.s32 $0xA200  }
0xa7: {  	[tilespmem:s26], [sflag:$0x5] =	stream.indirect_vreg.gather [hbm4b:s1+s3], $0x80, v4, vm0, $0xb8;
	[tilespmem:$0x14200] =	vst v63  }
0xa8: {  	s28 =	simm.s32 $0xAA00  }
0xa9: {  	[tilespmem:s28], [sflag:$0x5] =	stream.indirect_vreg.gather [hbm4b:s1+s3], $0x80, v3, vm0, $0xb8;
	[tilespmem:$0x14200] =	vst v63  }
0xaa: {  	v3 =	vld [tilespmem:$0xA110];
	_ =	sdelay $0x4  }
0xab: {  	v55 =	vshll.u32 v3, $0x1  }
0xac: {  	v3 =	vand.u32 $0x7, v3;
	v4 =	vand.u32 $0xFFFFFFF0, v55  }
0xad: {  	v3 =	vor.u32 v3, v4  }
0xae: {  	v4 =	vperm.xlane v3, v0;
	_ =	sdelay $0x1  }
0xaf: {  	v3 =	vperm.xlane v3, v2;
	v4 =	vadd.s32 v1, v4;
	_ =	sdelay $0x1  }
0xb0: {  	v3 =	vadd.s32 v1, v3;
	_ =	sdelay $0x1  }
0xb1: {  	s29 =	simm.s32 $0xB200  }
0xb2: {  	[tilespmem:s29], [sflag:$0x5] =	stream.indirect_vreg.gather [hbm4b:s1+s3], $0x80, v4, vm0, $0xb8;
	[tilespmem:$0x14200] =	vst v63  }
0xb3: {  	s23 =	simm.s32 $0xBA00  }
0xb4: {  	[tilespmem:s23], [sflag:$0x5] =	stream.indirect_vreg.gather [hbm4b:s1+s3], $0x80, v3, vm0, $0xb8;
	[tilespmem:$0x14200] =	vst v63  }
0xb5: {  	v3 =	vld [tilespmem:$0xA120];
	_ =	sdelay $0x4  }
0xb6: {  	v56 =	vshll.u32 v3, $0x1  }
0xb7: {  	v3 =	vand.u32 $0x7, v3;
	v4 =	vand.u32 $0xFFFFFFF0, v56  }
0xb8: {  	v3 =	vor.u32 v3, v4  }
0xb9: {  	v4 =	vperm.xlane v3, v0;
	_ =	sdelay $0x1  }
0xba: {  	v3 =	vperm.xlane v3, v2;
	v4 =	vadd.s32 v1, v4;
	_ =	sdelay $0x1  }
0xbb: {  	v3 =	vadd.s32 v1, v3;
	_ =	sdelay $0x1  }
0xbc: {  	s24 =	simm.s32 $0xC200  }
0xbd: {  	[tilespmem:s24], [sflag:$0x5] =	stream.indirect_vreg.gather [hbm4b:s1+s3], $0x80, v4, vm0, $0xb8;
	[tilespmem:$0x14200] =	vst v63  }
0xbe: {  	s25 =	simm.s32 $0xCA00  }
0xbf: {  	[tilespmem:s25], [sflag:$0x5] =	stream.indirect_vreg.gather [hbm4b:s1+s3], $0x80, v3, vm0, $0xb8;
	[tilespmem:$0x14200] =	vst v63  }
0xc0: {  	v3 =	vld [tilespmem:$0xA130];
	_ =	sdelay $0x4  }
0xc1: {  	v57 =	vshll.u32 v3, $0x1  }
0xc2: {  	v3 =	vand.u32 $0x7, v3;
	v4 =	vand.u32 $0xFFFFFFF0, v57  }
0xc3: {  	v3 =	vor.u32 v3, v4  }
0xc4: {  	v4 =	vperm.xlane v3, v0;
	_ =	sdelay $0x1  }
0xc5: {  	v3 =	vperm.xlane v3, v2;
	v4 =	vadd.s32 v1, v4;
	_ =	sdelay $0x1  }
0xc6: {  	v3 =	vadd.s32 v1, v3;
	_ =	sdelay $0x1  }
0xc7: {  	s26 =	simm.s32 $0xD200  }
0xc8: {  	[tilespmem:s26], [sflag:$0x5] =	stream.indirect_vreg.gather [hbm4b:s1+s3], $0x80, v4, vm0, $0xb8;
	[tilespmem:$0x14200] =	vst v63  }
0xc9: {  	s28 =	simm.s32 $0xDA00  }
0xca: {  	[tilespmem:s28], [sflag:$0x5] =	stream.indirect_vreg.gather [hbm4b:s1+s3], $0x80, v3, vm0, $0xb8;
	[tilespmem:$0x14200] =	vst v63  }
0xcb: {  	v3 =	vld [tilespmem:$0xA140];
	_ =	sdelay $0x4  }
0xcc: {  	v58 =	vshll.u32 v3, $0x1  }
0xcd: {  	v3 =	vand.u32 $0x7, v3;
	v4 =	vand.u32 $0xFFFFFFF0, v58  }
0xce: {  	v3 =	vor.u32 v3, v4  }
0xcf: {  	v4 =	vperm.xlane v3, v0;
	_ =	sdelay $0x1  }
0xd0: {  	v3 =	vperm.xlane v3, v2;
	v4 =	vadd.s32 v1, v4;
	_ =	sdelay $0x1  }
0xd1: {  	v3 =	vadd.s32 v1, v3;
	_ =	sdelay $0x1  }
0xd2: {  	s29 =	simm.s32 $0xE200  }
0xd3: {  	[tilespmem:s29], [sflag:$0x5] =	stream.indirect_vreg.gather [hbm4b:s1+s3], $0x80, v4, vm0, $0xb8;
	[tilespmem:$0x14200] =	vst v63  }
0xd4: {  	_ = 	snop  }
0xd5: {  	[tilespmem:s30], [sflag:$0x5] =	stream.indirect_vreg.gather [hbm4b:s1+s3], $0x80, v3, vm0, $0xb8;
	[tilespmem:$0x14200] =	vst v63  }
0xd6: {  	v3 =	vld [tilespmem:$0xA180];
	_ =	sdelay $0x4  }
0xd7: {  	v59 =	vshll.u32 v3, $0x1  }
0xd8: {  	v3 =	vand.u32 $0x7, v3;
	v4 =	vand.u32 $0xFFFFFFF0, v59  }
0xd9: {  	v3 =	vor.u32 v3, v4  }
0xda: {  	v4 =	vperm.xlane v3, v0;
	_ =	sdelay $0x1  }
0xdb: {  	v3 =	vperm.xlane v3, v2;
	v4 =	vadd.s32 v1, v4;
	_ =	sdelay $0x1  }
0xdc: {  	v3 =	vadd.s32 v1, v3;
	_ =	sdelay $0x2  }
0xdd: {  	[tilespmem:s31], [sflag:$0x5] =	stream.indirect_vreg.gather [hbm4b:s1+s3], $0x80, v4, vm0, $0xb8;
	[tilespmem:$0x14200] =	vst v63  }
0xde: {  	_ = 	snop  }
0xdf: {  	[tilespmem:s0], [sflag:$0x5] =	stream.indirect_vreg.gather [hbm4b:s1+s3], $0x80, v3, vm0, $0xb8;
	[tilespmem:$0x14200] =	vst v63  }
0xe0: {  	v3 =	vld [tilespmem:$0xA190];
	_ =	sdelay $0x4  }
0xe1: {  	v60 =	vshll.u32 v3, $0x1  }
0xe2: {  	v3 =	vand.u32 $0x7, v3;
	v4 =	vand.u32 $0xFFFFFFF0, v60  }
0xe3: {  	v3 =	vor.u32 v3, v4  }
0xe4: {  	v4 =	vperm.xlane v3, v0;
	_ =	sdelay $0x1  }
0xe5: {  	v3 =	vperm.xlane v3, v2;
	v4 =	vadd.s32 v1, v4;
	_ =	sdelay $0x1  }
0xe6: {  	v3 =	vadd.s32 v1, v3;
	_ =	sdelay $0x2  }
0xe7: {  	[tilespmem:s17], [sflag:$0x5] =	stream.indirect_vreg.gather [hbm4b:s1+s3], $0x80, v4, vm0, $0xb8;
	[tilespmem:$0x14200] =	vst v63  }
0xe8: {  	_ = 	snop  }
0xe9: {  	[tilespmem:s18], [sflag:$0x5] =	stream.indirect_vreg.gather [hbm4b:s1+s3], $0x80, v3, vm0, $0xb8;
	[tilespmem:$0x14200] =	vst v63  }
0xea: {  	v3 =	vld [tilespmem:$0xA1A0];
	_ =	sdelay $0x4  }
0xeb: {  	v61 =	vshll.u32 v3, $0x1  }
0xec: {  	v3 =	vand.u32 $0x7, v3;
	v4 =	vand.u32 $0xFFFFFFF0, v61  }
0xed: {  	v3 =	vor.u32 v3, v4  }
0xee: {  	v4 =	vperm.xlane v3, v0;
	_ =	sdelay $0x1  }
0xef: {  	v3 =	vperm.xlane v3, v2;
	v4 =	vadd.s32 v1, v4;
	_ =	sdelay $0x1  }
0xf0: {  	v3 =	vadd.s32 v1, v3;
	_ =	sdelay $0x2  }
0xf1: {  	[tilespmem:s19], [sflag:$0x5] =	stream.indirect_vreg.gather [hbm4b:s1+s3], $0x80, v4, vm0, $0xb8;
	[tilespmem:$0x14200] =	vst v63  }
0xf2: {  	_ = 	snop  }
0xf3: {  	[tilespmem:s4], [sflag:$0x5] =	stream.indirect_vreg.gather [hbm4b:s1+s3], $0x80, v3, vm0, $0xb8;
	[tilespmem:$0x14200] =	vst v63  }
0xf4: {  	v3 =	vld [tilespmem:$0xA1B0];
	_ =	sdelay $0x4  }
0xf5: {  	v62 =	vshll.u32 v3, $0x1  }
0xf6: {  	v3 =	vand.u32 $0x7, v3;
	v4 =	vand.u32 $0xFFFFFFF0, v62  }
0xf7: {  	v3 =	vor.u32 v3, v4  }
0xf8: {  	v4 =	vperm.xlane v3, v0;
	_ =	sdelay $0x1  }
0xf9: {  	v3 =	vperm.xlane v3, v2;
	v4 =	vadd.s32 v1, v4;
	_ =	sdelay $0x1  }
0xfa: {  	v3 =	vadd.s32 v1, v3;
	_ =	sdelay $0x2  }
0xfb: {  	[tilespmem:s5], [sflag:$0x5] =	stream.indirect_vreg.gather [hbm4b:s1+s3], $0x80, v4, vm0, $0xb8;
	[tilespmem:$0x14200] =	vst v63  }
0xfc: {  	_ = 	snop  }
0xfd: {  	[tilespmem:s6], [sflag:$0x5] =	stream.indirect_vreg.gather [hbm4b:s1+s3], $0x80, v3, vm0, $0xb8;
	[tilespmem:$0x14200] =	vst v63  }
0xfe: {  	v3 =	vld [tilespmem:$0xA1C0];
	_ =	sdelay $0x4  }
0xff: {  	v63 =	vshll.u32 v3, $0x1  }
0x100: {  	v3 =	vand.u32 $0x7, v3;
	v4 =	vand.u32 $0xFFFFFFF0, v63  }
0x101: {  	v3 =	vor.u32 v3, v4  }
0x102: {  	v4 =	vperm.xlane v3, v0;
	_ =	sdelay $0x1  }
0x103: {  	v3 =	vperm.xlane v3, v2;
	v4 =	vadd.s32 v1, v4;
	_ =	sdelay $0x1  }
0x104: {  	v3 =	vadd.s32 v1, v3  }
.Ltmp2:
0x105: {  	s22 =	rddreg [dreg:$0xb];
	(pc) =	sbr.rel .LBB2_2-.Ltmp2, $4  }
0x106: {  	s23 =	rddreg [dreg:$0xa]  }
0x107: {  	[tilespmem:s7], [sflag:$0x5] =	stream.indirect_vreg.gather [hbm4b:s1+s3], $0x80, v4, vm0, $0xb8;
	[tilespmem:$0x14200] =	vst v63  }
0x108: {  	s24 =	rddreg [dreg:$0x9];
	s25 =	simm.s32 $0x0  }
0x109: {  	[tilespmem:s8], [sflag:$0x5] =	stream.indirect_vreg.gather [hbm4b:s1+s3], $0x80, v3, vm0, $0xb8;
	[tilespmem:$0x14200] =	vst v63  }
.LBB2_6:
0x10a: {  	s25 =	sadd.s32 $0x280, s25  }
0x10b: {  	p0 =	sne.s32 s25, $0x2800  }
.Ltmp3:
0x10c: {  	_ = 	snop;
	(pc) =	sbr.rel @!p0 .LBB2_7-.Ltmp3, $2  }
0x10d: {  	_ =	sdelay $0x2  }
0x10e: {  	s24 =	sadd.s32 $0x40, s24;
	s23 =	sadd.s32 $0x28000, s23;
	s22 =	sadd.s32 $0x28000, s22  }
.LBB2_2:
0x10f: {  	_ =	swait.ge [sflag:s15], $0x5000  }
0x110: {  	[sflag:s15] =	ssyncset.done $0x0  }
0x111: {  	[sflag:s15] =	ssyncadd.s32 $0xFFFFB000  }
0x112: {  	_ =	swait.ge [sflag:s15], $0x5000  }
0x113: {  	[sflag:s15] =	ssyncset.done $0x0  }
0x114: {  	s26 =	sadd.s32 s23, s14;
	s28 =	sadd.s32 $0xFFFFFFE0, s24;
	[sflag:s15] =	ssyncadd.s32 $0xFFFFB000  }
0x115: {  	[hbm4b:s26+s3] =	stream.linear.scatter [tilespmem:s21], [sflag:$0x3], $0x5000, $0x38;
	[tilespmem:$0x14200] =	vst v63  }
0x116: {  	s29 =	sadd.s32 s22, s14;
	p2 =	sgt.u32 s28, $0x3E7  }
0x117: {  	[hbm4b:s29+s3] =	stream.linear.scatter [tilespmem:s2], [sflag:$0x3], $0x5000, $0x38;
	[tilespmem:$0x14200] =	vst v63  }
0x118: {  	s28 =	simm.s32 @!p2 $0x0;
	s26 =	sadd.s32 @!p2 s25, s13  }
0x119: {  	[tilespmem:s28], [sflag:$0x1] =	stream.linear.gather @!p2 [hbm4b:s26+s28], $0x50, $0x38;
	[tilespmem:$0x14200] =	vst v63  }
0x11a: {  	s29 =	simm.s32 @!p2 $0x80;
	s26 =	sadd.s32 @!p2 s25, s12  }
0x11b: {  	[tilespmem:s29], [sflag:$0x1] =	stream.linear.gather @!p2 [hbm4b:s26+s28], $0x50, $0x38;
	[tilespmem:$0x14200] =	vst v63  }
0x11c: {  	s29 =	sadd.s32 $0xFFFFFFC0, s24  }
0x11d: {  	p0 =	sgt.u32 s29, $0x3E7  }
0x11e: {  	s26 =	simm.s32 @!p0 $0x5  }
0x11f: {  	_ =	swait.ge @!p0 [sflag:s26], $0x5000  }
0x120: {  	[sflag:s26] =	ssyncset.done @!p0 $0x0  }
0x121: {  	[sflag:s26] =	ssyncadd.s32 @!p0 $0xFFFFB000  }
0x122: {  	_ =	swait.ge @!p0 [sflag:s26], $0x5000  }
0x123: {  	[sflag:s26] =	ssyncset.done @!p0 $0x0  }
0x124: {  	[sflag:s26] =	ssyncadd.s32 @!p0 $0xFFFFB000;
	s26 =	sadd.s32 @!p0 s23, s14  }
0x125: {  	s28 =	simm.s32 @!p0 $0x0;
	s29 =	simm.s32 @!p0 $0xA200;
	s26 =	sadd.s32 @!p0 $0x14000, s26  }
0x126: {  	[hbm4b:s26+s28] =	stream.linear.scatter @!p0 [tilespmem:s29], [sflag:$0x6], $0x5000, $0x38;
	[tilespmem:$0x14200] =	vst v63  }
0x127: {  	s26 =	sadd.s32 @!p0 s22, s14  }
0x128: {  	p1 =	sgt.u32 s24, $0x3E7;
	s29 =	simm.s32 @!p0 $0xF200;
	s26 =	sadd.s32 @!p0 $0x14000, s26  }
0x129: {  	[hbm4b:s26+s28] =	stream.linear.scatter @!p0 [tilespmem:s29], [sflag:$0x6], $0x5000, $0x38;
	[tilespmem:$0x14200] =	vst v63  }
0x12a: {  	s26 =	sadd.s32 @!p1 s25, s10;
	s28 =	simm.s32 @!p1 $0x0;
	s29 =	simm.s32 @!p1 $0xA100  }
0x12b: {  	[tilespmem:s29], [sflag:$0x4] =	stream.linear.gather @!p1 [hbm4b:s26+s28], $0x50, $0x38;
	[tilespmem:$0x14200] =	vst v63  }
0x12c: {  	s26 =	sadd.s32 @!p1 s25, s9;
	s29 =	simm.s32 @!p1 $0xA180  }
0x12d: {  	[tilespmem:s29], [sflag:$0x4] =	stream.linear.gather @!p1 [hbm4b:s26+s28], $0x50, $0x38;
	[tilespmem:$0x14200] =	vst v63  }
0x12e: {  	_ =	swait.ge [sflag:s16], $0x5000  }
.Ltmp4:
0x12f: {  	[sflag:s16] =	ssyncset.done $0x0;
	(pc) =	sbr.rel @p2 .LBB2_4-.Ltmp4, $4  }
0x130: {  	[sflag:s16] =	ssyncadd.s32 $0xFFFFB000  }
0x131: {  	_ =	swait.ge [sflag:s16], $0x5000  }
0x132: {  	[sflag:s16] =	ssyncset.done $0x0  }
0x133: {  	[sflag:s16] =	ssyncadd.s32 $0xFFFFB000  }
0x134: {  	_ =	swait.ge [sflag:s20], $0x50  }
0x135: {  	[sflag:s20] =	ssyncset.done $0x0  }
0x136: {  	[sflag:s20] =	ssyncadd.s32 $0xFFFFFFB0  }
0x137: {  	_ =	swait.ge [sflag:s20], $0x50  }
0x138: {  	[sflag:s20] =	ssyncset.done $0x0  }
0x139: {  	[sflag:s20] =	ssyncadd.s32 $0xFFFFFFB0  }
0x13a: {  	v3 =	vld [tilespmem:$0x0];
	_ =	sdelay $0x4  }
0x13b: {  	v4 =	vshll.u32 v3, $0x1  }
0x13c: {  	v3 =	vand.u32 $0x7, v3;
	v4 =	vand.u32 $0xFFFFFFF0, v4  }
0x13d: {  	v3 =	vor.u32 v3, v4  }
0x13e: {  	v4 =	vperm.xlane v3, v0;
	_ =	sdelay $0x1  }
0x13f: {  	v3 =	vperm.xlane v3, v2;
	v4 =	vadd.s32 v1, v4;
	_ =	sdelay $0x1  }
0x140: {  	v3 =	vadd.s32 v1, v3;
	_ =	sdelay $0x2  }
0x141: {  	[tilespmem:s21], [sflag:$0x2] =	stream.indirect_vreg.gather [hbm4b:s1+s3], $0x80, v4, vm0, $0xb8;
	[tilespmem:$0x14200] =	vst v63  }
0x142: {  	s26 =	simm.s32 $0x900  }
0x143: {  	[tilespmem:s26], [sflag:$0x2] =	stream.indirect_vreg.gather [hbm4b:s1+s3], $0x80, v3, vm0, $0xb8;
	[tilespmem:$0x14200] =	vst v63  }
0x144: {  	v3 =	vld [tilespmem:$0x10];
	_ =	sdelay $0x4  }
0x145: {  	v55 =	vshll.u32 v3, $0x1  }
0x146: {  	v3 =	vand.u32 $0x7, v3;
	v4 =	vand.u32 $0xFFFFFFF0, v55  }
0x147: {  	v3 =	vor.u32 v3, v4  }
0x148: {  	v4 =	vperm.xlane v3, v0;
	_ =	sdelay $0x1  }
0x149: {  	v3 =	vperm.xlane v3, v2;
	v4 =	vadd.s32 v1, v4;
	_ =	sdelay $0x1  }
0x14a: {  	v3 =	vadd.s32 v1, v3;
	_ =	sdelay $0x1  }
0x14b: {  	s29 =	simm.s32 $0x1100  }
0x14c: {  	[tilespmem:s29], [sflag:$0x2] =	stream.indirect_vreg.gather [hbm4b:s1+s3], $0x80, v4, vm0, $0xb8;
	[tilespmem:$0x14200] =	vst v63  }
0x14d: {  	s28 =	simm.s32 $0x1900  }
0x14e: {  	[tilespmem:s28], [sflag:$0x2] =	stream.indirect_vreg.gather [hbm4b:s1+s3], $0x80, v3, vm0, $0xb8;
	[tilespmem:$0x14200] =	vst v63  }
0x14f: {  	v3 =	vld [tilespmem:$0x20];
	_ =	sdelay $0x4  }
0x150: {  	v56 =	vshll.u32 v3, $0x1  }
0x151: {  	v3 =	vand.u32 $0x7, v3;
	v4 =	vand.u32 $0xFFFFFFF0, v56  }
0x152: {  	v3 =	vor.u32 v3, v4  }
0x153: {  	v4 =	vperm.xlane v3, v0;
	_ =	sdelay $0x1  }
0x154: {  	v3 =	vperm.xlane v3, v2;
	v4 =	vadd.s32 v1, v4;
	_ =	sdelay $0x1  }
0x155: {  	v3 =	vadd.s32 v1, v3;
	_ =	sdelay $0x1  }
0x156: {  	s29 =	simm.s32 $0x2100  }
0x157: {  	[tilespmem:s29], [sflag:$0x2] =	stream.indirect_vreg.gather [hbm4b:s1+s3], $0x80, v4, vm0, $0xb8;
	[tilespmem:$0x14200] =	vst v63  }
0x158: {  	s28 =	simm.s32 $0x2900  }
0x159: {  	[tilespmem:s28], [sflag:$0x2] =	stream.indirect_vreg.gather [hbm4b:s1+s3], $0x80, v3, vm0, $0xb8;
	[tilespmem:$0x14200] =	vst v63  }
0x15a: {  	v3 =	vld [tilespmem:$0x30];
	_ =	sdelay $0x4  }
0x15b: {  	v57 =	vshll.u32 v3, $0x1  }
0x15c: {  	v3 =	vand.u32 $0x7, v3;
	v4 =	vand.u32 $0xFFFFFFF0, v57  }
0x15d: {  	v3 =	vor.u32 v3, v4  }
0x15e: {  	v4 =	vperm.xlane v3, v0;
	_ =	sdelay $0x1  }
0x15f: {  	v3 =	vperm.xlane v3, v2;
	v4 =	vadd.s32 v1, v4;
	_ =	sdelay $0x1  }
0x160: {  	v3 =	vadd.s32 v1, v3;
	_ =	sdelay $0x1  }
0x161: {  	s29 =	simm.s32 $0x3100  }
0x162: {  	[tilespmem:s29], [sflag:$0x2] =	stream.indirect_vreg.gather [hbm4b:s1+s3], $0x80, v4, vm0, $0xb8;
	[tilespmem:$0x14200] =	vst v63  }
0x163: {  	s28 =	simm.s32 $0x3900  }
0x164: {  	[tilespmem:s28], [sflag:$0x2] =	stream.indirect_vreg.gather [hbm4b:s1+s3], $0x80, v3, vm0, $0xb8;
	[tilespmem:$0x14200] =	vst v63  }
0x165: {  	v3 =	vld [tilespmem:$0x40];
	_ =	sdelay $0x4  }
0x166: {  	v58 =	vshll.u32 v3, $0x1  }
0x167: {  	v3 =	vand.u32 $0x7, v3;
	v4 =	vand.u32 $0xFFFFFFF0, v58  }
0x168: {  	v3 =	vor.u32 v3, v4  }
0x169: {  	v4 =	vperm.xlane v3, v0;
	_ =	sdelay $0x1  }
0x16a: {  	v3 =	vperm.xlane v3, v2;
	v4 =	vadd.s32 v1, v4;
	_ =	sdelay $0x1  }
0x16b: {  	v3 =	vadd.s32 v1, v3;
	_ =	sdelay $0x1  }
0x16c: {  	s29 =	simm.s32 $0x4100  }
0x16d: {  	[tilespmem:s29], [sflag:$0x2] =	stream.indirect_vreg.gather [hbm4b:s1+s3], $0x80, v4, vm0, $0xb8;
	[tilespmem:$0x14200] =	vst v63  }
0x16e: {  	s28 =	simm.s32 $0x4900  }
0x16f: {  	[tilespmem:s28], [sflag:$0x2] =	stream.indirect_vreg.gather [hbm4b:s1+s3], $0x80, v3, vm0, $0xb8;
	[tilespmem:$0x14200] =	vst v63  }
0x170: {  	v3 =	vld [tilespmem:$0x80];
	_ =	sdelay $0x4  }
0x171: {  	v59 =	vshll.u32 v3, $0x1  }
0x172: {  	v3 =	vand.u32 $0x7, v3;
	v4 =	vand.u32 $0xFFFFFFF0, v59  }
0x173: {  	v3 =	vor.u32 v3, v4  }
0x174: {  	v4 =	vperm.xlane v3, v0;
	_ =	sdelay $0x1  }
0x175: {  	v3 =	vperm.xlane v3, v2;
	v4 =	vadd.s32 v1, v4;
	_ =	sdelay $0x1  }
0x176: {  	v3 =	vadd.s32 v1, v3;
	_ =	sdelay $0x2  }
0x177: {  	[tilespmem:s2], [sflag:$0x2] =	stream.indirect_vreg.gather [hbm4b:s1+s3], $0x80, v4, vm0, $0xb8;
	[tilespmem:$0x14200] =	vst v63  }
0x178: {  	s29 =	simm.s32 $0x5900  }
0x179: {  	[tilespmem:s29], [sflag:$0x2] =	stream.indirect_vreg.gather [hbm4b:s1+s3], $0x80, v3, vm0, $0xb8;
	[tilespmem:$0x14200] =	vst v63  }
0x17a: {  	v3 =	vld [tilespmem:$0x90];
	_ =	sdelay $0x4  }
0x17b: {  	v60 =	vshll.u32 v3, $0x1  }
0x17c: {  	v3 =	vand.u32 $0x7, v3;
	v4 =	vand.u32 $0xFFFFFFF0, v60  }
0x17d: {  	v3 =	vor.u32 v3, v4  }
0x17e: {  	v4 =	vperm.xlane v3, v0;
	_ =	sdelay $0x1  }
0x17f: {  	v3 =	vperm.xlane v3, v2;
	v4 =	vadd.s32 v1, v4;
	_ =	sdelay $0x1  }
0x180: {  	v3 =	vadd.s32 v1, v3;
	_ =	sdelay $0x1  }
0x181: {  	s28 =	simm.s32 $0x6100  }
0x182: {  	[tilespmem:s28], [sflag:$0x2] =	stream.indirect_vreg.gather [hbm4b:s1+s3], $0x80, v4, vm0, $0xb8;
	[tilespmem:$0x14200] =	vst v63  }
0x183: {  	s29 =	simm.s32 $0x6900  }
0x184: {  	[tilespmem:s29], [sflag:$0x2] =	stream.indirect_vreg.gather [hbm4b:s1+s3], $0x80, v3, vm0, $0xb8;
	[tilespmem:$0x14200] =	vst v63  }
0x185: {  	v3 =	vld [tilespmem:$0xA0];
	_ =	sdelay $0x4  }
0x186: {  	v61 =	vshll.u32 v3, $0x1  }
0x187: {  	v3 =	vand.u32 $0x7, v3;
	v4 =	vand.u32 $0xFFFFFFF0, v61  }
0x188: {  	v3 =	vor.u32 v3, v4  }
0x189: {  	v4 =	vperm.xlane v3, v0;
	_ =	sdelay $0x1  }
0x18a: {  	v3 =	vperm.xlane v3, v2;
	v4 =	vadd.s32 v1, v4;
	_ =	sdelay $0x1  }
0x18b: {  	v3 =	vadd.s32 v1, v3;
	_ =	sdelay $0x1  }
0x18c: {  	s28 =	simm.s32 $0x7100  }
0x18d: {  	[tilespmem:s28], [sflag:$0x2] =	stream.indirect_vreg.gather [hbm4b:s1+s3], $0x80, v4, vm0, $0xb8;
	[tilespmem:$0x14200] =	vst v63  }
0x18e: {  	s29 =	simm.s32 $0x7900  }
0x18f: {  	[tilespmem:s29], [sflag:$0x2] =	stream.indirect_vreg.gather [hbm4b:s1+s3], $0x80, v3, vm0, $0xb8;
	[tilespmem:$0x14200] =	vst v63  }
0x190: {  	v3 =	vld [tilespmem:$0xB0];
	_ =	sdelay $0x4  }
0x191: {  	v62 =	vshll.u32 v3, $0x1  }
0x192: {  	v3 =	vand.u32 $0x7, v3;
	v4 =	vand.u32 $0xFFFFFFF0, v62  }
0x193: {  	v3 =	vor.u32 v3, v4  }
0x194: {  	v4 =	vperm.xlane v3, v0;
	_ =	sdelay $0x1  }
0x195: {  	v3 =	vperm.xlane v3, v2;
	v4 =	vadd.s32 v1, v4;
	_ =	sdelay $0x1  }
0x196: {  	v3 =	vadd.s32 v1, v3;
	_ =	sdelay $0x1  }
0x197: {  	s28 =	simm.s32 $0x8100  }
0x198: {  	[tilespmem:s28], [sflag:$0x2] =	stream.indirect_vreg.gather [hbm4b:s1+s3], $0x80, v4, vm0, $0xb8;
	[tilespmem:$0x14200] =	vst v63  }
0x199: {  	s29 =	simm.s32 $0x8900  }
0x19a: {  	[tilespmem:s29], [sflag:$0x2] =	stream.indirect_vreg.gather [hbm4b:s1+s3], $0x80, v3, vm0, $0xb8;
	[tilespmem:$0x14200] =	vst v63  }
0x19b: {  	v3 =	vld [tilespmem:$0xC0];
	_ =	sdelay $0x4  }
0x19c: {  	v63 =	vshll.u32 v3, $0x1  }
0x19d: {  	v3 =	vand.u32 $0x7, v3;
	v4 =	vand.u32 $0xFFFFFFF0, v63  }
0x19e: {  	v3 =	vor.u32 v3, v4  }
0x19f: {  	v4 =	vperm.xlane v3, v0;
	_ =	sdelay $0x1  }
0x1a0: {  	v3 =	vperm.xlane v3, v2;
	v4 =	vadd.s32 v1, v4;
	_ =	sdelay $0x1  }
0x1a1: {  	v3 =	vadd.s32 v1, v3;
	_ =	sdelay $0x1  }
0x1a2: {  	s28 =	simm.s32 $0x9100  }
0x1a3: {  	[tilespmem:s28], [sflag:$0x2] =	stream.indirect_vreg.gather [hbm4b:s1+s3], $0x80, v4, vm0, $0xb8;
	[tilespmem:$0x14200] =	vst v63  }
0x1a4: {  	s29 =	simm.s32 $0x9900  }
0x1a5: {  	[tilespmem:s29], [sflag:$0x2] =	stream.indirect_vreg.gather [hbm4b:s1+s3], $0x80, v3, vm0, $0xb8;
	[tilespmem:$0x14200] =	vst v63  }
.LBB2_4:
0x1a6: {  	s26 =	simm.s32 @!p0 $0x6  }
0x1a7: {  	_ =	swait.ge @!p0 [sflag:s26], $0x5000  }
.Ltmp5:
0x1a8: {  	[sflag:s26] =	ssyncset.done @!p0 $0x0;
	(pc) =	sbr.rel @p1 .LBB2_6-.Ltmp5, $4  }
0x1a9: {  	[sflag:s26] =	ssyncadd.s32 @!p0 $0xFFFFB000  }
0x1aa: {  	_ =	swait.ge @!p0 [sflag:s26], $0x5000  }
0x1ab: {  	[sflag:s26] =	ssyncset.done @!p0 $0x0  }
0x1ac: {  	[sflag:s26] =	ssyncadd.s32 @!p0 $0xFFFFB000  }
0x1ad: {  	_ =	swait.ge [sflag:s11], $0x50  }
0x1ae: {  	[sflag:s11] =	ssyncset.done $0x0  }
0x1af: {  	[sflag:s11] =	ssyncadd.s32 $0xFFFFFFB0  }
0x1b0: {  	_ =	swait.ge [sflag:s11], $0x50  }
0x1b1: {  	[sflag:s11] =	ssyncset.done $0x0  }
0x1b2: {  	[sflag:s11] =	ssyncadd.s32 $0xFFFFFFB0  }
0x1b3: {  	v3 =	vld [tilespmem:$0xA100];
	_ =	sdelay $0x4  }
0x1b4: {  	v4 =	vshll.u32 v3, $0x1  }
0x1b5: {  	v3 =	vand.u32 $0x7, v3;
	v4 =	vand.u32 $0xFFFFFFF0, v4  }
0x1b6: {  	v3 =	vor.u32 v3, v4  }
0x1b7: {  	v4 =	vperm.xlane v3, v0;
	_ =	sdelay $0x1  }
0x1b8: {  	v3 =	vperm.xlane v3, v2;
	v4 =	vadd.s32 v1, v4;
	_ =	sdelay $0x1  }
0x1b9: {  	v3 =	vadd.s32 v1, v3;
	_ =	sdelay $0x1  }
0x1ba: {  	s26 =	simm.s32 $0xA200  }
0x1bb: {  	[tilespmem:s26], [sflag:$0x5] =	stream.indirect_vreg.gather [hbm4b:s1+s3], $0x80, v4, vm0, $0xb8;
	[tilespmem:$0x14200] =	vst v63  }
0x1bc: {  	s28 =	simm.s32 $0xAA00  }
0x1bd: {  	[tilespmem:s28], [sflag:$0x5] =	stream.indirect_vreg.gather [hbm4b:s1+s3], $0x80, v3, vm0, $0xb8;
	[tilespmem:$0x14200] =	vst v63  }
0x1be: {  	v3 =	vld [tilespmem:$0xA110];
	_ =	sdelay $0x4  }
0x1bf: {  	v55 =	vshll.u32 v3, $0x1  }
0x1c0: {  	v3 =	vand.u32 $0x7, v3;
	v4 =	vand.u32 $0xFFFFFFF0, v55  }
0x1c1: {  	v3 =	vor.u32 v3, v4  }
0x1c2: {  	v4 =	vperm.xlane v3, v0;
	_ =	sdelay $0x1  }
0x1c3: {  	v3 =	vperm.xlane v3, v2;
	v4 =	vadd.s32 v1, v4;
	_ =	sdelay $0x1  }
0x1c4: {  	v3 =	vadd.s32 v1, v3;
	_ =	sdelay $0x1  }
0x1c5: {  	s29 =	simm.s32 $0xB200  }
0x1c6: {  	[tilespmem:s29], [sflag:$0x5] =	stream.indirect_vreg.gather [hbm4b:s1+s3], $0x80, v4, vm0, $0xb8;
	[tilespmem:$0x14200] =	vst v63  }
0x1c7: {  	s28 =	simm.s32 $0xBA00  }
0x1c8: {  	[tilespmem:s28], [sflag:$0x5] =	stream.indirect_vreg.gather [hbm4b:s1+s3], $0x80, v3, vm0, $0xb8;
	[tilespmem:$0x14200] =	vst v63  }
0x1c9: {  	v3 =	vld [tilespmem:$0xA120];
	_ =	sdelay $0x4  }
0x1ca: {  	v56 =	vshll.u32 v3, $0x1  }
0x1cb: {  	v3 =	vand.u32 $0x7, v3;
	v4 =	vand.u32 $0xFFFFFFF0, v56  }
0x1cc: {  	v3 =	vor.u32 v3, v4  }
0x1cd: {  	v4 =	vperm.xlane v3, v0;
	_ =	sdelay $0x1  }
0x1ce: {  	v3 =	vperm.xlane v3, v2;
	v4 =	vadd.s32 v1, v4;
	_ =	sdelay $0x1  }
0x1cf: {  	v3 =	vadd.s32 v1, v3;
	_ =	sdelay $0x1  }
0x1d0: {  	s29 =	simm.s32 $0xC200  }
0x1d1: {  	[tilespmem:s29], [sflag:$0x5] =	stream.indirect_vreg.gather [hbm4b:s1+s3], $0x80, v4, vm0, $0xb8;
	[tilespmem:$0x14200] =	vst v63  }
0x1d2: {  	s28 =	simm.s32 $0xCA00  }
0x1d3: {  	[tilespmem:s28], [sflag:$0x5] =	stream.indirect_vreg.gather [hbm4b:s1+s3], $0x80, v3, vm0, $0xb8;
	[tilespmem:$0x14200] =	vst v63  }
0x1d4: {  	v3 =	vld [tilespmem:$0xA130];
	_ =	sdelay $0x4  }
0x1d5: {  	v57 =	vshll.u32 v3, $0x1  }
0x1d6: {  	v3 =	vand.u32 $0x7, v3;
	v4 =	vand.u32 $0xFFFFFFF0, v57  }
0x1d7: {  	v3 =	vor.u32 v3, v4  }
0x1d8: {  	v4 =	vperm.xlane v3, v0;
	_ =	sdelay $0x1  }
0x1d9: {  	v3 =	vperm.xlane v3, v2;
	v4 =	vadd.s32 v1, v4;
	_ =	sdelay $0x1  }
0x1da: {  	v3 =	vadd.s32 v1, v3;
	_ =	sdelay $0x1  }
0x1db: {  	s29 =	simm.s32 $0xD200  }
0x1dc: {  	[tilespmem:s29], [sflag:$0x5] =	stream.indirect_vreg.gather [hbm4b:s1+s3], $0x80, v4, vm0, $0xb8;
	[tilespmem:$0x14200] =	vst v63  }
0x1dd: {  	s28 =	simm.s32 $0xDA00  }
0x1de: {  	[tilespmem:s28], [sflag:$0x5] =	stream.indirect_vreg.gather [hbm4b:s1+s3], $0x80, v3, vm0, $0xb8;
	[tilespmem:$0x14200] =	vst v63  }
0x1df: {  	v3 =	vld [tilespmem:$0xA140];
	_ =	sdelay $0x4  }
0x1e0: {  	v58 =	vshll.u32 v3, $0x1  }
0x1e1: {  	v3 =	vand.u32 $0x7, v3;
	v4 =	vand.u32 $0xFFFFFFF0, v58  }
0x1e2: {  	v3 =	vor.u32 v3, v4  }
0x1e3: {  	v4 =	vperm.xlane v3, v0;
	_ =	sdelay $0x1  }
0x1e4: {  	v3 =	vperm.xlane v3, v2;
	v4 =	vadd.s32 v1, v4;
	_ =	sdelay $0x1  }
0x1e5: {  	v3 =	vadd.s32 v1, v3;
	_ =	sdelay $0x1  }
0x1e6: {  	s29 =	simm.s32 $0xE200  }
0x1e7: {  	[tilespmem:s29], [sflag:$0x5] =	stream.indirect_vreg.gather [hbm4b:s1+s3], $0x80, v4, vm0, $0xb8;
	[tilespmem:$0x14200] =	vst v63  }
0x1e8: {  	_ = 	snop  }
0x1e9: {  	[tilespmem:s30], [sflag:$0x5] =	stream.indirect_vreg.gather [hbm4b:s1+s3], $0x80, v3, vm0, $0xb8;
	[tilespmem:$0x14200] =	vst v63  }
0x1ea: {  	v3 =	vld [tilespmem:$0xA180];
	_ =	sdelay $0x4  }
0x1eb: {  	v59 =	vshll.u32 v3, $0x1  }
0x1ec: {  	v3 =	vand.u32 $0x7, v3;
	v4 =	vand.u32 $0xFFFFFFF0, v59  }
0x1ed: {  	v3 =	vor.u32 v3, v4  }
0x1ee: {  	v4 =	vperm.xlane v3, v0;
	_ =	sdelay $0x1  }
0x1ef: {  	v3 =	vperm.xlane v3, v2;
	v4 =	vadd.s32 v1, v4;
	_ =	sdelay $0x1  }
0x1f0: {  	v3 =	vadd.s32 v1, v3;
	_ =	sdelay $0x2  }
0x1f1: {  	[tilespmem:s31], [sflag:$0x5] =	stream.indirect_vreg.gather [hbm4b:s1+s3], $0x80, v4, vm0, $0xb8;
	[tilespmem:$0x14200] =	vst v63  }
0x1f2: {  	_ = 	snop  }
0x1f3: {  	[tilespmem:s0], [sflag:$0x5] =	stream.indirect_vreg.gather [hbm4b:s1+s3], $0x80, v3, vm0, $0xb8;
	[tilespmem:$0x14200] =	vst v63  }
0x1f4: {  	v3 =	vld [tilespmem:$0xA190];
	_ =	sdelay $0x4  }
0x1f5: {  	v60 =	vshll.u32 v3, $0x1  }
0x1f6: {  	v3 =	vand.u32 $0x7, v3;
	v4 =	vand.u32 $0xFFFFFFF0, v60  }
0x1f7: {  	v3 =	vor.u32 v3, v4  }
0x1f8: {  	v4 =	vperm.xlane v3, v0;
	_ =	sdelay $0x1  }
0x1f9: {  	v3 =	vperm.xlane v3, v2;
	v4 =	vadd.s32 v1, v4;
	_ =	sdelay $0x1  }
0x1fa: {  	v3 =	vadd.s32 v1, v3;
	_ =	sdelay $0x2  }
0x1fb: {  	[tilespmem:s17], [sflag:$0x5] =	stream.indirect_vreg.gather [hbm4b:s1+s3], $0x80, v4, vm0, $0xb8;
	[tilespmem:$0x14200] =	vst v63  }
0x1fc: {  	_ = 	snop  }
0x1fd: {  	[tilespmem:s18], [sflag:$0x5] =	stream.indirect_vreg.gather [hbm4b:s1+s3], $0x80, v3, vm0, $0xb8;
	[tilespmem:$0x14200] =	vst v63  }
0x1fe: {  	v3 =	vld [tilespmem:$0xA1A0];
	_ =	sdelay $0x4  }
0x1ff: {  	v61 =	vshll.u32 v3, $0x1  }
0x200: {  	v3 =	vand.u32 $0x7, v3;
	v4 =	vand.u32 $0xFFFFFFF0, v61  }
0x201: {  	v3 =	vor.u32 v3, v4  }
0x202: {  	v4 =	vperm.xlane v3, v0;
	_ =	sdelay $0x1  }
0x203: {  	v3 =	vperm.xlane v3, v2;
	v4 =	vadd.s32 v1, v4;
	_ =	sdelay $0x1  }
0x204: {  	v3 =	vadd.s32 v1, v3;
	_ =	sdelay $0x2  }
0x205: {  	[tilespmem:s19], [sflag:$0x5] =	stream.indirect_vreg.gather [hbm4b:s1+s3], $0x80, v4, vm0, $0xb8;
	[tilespmem:$0x14200] =	vst v63  }
0x206: {  	_ = 	snop  }
0x207: {  	[tilespmem:s4], [sflag:$0x5] =	stream.indirect_vreg.gather [hbm4b:s1+s3], $0x80, v3, vm0, $0xb8;
	[tilespmem:$0x14200] =	vst v63  }
0x208: {  	v3 =	vld [tilespmem:$0xA1B0];
	_ =	sdelay $0x4  }
0x209: {  	v62 =	vshll.u32 v3, $0x1  }
0x20a: {  	v3 =	vand.u32 $0x7, v3;
	v4 =	vand.u32 $0xFFFFFFF0, v62  }
0x20b: {  	v3 =	vor.u32 v3, v4  }
0x20c: {  	v4 =	vperm.xlane v3, v0;
	_ =	sdelay $0x1  }
0x20d: {  	v3 =	vperm.xlane v3, v2;
	v4 =	vadd.s32 v1, v4;
	_ =	sdelay $0x1  }
0x20e: {  	v3 =	vadd.s32 v1, v3;
	_ =	sdelay $0x2  }
0x20f: {  	[tilespmem:s5], [sflag:$0x5] =	stream.indirect_vreg.gather [hbm4b:s1+s3], $0x80, v4, vm0, $0xb8;
	[tilespmem:$0x14200] =	vst v63  }
0x210: {  	_ = 	snop  }
0x211: {  	[tilespmem:s6], [sflag:$0x5] =	stream.indirect_vreg.gather [hbm4b:s1+s3], $0x80, v3, vm0, $0xb8;
	[tilespmem:$0x14200] =	vst v63  }
0x212: {  	v3 =	vld [tilespmem:$0xA1C0];
	_ =	sdelay $0x4  }
0x213: {  	v63 =	vshll.u32 v3, $0x1  }
0x214: {  	v3 =	vand.u32 $0x7, v3;
	v4 =	vand.u32 $0xFFFFFFF0, v63  }
0x215: {  	v3 =	vor.u32 v3, v4  }
0x216: {  	v4 =	vperm.xlane v3, v0;
	_ =	sdelay $0x1  }
0x217: {  	v3 =	vperm.xlane v3, v2;
	v4 =	vadd.s32 v1, v4;
	_ =	sdelay $0x1  }
0x218: {  	v3 =	vadd.s32 v1, v3  }
.Ltmp6:
0x219: {  	_ = 	snop;
	(pc) =	sbr.rel .LBB2_6-.Ltmp6, $4  }
0x21a: {  	_ = 	snop  }
0x21b: {  	[tilespmem:s7], [sflag:$0x5] =	stream.indirect_vreg.gather [hbm4b:s1+s3], $0x80, v4, vm0, $0xb8;
	[tilespmem:$0x14200] =	vst v63  }
0x21c: {  	_ = 	snop  }
0x21d: {  	[tilespmem:s8], [sflag:$0x5] =	stream.indirect_vreg.gather [hbm4b:s1+s3], $0x80, v3, vm0, $0xb8;
	[tilespmem:$0x14200] =	vst v63  }
.LBB2_8:
0x21e: {  	_ =	sfence.sel $0x180000  }
0x21f: {  	[bflag:$0x0] =	sbarrier.arrive $0xFFFF  }
0x220: {  	_ =	strace $0x90000047  }
0x221: {  	s0 =	stileid.u32;
	[bflag:$0x2] =	sbarrier.arrive $0xFFFF  }
0x222: {  	p0 =	sne.s32 s0, $0x0;
	s0 =	rddreg [dreg:$0x3]  }
0x223: {  	s0 =	sadd.s32 @!p0 $0x100000, s0  }
0x224: {  	[sflag:s0] =	ssyncadd.tile.s32 @!p0 $0x1;
	_ =	shalt  }
.Lfunc_end2:
_tile_overlayer_lowered:
.L_overlay_start_2:
0x225: {  	(tag) =	ssettag $0x2  }
0x226: {  	s0 =	rddreg [dreg:$0x0];
	s2 =	stileid.u32  }
0x227: {  	s1 =	rddreg [dreg:$0x1];
	p0 =	sne.s32 s2, $0x0  }
0x228: {  	s3 =	rddreg [dreg:$0x2];
	[bflag:$0x3] =	sbarrier.arrive $0xFFFF;
	s2 =	simm.s32 @!p0 $0x1C07  }
0x229: {  	[timem:s3], [sflag:s2] =	dma.local @!p0 [hbm:s0], s1  }
0x22a: {  	s0 =	simm.s32 @!p0 $0x7  }
0x22b: {  	_ =	swait.ge @!p0 [sflag:s0], s1  }
0x22c: {  	s1 =	ssub.s32 @!p0 $0x0, s1;
	[sflag:s0] =	ssyncset.done @!p0 $0x0  }
0x22d: {  	[sflag:s0] =	ssyncadd.s32 @!p0 s1  }
0x22e: {  	[bflag:$0x3] =	sbarrier.arrive $0xFFFF  }
0x22f: {  	_ =	shalt  }

// kernel: kernel.14.cloned.1.call-start
scs
__scs_entry_jumppad:
0x0: {  	(pc) =	sbr.rel $0x88, $3  }
0x1: {  	(tag) =	ssettag $0x0;
	lr =	simm.s32 $0x1  }
0x2: {  	[smem:$0x3F8D] =	sst lr;
	_ =	strace $0xD0000000  }
0x3: {  	_ = 	snop  }
0x4: {  	_ = 	snop  }
0x5: {  	_ = 	snop  }
0x6: {  	_ = 	snop  }
0x7: {  	_ = 	snop  }
__scs_overlays_trampoline_lowered:
0x8: {  	[smem:$0x3F9C] =	sst s0  }
0x9: {  	[smem:$0x3F9D] =	sst s1  }
0xa: {  	[smem:$0x3F9E] =	sst s2  }
0xb: {  	[smem:$0x3F9F] =	sst s3  }
0xc: {  	[smem:$0x3FA0] =	sst s4  }
0xd: {  	[smem:$0x3FA1] =	sst s5  }
0xe: {  	[smem:$0x3FA2] =	sst s6  }
0xf: {  	[smem:$0x3FA3] =	sst s7  }
0x10: {  	[smem:$0x3FA4] =	sst s8  }
0x11: {  	[smem:$0x3FA5] =	sst s9;
	s0 =	simm.s32 @!p0 $0x0  }
0x12: {  	s1 =	sld [smem:$0x3F8B];
	s0 =	simm.s32 @p0 $0x1  }
0x13: {  	[smem:$0x3FA6] =	sst s0;
	s0 =	simm.s32 @!p1 $0x0  }
0x14: {  	s2 =	sld [smem:$0x3F8A];
	s0 =	simm.s32 @p1 $0x1  }
0x15: {  	[smem:$0x3FA7] =	sst s0;
	s0 =	simm.s32 @!p2 $0x0  }
0x16: {  	s3 =	sld [smem:$0x3FDB];
	s0 =	simm.s32 @p2 $0x1  }
0x17: {  	s4 =	simm.s32 $0x1BF5;
	[smem:$0x3FA9] =	sst s0  }
0x18: {  	s0 =	sld [smem:$0x3F8C];
	_ =	swait.ge [sflag:s4], $0x0  }
0x19: {  	s7 =	sld [smem:$0x3F8D]  }
0x1a: {  	s8 =	sadd.s32 $0xFFFFE003, lr  }
0x1b: {  	s9 =	sadd.s32 $0xFFFFFEF7, lr;
	s5 =	simm.s32 $0xFFFFFFFF;
	p2 =	slt.u32 s8, $0xFFFFF086  }
0x1c: {  	p1 =	slt.u32 s9, $0xF7A;
	s5 =	simm.s32 @!p2 $0x0  }
0x1d: {  	s5 =	simm.s32 @p1 $0x1;
	p0 =	seq.s32 s7, s2  }
0x1e: {  	s7 =	smul.u32 @!p0 $0xF7A, s2;
	p2 =	seq.s32 @!p0 s5, $0x0  }
0x1f: {  	s9 =	smul.u32 $0xF7A, s1;
	s8 =	simm.s32 @!p0 $0x1BF5;
	p2 =	por !p2, p0  }
0x20: {  	[sflag:s8] =	ssyncset.s32 @!p0 $0xFFFFF086;
	s6 =	sadd.s32 @!p0 s3, s7;
	s7 =	simm.s32 @!p0 $0x108  }
0x21: {  	s3 =	sadd.s32 s3, s9;
	s6 =	sadd.s32 @!p0 $0x88, s6;
	s7 =	simm.s32 @p2 $0x1082  }
0x22: {  	[simem:s7], [sflag:s8] =	dma.local @!p0 [hbm:s6], $0xF7A  }
0x23: {  	s9 =	sor.u32 $0xD0000000, s2;
	s6 =	simm.s32 $0x108;
	_ =	swait.ge @!p0 [sflag:s8], $0x0  }
0x24: {  	s3 =	sadd.s32 $0x88, s3;
	s6 =	simm.s32 @!p1 $0x1082;
	[sflag:s4] =	ssyncset.s32 $0xFFFFF086  }
0x25: {  	[simem:s6], [sflag:s4] =	dma.local [hbm:s3], $0xF7A  }
0x26: {  	[smem:$0x3F8D] =	sst s1;
	(tag) =	ssettag s2;
	_ =	strace s9  }
0x27: {  	s1 =	sld [smem:$0x3F9D]  }
0x28: {  	s2 =	sld [smem:$0x3F9E]  }
0x29: {  	s4 =	sld [smem:$0x3FA0]  }
0x2a: {  	p0 =	seq.s32 s5, $0x0;
	s5 =	sld [smem:$0x3FA1]  }
0x2b: {  	s6 =	sld [smem:$0x3FA2]  }
0x2c: {  	s7 =	sld [smem:$0x3FA3]  }
0x2d: {  	s3 =	simm.s32 $0x108;
	s8 =	sld [smem:$0x3FA4]  }
0x2e: {  	s3 =	simm.s32 @!p0 $0x1082;
	s9 =	sld [smem:$0x3FA5]  }
0x2f: {  	lr =	sadd.s32 s0, s3;
	s0 =	sld [smem:$0x3F9C]  }
0x30: {  	s3 =	sld [smem:$0x3F9F]  }
0x31: {  	[smem:$0x3FA8] =	sst s10  }
0x32: {  	s10 =	sld [smem:$0x3FA6];
	_ =	sdelay $0x3  }
0x33: {  	p0 =	seq.s32 s10, $0x1;
	s10 =	sld [smem:$0x3FA8];
	_ =	sdelay $0x3  }
0x34: {  	[smem:$0x3FA8] =	sst s10  }
0x35: {  	s10 =	sld [smem:$0x3FA7];
	_ =	sdelay $0x3  }
0x36: {  	p1 =	seq.s32 s10, $0x1;
	s10 =	sld [smem:$0x3FA8];
	_ =	sdelay $0x3  }
0x37: {  	[smem:$0x3FA8] =	sst s10  }
0x38: {  	s10 =	sld [smem:$0x3FA9]  }
0x39: {  	_ = 	snop;
	(pc) =	sbr.ind lr, $3  }
0x3a: {  	_ = 	snop  }
0x3b: {  	_ = 	snop  }
0x3c: {  	p2 =	seq.s32 s10, $0x1;
	s10 =	sld [smem:$0x3FA8]  }
0x3d: {  	_ =	shalt  }
0x3e: {  	_ =	shalt  }
0x3f: {  	_ =	shalt  }
0x40: {  	_ =	shalt  }
0x41: {  	_ =	shalt  }
0x42: {  	_ =	shalt  }
0x43: {  	_ =	shalt  }
0x44: {  	_ =	shalt  }
0x45: {  	_ =	shalt  }
0x46: {  	_ =	shalt  }
0x47: {  	_ =	shalt  }
0x48: {  	_ =	shalt  }
0x49: {  	_ =	shalt  }
0x4a: {  	_ =	shalt  }
0x4b: {  	_ =	shalt  }
0x4c: {  	_ =	shalt  }
0x4d: {  	_ =	shalt  }
0x4e: {  	_ =	shalt  }
0x4f: {  	_ =	shalt  }
0x50: {  	_ =	shalt  }
0x51: {  	_ =	shalt  }
0x52: {  	_ =	shalt  }
0x53: {  	_ =	shalt  }
0x54: {  	_ =	shalt  }
0x55: {  	_ =	shalt  }
0x56: {  	_ =	shalt  }
0x57: {  	_ =	shalt  }
0x58: {  	_ =	shalt  }
0x59: {  	_ =	shalt  }
0x5a: {  	_ =	shalt  }
0x5b: {  	_ =	shalt  }
0x5c: {  	_ =	shalt  }
0x5d: {  	_ =	shalt  }
0x5e: {  	_ =	shalt  }
0x5f: {  	_ =	shalt  }
0x60: {  	_ =	shalt  }
0x61: {  	_ =	shalt  }
0x62: {  	_ =	shalt  }
0x63: {  	_ =	shalt  }
0x64: {  	_ =	shalt  }
0x65: {  	_ =	shalt  }
0x66: {  	_ =	shalt  }
0x67: {  	_ =	shalt  }
0x68: {  	_ =	shalt  }
0x69: {  	_ =	shalt  }
0x6a: {  	_ =	shalt  }
0x6b: {  	_ =	shalt  }
0x6c: {  	_ =	shalt  }
0x6d: {  	_ =	shalt  }
0x6e: {  	_ =	shalt  }
0x6f: {  	_ =	shalt  }
0x70: {  	_ =	shalt  }
0x71: {  	_ =	shalt  }
0x72: {  	_ =	shalt  }
0x73: {  	_ =	shalt  }
0x74: {  	_ =	shalt  }
0x75: {  	_ =	shalt  }
0x76: {  	_ =	shalt  }
0x77: {  	_ =	shalt  }
0x78: {  	_ =	shalt  }
0x79: {  	_ =	shalt  }
0x7a: {  	_ =	shalt  }
0x7b: {  	_ =	shalt  }
0x7c: {  	_ =	shalt  }
0x7d: {  	_ =	shalt  }
0x7e: {  	_ =	shalt  }
0x7f: {  	_ =	shalt  }
0x80: {  	_ =	shalt  }
0x81: {  	_ =	shalt  }
0x82: {  	_ =	shalt  }
0x83: {  	_ =	shalt  }
0x84: {  	_ =	shalt  }
0x85: {  	_ =	shalt  }
0x86: {  	_ =	shalt  }
0x87: {  	_ =	shalt  }
.Lfunc_end0:
.L_simem_size_0:
called_computation.2_lowered:
.L_overlay_start_0:
0x88: {  	s2 =	sld [smem:$0x3FD9]  }
0x89: {  	s3 =	sld [smem:$0x3FFE];
	_ =	sdelay $0x1  }
0x8a: {  	s1 =	srdreg.scid  }
0x8b: {  	s0 =	sand.u32 $0x1, s1  }
0x8c: {  	s14 =	sshll.u32 s0, $0xA;
	s2 =	sadd.s32 s3, s2  }
0x8d: {  	s2 =	sadd.s32 s2, s14  }
0x8e: {  	[smem:$0x3FB4] =	sst s2  }
0x8f: {  	_ = 	snop  }
0x90: {  	s2 =	sld [smem:$0x3FD0];
	_ =	sdelay $0x2  }
0x91: {  	s15 =	simm.s32 $0xB;
	s4 =	simm.s32 $0x10  }
0x92: {  	[smem:s4], [sflag:s15] =	dma.local [hbm:s2], $0x1  }
0x93: {  	_ =	swait.eq [sflag:s15], $0x1  }
0x94: {  	[sflag:s15] =	ssyncset.done $0x0  }
0x95: {  	[sflag:s15] =	ssyncadd.s32 $0xFFFFFFFF  }
0x96: {  	s16 =	sld [smem:$0x10];
	(tm) =	ssettm $0x1  }
0x97: {  	s17 =	sld [smem:$0x3FFB];
	_ =	sdelay $0x3  }
0x98: {  	_ =	strace s17  }
0x99: {  	s3 =	sld [smem:$0x3FFC];
	_ =	sdelay $0x3  }
0x9a: {  	_ =	strace s3  }
0x9b: {  	s3 =	sld [smem:$0x3FFD];
	_ =	sdelay $0x3  }
0x9c: {  	_ =	strace s3  }
0x9d: {  	_ =	strace $0x8FFFFFFF  }
0x9e: {  	s18 =	sld [smem:$0x3FDB];
	_ =	sdelay $0x1  }
0x9f: {  	s19 =	simm.s32 $_scs_section_size  }
0xa0: {  	s5 =	simm.s32 $_size__tile_overlayer_lowered;
	s6 =	simm.s32 $_tile_overlayer_lowered  }
0xa1: {  	s22 =	simm.s32 $0x1BFF;
	s21 =	sshll.u32 s6, $0x1;
	s3 =	sadd.s32 s19, s18  }
0xa2: {  	s7 =	simm.s32 $0x0;
	s20 =	sshll.u32 s5, $0x1;
	s5 =	sadd.s32 s21, s3  }
0xa3: {  	[timem:s7], [sflag:s22] =	dma.local [hbm:s5], s20  }
0xa4: {  	_ =	swait.ge [sflag:s22], s20  }
0xa5: {  	s4 =	ssub.s32 $0x0, s20;
	[sflag:s22] =	ssyncset.done $0x0  }
0xa6: {  	[sflag:s22] =	ssyncadd.s32 s4;
	_ =	sdelay $0x1  }
0xa7: {  	s23 =	simm.s32 $0x1B8B  }
0xa8: {  	_ =	swait.ge [sflag:s23], $0x1  }
0xa9: {  	[sflag:s23] =	ssyncset.done $0x0  }
0xaa: {  	s25 =	simm.s32 $0x1B8E;
	s24 =	sld [smem:$0x3FFE];
	[sflag:s23] =	ssyncadd.s32 $0xFFFFFFFF  }
0xab: {  	s26 =	simm.s32 $execute0_lowered;
	[smem:$0x3FD2] =	sst s25  }
0xac: {  	s5 =	sshll.u32 s26, $0x1;
	_ =	strace $0x8000004C;
	[dreg:$0x1] =	wrdreg $0xFFFFFFFF  }
0xad: {  	s28 =	simm.s32 $_size_execute0_lowered;
	s3 =	sadd.s32 s3, s5;
	[dreg:$0x0] =	wrdreg $0x0  }
0xae: {  	s5 =	sshll.u32 s28, $0x1;
	[dreg:$0x2] =	wrdreg s3  }
0xaf: {  	[dreg:$0x3] =	wrdreg s5  }
0xb0: {  	[dreg:$0x4] =	wrdreg $0xC0  }
0xb1: {  	_ =	task [dreg:s7], $0x5FFFF  }
0xb2: {  	[dreg:$0x1] =	wrdreg $0xFFFFFFFF  }
0xb3: {  	[dreg:$0x0] =	wrdreg $0x60  }
0xb4: {  	[dreg:$0x2] =	wrdreg s24  }
0xb5: {  	[dreg:$0x3] =	wrdreg s16  }
0xb6: {  	[dreg:$0x4] =	wrdreg $0x81000  }
0xb7: {  	[dreg:$0x5] =	wrdreg $0x9  }
0xb8: {  	_ =	task.clear_ibuf [dreg:s7], $0x6FFFF;
	_ =	strace $0x9000004C  }
0xb9: {  	s29 =	simm.s32 $0x9;
	_ =	strace $0x8000004E  }
0xba: {  	_ =	swait.ge [sflag:s29], $0x1  }
0xbb: {  	[sflag:s29] =	ssyncadd.s32 $0xFFFFFFFF  }
0xbc: {  	_ =	strace $0x9000004E  }
0xbd: {  	_ =	sfence  }
0xbe: {  	s30 =	sld [smem:$0x0];
	_ =	sdelay $0x2  }
0xbf: {  	s31 =	sshll.u32 s1, $0xD;
	s1 =	sshrl.u32 s1, $0x2  }
0xc0: {  	s3 =	sand.u32 $0x4000, s31;
	s1 =	sadd.s32 s1, s30  }
0xc1: {  	s0 =	sor.u32 s3, s0;
	s1 =	sshll.u32 s1, $0x11  }
0xc2: {  	s0 =	sor.u32 s1, s0  }
0xc3: {  	s0 =	sadd.s32 $0x8F2B, s0  }
0xc4: {  	[sflag:s0] =	ssyncadd.remote.s32 $0x1  }
0xc5: {  	_ =	sfence.sel $0xFFFF  }
0xc6: {  	[dreg:$0x0] =	wrdreg $0xFFFFFFFF;
	(pc) =	sbr.abs _section_cstart, $3  }
0xc7: {  	[dreg:$0x1] =	wrdreg $0xFFFFFFFF  }
0xc8: {  	_ =	task.clear_ibuf [dreg:s7], $0x2FFFF;
	_ =	strace $0x9FFFFFFF  }
0xc9: {  	(tm) =	ssettm $0x7FFFFFFF  }
tec
execute0_lowered:
.L_overlay_start_1:
0x0: {  	(tag) =	ssettag $0x1  }
0x1: {  	s0 =	rddreg [dreg:$0x0]  }
0x2: {  	s2 =	rddreg [dreg:$0x1];
	s1 =	srdreg.scid  }
0x3: {  	s17 =	stileid.u32;
	s31 =	simm.s32 $0x2;
	s4 =	sadd.s32 $0x9C9800, s0  }
0x4: {  	s3 =	sadd.s32 $0x5800, s0;
	s5 =	sadd.s32 $0x13E000, s0;
	s6 =	sadd.s32 $0xB9E400, s0  }
0x5: {  	s7 =	sadd.s32 $0x276800, s0;
	s8 =	sand.u32 $0x1, s1;
	s12 =	sshll.u32 s17, $0x1  }
0x6: {  	s10 =	sadd.s32 $0xCD6C00, s0;
	s11 =	sadd.s32 $0x3AF000, s0;
	s16 =	sor.u32 s8, s12  }
0x7: {  	s13 =	sadd.s32 $0xE0F400, s0;
	s26 =	sshll.u32 s17, $0x5;
	s14 =	sshll.u32 s16, $0xB  }
0x8: {  	p1 =	sne.s32 s17, $0xF;
	s12 =	sshll.u32 s16, $0x4;
	s18 =	sadd.s32 s3, s14  }
0x9: {  	s15 =	sor.u32 $0x260, s16;
	s16 =	sadd.s32 s4, s14;
	[dreg:$0x4] =	wrdreg s18  }
0xa: {  	s1 =	ssub.s32 $0x2, s8;
	s20 =	sadd.s32 s5, s14;
	[dreg:$0x5] =	wrdreg s16  }
0xb: {  	s29 =	sshll.u32 s8, $0x4;
	s21 =	sadd.s32 s6, s14;
	[dreg:$0x6] =	wrdreg s20  }
0xc: {  	s9 =	sshrl.u32 s1, $0x1;
	s22 =	sadd.s32 s7, s14;
	[dreg:$0x7] =	wrdreg s21  }
0xd: {  	s1 =	ssub.s32 s1, s9;
	s23 =	sadd.s32 s10, s14;
	[dreg:$0x8] =	wrdreg s22  }
0xe: {  	s12 =	sadd.s32 s2, s12;
	s24 =	sadd.s32 s11, s14;
	[dreg:$0x9] =	wrdreg s23  }
0xf: {  	s25 =	sadd.s32 s13, s14;
	s28 =	sshll.u32 s15, $0xB;
	[dreg:$0xa] =	wrdreg s24  }
0x10: {  	s19 =	sshll.u32 s15, $0x4;
	[dreg:$0xb] =	wrdreg s25;
	s30 =	sadd.s32 s3, s28  }
0x11: {  	p0 =	sgt.u32 s15, $0x270;
	s18 =	sadd.s32 s4, s28;
	[dreg:$0xc] =	wrdreg s30  }
0x12: {  	s16 =	sadd.s32 s19, s2;
	s19 =	sadd.s32 s5, s28;
	[dreg:$0xd] =	wrdreg s18  }
0x13: {  	s2 =	sadd.s32 s26, s2;
	s20 =	sadd.s32 s6, s28;
	[dreg:$0xe] =	wrdreg s19  }
0x14: {  	s21 =	sadd.s32 s7, s28;
	s22 =	sadd.s32 s10, s28;
	[dreg:$0xf] =	wrdreg s20  }
0x15: {  	s23 =	sadd.s32 s11, s28;
	s24 =	sshll.u32 s17, $0xC;
	[dreg:$0x10] =	wrdreg s21  }
0x16: {  	s25 =	sshll.u32 s8, $0xB;
	s8 =	smul.u32 $0x27100, s8;
	[dreg:$0x11] =	wrdreg s22  }
0x17: {  	s14 =	sadd.s32 s13, s28;
	s26 =	smul.u32 $0x4E000, s17;
	[dreg:$0x12] =	wrdreg s23  }
0x18: {  	s15 =	smax.u32 s1, $0x1;
	s9 =	sadd.s32 s29, s2;
	[dreg:$0x13] =	wrdreg s14  }
0x19: {  	s3 =	sadd.s32 s24, s3;
	s4 =	sadd.s32 s24, s4;
	s5 =	sadd.s32 s24, s5  }
0x1a: {  	s6 =	sadd.s32 s24, s6;
	s7 =	sadd.s32 s24, s7;
	s10 =	sadd.s32 s24, s10  }
0x1b: {  	s11 =	sadd.s32 s24, s11;
	s18 =	simm.s32 $0x0;
	s2 =	sadd.s32 s24, s13  }
0x1c: {  	s20 =	rddreg [dreg:$0x2];
	s21 =	sadd.s32 $0xB02000, s0;
	s29 =	sshll.u32 s17, $0x6  }
0x1d: {  	s23 =	sadd.s32 $0x4E20, s12;
	s24 =	sadd.s32 $0x7530, s12;
	s19 =	sadd.s32 $0x4E20, s16  }
0x1e: {  	[smem:$0x7FF] =	sst s18;
	s3 =	sadd.s32 s25, s3;
	s4 =	sadd.s32 s25, s4  }
0x1f: {  	s5 =	sadd.s32 s25, s5;
	s6 =	sadd.s32 s25, s6;
	s7 =	sadd.s32 s25, s7  }
0x20: {  	s10 =	sadd.s32 s25, s10;
	s11 =	sadd.s32 s25, s11;
	s2 =	sadd.s32 s25, s2  }
0x21: {  	s8 =	sadd.s32 s8, s0;
	s28 =	sshrl.u32 s26, $0x2;
	s22 =	sor.u32 $0x1C03, s29  }
0x22: {  	_ =	strace $0x8000004D;
	s0 =	sadd.s32 s28, s20;
	[dreg:$0x19] =	wrdreg s15  }
0x23: {  	s30 =	sadd.s32 $0xB04800, s8;
	s12 =	sadd.s32 $0x4E7800, s8;
	[dreg:$0x14] =	wrdreg s0  }
0x24: {  	s13 =	sadd.s32 $0x535A00, s8;
	s14 =	sadd.s32 $0x583C00, s8;
	[dreg:$0x15] =	wrdreg s30  }
0x25: {  	s25 =	sadd.s32 $0x10000, s4;
	s26 =	sadd.s32 $0x10000, s5;
	[dreg:$0x16] =	wrdreg s12  }
0x26: {  	s28 =	sadd.s32 $0x10000, s6;
	s29 =	sadd.s32 $0x10000, s7;
	[dreg:$0x17] =	wrdreg s13  }
0x27: {  	s6 =	sadd.s32 $0x10000, s10;
	s7 =	sadd.s32 $0x10000, s11;
	[dreg:$0x18] =	wrdreg s14  }
0x28: {  	s8 =	sadd.s32 $0x10000, s2;
	s11 =	smul.u32 $0x2700, s17;
	[dreg:$0x1b] =	wrdreg s25  }
0x29: {  	s15 =	simm.s32 $0x4100;
	s17 =	simm.s32 $0x4;
	[dreg:$0x1c] =	wrdreg s26  }
0x2a: {  	s10 =	simm.s32 $0x0;
	s0 =	sadd.s32 $0x7530, s16;
	[dreg:$0x1d] =	wrdreg s28  }
0x2b: {  	s16 =	sadd.s32 $0x10000, s3;
	[dreg:$0x1e] =	wrdreg s29;
	s30 =	sadd.s32 $0x138000, s20  }
0x2c: {  	s12 =	simm.s32 $0x3;
	s13 =	simm.s32 $0x80;
	[dreg:$0x1a] =	wrdreg s16  }
0x2d: {  	s14 =	simm.s32 $0x4080;
	[dreg:$0x1f] =	wrdreg s30;
	s16 =	simm.s32 $0x1  }
.LBB2_1:
0x2e: {  	s1 =	rddreg [dreg:$0x14]  }
0x2f: {  	s26 =	sshrl.u32 s1, $0x3  }
0x30: {  	[spmem:s26], [sflag:s22] =	dma.local [hbm:s21], $0x2700  }
0x31: {  	_ =	swait.ge [sflag:s12], $0x2700  }
0x32: {  	[sflag:s12] =	ssyncset.done $0x0;
	s1 =	rddreg [dreg:$0x1f]  }
0x33: {  	[sflag:s12] =	ssyncadd.s32 $0xFFFFD900;
	s28 =	sshrl.u32 @!p1 s1, $0x3;
	s1 =	simm.s32 @!p1 $0x3  }
0x34: {  	[spmem:s28], [sflag:s22] =	dma.local @!p1 [hbm:s21], $0x100  }
0x35: {  	_ =	swait.ge @!p1 [sflag:s1], $0x100  }
0x36: {  	[sflag:s1] =	ssyncset.done @!p1 $0x0  }
0x37: {  	[sflag:s1] =	ssyncadd.s32 @!p1 $0xFFFFFF00  }
0x38: {  	[bflag:$0x0] =	sbarrier.arrive $0xFFFF  }
0x39: {  	[tilespmem:s18], [sflag:$0x1] =	stream.linear.gather [hbm4b:s23+s18], $0x80, $0x38;
	[tilespmem:$0x1B980] =	vst v63  }
0x3a: {  	s4 =	sadd.s32 $0x0, s9;
	s3 =	rddreg [dreg:$0x4]  }
0x3b: {  	[tilespmem:s13], [sflag:$0x1] =	stream.linear.gather [hbm4b:s3+s18], $0x4000, $0x38;
	[tilespmem:$0x1B980] =	vst v63  }
0x3c: {  	s2 =	sadd.s32 $0x5020, s4  }
0x3d: {  	[tilespmem:s14], [sflag:$0x2] =	stream.linear.gather [hbm4b:s2+s18], $0x80, $0x38;
	[tilespmem:$0x1B980] =	vst v63  }
0x3e: {  	s5 =	rddreg [dreg:$0x1a]  }
0x3f: {  	[tilespmem:s15], [sflag:$0x2] =	stream.linear.gather [hbm4b:s5+s18], $0x4000, $0x38;
	[tilespmem:$0x1B980] =	vst v63  }
0x40: {  	_ =	swait.ge [sflag:s16], $0x80  }
0x41: {  	[sflag:s16] =	ssyncset.done $0x0  }
0x42: {  	[sflag:s16] =	ssyncadd.s32 $0xFFFFFF80  }
0x43: {  	_ =	swait.ge [sflag:s16], $0x4000  }
0x44: {  	[sflag:s16] =	ssyncset.done $0x0  }
0x45: {  	[sflag:s16] =	ssyncadd.s32 $0xFFFFC000  }
0x46: {  	[spmem:s20] =	stream.indirect.scatter.add.f32 [tilespmem:s13], [sflag:$0x4], $0x80, s18, s13, $0xb8;
	[tilespmem:$0x1B980] =	vst v63  }
0x47: {  	_ =	swait.ge [sflag:s17], $0x4000  }
0x48: {  	[sflag:s17] =	ssyncset.done $0x0  }
0x49: {  	s1 =	sadd.s32 $0x5220, s4;
	[sflag:s17] =	ssyncadd.s32 $0xFFFFC000  }
0x4a: {  	[tilespmem:s18], [sflag:$0x1] =	stream.linear.gather [hbm4b:s1+s18], $0x80, $0x38;
	[tilespmem:$0x1B980] =	vst v63  }
0x4b: {  	s30 =	sadd.s32 $0x10000, s5  }
0x4c: {  	[tilespmem:s13], [sflag:$0x1] =	stream.linear.gather [hbm4b:s30+s18], $0x4000, $0x38;
	[tilespmem:$0x1B980] =	vst v63  }
0x4d: {  	_ =	swait.ge [sflag:s31], $0x80  }
0x4e: {  	[sflag:s31] =	ssyncset.done $0x0  }
0x4f: {  	[sflag:s31] =	ssyncadd.s32 $0xFFFFFF80  }
0x50: {  	_ =	swait.ge [sflag:s31], $0x4000  }
0x51: {  	[sflag:s31] =	ssyncset.done $0x0  }
0x52: {  	[sflag:s31] =	ssyncadd.s32 $0xFFFFC000  }
0x53: {  	[spmem:s20] =	stream.indirect.scatter.add.f32 [tilespmem:s15], [sflag:$0x3], $0x80, s14, s13, $0xb8;
	[tilespmem:$0x1B980] =	vst v63  }
0x54: {  	s25 =	sadd.s32 $0x400, s9;
	_ =	swait.ge [sflag:s12], $0x4000  }
0x55: {  	s29 =	sadd.s32 $0x20000, s5;
	s1 =	simm.s32 $0x800;
	[sflag:s12] =	ssyncset.done $0x0  }
.LBB2_2:
0x56: {  	s2 =	sadd.s32 $0x5020, s25  }
0x57: {  	[sflag:s12] =	ssyncadd.s32 $0xFFFFC000;
	s30 =	smov.u32 s1;
	s3 =	sadd.s32 $0x400, s1  }
0x58: {  	[tilespmem:s14], [sflag:$0x2] =	stream.linear.gather [hbm4b:s2+s18], $0x80, $0x38;
	[tilespmem:$0x1B980] =	vst v63  }
0x59: {  	p2 =	sne.s32 s1, $0x2000  }
0x5a: {  	[tilespmem:s15], [sflag:$0x2] =	stream.linear.gather [hbm4b:s29+s18], $0x4000, $0x38;
	[tilespmem:$0x1B980] =	vst v63  }
0x5b: {  	_ =	swait.ge [sflag:s16], $0x80  }
0x5c: {  	[sflag:s16] =	ssyncset.done $0x0  }
0x5d: {  	[sflag:s16] =	ssyncadd.s32 $0xFFFFFF80  }
0x5e: {  	_ =	swait.ge [sflag:s16], $0x4000  }
0x5f: {  	[sflag:s16] =	ssyncset.done $0x0  }
0x60: {  	[sflag:s16] =	ssyncadd.s32 $0xFFFFC000  }
0x61: {  	[spmem:s20] =	stream.indirect.scatter.add.f32 [tilespmem:s13], [sflag:$0x4], $0x80, s18, s13, $0xb8;
	[tilespmem:$0x1B980] =	vst v63  }
0x62: {  	_ =	swait.ge [sflag:s17], $0x4000  }
0x63: {  	[sflag:s17] =	ssyncset.done $0x0  }
0x64: {  	s1 =	sadd.s32 $0x5220, s25;
	[sflag:s17] =	ssyncadd.s32 $0xFFFFC000  }
0x65: {  	[tilespmem:s18], [sflag:$0x1] =	stream.linear.gather [hbm4b:s1+s18], $0x80, $0x38;
	[tilespmem:$0x1B980] =	vst v63  }
0x66: {  	s1 =	sadd.s32 $0x10000, s29  }
0x67: {  	[tilespmem:s13], [sflag:$0x1] =	stream.linear.gather [hbm4b:s1+s18], $0x4000, $0x38;
	[tilespmem:$0x1B980] =	vst v63  }
0x68: {  	_ =	swait.ge [sflag:s31], $0x80  }
0x69: {  	[sflag:s31] =	ssyncset.done $0x0  }
0x6a: {  	[sflag:s31] =	ssyncadd.s32 $0xFFFFFF80  }
0x6b: {  	_ =	swait.ge [sflag:s31], $0x4000  }
.Ltmp0:
0x6c: {  	[sflag:s31] =	ssyncset.done $0x0;
	(pc) =	sbr.rel @p2 .LBB2_2-.Ltmp0, $4  }
0x6d: {  	[sflag:s31] =	ssyncadd.s32 $0xFFFFC000  }
0x6e: {  	[spmem:s20] =	stream.indirect.scatter.add.f32 [tilespmem:s15], [sflag:$0x3], $0x80, s14, s13, $0xb8;
	[tilespmem:$0x1B980] =	vst v63  }
0x6f: {  	s25 =	sadd.s32 s30, s9;
	_ =	swait.ge [sflag:s12], $0x4000  }
0x70: {  	s29 =	sadd.s32 $0x20000, s29;
	s1 =	smov.u32 s3;
	[sflag:s12] =	ssyncset.done $0x0  }
0x71: {  	s1 =	sadd.s32 $0x5020, s25;
	[sflag:s12] =	ssyncadd.s32 $0xFFFFC000  }
0x72: {  	[tilespmem:s14], [sflag:$0x2] =	stream.linear.gather [hbm4b:s1+s18], $0x80, $0x38;
	[tilespmem:$0x1B980] =	vst v63  }
0x73: {  	_ = 	snop  }
0x74: {  	[tilespmem:s15], [sflag:$0x2] =	stream.linear.gather [hbm4b:s29+s18], $0x4000, $0x38;
	[tilespmem:$0x1B980] =	vst v63  }
0x75: {  	_ =	swait.ge [sflag:s16], $0x80  }
0x76: {  	[sflag:s16] =	ssyncset.done $0x0  }
0x77: {  	[sflag:s16] =	ssyncadd.s32 $0xFFFFFF80  }
0x78: {  	_ =	swait.ge [sflag:s16], $0x4000  }
0x79: {  	[sflag:s16] =	ssyncset.done $0x0  }
0x7a: {  	[sflag:s16] =	ssyncadd.s32 $0xFFFFC000  }
0x7b: {  	[spmem:s20] =	stream.indirect.scatter.add.f32 [tilespmem:s13], [sflag:$0x4], $0x80, s18, s13, $0xb8;
	[tilespmem:$0x1B980] =	vst v63  }
0x7c: {  	_ =	swait.ge [sflag:s17], $0x4000  }
0x7d: {  	[sflag:s17] =	ssyncset.done $0x0  }
0x7e: {  	s4 =	sadd.s32 $0x5220, s25;
	[sflag:s17] =	ssyncadd.s32 $0xFFFFC000  }
0x7f: {  	[tilespmem:s18], [sflag:$0x1] =	stream.linear.gather [hbm4b:s4+s18], $0x80, $0x38;
	[tilespmem:$0x1B980] =	vst v63  }
0x80: {  	s5 =	sadd.s32 $0x10000, s29  }
0x81: {  	[tilespmem:s13], [sflag:$0x1] =	stream.linear.gather [hbm4b:s5+s18], $0x4000, $0x38;
	[tilespmem:$0x1B980] =	vst v63  }
0x82: {  	_ =	swait.ge [sflag:s31], $0x80  }
0x83: {  	[sflag:s31] =	ssyncset.done $0x0  }
0x84: {  	[sflag:s31] =	ssyncadd.s32 $0xFFFFFF80  }
0x85: {  	_ =	swait.ge [sflag:s31], $0x4000  }
0x86: {  	[sflag:s31] =	ssyncset.done $0x0  }
0x87: {  	[sflag:s31] =	ssyncadd.s32 $0xFFFFC000  }
0x88: {  	[spmem:s20] =	stream.indirect.scatter.add.f32 [tilespmem:s15], [sflag:$0x3], $0x80, s14, s13, $0xb8;
	[tilespmem:$0x1B980] =	vst v63  }
0x89: {  	_ =	swait.ge [sflag:s12], $0x4000  }
0x8a: {  	[sflag:s12] =	ssyncset.done $0x0  }
0x8b: {  	s2 =	simm.s32 @!p0 $0x4080;
	s1 =	simm.s32 @!p0 $0x0;
	[sflag:s12] =	ssyncadd.s32 $0xFFFFC000  }
0x8c: {  	[tilespmem:s2], [sflag:$0x2] =	stream.linear.gather @!p0 [hbm4b:s19+s1], $0x80, $0x38;
	[tilespmem:$0x1B980] =	vst v63  }
0x8d: {  	s3 =	simm.s32 @!p0 $0x4100;
	s4 =	rddreg [dreg:$0xc]  }
0x8e: {  	[tilespmem:s3], [sflag:$0x2] =	stream.linear.gather @!p0 [hbm4b:s4+s1], $0x4000, $0x38;
	[tilespmem:$0x1B980] =	vst v63  }
0x8f: {  	_ =	swait.ge [sflag:s16], $0x80  }
0x90: {  	[sflag:s16] =	ssyncset.done $0x0  }
0x91: {  	[sflag:s16] =	ssyncadd.s32 $0xFFFFFF80  }
0x92: {  	_ =	swait.ge [sflag:s16], $0x4000  }
0x93: {  	[sflag:s16] =	ssyncset.done $0x0  }
0x94: {  	[sflag:s16] =	ssyncadd.s32 $0xFFFFC000  }
0x95: {  	[spmem:s20] =	stream.indirect.scatter.add.f32 [tilespmem:s13], [sflag:$0x4], $0x80, s18, s13, $0xb8;
	[tilespmem:$0x1B980] =	vst v63  }
0x96: {  	_ =	swait.ge [sflag:s17], $0x4000  }
0x97: {  	[sflag:s17] =	ssyncset.done $0x0  }
0x98: {  	s1 =	simm.s32 @!p0 $0x2;
	[sflag:s17] =	ssyncadd.s32 $0xFFFFC000  }
0x99: {  	_ =	swait.ge @!p0 [sflag:s1], $0x80  }
0x9a: {  	[sflag:s1] =	ssyncset.done @!p0 $0x0  }
0x9b: {  	[sflag:s1] =	ssyncadd.s32 @!p0 $0xFFFFFF80  }
0x9c: {  	_ =	swait.ge @!p0 [sflag:s1], $0x4000  }
0x9d: {  	[sflag:s1] =	ssyncset.done @!p0 $0x0  }
0x9e: {  	[sflag:s1] =	ssyncadd.s32 @!p0 $0xFFFFC000;
	s1 =	simm.s32 @!p0 $0x80  }
0x9f: {  	[spmem:s20] =	stream.indirect.scatter.add.f32 @!p0 [tilespmem:s3], [sflag:$0x3], $0x80, s2, s1, $0xb8;
	[tilespmem:$0x1B980] =	vst v63  }
0xa0: {  	s1 =	simm.s32 @!p0 $0x3  }
0xa1: {  	_ =	swait.ge @!p0 [sflag:s1], $0x4000  }
0xa2: {  	[sflag:s1] =	ssyncset.done @!p0 $0x0  }
0xa3: {  	s25 =	simm.s32 $0x0;
	[sflag:s1] =	ssyncadd.s32 @!p0 $0xFFFFC000  }
0xa4: {  	[tilespmem:s25], [sflag:$0x1] =	stream.linear.gather [hbm4b:s24+s25], $0x80, $0x38;
	[tilespmem:$0x1B980] =	vst v63  }
0xa5: {  	s3 =	sadd.s32 $0x0, s9;
	s30 =	rddreg [dreg:$0x5]  }
0xa6: {  	[tilespmem:s13], [sflag:$0x1] =	stream.linear.gather [hbm4b:s30+s25], $0x4000, $0x38;
	[tilespmem:$0x1B980] =	vst v63  }
0xa7: {  	s4 =	sadd.s32 $0x7730, s3  }
0xa8: {  	[tilespmem:s14], [sflag:$0x2] =	stream.linear.gather [hbm4b:s4+s18], $0x80, $0x38;
	[tilespmem:$0x1B980] =	vst v63  }
0xa9: {  	s5 =	rddreg [dreg:$0x1b]  }
0xaa: {  	[tilespmem:s15], [sflag:$0x2] =	stream.linear.gather [hbm4b:s5+s18], $0x4000, $0x38;
	[tilespmem:$0x1B980] =	vst v63  }
0xab: {  	_ =	swait.ge [sflag:s16], $0x80  }
0xac: {  	[sflag:s16] =	ssyncset.done $0x0  }
0xad: {  	[sflag:s16] =	ssyncadd.s32 $0xFFFFFF80  }
0xae: {  	_ =	swait.ge [sflag:s16], $0x4000  }
0xaf: {  	[sflag:s16] =	ssyncset.done $0x0  }
0xb0: {  	[sflag:s16] =	ssyncadd.s32 $0xFFFFC000  }
0xb1: {  	[spmem:s20] =	stream.indirect.scatter.add.f32 [tilespmem:s13], [sflag:$0x4], $0x80, s18, s13, $0xb8;
	[tilespmem:$0x1B980] =	vst v63  }
0xb2: {  	_ =	swait.ge [sflag:s17], $0x4000  }
0xb3: {  	[sflag:s17] =	ssyncset.done $0x0  }
0xb4: {  	s1 =	sadd.s32 $0x7930, s3;
	[sflag:s17] =	ssyncadd.s32 $0xFFFFC000  }
0xb5: {  	[tilespmem:s18], [sflag:$0x1] =	stream.linear.gather [hbm4b:s1+s18], $0x80, $0x38;
	[tilespmem:$0x1B980] =	vst v63  }
0xb6: {  	s30 =	sadd.s32 $0x10000, s5  }
0xb7: {  	[tilespmem:s13], [sflag:$0x1] =	stream.linear.gather [hbm4b:s30+s18], $0x4000, $0x38;
	[tilespmem:$0x1B980] =	vst v63  }
0xb8: {  	_ =	swait.ge [sflag:s31], $0x80  }
0xb9: {  	[sflag:s31] =	ssyncset.done $0x0  }
0xba: {  	[sflag:s31] =	ssyncadd.s32 $0xFFFFFF80  }
0xbb: {  	_ =	swait.ge [sflag:s31], $0x4000  }
0xbc: {  	[sflag:s31] =	ssyncset.done $0x0  }
0xbd: {  	[sflag:s31] =	ssyncadd.s32 $0xFFFFC000  }
0xbe: {  	[spmem:s20] =	stream.indirect.scatter.add.f32 [tilespmem:s15], [sflag:$0x3], $0x80, s14, s13, $0xb8;
	[tilespmem:$0x1B980] =	vst v63  }
0xbf: {  	s29 =	sadd.s32 $0x20000, s5;
	_ =	swait.ge [sflag:s12], $0x4000  }
0xc0: {  	s25 =	sadd.s32 $0x400, s9;
	s1 =	simm.s32 $0x800;
	[sflag:s12] =	ssyncset.done $0x0  }
.LBB2_4:
0xc1: {  	s2 =	sadd.s32 $0x7730, s25  }
0xc2: {  	[sflag:s12] =	ssyncadd.s32 $0xFFFFC000;
	s3 =	smov.u32 s1;
	s30 =	sadd.s32 $0x400, s1  }
0xc3: {  	[tilespmem:s14], [sflag:$0x2] =	stream.linear.gather [hbm4b:s2+s18], $0x80, $0x38;
	[tilespmem:$0x1B980] =	vst v63  }
0xc4: {  	p2 =	sne.s32 s1, $0x2000  }
0xc5: {  	[tilespmem:s15], [sflag:$0x2] =	stream.linear.gather [hbm4b:s29+s18], $0x4000, $0x38;
	[tilespmem:$0x1B980] =	vst v63  }
0xc6: {  	_ =	swait.ge [sflag:s16], $0x80  }
0xc7: {  	[sflag:s16] =	ssyncset.done $0x0  }
0xc8: {  	[sflag:s16] =	ssyncadd.s32 $0xFFFFFF80  }
0xc9: {  	_ =	swait.ge [sflag:s16], $0x4000  }
0xca: {  	[sflag:s16] =	ssyncset.done $0x0  }
0xcb: {  	[sflag:s16] =	ssyncadd.s32 $0xFFFFC000  }
0xcc: {  	[spmem:s20] =	stream.indirect.scatter.add.f32 [tilespmem:s13], [sflag:$0x4], $0x80, s18, s13, $0xb8;
	[tilespmem:$0x1B980] =	vst v63  }
0xcd: {  	_ =	swait.ge [sflag:s17], $0x4000  }
0xce: {  	[sflag:s17] =	ssyncset.done $0x0  }
0xcf: {  	s1 =	sadd.s32 $0x7930, s25;
	[sflag:s17] =	ssyncadd.s32 $0xFFFFC000  }
0xd0: {  	[tilespmem:s18], [sflag:$0x1] =	stream.linear.gather [hbm4b:s1+s18], $0x80, $0x38;
	[tilespmem:$0x1B980] =	vst v63  }
0xd1: {  	s1 =	sadd.s32 $0x10000, s29  }
0xd2: {  	[tilespmem:s13], [sflag:$0x1] =	stream.linear.gather [hbm4b:s1+s18], $0x4000, $0x38;
	[tilespmem:$0x1B980] =	vst v63  }
0xd3: {  	_ =	swait.ge [sflag:s31], $0x80  }
0xd4: {  	[sflag:s31] =	ssyncset.done $0x0  }
0xd5: {  	[sflag:s31] =	ssyncadd.s32 $0xFFFFFF80  }
0xd6: {  	_ =	swait.ge [sflag:s31], $0x4000  }
.Ltmp1:
0xd7: {  	[sflag:s31] =	ssyncset.done $0x0;
	(pc) =	sbr.rel @p2 .LBB2_4-.Ltmp1, $4  }
0xd8: {  	[sflag:s31] =	ssyncadd.s32 $0xFFFFC000  }
0xd9: {  	[spmem:s20] =	stream.indirect.scatter.add.f32 [tilespmem:s15], [sflag:$0x3], $0x80, s14, s13, $0xb8;
	[tilespmem:$0x1B980] =	vst v63  }
0xda: {  	s25 =	sadd.s32 s3, s9;
	_ =	swait.ge [sflag:s12], $0x4000  }
0xdb: {  	s29 =	sadd.s32 $0x20000, s29;
	s1 =	smov.u32 s30;
	[sflag:s12] =	ssyncset.done $0x0  }
0xdc: {  	s1 =	sadd.s32 $0x7730, s25;
	[sflag:s12] =	ssyncadd.s32 $0xFFFFC000  }
0xdd: {  	[tilespmem:s14], [sflag:$0x2] =	stream.linear.gather [hbm4b:s1+s18], $0x80, $0x38;
	[tilespmem:$0x1B980] =	vst v63  }
0xde: {  	_ = 	snop  }
0xdf: {  	[tilespmem:s15], [sflag:$0x2] =	stream.linear.gather [hbm4b:s29+s18], $0x4000, $0x38;
	[tilespmem:$0x1B980] =	vst v63  }
0xe0: {  	_ =	swait.ge [sflag:s16], $0x80  }
0xe1: {  	[sflag:s16] =	ssyncset.done $0x0  }
0xe2: {  	[sflag:s16] =	ssyncadd.s32 $0xFFFFFF80  }
0xe3: {  	_ =	swait.ge [sflag:s16], $0x4000  }
0xe4: {  	[sflag:s16] =	ssyncset.done $0x0  }
0xe5: {  	[sflag:s16] =	ssyncadd.s32 $0xFFFFC000  }
0xe6: {  	[spmem:s20] =	stream.indirect.scatter.add.f32 [tilespmem:s13], [sflag:$0x4], $0x80, s18, s13, $0xb8;
	[tilespmem:$0x1B980] =	vst v63  }
0xe7: {  	_ =	swait.ge [sflag:s17], $0x4000  }
0xe8: {  	[sflag:s17] =	ssyncset.done $0x0  }
0xe9: {  	s2 =	sadd.s32 $0x7930, s25;
	[sflag:s17] =	ssyncadd.s32 $0xFFFFC000  }
0xea: {  	[tilespmem:s18], [sflag:$0x1] =	stream.linear.gather [hbm4b:s2+s18], $0x80, $0x38;
	[tilespmem:$0x1B980] =	vst v63  }
0xeb: {  	s3 =	sadd.s32 $0x10000, s29  }
0xec: {  	[tilespmem:s13], [sflag:$0x1] =	stream.linear.gather [hbm4b:s3+s18], $0x4000, $0x38;
	[tilespmem:$0x1B980] =	vst v63  }
0xed: {  	_ =	swait.ge [sflag:s31], $0x80  }
0xee: {  	[sflag:s31] =	ssyncset.done $0x0  }
0xef: {  	[sflag:s31] =	ssyncadd.s32 $0xFFFFFF80  }
0xf0: {  	_ =	swait.ge [sflag:s31], $0x4000  }
0xf1: {  	[sflag:s31] =	ssyncset.done $0x0  }
0xf2: {  	[sflag:s31] =	ssyncadd.s32 $0xFFFFC000  }
0xf3: {  	[spmem:s20] =	stream.indirect.scatter.add.f32 [tilespmem:s15], [sflag:$0x3], $0x80, s14, s13, $0xb8;
	[tilespmem:$0x1B980] =	vst v63  }
0xf4: {  	_ =	swait.ge [sflag:s12], $0x4000  }
0xf5: {  	[sflag:s12] =	ssyncset.done $0x0  }
0xf6: {  	s1 =	simm.s32 @!p0 $0x0;
	s2 =	simm.s32 @!p0 $0x4080;
	[sflag:s12] =	ssyncadd.s32 $0xFFFFC000  }
0xf7: {  	[tilespmem:s2], [sflag:$0x2] =	stream.linear.gather @!p0 [hbm4b:s0+s1], $0x80, $0x38;
	[tilespmem:$0x1B980] =	vst v63  }
0xf8: {  	s3 =	simm.s32 @!p0 $0x4100;
	s4 =	rddreg [dreg:$0xd]  }
0xf9: {  	[tilespmem:s3], [sflag:$0x2] =	stream.linear.gather @!p0 [hbm4b:s4+s1], $0x4000, $0x38;
	[tilespmem:$0x1B980] =	vst v63  }
0xfa: {  	_ =	swait.ge [sflag:s16], $0x80  }
0xfb: {  	[sflag:s16] =	ssyncset.done $0x0  }
0xfc: {  	[sflag:s16] =	ssyncadd.s32 $0xFFFFFF80  }
0xfd: {  	_ =	swait.ge [sflag:s16], $0x4000  }
0xfe: {  	[sflag:s16] =	ssyncset.done $0x0  }
0xff: {  	[sflag:s16] =	ssyncadd.s32 $0xFFFFC000  }
0x100: {  	[spmem:s20] =	stream.indirect.scatter.add.f32 [tilespmem:s13], [sflag:$0x4], $0x80, s18, s13, $0xb8;
	[tilespmem:$0x1B980] =	vst v63  }
0x101: {  	_ =	swait.ge [sflag:s17], $0x4000  }
0x102: {  	[sflag:s17] =	ssyncset.done $0x0  }
0x103: {  	s1 =	simm.s32 @!p0 $0x2;
	[sflag:s17] =	ssyncadd.s32 $0xFFFFC000  }
0x104: {  	_ =	swait.ge @!p0 [sflag:s1], $0x80  }
0x105: {  	[sflag:s1] =	ssyncset.done @!p0 $0x0  }
0x106: {  	[sflag:s1] =	ssyncadd.s32 @!p0 $0xFFFFFF80  }
0x107: {  	_ =	swait.ge @!p0 [sflag:s1], $0x4000  }
0x108: {  	[sflag:s1] =	ssyncset.done @!p0 $0x0  }
0x109: {  	[sflag:s1] =	ssyncadd.s32 @!p0 $0xFFFFC000;
	s1 =	simm.s32 @!p0 $0x80  }
0x10a: {  	[spmem:s20] =	stream.indirect.scatter.add.f32 @!p0 [tilespmem:s3], [sflag:$0x3], $0x80, s2, s1, $0xb8;
	[tilespmem:$0x1B980] =	vst v63  }
0x10b: {  	s1 =	simm.s32 @!p0 $0x3  }
0x10c: {  	_ =	swait.ge @!p0 [sflag:s1], $0x4000  }
0x10d: {  	[sflag:s1] =	ssyncset.done @!p0 $0x0  }
0x10e: {  	[sflag:s1] =	ssyncadd.s32 @!p0 $0xFFFFC000  }
0x10f: {  	[bflag:$0x0] =	sbarrier.arrive $0xFFFF  }
0x110: {  	s3 =	rddreg [dreg:$0x15]  }
0x111: {  	s4 =	sadd.s32 s11, s3  }
0x112: {  	[hbm:s4], [sflag:s22] =	dma.local [spmem:s26], $0x2700  }
0x113: {  	_ =	swait.ge [sflag:s12], $0x2700  }
0x114: {  	[sflag:s12] =	ssyncset.done $0x0  }
0x115: {  	[sflag:s12] =	ssyncadd.s32 $0xFFFFD900  }
0x116: {  	[bflag:$0x0] =	sbarrier.arrive @p1 $0xFFFF  }
0x117: {  	s2 =	rddreg [dreg:$0x14]  }
0x118: {  	s1 =	simm.s32 @p1 $0x3;
	s29 =	sshrl.u32 @p1 s2, $0x3  }
0x119: {  	[spmem:s29], [sflag:s22] =	dma.local @p1 [hbm:s21], $0x2700  }
0x11a: {  	_ =	swait.ge @p1 [sflag:s1], $0x2700  }
0x11b: {  	[sflag:s1] =	ssyncset.done @p1 $0x0  }
0x11c: {  	[sflag:s1] =	ssyncadd.s32 @p1 $0xFFFFD900;
	s1 =	sadd.s32 @!p1 $0x27000, s3  }
0x11d: {  	[hbm:s1], [sflag:s22] =	dma.local @!p1 [spmem:s28], $0x100  }
0x11e: {  	s1 =	simm.s32 @!p1 $0x3  }
0x11f: {  	_ =	swait.ge @!p1 [sflag:s1], $0x100  }
0x120: {  	[sflag:s1] =	ssyncset.done @!p1 $0x0  }
0x121: {  	[sflag:s1] =	ssyncadd.s32 @!p1 $0xFFFFFF00  }
0x122: {  	s30 =	sshrl.u32 @!p1 s2, $0x3;
	[bflag:$0x0] =	sbarrier.arrive @!p1 $0xFFFF  }
0x123: {  	[spmem:s30], [sflag:s22] =	dma.local @!p1 [hbm:s21], $0x2700  }
0x124: {  	_ =	swait.ge @!p1 [sflag:s1], $0x2700  }
0x125: {  	[sflag:s1] =	ssyncset.done @!p1 $0x0  }
0x126: {  	[sflag:s1] =	ssyncadd.s32 @!p1 $0xFFFFD900  }
0x127: {  	[spmem:s28], [sflag:s22] =	dma.local @!p1 [hbm:s21], $0x100  }
0x128: {  	_ =	swait.ge @!p1 [sflag:s1], $0x100  }
0x129: {  	[sflag:s1] =	ssyncset.done @!p1 $0x0  }
0x12a: {  	[sflag:s1] =	ssyncadd.s32 @!p1 $0xFFFFFF00  }
0x12b: {  	s5 =	simm.s32 $0x0;
	[bflag:$0x0] =	sbarrier.arrive $0xFFFF  }
0x12c: {  	[tilespmem:s5], [sflag:$0x1] =	stream.linear.gather [hbm4b:s23+s5], $0x80, $0x38;
	[tilespmem:$0x1B980] =	vst v63  }
0x12d: {  	s3 =	sadd.s32 $0x0, s9;
	s25 =	rddreg [dreg:$0x6]  }
0x12e: {  	[tilespmem:s13], [sflag:$0x1] =	stream.linear.gather [hbm4b:s25+s5], $0x4000, $0x38;
	[tilespmem:$0x1B980] =	vst v63  }
0x12f: {  	s4 =	sadd.s32 $0x5020, s3  }
0x130: {  	[tilespmem:s14], [sflag:$0x2] =	stream.linear.gather [hbm4b:s4+s18], $0x80, $0x38;
	[tilespmem:$0x1B980] =	vst v63  }
0x131: {  	s5 =	rddreg [dreg:$0x1c]  }
0x132: {  	[tilespmem:s15], [sflag:$0x2] =	stream.linear.gather [hbm4b:s5+s18], $0x4000, $0x38;
	[tilespmem:$0x1B980] =	vst v63  }
0x133: {  	_ =	swait.ge [sflag:s16], $0x80  }
0x134: {  	[sflag:s16] =	ssyncset.done $0x0  }
0x135: {  	[sflag:s16] =	ssyncadd.s32 $0xFFFFFF80  }
0x136: {  	_ =	swait.ge [sflag:s16], $0x4000  }
0x137: {  	[sflag:s16] =	ssyncset.done $0x0  }
0x138: {  	[sflag:s16] =	ssyncadd.s32 $0xFFFFC000  }
0x139: {  	[spmem:s20] =	stream.indirect.scatter.add.f32 [tilespmem:s13], [sflag:$0x4], $0x80, s18, s13, $0xb8;
	[tilespmem:$0x1B980] =	vst v63  }
0x13a: {  	_ =	swait.ge [sflag:s17], $0x4000  }
0x13b: {  	[sflag:s17] =	ssyncset.done $0x0  }
0x13c: {  	s1 =	sadd.s32 $0x5220, s3;
	[sflag:s17] =	ssyncadd.s32 $0xFFFFC000  }
0x13d: {  	[tilespmem:s18], [sflag:$0x1] =	stream.linear.gather [hbm4b:s1+s18], $0x80, $0x38;
	[tilespmem:$0x1B980] =	vst v63  }
0x13e: {  	s25 =	sadd.s32 $0x10000, s5  }
0x13f: {  	[tilespmem:s13], [sflag:$0x1] =	stream.linear.gather [hbm4b:s25+s18], $0x4000, $0x38;
	[tilespmem:$0x1B980] =	vst v63  }
0x140: {  	_ =	swait.ge [sflag:s31], $0x80  }
0x141: {  	[sflag:s31] =	ssyncset.done $0x0  }
0x142: {  	[sflag:s31] =	ssyncadd.s32 $0xFFFFFF80  }
0x143: {  	_ =	swait.ge [sflag:s31], $0x4000  }
0x144: {  	[sflag:s31] =	ssyncset.done $0x0  }
0x145: {  	[sflag:s31] =	ssyncadd.s32 $0xFFFFC000  }
0x146: {  	[spmem:s20] =	stream.indirect.scatter.add.f32 [tilespmem:s15], [sflag:$0x3], $0x80, s14, s13, $0xb8;
	[tilespmem:$0x1B980] =	vst v63  }
0x147: {  	s2 =	simm.s32 $0x800;
	_ =	swait.ge [sflag:s12], $0x4000  }
0x148: {  	s1 =	sadd.s32 $0x400, s9;
	s25 =	sadd.s32 $0x20000, s5;
	[sflag:s12] =	ssyncset.done $0x0  }
.LBB2_6:
0x149: {  	s3 =	sadd.s32 $0x5020, s1  }
0x14a: {  	[sflag:s12] =	ssyncadd.s32 $0xFFFFC000;
	s4 =	smov.u32 s2;
	s5 =	sadd.s32 $0x400, s2  }
0x14b: {  	[tilespmem:s14], [sflag:$0x2] =	stream.linear.gather [hbm4b:s3+s18], $0x80, $0x38;
	[tilespmem:$0x1B980] =	vst v63  }
0x14c: {  	p2 =	sne.s32 s2, $0x2000  }
0x14d: {  	[tilespmem:s15], [sflag:$0x2] =	stream.linear.gather [hbm4b:s25+s18], $0x4000, $0x38;
	[tilespmem:$0x1B980] =	vst v63  }
0x14e: {  	_ =	swait.ge [sflag:s16], $0x80  }
0x14f: {  	[sflag:s16] =	ssyncset.done $0x0  }
0x150: {  	[sflag:s16] =	ssyncadd.s32 $0xFFFFFF80  }
0x151: {  	_ =	swait.ge [sflag:s16], $0x4000  }
0x152: {  	[sflag:s16] =	ssyncset.done $0x0  }
0x153: {  	[sflag:s16] =	ssyncadd.s32 $0xFFFFC000  }
0x154: {  	[spmem:s20] =	stream.indirect.scatter.add.f32 [tilespmem:s13], [sflag:$0x4], $0x80, s18, s13, $0xb8;
	[tilespmem:$0x1B980] =	vst v63  }
0x155: {  	_ =	swait.ge [sflag:s17], $0x4000  }
0x156: {  	[sflag:s17] =	ssyncset.done $0x0  }
0x157: {  	s1 =	sadd.s32 $0x5220, s1;
	[sflag:s17] =	ssyncadd.s32 $0xFFFFC000  }
0x158: {  	[tilespmem:s18], [sflag:$0x1] =	stream.linear.gather [hbm4b:s1+s18], $0x80, $0x38;
	[tilespmem:$0x1B980] =	vst v63  }
0x159: {  	s1 =	sadd.s32 $0x10000, s25  }
0x15a: {  	[tilespmem:s13], [sflag:$0x1] =	stream.linear.gather [hbm4b:s1+s18], $0x4000, $0x38;
	[tilespmem:$0x1B980] =	vst v63  }
0x15b: {  	_ =	swait.ge [sflag:s31], $0x80  }
0x15c: {  	[sflag:s31] =	ssyncset.done $0x0  }
0x15d: {  	[sflag:s31] =	ssyncadd.s32 $0xFFFFFF80  }
0x15e: {  	_ =	swait.ge [sflag:s31], $0x4000  }
.Ltmp2:
0x15f: {  	[sflag:s31] =	ssyncset.done $0x0;
	(pc) =	sbr.rel @p2 .LBB2_6-.Ltmp2, $4  }
0x160: {  	[sflag:s31] =	ssyncadd.s32 $0xFFFFC000  }
0x161: {  	[spmem:s20] =	stream.indirect.scatter.add.f32 [tilespmem:s15], [sflag:$0x3], $0x80, s14, s13, $0xb8;
	[tilespmem:$0x1B980] =	vst v63  }
0x162: {  	s2 =	smov.u32 s5;
	_ =	swait.ge [sflag:s12], $0x4000  }
0x163: {  	s25 =	sadd.s32 $0x20000, s25;
	s1 =	sadd.s32 s4, s9;
	[sflag:s12] =	ssyncset.done $0x0  }
0x164: {  	s2 =	sadd.s32 $0x5020, s1;
	[sflag:s12] =	ssyncadd.s32 $0xFFFFC000  }
0x165: {  	[tilespmem:s14], [sflag:$0x2] =	stream.linear.gather [hbm4b:s2+s18], $0x80, $0x38;
	[tilespmem:$0x1B980] =	vst v63  }
0x166: {  	_ = 	snop  }
0x167: {  	[tilespmem:s15], [sflag:$0x2] =	stream.linear.gather [hbm4b:s25+s18], $0x4000, $0x38;
	[tilespmem:$0x1B980] =	vst v63  }
0x168: {  	_ =	swait.ge [sflag:s16], $0x80  }
0x169: {  	[sflag:s16] =	ssyncset.done $0x0  }
0x16a: {  	[sflag:s16] =	ssyncadd.s32 $0xFFFFFF80  }
0x16b: {  	_ =	swait.ge [sflag:s16], $0x4000  }
0x16c: {  	[sflag:s16] =	ssyncset.done $0x0  }
0x16d: {  	[sflag:s16] =	ssyncadd.s32 $0xFFFFC000  }
0x16e: {  	[spmem:s20] =	stream.indirect.scatter.add.f32 [tilespmem:s13], [sflag:$0x4], $0x80, s18, s13, $0xb8;
	[tilespmem:$0x1B980] =	vst v63  }
0x16f: {  	_ =	swait.ge [sflag:s17], $0x4000  }
0x170: {  	[sflag:s17] =	ssyncset.done $0x0  }
0x171: {  	s3 =	sadd.s32 $0x5220, s1;
	[sflag:s17] =	ssyncadd.s32 $0xFFFFC000  }
0x172: {  	[tilespmem:s18], [sflag:$0x1] =	stream.linear.gather [hbm4b:s3+s18], $0x80, $0x38;
	[tilespmem:$0x1B980] =	vst v63  }
0x173: {  	s4 =	sadd.s32 $0x10000, s25  }
0x174: {  	[tilespmem:s13], [sflag:$0x1] =	stream.linear.gather [hbm4b:s4+s18], $0x4000, $0x38;
	[tilespmem:$0x1B980] =	vst v63  }
0x175: {  	_ =	swait.ge [sflag:s31], $0x80  }
0x176: {  	[sflag:s31] =	ssyncset.done $0x0  }
0x177: {  	[sflag:s31] =	ssyncadd.s32 $0xFFFFFF80  }
0x178: {  	_ =	swait.ge [sflag:s31], $0x4000  }
0x179: {  	[sflag:s31] =	ssyncset.done $0x0  }
0x17a: {  	[sflag:s31] =	ssyncadd.s32 $0xFFFFC000  }
0x17b: {  	[spmem:s20] =	stream.indirect.scatter.add.f32 [tilespmem:s15], [sflag:$0x3], $0x80, s14, s13, $0xb8;
	[tilespmem:$0x1B980] =	vst v63  }
0x17c: {  	_ =	swait.ge [sflag:s12], $0x4000  }
0x17d: {  	[sflag:s12] =	ssyncset.done $0x0  }
0x17e: {  	s1 =	simm.s32 @!p0 $0x0;
	s2 =	simm.s32 @!p0 $0x4080;
	[sflag:s12] =	ssyncadd.s32 $0xFFFFC000  }
0x17f: {  	[tilespmem:s2], [sflag:$0x2] =	stream.linear.gather @!p0 [hbm4b:s19+s1], $0x80, $0x38;
	[tilespmem:$0x1B980] =	vst v63  }
0x180: {  	s3 =	simm.s32 @!p0 $0x4100;
	s4 =	rddreg [dreg:$0xe]  }
0x181: {  	[tilespmem:s3], [sflag:$0x2] =	stream.linear.gather @!p0 [hbm4b:s4+s1], $0x4000, $0x38;
	[tilespmem:$0x1B980] =	vst v63  }
0x182: {  	_ =	swait.ge [sflag:s16], $0x80  }
0x183: {  	[sflag:s16] =	ssyncset.done $0x0  }
0x184: {  	[sflag:s16] =	ssyncadd.s32 $0xFFFFFF80  }
0x185: {  	_ =	swait.ge [sflag:s16], $0x4000  }
0x186: {  	[sflag:s16] =	ssyncset.done $0x0  }
0x187: {  	[sflag:s16] =	ssyncadd.s32 $0xFFFFC000  }
0x188: {  	[spmem:s20] =	stream.indirect.scatter.add.f32 [tilespmem:s13], [sflag:$0x4], $0x80, s18, s13, $0xb8;
	[tilespmem:$0x1B980] =	vst v63  }
0x189: {  	_ =	swait.ge [sflag:s17], $0x4000  }
0x18a: {  	[sflag:s17] =	ssyncset.done $0x0  }
0x18b: {  	s1 =	simm.s32 @!p0 $0x2;
	[sflag:s17] =	ssyncadd.s32 $0xFFFFC000  }
0x18c: {  	_ =	swait.ge @!p0 [sflag:s1], $0x80  }
0x18d: {  	[sflag:s1] =	ssyncset.done @!p0 $0x0  }
0x18e: {  	[sflag:s1] =	ssyncadd.s32 @!p0 $0xFFFFFF80  }
0x18f: {  	_ =	swait.ge @!p0 [sflag:s1], $0x4000  }
0x190: {  	[sflag:s1] =	ssyncset.done @!p0 $0x0  }
0x191: {  	[sflag:s1] =	ssyncadd.s32 @!p0 $0xFFFFC000;
	s1 =	simm.s32 @!p0 $0x80  }
0x192: {  	[spmem:s20] =	stream.indirect.scatter.add.f32 @!p0 [tilespmem:s3], [sflag:$0x3], $0x80, s2, s1, $0xb8;
	[tilespmem:$0x1B980] =	vst v63  }
0x193: {  	s1 =	simm.s32 @!p0 $0x3  }
0x194: {  	_ =	swait.ge @!p0 [sflag:s1], $0x4000  }
0x195: {  	[sflag:s1] =	ssyncset.done @!p0 $0x0  }
0x196: {  	s5 =	simm.s32 $0x0;
	[sflag:s1] =	ssyncadd.s32 @!p0 $0xFFFFC000  }
0x197: {  	[tilespmem:s5], [sflag:$0x1] =	stream.linear.gather [hbm4b:s24+s5], $0x80, $0x38;
	[tilespmem:$0x1B980] =	vst v63  }
0x198: {  	s3 =	sadd.s32 $0x0, s9;
	s25 =	rddreg [dreg:$0x7]  }
0x199: {  	[tilespmem:s13], [sflag:$0x1] =	stream.linear.gather [hbm4b:s25+s5], $0x4000, $0x38;
	[tilespmem:$0x1B980] =	vst v63  }
0x19a: {  	s4 =	sadd.s32 $0x7730, s3  }
0x19b: {  	[tilespmem:s14], [sflag:$0x2] =	stream.linear.gather [hbm4b:s4+s18], $0x80, $0x38;
	[tilespmem:$0x1B980] =	vst v63  }
0x19c: {  	s5 =	rddreg [dreg:$0x1d]  }
0x19d: {  	[tilespmem:s15], [sflag:$0x2] =	stream.linear.gather [hbm4b:s5+s18], $0x4000, $0x38;
	[tilespmem:$0x1B980] =	vst v63  }
0x19e: {  	_ =	swait.ge [sflag:s16], $0x80  }
0x19f: {  	[sflag:s16] =	ssyncset.done $0x0  }
0x1a0: {  	[sflag:s16] =	ssyncadd.s32 $0xFFFFFF80  }
0x1a1: {  	_ =	swait.ge [sflag:s16], $0x4000  }
0x1a2: {  	[sflag:s16] =	ssyncset.done $0x0  }
0x1a3: {  	[sflag:s16] =	ssyncadd.s32 $0xFFFFC000  }
0x1a4: {  	[spmem:s20] =	stream.indirect.scatter.add.f32 [tilespmem:s13], [sflag:$0x4], $0x80, s18, s13, $0xb8;
	[tilespmem:$0x1B980] =	vst v63  }
0x1a5: {  	_ =	swait.ge [sflag:s17], $0x4000  }
0x1a6: {  	[sflag:s17] =	ssyncset.done $0x0  }
0x1a7: {  	s1 =	sadd.s32 $0x7930, s3;
	[sflag:s17] =	ssyncadd.s32 $0xFFFFC000  }
0x1a8: {  	[tilespmem:s18], [sflag:$0x1] =	stream.linear.gather [hbm4b:s1+s18], $0x80, $0x38;
	[tilespmem:$0x1B980] =	vst v63  }
0x1a9: {  	s25 =	sadd.s32 $0x10000, s5  }
0x1aa: {  	[tilespmem:s13], [sflag:$0x1] =	stream.linear.gather [hbm4b:s25+s18], $0x4000, $0x38;
	[tilespmem:$0x1B980] =	vst v63  }
0x1ab: {  	_ =	swait.ge [sflag:s31], $0x80  }
0x1ac: {  	[sflag:s31] =	ssyncset.done $0x0  }
0x1ad: {  	[sflag:s31] =	ssyncadd.s32 $0xFFFFFF80  }
0x1ae: {  	_ =	swait.ge [sflag:s31], $0x4000  }
0x1af: {  	[sflag:s31] =	ssyncset.done $0x0  }
0x1b0: {  	[sflag:s31] =	ssyncadd.s32 $0xFFFFC000  }
0x1b1: {  	[spmem:s20] =	stream.indirect.scatter.add.f32 [tilespmem:s15], [sflag:$0x3], $0x80, s14, s13, $0xb8;
	[tilespmem:$0x1B980] =	vst v63  }
0x1b2: {  	s2 =	simm.s32 $0x800;
	_ =	swait.ge [sflag:s12], $0x4000  }
0x1b3: {  	s1 =	sadd.s32 $0x400, s9;
	s25 =	sadd.s32 $0x20000, s5;
	[sflag:s12] =	ssyncset.done $0x0  }
.LBB2_8:
0x1b4: {  	s3 =	sadd.s32 $0x7730, s1  }
0x1b5: {  	[sflag:s12] =	ssyncadd.s32 $0xFFFFC000;
	s4 =	smov.u32 s2;
	s5 =	sadd.s32 $0x400, s2  }
0x1b6: {  	[tilespmem:s14], [sflag:$0x2] =	stream.linear.gather [hbm4b:s3+s18], $0x80, $0x38;
	[tilespmem:$0x1B980] =	vst v63  }
0x1b7: {  	p2 =	sne.s32 s2, $0x2000  }
0x1b8: {  	[tilespmem:s15], [sflag:$0x2] =	stream.linear.gather [hbm4b:s25+s18], $0x4000, $0x38;
	[tilespmem:$0x1B980] =	vst v63  }
0x1b9: {  	_ =	swait.ge [sflag:s16], $0x80  }
0x1ba: {  	[sflag:s16] =	ssyncset.done $0x0  }
0x1bb: {  	[sflag:s16] =	ssyncadd.s32 $0xFFFFFF80  }
0x1bc: {  	_ =	swait.ge [sflag:s16], $0x4000  }
0x1bd: {  	[sflag:s16] =	ssyncset.done $0x0  }
0x1be: {  	[sflag:s16] =	ssyncadd.s32 $0xFFFFC000  }
0x1bf: {  	[spmem:s20] =	stream.indirect.scatter.add.f32 [tilespmem:s13], [sflag:$0x4], $0x80, s18, s13, $0xb8;
	[tilespmem:$0x1B980] =	vst v63  }
0x1c0: {  	_ =	swait.ge [sflag:s17], $0x4000  }
0x1c1: {  	[sflag:s17] =	ssyncset.done $0x0  }
0x1c2: {  	s1 =	sadd.s32 $0x7930, s1;
	[sflag:s17] =	ssyncadd.s32 $0xFFFFC000  }
0x1c3: {  	[tilespmem:s18], [sflag:$0x1] =	stream.linear.gather [hbm4b:s1+s18], $0x80, $0x38;
	[tilespmem:$0x1B980] =	vst v63  }
0x1c4: {  	s1 =	sadd.s32 $0x10000, s25  }
0x1c5: {  	[tilespmem:s13], [sflag:$0x1] =	stream.linear.gather [hbm4b:s1+s18], $0x4000, $0x38;
	[tilespmem:$0x1B980] =	vst v63  }
0x1c6: {  	_ =	swait.ge [sflag:s31], $0x80  }
0x1c7: {  	[sflag:s31] =	ssyncset.done $0x0  }
0x1c8: {  	[sflag:s31] =	ssyncadd.s32 $0xFFFFFF80  }
0x1c9: {  	_ =	swait.ge [sflag:s31], $0x4000  }
.Ltmp3:
0x1ca: {  	[sflag:s31] =	ssyncset.done $0x0;
	(pc) =	sbr.rel @p2 .LBB2_8-.Ltmp3, $4  }
0x1cb: {  	[sflag:s31] =	ssyncadd.s32 $0xFFFFC000  }
0x1cc: {  	[spmem:s20] =	stream.indirect.scatter.add.f32 [tilespmem:s15], [sflag:$0x3], $0x80, s14, s13, $0xb8;
	[tilespmem:$0x1B980] =	vst v63  }
0x1cd: {  	s2 =	smov.u32 s5;
	_ =	swait.ge [sflag:s12], $0x4000  }
0x1ce: {  	s25 =	sadd.s32 $0x20000, s25;
	s1 =	sadd.s32 s4, s9;
	[sflag:s12] =	ssyncset.done $0x0  }
0x1cf: {  	s2 =	sadd.s32 $0x7730, s1;
	[sflag:s12] =	ssyncadd.s32 $0xFFFFC000  }
0x1d0: {  	[tilespmem:s14], [sflag:$0x2] =	stream.linear.gather [hbm4b:s2+s18], $0x80, $0x38;
	[tilespmem:$0x1B980] =	vst v63  }
0x1d1: {  	_ = 	snop  }
0x1d2: {  	[tilespmem:s15], [sflag:$0x2] =	stream.linear.gather [hbm4b:s25+s18], $0x4000, $0x38;
	[tilespmem:$0x1B980] =	vst v63  }
0x1d3: {  	_ =	swait.ge [sflag:s16], $0x80  }
0x1d4: {  	[sflag:s16] =	ssyncset.done $0x0  }
0x1d5: {  	[sflag:s16] =	ssyncadd.s32 $0xFFFFFF80  }
0x1d6: {  	_ =	swait.ge [sflag:s16], $0x4000  }
0x1d7: {  	[sflag:s16] =	ssyncset.done $0x0  }
0x1d8: {  	[sflag:s16] =	ssyncadd.s32 $0xFFFFC000  }
0x1d9: {  	[spmem:s20] =	stream.indirect.scatter.add.f32 [tilespmem:s13], [sflag:$0x4], $0x80, s18, s13, $0xb8;
	[tilespmem:$0x1B980] =	vst v63  }
0x1da: {  	_ =	swait.ge [sflag:s17], $0x4000  }
0x1db: {  	[sflag:s17] =	ssyncset.done $0x0  }
0x1dc: {  	s2 =	sadd.s32 $0x7930, s1;
	[sflag:s17] =	ssyncadd.s32 $0xFFFFC000  }
0x1dd: {  	[tilespmem:s18], [sflag:$0x1] =	stream.linear.gather [hbm4b:s2+s18], $0x80, $0x38;
	[tilespmem:$0x1B980] =	vst v63  }
0x1de: {  	s3 =	sadd.s32 $0x10000, s25  }
0x1df: {  	[tilespmem:s13], [sflag:$0x1] =	stream.linear.gather [hbm4b:s3+s18], $0x4000, $0x38;
	[tilespmem:$0x1B980] =	vst v63  }
0x1e0: {  	_ =	swait.ge [sflag:s31], $0x80  }
0x1e1: {  	[sflag:s31] =	ssyncset.done $0x0  }
0x1e2: {  	[sflag:s31] =	ssyncadd.s32 $0xFFFFFF80  }
0x1e3: {  	_ =	swait.ge [sflag:s31], $0x4000  }
0x1e4: {  	[sflag:s31] =	ssyncset.done $0x0  }
0x1e5: {  	[sflag:s31] =	ssyncadd.s32 $0xFFFFC000  }
0x1e6: {  	[spmem:s20] =	stream.indirect.scatter.add.f32 [tilespmem:s15], [sflag:$0x3], $0x80, s14, s13, $0xb8;
	[tilespmem:$0x1B980] =	vst v63  }
0x1e7: {  	_ =	swait.ge [sflag:s12], $0x4000  }
0x1e8: {  	[sflag:s12] =	ssyncset.done $0x0  }
0x1e9: {  	s1 =	simm.s32 @!p0 $0x0;
	s2 =	simm.s32 @!p0 $0x4080;
	[sflag:s12] =	ssyncadd.s32 $0xFFFFC000  }
0x1ea: {  	[tilespmem:s2], [sflag:$0x2] =	stream.linear.gather @!p0 [hbm4b:s0+s1], $0x80, $0x38;
	[tilespmem:$0x1B980] =	vst v63  }
0x1eb: {  	s3 =	simm.s32 @!p0 $0x4100;
	s4 =	rddreg [dreg:$0xf]  }
0x1ec: {  	[tilespmem:s3], [sflag:$0x2] =	stream.linear.gather @!p0 [hbm4b:s4+s1], $0x4000, $0x38;
	[tilespmem:$0x1B980] =	vst v63  }
0x1ed: {  	_ =	swait.ge [sflag:s16], $0x80  }
0x1ee: {  	[sflag:s16] =	ssyncset.done $0x0  }
0x1ef: {  	[sflag:s16] =	ssyncadd.s32 $0xFFFFFF80  }
0x1f0: {  	_ =	swait.ge [sflag:s16], $0x4000  }
0x1f1: {  	[sflag:s16] =	ssyncset.done $0x0  }
0x1f2: {  	[sflag:s16] =	ssyncadd.s32 $0xFFFFC000  }
0x1f3: {  	[spmem:s20] =	stream.indirect.scatter.add.f32 [tilespmem:s13], [sflag:$0x4], $0x80, s18, s13, $0xb8;
	[tilespmem:$0x1B980] =	vst v63  }
0x1f4: {  	_ =	swait.ge [sflag:s17], $0x4000  }
0x1f5: {  	[sflag:s17] =	ssyncset.done $0x0  }
0x1f6: {  	s1 =	simm.s32 @!p0 $0x2;
	[sflag:s17] =	ssyncadd.s32 $0xFFFFC000  }
0x1f7: {  	_ =	swait.ge @!p0 [sflag:s1], $0x80  }
0x1f8: {  	[sflag:s1] =	ssyncset.done @!p0 $0x0  }
0x1f9: {  	[sflag:s1] =	ssyncadd.s32 @!p0 $0xFFFFFF80  }
0x1fa: {  	_ =	swait.ge @!p0 [sflag:s1], $0x4000  }
0x1fb: {  	[sflag:s1] =	ssyncset.done @!p0 $0x0  }
0x1fc: {  	[sflag:s1] =	ssyncadd.s32 @!p0 $0xFFFFC000;
	s1 =	simm.s32 @!p0 $0x80  }
0x1fd: {  	[spmem:s20] =	stream.indirect.scatter.add.f32 @!p0 [tilespmem:s3], [sflag:$0x3], $0x80, s2, s1, $0xb8;
	[tilespmem:$0x1B980] =	vst v63  }
0x1fe: {  	s1 =	simm.s32 @!p0 $0x3  }
0x1ff: {  	_ =	swait.ge @!p0 [sflag:s1], $0x4000  }
0x200: {  	[sflag:s1] =	ssyncset.done @!p0 $0x0  }
0x201: {  	[sflag:s1] =	ssyncadd.s32 @!p0 $0xFFFFC000  }
0x202: {  	[bflag:$0x0] =	sbarrier.arrive $0xFFFF  }
0x203: {  	s2 =	rddreg [dreg:$0x16]  }
0x204: {  	s4 =	sadd.s32 s11, s2  }
0x205: {  	[hbm:s4], [sflag:s22] =	dma.local [spmem:s26], $0x2700  }
0x206: {  	_ =	swait.ge [sflag:s12], $0x2700  }
0x207: {  	[sflag:s12] =	ssyncset.done $0x0  }
0x208: {  	[sflag:s12] =	ssyncadd.s32 $0xFFFFD900  }
0x209: {  	s1 =	simm.s32 @p1 $0x3;
	[bflag:$0x0] =	sbarrier.arrive @p1 $0xFFFF  }
0x20a: {  	[spmem:s29], [sflag:s22] =	dma.local @p1 [hbm:s21], $0x2700  }
0x20b: {  	_ =	swait.ge @p1 [sflag:s1], $0x2700  }
0x20c: {  	[sflag:s1] =	ssyncset.done @p1 $0x0  }
0x20d: {  	[sflag:s1] =	ssyncadd.s32 @p1 $0xFFFFD900;
	s1 =	sadd.s32 @!p1 $0x27000, s2  }
0x20e: {  	[hbm:s1], [sflag:s22] =	dma.local @!p1 [spmem:s28], $0x100  }
0x20f: {  	s1 =	simm.s32 @!p1 $0x3  }
0x210: {  	_ =	swait.ge @!p1 [sflag:s1], $0x100  }
0x211: {  	[sflag:s1] =	ssyncset.done @!p1 $0x0  }
0x212: {  	[sflag:s1] =	ssyncadd.s32 @!p1 $0xFFFFFF00  }
0x213: {  	[bflag:$0x0] =	sbarrier.arrive @!p1 $0xFFFF  }
0x214: {  	[spmem:s30], [sflag:s22] =	dma.local @!p1 [hbm:s21], $0x2700  }
0x215: {  	_ =	swait.ge @!p1 [sflag:s1], $0x2700  }
0x216: {  	[sflag:s1] =	ssyncset.done @!p1 $0x0  }
0x217: {  	[sflag:s1] =	ssyncadd.s32 @!p1 $0xFFFFD900  }
0x218: {  	[spmem:s28], [sflag:s22] =	dma.local @!p1 [hbm:s21], $0x100  }
0x219: {  	_ =	swait.ge @!p1 [sflag:s1], $0x100  }
0x21a: {  	[sflag:s1] =	ssyncset.done @!p1 $0x0  }
0x21b: {  	[sflag:s1] =	ssyncadd.s32 @!p1 $0xFFFFFF00  }
0x21c: {  	s5 =	simm.s32 $0x0;
	[bflag:$0x0] =	sbarrier.arrive $0xFFFF  }
0x21d: {  	[tilespmem:s5], [sflag:$0x1] =	stream.linear.gather [hbm4b:s23+s5], $0x80, $0x38;
	[tilespmem:$0x1B980] =	vst v63  }
0x21e: {  	s3 =	sadd.s32 $0x0, s9;
	s25 =	rddreg [dreg:$0x8]  }
0x21f: {  	[tilespmem:s13], [sflag:$0x1] =	stream.linear.gather [hbm4b:s25+s5], $0x4000, $0x38;
	[tilespmem:$0x1B980] =	vst v63  }
0x220: {  	s4 =	sadd.s32 $0x5020, s3  }
0x221: {  	[tilespmem:s14], [sflag:$0x2] =	stream.linear.gather [hbm4b:s4+s18], $0x80, $0x38;
	[tilespmem:$0x1B980] =	vst v63  }
0x222: {  	s5 =	rddreg [dreg:$0x1e]  }
0x223: {  	[tilespmem:s15], [sflag:$0x2] =	stream.linear.gather [hbm4b:s5+s18], $0x4000, $0x38;
	[tilespmem:$0x1B980] =	vst v63  }
0x224: {  	_ =	swait.ge [sflag:s16], $0x80  }
0x225: {  	[sflag:s16] =	ssyncset.done $0x0  }
0x226: {  	[sflag:s16] =	ssyncadd.s32 $0xFFFFFF80  }
0x227: {  	_ =	swait.ge [sflag:s16], $0x4000  }
0x228: {  	[sflag:s16] =	ssyncset.done $0x0  }
0x229: {  	[sflag:s16] =	ssyncadd.s32 $0xFFFFC000  }
0x22a: {  	[spmem:s20] =	stream.indirect.scatter.add.f32 [tilespmem:s13], [sflag:$0x4], $0x80, s18, s13, $0xb8;
	[tilespmem:$0x1B980] =	vst v63  }
0x22b: {  	_ =	swait.ge [sflag:s17], $0x4000  }
0x22c: {  	[sflag:s17] =	ssyncset.done $0x0  }
0x22d: {  	s1 =	sadd.s32 $0x5220, s3;
	[sflag:s17] =	ssyncadd.s32 $0xFFFFC000  }
0x22e: {  	[tilespmem:s18], [sflag:$0x1] =	stream.linear.gather [hbm4b:s1+s18], $0x80, $0x38;
	[tilespmem:$0x1B980] =	vst v63  }
0x22f: {  	s25 =	sadd.s32 $0x10000, s5  }
0x230: {  	[tilespmem:s13], [sflag:$0x1] =	stream.linear.gather [hbm4b:s25+s18], $0x4000, $0x38;
	[tilespmem:$0x1B980] =	vst v63  }
0x231: {  	_ =	swait.ge [sflag:s31], $0x80  }
0x232: {  	[sflag:s31] =	ssyncset.done $0x0  }
0x233: {  	[sflag:s31] =	ssyncadd.s32 $0xFFFFFF80  }
0x234: {  	_ =	swait.ge [sflag:s31], $0x4000  }
0x235: {  	[sflag:s31] =	ssyncset.done $0x0  }
0x236: {  	[sflag:s31] =	ssyncadd.s32 $0xFFFFC000  }
0x237: {  	[spmem:s20] =	stream.indirect.scatter.add.f32 [tilespmem:s15], [sflag:$0x3], $0x80, s14, s13, $0xb8;
	[tilespmem:$0x1B980] =	vst v63  }
0x238: {  	s2 =	simm.s32 $0x800;
	_ =	swait.ge [sflag:s12], $0x4000  }
0x239: {  	s1 =	sadd.s32 $0x400, s9;
	s25 =	sadd.s32 $0x20000, s5;
	[sflag:s12] =	ssyncset.done $0x0  }
.LBB2_10:
0x23a: {  	s3 =	sadd.s32 $0x5020, s1  }
0x23b: {  	[sflag:s12] =	ssyncadd.s32 $0xFFFFC000;
	s4 =	smov.u32 s2;
	s5 =	sadd.s32 $0x400, s2  }
0x23c: {  	[tilespmem:s14], [sflag:$0x2] =	stream.linear.gather [hbm4b:s3+s18], $0x80, $0x38;
	[tilespmem:$0x1B980] =	vst v63  }
0x23d: {  	p2 =	sne.s32 s2, $0x2000  }
0x23e: {  	[tilespmem:s15], [sflag:$0x2] =	stream.linear.gather [hbm4b:s25+s18], $0x4000, $0x38;
	[tilespmem:$0x1B980] =	vst v63  }
0x23f: {  	_ =	swait.ge [sflag:s16], $0x80  }
0x240: {  	[sflag:s16] =	ssyncset.done $0x0  }
0x241: {  	[sflag:s16] =	ssyncadd.s32 $0xFFFFFF80  }
0x242: {  	_ =	swait.ge [sflag:s16], $0x4000  }
0x243: {  	[sflag:s16] =	ssyncset.done $0x0  }
0x244: {  	[sflag:s16] =	ssyncadd.s32 $0xFFFFC000  }
0x245: {  	[spmem:s20] =	stream.indirect.scatter.add.f32 [tilespmem:s13], [sflag:$0x4], $0x80, s18, s13, $0xb8;
	[tilespmem:$0x1B980] =	vst v63  }
0x246: {  	_ =	swait.ge [sflag:s17], $0x4000  }
0x247: {  	[sflag:s17] =	ssyncset.done $0x0  }
0x248: {  	s1 =	sadd.s32 $0x5220, s1;
	[sflag:s17] =	ssyncadd.s32 $0xFFFFC000  }
0x249: {  	[tilespmem:s18], [sflag:$0x1] =	stream.linear.gather [hbm4b:s1+s18], $0x80, $0x38;
	[tilespmem:$0x1B980] =	vst v63  }
0x24a: {  	s1 =	sadd.s32 $0x10000, s25  }
0x24b: {  	[tilespmem:s13], [sflag:$0x1] =	stream.linear.gather [hbm4b:s1+s18], $0x4000, $0x38;
	[tilespmem:$0x1B980] =	vst v63  }
0x24c: {  	_ =	swait.ge [sflag:s31], $0x80  }
0x24d: {  	[sflag:s31] =	ssyncset.done $0x0  }
0x24e: {  	[sflag:s31] =	ssyncadd.s32 $0xFFFFFF80  }
0x24f: {  	_ =	swait.ge [sflag:s31], $0x4000  }
.Ltmp4:
0x250: {  	[sflag:s31] =	ssyncset.done $0x0;
	(pc) =	sbr.rel @p2 .LBB2_10-.Ltmp4, $4  }
0x251: {  	[sflag:s31] =	ssyncadd.s32 $0xFFFFC000  }
0x252: {  	[spmem:s20] =	stream.indirect.scatter.add.f32 [tilespmem:s15], [sflag:$0x3], $0x80, s14, s13, $0xb8;
	[tilespmem:$0x1B980] =	vst v63  }
0x253: {  	s2 =	smov.u32 s5;
	_ =	swait.ge [sflag:s12], $0x4000  }
0x254: {  	s25 =	sadd.s32 $0x20000, s25;
	s1 =	sadd.s32 s4, s9;
	[sflag:s12] =	ssyncset.done $0x0  }
0x255: {  	s2 =	sadd.s32 $0x5020, s1;
	[sflag:s12] =	ssyncadd.s32 $0xFFFFC000  }
0x256: {  	[tilespmem:s14], [sflag:$0x2] =	stream.linear.gather [hbm4b:s2+s18], $0x80, $0x38;
	[tilespmem:$0x1B980] =	vst v63  }
0x257: {  	_ = 	snop  }
0x258: {  	[tilespmem:s15], [sflag:$0x2] =	stream.linear.gather [hbm4b:s25+s18], $0x4000, $0x38;
	[tilespmem:$0x1B980] =	vst v63  }
0x259: {  	_ =	swait.ge [sflag:s16], $0x80  }
0x25a: {  	[sflag:s16] =	ssyncset.done $0x0  }
0x25b: {  	[sflag:s16] =	ssyncadd.s32 $0xFFFFFF80  }
0x25c: {  	_ =	swait.ge [sflag:s16], $0x4000  }
0x25d: {  	[sflag:s16] =	ssyncset.done $0x0  }
0x25e: {  	[sflag:s16] =	ssyncadd.s32 $0xFFFFC000  }
0x25f: {  	[spmem:s20] =	stream.indirect.scatter.add.f32 [tilespmem:s13], [sflag:$0x4], $0x80, s18, s13, $0xb8;
	[tilespmem:$0x1B980] =	vst v63  }
0x260: {  	_ =	swait.ge [sflag:s17], $0x4000  }
0x261: {  	[sflag:s17] =	ssyncset.done $0x0  }
0x262: {  	s5 =	sadd.s32 $0x5220, s1;
	[sflag:s17] =	ssyncadd.s32 $0xFFFFC000  }
0x263: {  	[tilespmem:s18], [sflag:$0x1] =	stream.linear.gather [hbm4b:s5+s18], $0x80, $0x38;
	[tilespmem:$0x1B980] =	vst v63  }
0x264: {  	s25 =	sadd.s32 $0x10000, s25  }
0x265: {  	[tilespmem:s13], [sflag:$0x1] =	stream.linear.gather [hbm4b:s25+s18], $0x4000, $0x38;
	[tilespmem:$0x1B980] =	vst v63  }
0x266: {  	_ =	swait.ge [sflag:s31], $0x80  }
0x267: {  	[sflag:s31] =	ssyncset.done $0x0  }
0x268: {  	[sflag:s31] =	ssyncadd.s32 $0xFFFFFF80  }
0x269: {  	_ =	swait.ge [sflag:s31], $0x4000  }
0x26a: {  	[sflag:s31] =	ssyncset.done $0x0  }
0x26b: {  	[sflag:s31] =	ssyncadd.s32 $0xFFFFC000  }
0x26c: {  	[spmem:s20] =	stream.indirect.scatter.add.f32 [tilespmem:s15], [sflag:$0x3], $0x80, s14, s13, $0xb8;
	[tilespmem:$0x1B980] =	vst v63  }
0x26d: {  	_ =	swait.ge [sflag:s12], $0x4000  }
0x26e: {  	[sflag:s12] =	ssyncset.done $0x0  }
0x26f: {  	s1 =	simm.s32 @!p0 $0x0;
	s2 =	simm.s32 @!p0 $0x4080;
	[sflag:s12] =	ssyncadd.s32 $0xFFFFC000  }
0x270: {  	[tilespmem:s2], [sflag:$0x2] =	stream.linear.gather @!p0 [hbm4b:s19+s1], $0x80, $0x38;
	[tilespmem:$0x1B980] =	vst v63  }
0x271: {  	s3 =	simm.s32 @!p0 $0x4100;
	s4 =	rddreg [dreg:$0x10]  }
0x272: {  	[tilespmem:s3], [sflag:$0x2] =	stream.linear.gather @!p0 [hbm4b:s4+s1], $0x4000, $0x38;
	[tilespmem:$0x1B980] =	vst v63  }
0x273: {  	_ =	swait.ge [sflag:s16], $0x80  }
0x274: {  	[sflag:s16] =	ssyncset.done $0x0  }
0x275: {  	[sflag:s16] =	ssyncadd.s32 $0xFFFFFF80  }
0x276: {  	_ =	swait.ge [sflag:s16], $0x4000  }
0x277: {  	[sflag:s16] =	ssyncset.done $0x0  }
0x278: {  	[sflag:s16] =	ssyncadd.s32 $0xFFFFC000  }
0x279: {  	[spmem:s20] =	stream.indirect.scatter.add.f32 [tilespmem:s13], [sflag:$0x4], $0x80, s18, s13, $0xb8;
	[tilespmem:$0x1B980] =	vst v63  }
0x27a: {  	_ =	swait.ge [sflag:s17], $0x4000  }
0x27b: {  	[sflag:s17] =	ssyncset.done $0x0  }
0x27c: {  	s1 =	simm.s32 @!p0 $0x2;
	[sflag:s17] =	ssyncadd.s32 $0xFFFFC000  }
0x27d: {  	_ =	swait.ge @!p0 [sflag:s1], $0x80  }
0x27e: {  	[sflag:s1] =	ssyncset.done @!p0 $0x0  }
0x27f: {  	[sflag:s1] =	ssyncadd.s32 @!p0 $0xFFFFFF80  }
0x280: {  	_ =	swait.ge @!p0 [sflag:s1], $0x4000  }
0x281: {  	[sflag:s1] =	ssyncset.done @!p0 $0x0  }
0x282: {  	[sflag:s1] =	ssyncadd.s32 @!p0 $0xFFFFC000;
	s1 =	simm.s32 @!p0 $0x80  }
0x283: {  	[spmem:s20] =	stream.indirect.scatter.add.f32 @!p0 [tilespmem:s3], [sflag:$0x3], $0x80, s2, s1, $0xb8;
	[tilespmem:$0x1B980] =	vst v63  }
0x284: {  	s1 =	simm.s32 @!p0 $0x3  }
0x285: {  	_ =	swait.ge @!p0 [sflag:s1], $0x4000  }
0x286: {  	[sflag:s1] =	ssyncset.done @!p0 $0x0  }
0x287: {  	s2 =	simm.s32 $0x0;
	[sflag:s1] =	ssyncadd.s32 @!p0 $0xFFFFC000  }
0x288: {  	[tilespmem:s2], [sflag:$0x1] =	stream.linear.gather [hbm4b:s24+s2], $0x80, $0x38;
	[tilespmem:$0x1B980] =	vst v63  }
0x289: {  	s4 =	sadd.s32 $0x0, s9;
	s3 =	rddreg [dreg:$0x9]  }
0x28a: {  	[tilespmem:s13], [sflag:$0x1] =	stream.linear.gather [hbm4b:s3+s2], $0x4000, $0x38;
	[tilespmem:$0x1B980] =	vst v63  }
0x28b: {  	s5 =	sadd.s32 $0x7730, s4  }
0x28c: {  	[tilespmem:s14], [sflag:$0x2] =	stream.linear.gather [hbm4b:s5+s18], $0x80, $0x38;
	[tilespmem:$0x1B980] =	vst v63  }
0x28d: {  	_ = 	snop  }
0x28e: {  	[tilespmem:s15], [sflag:$0x2] =	stream.linear.gather [hbm4b:s6+s18], $0x4000, $0x38;
	[tilespmem:$0x1B980] =	vst v63  }
0x28f: {  	_ =	swait.ge [sflag:s16], $0x80  }
0x290: {  	[sflag:s16] =	ssyncset.done $0x0  }
0x291: {  	[sflag:s16] =	ssyncadd.s32 $0xFFFFFF80  }
0x292: {  	_ =	swait.ge [sflag:s16], $0x4000  }
0x293: {  	[sflag:s16] =	ssyncset.done $0x0  }
0x294: {  	[sflag:s16] =	ssyncadd.s32 $0xFFFFC000  }
0x295: {  	[spmem:s20] =	stream.indirect.scatter.add.f32 [tilespmem:s13], [sflag:$0x4], $0x80, s18, s13, $0xb8;
	[tilespmem:$0x1B980] =	vst v63  }
0x296: {  	_ =	swait.ge [sflag:s17], $0x4000  }
0x297: {  	[sflag:s17] =	ssyncset.done $0x0  }
0x298: {  	s1 =	sadd.s32 $0x7930, s4;
	[sflag:s17] =	ssyncadd.s32 $0xFFFFC000  }
0x299: {  	[tilespmem:s18], [sflag:$0x1] =	stream.linear.gather [hbm4b:s1+s18], $0x80, $0x38;
	[tilespmem:$0x1B980] =	vst v63  }
0x29a: {  	s25 =	sadd.s32 $0x10000, s6  }
0x29b: {  	[tilespmem:s13], [sflag:$0x1] =	stream.linear.gather [hbm4b:s25+s18], $0x4000, $0x38;
	[tilespmem:$0x1B980] =	vst v63  }
0x29c: {  	_ =	swait.ge [sflag:s31], $0x80  }
0x29d: {  	[sflag:s31] =	ssyncset.done $0x0  }
0x29e: {  	[sflag:s31] =	ssyncadd.s32 $0xFFFFFF80  }
0x29f: {  	_ =	swait.ge [sflag:s31], $0x4000  }
0x2a0: {  	[sflag:s31] =	ssyncset.done $0x0  }
0x2a1: {  	[sflag:s31] =	ssyncadd.s32 $0xFFFFC000  }
0x2a2: {  	[spmem:s20] =	stream.indirect.scatter.add.f32 [tilespmem:s15], [sflag:$0x3], $0x80, s14, s13, $0xb8;
	[tilespmem:$0x1B980] =	vst v63  }
0x2a3: {  	s2 =	simm.s32 $0x800;
	_ =	swait.ge [sflag:s12], $0x4000  }
0x2a4: {  	s1 =	sadd.s32 $0x400, s9;
	s25 =	sadd.s32 $0x20000, s6;
	[sflag:s12] =	ssyncset.done $0x0  }
.LBB2_12:
0x2a5: {  	s3 =	sadd.s32 $0x7730, s1  }
0x2a6: {  	[sflag:s12] =	ssyncadd.s32 $0xFFFFC000;
	s4 =	smov.u32 s2;
	s5 =	sadd.s32 $0x400, s2  }
0x2a7: {  	[tilespmem:s14], [sflag:$0x2] =	stream.linear.gather [hbm4b:s3+s18], $0x80, $0x38;
	[tilespmem:$0x1B980] =	vst v63  }
0x2a8: {  	p2 =	sne.s32 s2, $0x2000  }
0x2a9: {  	[tilespmem:s15], [sflag:$0x2] =	stream.linear.gather [hbm4b:s25+s18], $0x4000, $0x38;
	[tilespmem:$0x1B980] =	vst v63  }
0x2aa: {  	_ =	swait.ge [sflag:s16], $0x80  }
0x2ab: {  	[sflag:s16] =	ssyncset.done $0x0  }
0x2ac: {  	[sflag:s16] =	ssyncadd.s32 $0xFFFFFF80  }
0x2ad: {  	_ =	swait.ge [sflag:s16], $0x4000  }
0x2ae: {  	[sflag:s16] =	ssyncset.done $0x0  }
0x2af: {  	[sflag:s16] =	ssyncadd.s32 $0xFFFFC000  }
0x2b0: {  	[spmem:s20] =	stream.indirect.scatter.add.f32 [tilespmem:s13], [sflag:$0x4], $0x80, s18, s13, $0xb8;
	[tilespmem:$0x1B980] =	vst v63  }
0x2b1: {  	_ =	swait.ge [sflag:s17], $0x4000  }
0x2b2: {  	[sflag:s17] =	ssyncset.done $0x0  }
0x2b3: {  	s1 =	sadd.s32 $0x7930, s1;
	[sflag:s17] =	ssyncadd.s32 $0xFFFFC000  }
0x2b4: {  	[tilespmem:s18], [sflag:$0x1] =	stream.linear.gather [hbm4b:s1+s18], $0x80, $0x38;
	[tilespmem:$0x1B980] =	vst v63  }
0x2b5: {  	s1 =	sadd.s32 $0x10000, s25  }
0x2b6: {  	[tilespmem:s13], [sflag:$0x1] =	stream.linear.gather [hbm4b:s1+s18], $0x4000, $0x38;
	[tilespmem:$0x1B980] =	vst v63  }
0x2b7: {  	_ =	swait.ge [sflag:s31], $0x80  }
0x2b8: {  	[sflag:s31] =	ssyncset.done $0x0  }
0x2b9: {  	[sflag:s31] =	ssyncadd.s32 $0xFFFFFF80  }
0x2ba: {  	_ =	swait.ge [sflag:s31], $0x4000  }
.Ltmp5:
0x2bb: {  	[sflag:s31] =	ssyncset.done $0x0;
	(pc) =	sbr.rel @p2 .LBB2_12-.Ltmp5, $4  }
0x2bc: {  	[sflag:s31] =	ssyncadd.s32 $0xFFFFC000  }
0x2bd: {  	[spmem:s20] =	stream.indirect.scatter.add.f32 [tilespmem:s15], [sflag:$0x3], $0x80, s14, s13, $0xb8;
	[tilespmem:$0x1B980] =	vst v63  }
0x2be: {  	s2 =	smov.u32 s5;
	_ =	swait.ge [sflag:s12], $0x4000  }
0x2bf: {  	s25 =	sadd.s32 $0x20000, s25;
	s1 =	sadd.s32 s4, s9;
	[sflag:s12] =	ssyncset.done $0x0  }
0x2c0: {  	s2 =	sadd.s32 $0x7730, s1;
	[sflag:s12] =	ssyncadd.s32 $0xFFFFC000  }
0x2c1: {  	[tilespmem:s14], [sflag:$0x2] =	stream.linear.gather [hbm4b:s2+s18], $0x80, $0x38;
	[tilespmem:$0x1B980] =	vst v63  }
0x2c2: {  	_ = 	snop  }
0x2c3: {  	[tilespmem:s15], [sflag:$0x2] =	stream.linear.gather [hbm4b:s25+s18], $0x4000, $0x38;
	[tilespmem:$0x1B980] =	vst v63  }
0x2c4: {  	_ =	swait.ge [sflag:s16], $0x80  }
0x2c5: {  	[sflag:s16] =	ssyncset.done $0x0  }
0x2c6: {  	[sflag:s16] =	ssyncadd.s32 $0xFFFFFF80  }
0x2c7: {  	_ =	swait.ge [sflag:s16], $0x4000  }
0x2c8: {  	[sflag:s16] =	ssyncset.done $0x0  }
0x2c9: {  	[sflag:s16] =	ssyncadd.s32 $0xFFFFC000  }
0x2ca: {  	[spmem:s20] =	stream.indirect.scatter.add.f32 [tilespmem:s13], [sflag:$0x4], $0x80, s18, s13, $0xb8;
	[tilespmem:$0x1B980] =	vst v63  }
0x2cb: {  	_ =	swait.ge [sflag:s17], $0x4000  }
0x2cc: {  	[sflag:s17] =	ssyncset.done $0x0  }
0x2cd: {  	s5 =	sadd.s32 $0x7930, s1;
	[sflag:s17] =	ssyncadd.s32 $0xFFFFC000  }
0x2ce: {  	[tilespmem:s18], [sflag:$0x1] =	stream.linear.gather [hbm4b:s5+s18], $0x80, $0x38;
	[tilespmem:$0x1B980] =	vst v63  }
0x2cf: {  	s2 =	sadd.s32 $0x10000, s25  }
0x2d0: {  	[tilespmem:s13], [sflag:$0x1] =	stream.linear.gather [hbm4b:s2+s18], $0x4000, $0x38;
	[tilespmem:$0x1B980] =	vst v63  }
0x2d1: {  	_ =	swait.ge [sflag:s31], $0x80  }
0x2d2: {  	[sflag:s31] =	ssyncset.done $0x0  }
0x2d3: {  	[sflag:s31] =	ssyncadd.s32 $0xFFFFFF80  }
0x2d4: {  	_ =	swait.ge [sflag:s31], $0x4000  }
0x2d5: {  	[sflag:s31] =	ssyncset.done $0x0  }
0x2d6: {  	[sflag:s31] =	ssyncadd.s32 $0xFFFFC000  }
0x2d7: {  	[spmem:s20] =	stream.indirect.scatter.add.f32 [tilespmem:s15], [sflag:$0x3], $0x80, s14, s13, $0xb8;
	[tilespmem:$0x1B980] =	vst v63  }
0x2d8: {  	_ =	swait.ge [sflag:s12], $0x4000  }
0x2d9: {  	[sflag:s12] =	ssyncset.done $0x0  }
0x2da: {  	s1 =	simm.s32 @!p0 $0x0;
	s2 =	simm.s32 @!p0 $0x4080;
	[sflag:s12] =	ssyncadd.s32 $0xFFFFC000  }
0x2db: {  	[tilespmem:s2], [sflag:$0x2] =	stream.linear.gather @!p0 [hbm4b:s0+s1], $0x80, $0x38;
	[tilespmem:$0x1B980] =	vst v63  }
0x2dc: {  	s3 =	simm.s32 @!p0 $0x4100;
	s4 =	rddreg [dreg:$0x11]  }
0x2dd: {  	[tilespmem:s3], [sflag:$0x2] =	stream.linear.gather @!p0 [hbm4b:s4+s1], $0x4000, $0x38;
	[tilespmem:$0x1B980] =	vst v63  }
0x2de: {  	_ =	swait.ge [sflag:s16], $0x80  }
0x2df: {  	[sflag:s16] =	ssyncset.done $0x0  }
0x2e0: {  	[sflag:s16] =	ssyncadd.s32 $0xFFFFFF80  }
0x2e1: {  	_ =	swait.ge [sflag:s16], $0x4000  }
0x2e2: {  	[sflag:s16] =	ssyncset.done $0x0  }
0x2e3: {  	[sflag:s16] =	ssyncadd.s32 $0xFFFFC000  }
0x2e4: {  	[spmem:s20] =	stream.indirect.scatter.add.f32 [tilespmem:s13], [sflag:$0x4], $0x80, s18, s13, $0xb8;
	[tilespmem:$0x1B980] =	vst v63  }
0x2e5: {  	_ =	swait.ge [sflag:s17], $0x4000  }
0x2e6: {  	[sflag:s17] =	ssyncset.done $0x0  }
0x2e7: {  	s1 =	simm.s32 @!p0 $0x2;
	[sflag:s17] =	ssyncadd.s32 $0xFFFFC000  }
0x2e8: {  	_ =	swait.ge @!p0 [sflag:s1], $0x80  }
0x2e9: {  	[sflag:s1] =	ssyncset.done @!p0 $0x0  }
0x2ea: {  	[sflag:s1] =	ssyncadd.s32 @!p0 $0xFFFFFF80  }
0x2eb: {  	_ =	swait.ge @!p0 [sflag:s1], $0x4000  }
0x2ec: {  	[sflag:s1] =	ssyncset.done @!p0 $0x0  }
0x2ed: {  	[sflag:s1] =	ssyncadd.s32 @!p0 $0xFFFFC000;
	s1 =	simm.s32 @!p0 $0x80  }
0x2ee: {  	[spmem:s20] =	stream.indirect.scatter.add.f32 @!p0 [tilespmem:s3], [sflag:$0x3], $0x80, s2, s1, $0xb8;
	[tilespmem:$0x1B980] =	vst v63  }
0x2ef: {  	s1 =	simm.s32 @!p0 $0x3  }
0x2f0: {  	_ =	swait.ge @!p0 [sflag:s1], $0x4000  }
0x2f1: {  	[sflag:s1] =	ssyncset.done @!p0 $0x0  }
0x2f2: {  	[sflag:s1] =	ssyncadd.s32 @!p0 $0xFFFFC000  }
0x2f3: {  	[bflag:$0x0] =	sbarrier.arrive $0xFFFF  }
0x2f4: {  	s2 =	rddreg [dreg:$0x17]  }
0x2f5: {  	s3 =	sadd.s32 s11, s2  }
0x2f6: {  	[hbm:s3], [sflag:s22] =	dma.local [spmem:s26], $0x2700  }
0x2f7: {  	_ =	swait.ge [sflag:s12], $0x2700  }
0x2f8: {  	[sflag:s12] =	ssyncset.done $0x0  }
0x2f9: {  	[sflag:s12] =	ssyncadd.s32 $0xFFFFD900  }
0x2fa: {  	s1 =	simm.s32 @p1 $0x3;
	[bflag:$0x0] =	sbarrier.arrive @p1 $0xFFFF  }
0x2fb: {  	[spmem:s29], [sflag:s22] =	dma.local @p1 [hbm:s21], $0x2700  }
0x2fc: {  	_ =	swait.ge @p1 [sflag:s1], $0x2700  }
0x2fd: {  	[sflag:s1] =	ssyncset.done @p1 $0x0  }
0x2fe: {  	[sflag:s1] =	ssyncadd.s32 @p1 $0xFFFFD900;
	s1 =	sadd.s32 @!p1 $0x27000, s2  }
0x2ff: {  	[hbm:s1], [sflag:s22] =	dma.local @!p1 [spmem:s28], $0x100  }
0x300: {  	s1 =	simm.s32 @!p1 $0x3  }
0x301: {  	_ =	swait.ge @!p1 [sflag:s1], $0x100  }
0x302: {  	[sflag:s1] =	ssyncset.done @!p1 $0x0  }
0x303: {  	[sflag:s1] =	ssyncadd.s32 @!p1 $0xFFFFFF00  }
0x304: {  	[bflag:$0x0] =	sbarrier.arrive @!p1 $0xFFFF  }
0x305: {  	[spmem:s30], [sflag:s22] =	dma.local @!p1 [hbm:s21], $0x2700  }
0x306: {  	_ =	swait.ge @!p1 [sflag:s1], $0x2700  }
0x307: {  	[sflag:s1] =	ssyncset.done @!p1 $0x0  }
0x308: {  	[sflag:s1] =	ssyncadd.s32 @!p1 $0xFFFFD900  }
0x309: {  	[spmem:s28], [sflag:s22] =	dma.local @!p1 [hbm:s21], $0x100  }
0x30a: {  	_ =	swait.ge @!p1 [sflag:s1], $0x100  }
0x30b: {  	[sflag:s1] =	ssyncset.done @!p1 $0x0  }
0x30c: {  	[sflag:s1] =	ssyncadd.s32 @!p1 $0xFFFFFF00  }
0x30d: {  	s4 =	simm.s32 $0x0;
	[bflag:$0x0] =	sbarrier.arrive $0xFFFF  }
0x30e: {  	[tilespmem:s4], [sflag:$0x1] =	stream.linear.gather [hbm4b:s23+s4], $0x80, $0x38;
	[tilespmem:$0x1B980] =	vst v63  }
0x30f: {  	s25 =	sadd.s32 $0x0, s9;
	s5 =	rddreg [dreg:$0xa]  }
0x310: {  	[tilespmem:s13], [sflag:$0x1] =	stream.linear.gather [hbm4b:s5+s4], $0x4000, $0x38;
	[tilespmem:$0x1B980] =	vst v63  }
0x311: {  	s29 =	sadd.s32 $0x5020, s25  }
0x312: {  	[tilespmem:s14], [sflag:$0x2] =	stream.linear.gather [hbm4b:s29+s18], $0x80, $0x38;
	[tilespmem:$0x1B980] =	vst v63  }
0x313: {  	_ = 	snop  }
0x314: {  	[tilespmem:s15], [sflag:$0x2] =	stream.linear.gather [hbm4b:s7+s18], $0x4000, $0x38;
	[tilespmem:$0x1B980] =	vst v63  }
0x315: {  	_ =	swait.ge [sflag:s16], $0x80  }
0x316: {  	[sflag:s16] =	ssyncset.done $0x0  }
0x317: {  	[sflag:s16] =	ssyncadd.s32 $0xFFFFFF80  }
0x318: {  	_ =	swait.ge [sflag:s16], $0x4000  }
0x319: {  	[sflag:s16] =	ssyncset.done $0x0  }
0x31a: {  	[sflag:s16] =	ssyncadd.s32 $0xFFFFC000  }
0x31b: {  	[spmem:s20] =	stream.indirect.scatter.add.f32 [tilespmem:s13], [sflag:$0x4], $0x80, s18, s13, $0xb8;
	[tilespmem:$0x1B980] =	vst v63  }
0x31c: {  	_ =	swait.ge [sflag:s17], $0x4000  }
0x31d: {  	[sflag:s17] =	ssyncset.done $0x0  }
0x31e: {  	s1 =	sadd.s32 $0x5220, s25;
	[sflag:s17] =	ssyncadd.s32 $0xFFFFC000  }
0x31f: {  	[tilespmem:s18], [sflag:$0x1] =	stream.linear.gather [hbm4b:s1+s18], $0x80, $0x38;
	[tilespmem:$0x1B980] =	vst v63  }
0x320: {  	s30 =	sadd.s32 $0x10000, s7  }
0x321: {  	[tilespmem:s13], [sflag:$0x1] =	stream.linear.gather [hbm4b:s30+s18], $0x4000, $0x38;
	[tilespmem:$0x1B980] =	vst v63  }
0x322: {  	_ =	swait.ge [sflag:s31], $0x80  }
0x323: {  	[sflag:s31] =	ssyncset.done $0x0  }
0x324: {  	[sflag:s31] =	ssyncadd.s32 $0xFFFFFF80  }
0x325: {  	_ =	swait.ge [sflag:s31], $0x4000  }
0x326: {  	[sflag:s31] =	ssyncset.done $0x0  }
0x327: {  	[sflag:s31] =	ssyncadd.s32 $0xFFFFC000  }
0x328: {  	[spmem:s20] =	stream.indirect.scatter.add.f32 [tilespmem:s15], [sflag:$0x3], $0x80, s14, s13, $0xb8;
	[tilespmem:$0x1B980] =	vst v63  }
0x329: {  	s2 =	simm.s32 $0x800;
	_ =	swait.ge [sflag:s12], $0x4000  }
0x32a: {  	s25 =	sadd.s32 $0x20000, s7;
	s1 =	sadd.s32 $0x400, s9;
	[sflag:s12] =	ssyncset.done $0x0  }
.LBB2_14:
0x32b: {  	s3 =	sadd.s32 $0x5020, s1  }
0x32c: {  	[sflag:s12] =	ssyncadd.s32 $0xFFFFC000;
	s4 =	smov.u32 s2;
	s5 =	sadd.s32 $0x400, s2  }
0x32d: {  	[tilespmem:s14], [sflag:$0x2] =	stream.linear.gather [hbm4b:s3+s18], $0x80, $0x38;
	[tilespmem:$0x1B980] =	vst v63  }
0x32e: {  	p2 =	sne.s32 s2, $0x2000  }
0x32f: {  	[tilespmem:s15], [sflag:$0x2] =	stream.linear.gather [hbm4b:s25+s18], $0x4000, $0x38;
	[tilespmem:$0x1B980] =	vst v63  }
0x330: {  	_ =	swait.ge [sflag:s16], $0x80  }
0x331: {  	[sflag:s16] =	ssyncset.done $0x0  }
0x332: {  	[sflag:s16] =	ssyncadd.s32 $0xFFFFFF80  }
0x333: {  	_ =	swait.ge [sflag:s16], $0x4000  }
0x334: {  	[sflag:s16] =	ssyncset.done $0x0  }
0x335: {  	[sflag:s16] =	ssyncadd.s32 $0xFFFFC000  }
0x336: {  	[spmem:s20] =	stream.indirect.scatter.add.f32 [tilespmem:s13], [sflag:$0x4], $0x80, s18, s13, $0xb8;
	[tilespmem:$0x1B980] =	vst v63  }
0x337: {  	_ =	swait.ge [sflag:s17], $0x4000  }
0x338: {  	[sflag:s17] =	ssyncset.done $0x0  }
0x339: {  	s1 =	sadd.s32 $0x5220, s1;
	[sflag:s17] =	ssyncadd.s32 $0xFFFFC000  }
0x33a: {  	[tilespmem:s18], [sflag:$0x1] =	stream.linear.gather [hbm4b:s1+s18], $0x80, $0x38;
	[tilespmem:$0x1B980] =	vst v63  }
0x33b: {  	s1 =	sadd.s32 $0x10000, s25  }
0x33c: {  	[tilespmem:s13], [sflag:$0x1] =	stream.linear.gather [hbm4b:s1+s18], $0x4000, $0x38;
	[tilespmem:$0x1B980] =	vst v63  }
0x33d: {  	_ =	swait.ge [sflag:s31], $0x80  }
0x33e: {  	[sflag:s31] =	ssyncset.done $0x0  }
0x33f: {  	[sflag:s31] =	ssyncadd.s32 $0xFFFFFF80  }
0x340: {  	_ =	swait.ge [sflag:s31], $0x4000  }
.Ltmp6:
0x341: {  	[sflag:s31] =	ssyncset.done $0x0;
	(pc) =	sbr.rel @p2 .LBB2_14-.Ltmp6, $4  }
0x342: {  	[sflag:s31] =	ssyncadd.s32 $0xFFFFC000  }
0x343: {  	[spmem:s20] =	stream.indirect.scatter.add.f32 [tilespmem:s15], [sflag:$0x3], $0x80, s14, s13, $0xb8;
	[tilespmem:$0x1B980] =	vst v63  }
0x344: {  	s2 =	smov.u32 s5;
	_ =	swait.ge [sflag:s12], $0x4000  }
0x345: {  	s25 =	sadd.s32 $0x20000, s25;
	s1 =	sadd.s32 s4, s9;
	[sflag:s12] =	ssyncset.done $0x0  }
0x346: {  	s2 =	sadd.s32 $0x5020, s1;
	[sflag:s12] =	ssyncadd.s32 $0xFFFFC000  }
0x347: {  	[tilespmem:s14], [sflag:$0x2] =	stream.linear.gather [hbm4b:s2+s18], $0x80, $0x38;
	[tilespmem:$0x1B980] =	vst v63  }
0x348: {  	_ = 	snop  }
0x349: {  	[tilespmem:s15], [sflag:$0x2] =	stream.linear.gather [hbm4b:s25+s18], $0x4000, $0x38;
	[tilespmem:$0x1B980] =	vst v63  }
0x34a: {  	_ =	swait.ge [sflag:s16], $0x80  }
0x34b: {  	[sflag:s16] =	ssyncset.done $0x0  }
0x34c: {  	[sflag:s16] =	ssyncadd.s32 $0xFFFFFF80  }
0x34d: {  	_ =	swait.ge [sflag:s16], $0x4000  }
0x34e: {  	[sflag:s16] =	ssyncset.done $0x0  }
0x34f: {  	[sflag:s16] =	ssyncadd.s32 $0xFFFFC000  }
0x350: {  	[spmem:s20] =	stream.indirect.scatter.add.f32 [tilespmem:s13], [sflag:$0x4], $0x80, s18, s13, $0xb8;
	[tilespmem:$0x1B980] =	vst v63  }
0x351: {  	_ =	swait.ge [sflag:s17], $0x4000  }
0x352: {  	[sflag:s17] =	ssyncset.done $0x0  }
0x353: {  	s2 =	sadd.s32 $0x5220, s1;
	[sflag:s17] =	ssyncadd.s32 $0xFFFFC000  }
0x354: {  	[tilespmem:s18], [sflag:$0x1] =	stream.linear.gather [hbm4b:s2+s18], $0x80, $0x38;
	[tilespmem:$0x1B980] =	vst v63  }
0x355: {  	s3 =	sadd.s32 $0x10000, s25  }
0x356: {  	[tilespmem:s13], [sflag:$0x1] =	stream.linear.gather [hbm4b:s3+s18], $0x4000, $0x38;
	[tilespmem:$0x1B980] =	vst v63  }
0x357: {  	_ =	swait.ge [sflag:s31], $0x80  }
0x358: {  	[sflag:s31] =	ssyncset.done $0x0  }
0x359: {  	[sflag:s31] =	ssyncadd.s32 $0xFFFFFF80  }
0x35a: {  	_ =	swait.ge [sflag:s31], $0x4000  }
0x35b: {  	[sflag:s31] =	ssyncset.done $0x0  }
0x35c: {  	[sflag:s31] =	ssyncadd.s32 $0xFFFFC000  }
0x35d: {  	[spmem:s20] =	stream.indirect.scatter.add.f32 [tilespmem:s15], [sflag:$0x3], $0x80, s14, s13, $0xb8;
	[tilespmem:$0x1B980] =	vst v63  }
0x35e: {  	_ =	swait.ge [sflag:s12], $0x4000  }
0x35f: {  	[sflag:s12] =	ssyncset.done $0x0  }
0x360: {  	s1 =	simm.s32 @!p0 $0x0;
	s2 =	simm.s32 @!p0 $0x4080;
	[sflag:s12] =	ssyncadd.s32 $0xFFFFC000  }
0x361: {  	[tilespmem:s2], [sflag:$0x2] =	stream.linear.gather @!p0 [hbm4b:s19+s1], $0x80, $0x38;
	[tilespmem:$0x1B980] =	vst v63  }
0x362: {  	s3 =	simm.s32 @!p0 $0x4100;
	s4 =	rddreg [dreg:$0x12]  }
0x363: {  	[tilespmem:s3], [sflag:$0x2] =	stream.linear.gather @!p0 [hbm4b:s4+s1], $0x4000, $0x38;
	[tilespmem:$0x1B980] =	vst v63  }
0x364: {  	_ =	swait.ge [sflag:s16], $0x80  }
0x365: {  	[sflag:s16] =	ssyncset.done $0x0  }
0x366: {  	[sflag:s16] =	ssyncadd.s32 $0xFFFFFF80  }
0x367: {  	_ =	swait.ge [sflag:s16], $0x4000  }
0x368: {  	[sflag:s16] =	ssyncset.done $0x0  }
0x369: {  	[sflag:s16] =	ssyncadd.s32 $0xFFFFC000  }
0x36a: {  	[spmem:s20] =	stream.indirect.scatter.add.f32 [tilespmem:s13], [sflag:$0x4], $0x80, s18, s13, $0xb8;
	[tilespmem:$0x1B980] =	vst v63  }
0x36b: {  	_ =	swait.ge [sflag:s17], $0x4000  }
0x36c: {  	[sflag:s17] =	ssyncset.done $0x0  }
0x36d: {  	s1 =	simm.s32 @!p0 $0x2;
	[sflag:s17] =	ssyncadd.s32 $0xFFFFC000  }
0x36e: {  	_ =	swait.ge @!p0 [sflag:s1], $0x80  }
0x36f: {  	[sflag:s1] =	ssyncset.done @!p0 $0x0  }
0x370: {  	[sflag:s1] =	ssyncadd.s32 @!p0 $0xFFFFFF80  }
0x371: {  	_ =	swait.ge @!p0 [sflag:s1], $0x4000  }
0x372: {  	[sflag:s1] =	ssyncset.done @!p0 $0x0  }
0x373: {  	[sflag:s1] =	ssyncadd.s32 @!p0 $0xFFFFC000;
	s1 =	simm.s32 @!p0 $0x80  }
0x374: {  	[spmem:s20] =	stream.indirect.scatter.add.f32 @!p0 [tilespmem:s3], [sflag:$0x3], $0x80, s2, s1, $0xb8;
	[tilespmem:$0x1B980] =	vst v63  }
0x375: {  	s1 =	simm.s32 @!p0 $0x3  }
0x376: {  	_ =	swait.ge @!p0 [sflag:s1], $0x4000  }
0x377: {  	[sflag:s1] =	ssyncset.done @!p0 $0x0  }
0x378: {  	s4 =	simm.s32 $0x0;
	[sflag:s1] =	ssyncadd.s32 @!p0 $0xFFFFC000  }
0x379: {  	[tilespmem:s4], [sflag:$0x1] =	stream.linear.gather [hbm4b:s24+s4], $0x80, $0x38;
	[tilespmem:$0x1B980] =	vst v63  }
0x37a: {  	s25 =	sadd.s32 $0x0, s9;
	s5 =	rddreg [dreg:$0xb]  }
0x37b: {  	[tilespmem:s13], [sflag:$0x1] =	stream.linear.gather [hbm4b:s5+s4], $0x4000, $0x38;
	[tilespmem:$0x1B980] =	vst v63  }
0x37c: {  	s29 =	sadd.s32 $0x7730, s25  }
0x37d: {  	[tilespmem:s14], [sflag:$0x2] =	stream.linear.gather [hbm4b:s29+s18], $0x80, $0x38;
	[tilespmem:$0x1B980] =	vst v63  }
0x37e: {  	_ = 	snop  }
0x37f: {  	[tilespmem:s15], [sflag:$0x2] =	stream.linear.gather [hbm4b:s8+s18], $0x4000, $0x38;
	[tilespmem:$0x1B980] =	vst v63  }
0x380: {  	_ =	swait.ge [sflag:s16], $0x80  }
0x381: {  	[sflag:s16] =	ssyncset.done $0x0  }
0x382: {  	[sflag:s16] =	ssyncadd.s32 $0xFFFFFF80  }
0x383: {  	_ =	swait.ge [sflag:s16], $0x4000  }
0x384: {  	[sflag:s16] =	ssyncset.done $0x0  }
0x385: {  	[sflag:s16] =	ssyncadd.s32 $0xFFFFC000  }
0x386: {  	[spmem:s20] =	stream.indirect.scatter.add.f32 [tilespmem:s13], [sflag:$0x4], $0x80, s18, s13, $0xb8;
	[tilespmem:$0x1B980] =	vst v63  }
0x387: {  	_ =	swait.ge [sflag:s17], $0x4000  }
0x388: {  	[sflag:s17] =	ssyncset.done $0x0  }
0x389: {  	s1 =	sadd.s32 $0x7930, s25;
	[sflag:s17] =	ssyncadd.s32 $0xFFFFC000  }
0x38a: {  	[tilespmem:s18], [sflag:$0x1] =	stream.linear.gather [hbm4b:s1+s18], $0x80, $0x38;
	[tilespmem:$0x1B980] =	vst v63  }
0x38b: {  	s30 =	sadd.s32 $0x10000, s8  }
0x38c: {  	[tilespmem:s13], [sflag:$0x1] =	stream.linear.gather [hbm4b:s30+s18], $0x4000, $0x38;
	[tilespmem:$0x1B980] =	vst v63  }
0x38d: {  	_ =	swait.ge [sflag:s31], $0x80  }
0x38e: {  	[sflag:s31] =	ssyncset.done $0x0  }
0x38f: {  	[sflag:s31] =	ssyncadd.s32 $0xFFFFFF80  }
0x390: {  	_ =	swait.ge [sflag:s31], $0x4000  }
0x391: {  	[sflag:s31] =	ssyncset.done $0x0  }
0x392: {  	[sflag:s31] =	ssyncadd.s32 $0xFFFFC000  }
0x393: {  	[spmem:s20] =	stream.indirect.scatter.add.f32 [tilespmem:s15], [sflag:$0x3], $0x80, s14, s13, $0xb8;
	[tilespmem:$0x1B980] =	vst v63  }
0x394: {  	s2 =	simm.s32 $0x800;
	_ =	swait.ge [sflag:s12], $0x4000  }
0x395: {  	s25 =	sadd.s32 $0x20000, s8;
	s1 =	sadd.s32 $0x400, s9;
	[sflag:s12] =	ssyncset.done $0x0  }
.LBB2_16:
0x396: {  	s3 =	sadd.s32 $0x7730, s1  }
0x397: {  	[sflag:s12] =	ssyncadd.s32 $0xFFFFC000;
	s4 =	smov.u32 s2;
	s5 =	sadd.s32 $0x400, s2  }
0x398: {  	[tilespmem:s14], [sflag:$0x2] =	stream.linear.gather [hbm4b:s3+s18], $0x80, $0x38;
	[tilespmem:$0x1B980] =	vst v63  }
0x399: {  	p2 =	sne.s32 s2, $0x2000  }
0x39a: {  	[tilespmem:s15], [sflag:$0x2] =	stream.linear.gather [hbm4b:s25+s18], $0x4000, $0x38;
	[tilespmem:$0x1B980] =	vst v63  }
0x39b: {  	_ =	swait.ge [sflag:s16], $0x80  }
0x39c: {  	[sflag:s16] =	ssyncset.done $0x0  }
0x39d: {  	[sflag:s16] =	ssyncadd.s32 $0xFFFFFF80  }
0x39e: {  	_ =	swait.ge [sflag:s16], $0x4000  }
0x39f: {  	[sflag:s16] =	ssyncset.done $0x0  }
0x3a0: {  	[sflag:s16] =	ssyncadd.s32 $0xFFFFC000  }
0x3a1: {  	[spmem:s20] =	stream.indirect.scatter.add.f32 [tilespmem:s13], [sflag:$0x4], $0x80, s18, s13, $0xb8;
	[tilespmem:$0x1B980] =	vst v63  }
0x3a2: {  	_ =	swait.ge [sflag:s17], $0x4000  }
0x3a3: {  	[sflag:s17] =	ssyncset.done $0x0  }
0x3a4: {  	s1 =	sadd.s32 $0x7930, s1;
	[sflag:s17] =	ssyncadd.s32 $0xFFFFC000  }
0x3a5: {  	[tilespmem:s18], [sflag:$0x1] =	stream.linear.gather [hbm4b:s1+s18], $0x80, $0x38;
	[tilespmem:$0x1B980] =	vst v63  }
0x3a6: {  	s1 =	sadd.s32 $0x10000, s25  }
0x3a7: {  	[tilespmem:s13], [sflag:$0x1] =	stream.linear.gather [hbm4b:s1+s18], $0x4000, $0x38;
	[tilespmem:$0x1B980] =	vst v63  }
0x3a8: {  	_ =	swait.ge [sflag:s31], $0x80  }
0x3a9: {  	[sflag:s31] =	ssyncset.done $0x0  }
0x3aa: {  	[sflag:s31] =	ssyncadd.s32 $0xFFFFFF80  }
0x3ab: {  	_ =	swait.ge [sflag:s31], $0x4000  }
.Ltmp7:
0x3ac: {  	[sflag:s31] =	ssyncset.done $0x0;
	(pc) =	sbr.rel @p2 .LBB2_16-.Ltmp7, $4  }
0x3ad: {  	[sflag:s31] =	ssyncadd.s32 $0xFFFFC000  }
0x3ae: {  	[spmem:s20] =	stream.indirect.scatter.add.f32 [tilespmem:s15], [sflag:$0x3], $0x80, s14, s13, $0xb8;
	[tilespmem:$0x1B980] =	vst v63  }
0x3af: {  	s2 =	smov.u32 s5;
	_ =	swait.ge [sflag:s12], $0x4000  }
0x3b0: {  	s25 =	sadd.s32 $0x20000, s25;
	s1 =	sadd.s32 s4, s9;
	[sflag:s12] =	ssyncset.done $0x0  }
0x3b1: {  	s2 =	sadd.s32 $0x7730, s1;
	[sflag:s12] =	ssyncadd.s32 $0xFFFFC000  }
0x3b2: {  	[tilespmem:s14], [sflag:$0x2] =	stream.linear.gather [hbm4b:s2+s18], $0x80, $0x38;
	[tilespmem:$0x1B980] =	vst v63  }
0x3b3: {  	_ = 	snop  }
0x3b4: {  	[tilespmem:s15], [sflag:$0x2] =	stream.linear.gather [hbm4b:s25+s18], $0x4000, $0x38;
	[tilespmem:$0x1B980] =	vst v63  }
0x3b5: {  	_ =	swait.ge [sflag:s16], $0x80  }
0x3b6: {  	[sflag:s16] =	ssyncset.done $0x0  }
0x3b7: {  	[sflag:s16] =	ssyncadd.s32 $0xFFFFFF80  }
0x3b8: {  	_ =	swait.ge [sflag:s16], $0x4000  }
0x3b9: {  	[sflag:s16] =	ssyncset.done $0x0  }
0x3ba: {  	[sflag:s16] =	ssyncadd.s32 $0xFFFFC000  }
0x3bb: {  	[spmem:s20] =	stream.indirect.scatter.add.f32 [tilespmem:s13], [sflag:$0x4], $0x80, s18, s13, $0xb8;
	[tilespmem:$0x1B980] =	vst v63  }
0x3bc: {  	_ =	swait.ge [sflag:s17], $0x4000  }
0x3bd: {  	[sflag:s17] =	ssyncset.done $0x0  }
0x3be: {  	s5 =	sadd.s32 $0x7930, s1;
	[sflag:s17] =	ssyncadd.s32 $0xFFFFC000  }
0x3bf: {  	[tilespmem:s18], [sflag:$0x1] =	stream.linear.gather [hbm4b:s5+s18], $0x80, $0x38;
	[tilespmem:$0x1B980] =	vst v63  }
0x3c0: {  	s25 =	sadd.s32 $0x10000, s25  }
0x3c1: {  	[tilespmem:s13], [sflag:$0x1] =	stream.linear.gather [hbm4b:s25+s18], $0x4000, $0x38;
	[tilespmem:$0x1B980] =	vst v63  }
0x3c2: {  	_ =	swait.ge [sflag:s31], $0x80  }
0x3c3: {  	[sflag:s31] =	ssyncset.done $0x0  }
0x3c4: {  	[sflag:s31] =	ssyncadd.s32 $0xFFFFFF80  }
0x3c5: {  	_ =	swait.ge [sflag:s31], $0x4000  }
0x3c6: {  	[sflag:s31] =	ssyncset.done $0x0  }
0x3c7: {  	[sflag:s31] =	ssyncadd.s32 $0xFFFFC000  }
0x3c8: {  	[spmem:s20] =	stream.indirect.scatter.add.f32 [tilespmem:s15], [sflag:$0x3], $0x80, s14, s13, $0xb8;
	[tilespmem:$0x1B980] =	vst v63  }
0x3c9: {  	_ =	swait.ge [sflag:s12], $0x4000  }
0x3ca: {  	[sflag:s12] =	ssyncset.done $0x0  }
0x3cb: {  	s1 =	simm.s32 @!p0 $0x0;
	s2 =	simm.s32 @!p0 $0x4080;
	[sflag:s12] =	ssyncadd.s32 $0xFFFFC000  }
0x3cc: {  	[tilespmem:s2], [sflag:$0x2] =	stream.linear.gather @!p0 [hbm4b:s0+s1], $0x80, $0x38;
	[tilespmem:$0x1B980] =	vst v63  }
0x3cd: {  	s3 =	simm.s32 @!p0 $0x4100;
	s4 =	rddreg [dreg:$0x13]  }
0x3ce: {  	[tilespmem:s3], [sflag:$0x2] =	stream.linear.gather @!p0 [hbm4b:s4+s1], $0x4000, $0x38;
	[tilespmem:$0x1B980] =	vst v63  }
0x3cf: {  	_ =	swait.ge [sflag:s16], $0x80  }
0x3d0: {  	[sflag:s16] =	ssyncset.done $0x0  }
0x3d1: {  	[sflag:s16] =	ssyncadd.s32 $0xFFFFFF80  }
0x3d2: {  	_ =	swait.ge [sflag:s16], $0x4000  }
0x3d3: {  	[sflag:s16] =	ssyncset.done $0x0  }
0x3d4: {  	[sflag:s16] =	ssyncadd.s32 $0xFFFFC000  }
0x3d5: {  	[spmem:s20] =	stream.indirect.scatter.add.f32 [tilespmem:s13], [sflag:$0x4], $0x80, s18, s13, $0xb8;
	[tilespmem:$0x1B980] =	vst v63  }
0x3d6: {  	_ =	swait.ge [sflag:s17], $0x4000  }
0x3d7: {  	[sflag:s17] =	ssyncset.done $0x0  }
0x3d8: {  	s1 =	simm.s32 @!p0 $0x2;
	[sflag:s17] =	ssyncadd.s32 $0xFFFFC000  }
0x3d9: {  	_ =	swait.ge @!p0 [sflag:s1], $0x80  }
0x3da: {  	[sflag:s1] =	ssyncset.done @!p0 $0x0  }
0x3db: {  	[sflag:s1] =	ssyncadd.s32 @!p0 $0xFFFFFF80  }
0x3dc: {  	_ =	swait.ge @!p0 [sflag:s1], $0x4000  }
0x3dd: {  	[sflag:s1] =	ssyncset.done @!p0 $0x0  }
0x3de: {  	[sflag:s1] =	ssyncadd.s32 @!p0 $0xFFFFC000;
	s1 =	simm.s32 @!p0 $0x80  }
0x3df: {  	[spmem:s20] =	stream.indirect.scatter.add.f32 @!p0 [tilespmem:s3], [sflag:$0x3], $0x80, s2, s1, $0xb8;
	[tilespmem:$0x1B980] =	vst v63  }
0x3e0: {  	s1 =	simm.s32 @!p0 $0x3  }
0x3e1: {  	_ =	swait.ge @!p0 [sflag:s1], $0x4000  }
0x3e2: {  	[sflag:s1] =	ssyncset.done @!p0 $0x0  }
0x3e3: {  	[sflag:s1] =	ssyncadd.s32 @!p0 $0xFFFFC000  }
0x3e4: {  	[bflag:$0x0] =	sbarrier.arrive $0xFFFF  }
0x3e5: {  	s2 =	rddreg [dreg:$0x18]  }
0x3e6: {  	s29 =	sadd.s32 s11, s2  }
0x3e7: {  	[hbm:s29], [sflag:s22] =	dma.local [spmem:s26], $0x2700  }
0x3e8: {  	_ =	swait.ge [sflag:s12], $0x2700  }
0x3e9: {  	[sflag:s12] =	ssyncset.done $0x0  }
0x3ea: {  	s1 =	sadd.s32 @!p1 $0x27000, s2;
	[sflag:s12] =	ssyncadd.s32 $0xFFFFD900  }
0x3eb: {  	[hbm:s1], [sflag:s22] =	dma.local @!p1 [spmem:s28], $0x100  }
0x3ec: {  	s1 =	simm.s32 @!p1 $0x3  }
0x3ed: {  	_ =	swait.ge @!p1 [sflag:s1], $0x100  }
0x3ee: {  	s10 =	sadd.s32 $0x1, s10;
	s30 =	rddreg [dreg:$0x19]  }
0x3ef: {  	p2 =	sne.s32 s10, s30  }
.Ltmp8:
0x3f0: {  	_ = 	snop;
	(pc) =	sbr.rel @p2 .LBB2_1-.Ltmp8, $3  }
0x3f1: {  	[sflag:s1] =	ssyncset.done @!p1 $0x0  }
0x3f2: {  	[sflag:s1] =	ssyncadd.s32 @!p1 $0xFFFFFF00  }
0x3f3: {  	[bflag:$0x0] =	sbarrier.arrive $0xFFFF;
	_ =	sdelay $0x1  }
0x3f4: {  	_ =	sfence.sel $0x180000  }
0x3f5: {  	[bflag:$0x0] =	sbarrier.arrive $0xFFFF  }
0x3f6: {  	_ =	strace $0x9000004D  }
0x3f7: {  	s0 =	stileid.u32;
	[bflag:$0x2] =	sbarrier.arrive $0xFFFF  }
0x3f8: {  	p0 =	sne.s32 s0, $0x0;
	s0 =	rddreg [dreg:$0x3]  }
0x3f9: {  	s0 =	sadd.s32 @!p0 $0x100000, s0  }
0x3fa: {  	[sflag:s0] =	ssyncadd.tile.s32 @!p0 $0x1;
	_ =	shalt  }
.Lfunc_end2:
_tile_overlayer_lowered:
.L_overlay_start_2:
0x3fb: {  	(tag) =	ssettag $0x2  }
0x3fc: {  	s0 =	rddreg [dreg:$0x0];
	s2 =	stileid.u32  }
0x3fd: {  	s1 =	rddreg [dreg:$0x1];
	p0 =	sne.s32 s2, $0x0  }
0x3fe: {  	s3 =	rddreg [dreg:$0x2];
	[bflag:$0x3] =	sbarrier.arrive $0xFFFF;
	s2 =	simm.s32 @!p0 $0x1C03  }
0x3ff: {  	[timem:s3], [sflag:s2] =	dma.local @!p0 [hbm:s0], s1  }
0x400: {  	s0 =	simm.s32 @!p0 $0x3  }
0x401: {  	_ =	swait.ge @!p0 [sflag:s0], s1  }
0x402: {  	s1 =	ssub.s32 @!p0 $0x0, s1;
	[sflag:s0] =	ssyncset.done @!p0 $0x0  }
0x403: {  	[sflag:s0] =	ssyncadd.s32 @!p0 s1  }
0x404: {  	[bflag:$0x3] =	sbarrier.arrive $0xFFFF  }
0x405: {  	_ =	shalt  }

// kernel: kernel.8.cloned.1.call-start
scs
__scs_entry_jumppad:
0x0: {  	(pc) =	sbr.rel $0x88, $3  }
0x1: {  	(tag) =	ssettag $0x0;
	lr =	simm.s32 $0x1  }
0x2: {  	[smem:$0x3F8D] =	sst lr;
	_ =	strace $0xD0000000  }
0x3: {  	_ = 	snop  }
0x4: {  	_ = 	snop  }
0x5: {  	_ = 	snop  }
0x6: {  	_ = 	snop  }
0x7: {  	_ = 	snop  }
__scs_overlays_trampoline_lowered:
0x8: {  	[smem:$0x3F9C] =	sst s0  }
0x9: {  	[smem:$0x3F9D] =	sst s1  }
0xa: {  	[smem:$0x3F9E] =	sst s2  }
0xb: {  	[smem:$0x3F9F] =	sst s3  }
0xc: {  	[smem:$0x3FA0] =	sst s4  }
0xd: {  	[smem:$0x3FA1] =	sst s5  }
0xe: {  	[smem:$0x3FA2] =	sst s6  }
0xf: {  	[smem:$0x3FA3] =	sst s7  }
0x10: {  	[smem:$0x3FA4] =	sst s8  }
0x11: {  	[smem:$0x3FA5] =	sst s9;
	s0 =	simm.s32 @!p0 $0x0  }
0x12: {  	s1 =	sld [smem:$0x3F8B];
	s0 =	simm.s32 @p0 $0x1  }
0x13: {  	[smem:$0x3FA6] =	sst s0;
	s0 =	simm.s32 @!p1 $0x0  }
0x14: {  	s2 =	sld [smem:$0x3F8A];
	s0 =	simm.s32 @p1 $0x1  }
0x15: {  	[smem:$0x3FA7] =	sst s0;
	s0 =	simm.s32 @!p2 $0x0  }
0x16: {  	s3 =	sld [smem:$0x3FDB];
	s0 =	simm.s32 @p2 $0x1  }
0x17: {  	s4 =	simm.s32 $0x1BF5;
	[smem:$0x3FA9] =	sst s0  }
0x18: {  	s0 =	sld [smem:$0x3F8C];
	_ =	swait.ge [sflag:s4], $0x0  }
0x19: {  	s7 =	sld [smem:$0x3F8D]  }
0x1a: {  	s8 =	sadd.s32 $0xFFFFE003, lr  }
0x1b: {  	s9 =	sadd.s32 $0xFFFFFEF7, lr;
	s5 =	simm.s32 $0xFFFFFFFF;
	p2 =	slt.u32 s8, $0xFFFFF086  }
0x1c: {  	p1 =	slt.u32 s9, $0xF7A;
	s5 =	simm.s32 @!p2 $0x0  }
0x1d: {  	s5 =	simm.s32 @p1 $0x1;
	p0 =	seq.s32 s7, s2  }
0x1e: {  	s7 =	smul.u32 @!p0 $0xF7A, s2;
	p2 =	seq.s32 @!p0 s5, $0x0  }
0x1f: {  	s9 =	smul.u32 $0xF7A, s1;
	s8 =	simm.s32 @!p0 $0x1BF5;
	p2 =	por !p2, p0  }
0x20: {  	[sflag:s8] =	ssyncset.s32 @!p0 $0xFFFFF086;
	s6 =	sadd.s32 @!p0 s3, s7;
	s7 =	simm.s32 @!p0 $0x108  }
0x21: {  	s3 =	sadd.s32 s3, s9;
	s6 =	sadd.s32 @!p0 $0x88, s6;
	s7 =	simm.s32 @p2 $0x1082  }
0x22: {  	[simem:s7], [sflag:s8] =	dma.local @!p0 [hbm:s6], $0xF7A  }
0x23: {  	s9 =	sor.u32 $0xD0000000, s2;
	s6 =	simm.s32 $0x108;
	_ =	swait.ge @!p0 [sflag:s8], $0x0  }
0x24: {  	s3 =	sadd.s32 $0x88, s3;
	s6 =	simm.s32 @!p1 $0x1082;
	[sflag:s4] =	ssyncset.s32 $0xFFFFF086  }
0x25: {  	[simem:s6], [sflag:s4] =	dma.local [hbm:s3], $0xF7A  }
0x26: {  	[smem:$0x3F8D] =	sst s1;
	(tag) =	ssettag s2;
	_ =	strace s9  }
0x27: {  	s1 =	sld [smem:$0x3F9D]  }
0x28: {  	s2 =	sld [smem:$0x3F9E]  }
0x29: {  	s4 =	sld [smem:$0x3FA0]  }
0x2a: {  	p0 =	seq.s32 s5, $0x0;
	s5 =	sld [smem:$0x3FA1]  }
0x2b: {  	s6 =	sld [smem:$0x3FA2]  }
0x2c: {  	s7 =	sld [smem:$0x3FA3]  }
0x2d: {  	s3 =	simm.s32 $0x108;
	s8 =	sld [smem:$0x3FA4]  }
0x2e: {  	s3 =	simm.s32 @!p0 $0x1082;
	s9 =	sld [smem:$0x3FA5]  }
0x2f: {  	lr =	sadd.s32 s0, s3;
	s0 =	sld [smem:$0x3F9C]  }
0x30: {  	s3 =	sld [smem:$0x3F9F]  }
0x31: {  	[smem:$0x3FA8] =	sst s10  }
0x32: {  	s10 =	sld [smem:$0x3FA6];
	_ =	sdelay $0x3  }
0x33: {  	p0 =	seq.s32 s10, $0x1;
	s10 =	sld [smem:$0x3FA8];
	_ =	sdelay $0x3  }
0x34: {  	[smem:$0x3FA8] =	sst s10  }
0x35: {  	s10 =	sld [smem:$0x3FA7];
	_ =	sdelay $0x3  }
0x36: {  	p1 =	seq.s32 s10, $0x1;
	s10 =	sld [smem:$0x3FA8];
	_ =	sdelay $0x3  }
0x37: {  	[smem:$0x3FA8] =	sst s10  }
0x38: {  	s10 =	sld [smem:$0x3FA9]  }
0x39: {  	_ = 	snop;
	(pc) =	sbr.ind lr, $3  }
0x3a: {  	_ = 	snop  }
0x3b: {  	_ = 	snop  }
0x3c: {  	p2 =	seq.s32 s10, $0x1;
	s10 =	sld [smem:$0x3FA8]  }
0x3d: {  	_ =	shalt  }
0x3e: {  	_ =	shalt  }
0x3f: {  	_ =	shalt  }
0x40: {  	_ =	shalt  }
0x41: {  	_ =	shalt  }
0x42: {  	_ =	shalt  }
0x43: {  	_ =	shalt  }
0x44: {  	_ =	shalt  }
0x45: {  	_ =	shalt  }
0x46: {  	_ =	shalt  }
0x47: {  	_ =	shalt  }
0x48: {  	_ =	shalt  }
0x49: {  	_ =	shalt  }
0x4a: {  	_ =	shalt  }
0x4b: {  	_ =	shalt  }
0x4c: {  	_ =	shalt  }
0x4d: {  	_ =	shalt  }
0x4e: {  	_ =	shalt  }
0x4f: {  	_ =	shalt  }
0x50: {  	_ =	shalt  }
0x51: {  	_ =	shalt  }
0x52: {  	_ =	shalt  }
0x53: {  	_ =	shalt  }
0x54: {  	_ =	shalt  }
0x55: {  	_ =	shalt  }
0x56: {  	_ =	shalt  }
0x57: {  	_ =	shalt  }
0x58: {  	_ =	shalt  }
0x59: {  	_ =	shalt  }
0x5a: {  	_ =	shalt  }
0x5b: {  	_ =	shalt  }
0x5c: {  	_ =	shalt  }
0x5d: {  	_ =	shalt  }
0x5e: {  	_ =	shalt  }
0x5f: {  	_ =	shalt  }
0x60: {  	_ =	shalt  }
0x61: {  	_ =	shalt  }
0x62: {  	_ =	shalt  }
0x63: {  	_ =	shalt  }
0x64: {  	_ =	shalt  }
0x65: {  	_ =	shalt  }
0x66: {  	_ =	shalt  }
0x67: {  	_ =	shalt  }
0x68: {  	_ =	shalt  }
0x69: {  	_ =	shalt  }
0x6a: {  	_ =	shalt  }
0x6b: {  	_ =	shalt  }
0x6c: {  	_ =	shalt  }
0x6d: {  	_ =	shalt  }
0x6e: {  	_ =	shalt  }
0x6f: {  	_ =	shalt  }
0x70: {  	_ =	shalt  }
0x71: {  	_ =	shalt  }
0x72: {  	_ =	shalt  }
0x73: {  	_ =	shalt  }
0x74: {  	_ =	shalt  }
0x75: {  	_ =	shalt  }
0x76: {  	_ =	shalt  }
0x77: {  	_ =	shalt  }
0x78: {  	_ =	shalt  }
0x79: {  	_ =	shalt  }
0x7a: {  	_ =	shalt  }
0x7b: {  	_ =	shalt  }
0x7c: {  	_ =	shalt  }
0x7d: {  	_ =	shalt  }
0x7e: {  	_ =	shalt  }
0x7f: {  	_ =	shalt  }
0x80: {  	_ =	shalt  }
0x81: {  	_ =	shalt  }
0x82: {  	_ =	shalt  }
0x83: {  	_ =	shalt  }
0x84: {  	_ =	shalt  }
0x85: {  	_ =	shalt  }
0x86: {  	_ =	shalt  }
0x87: {  	_ =	shalt  }
.Lfunc_end0:
.L_simem_size_0:
called_computation_lowered:
.L_overlay_start_0:
0x88: {  	s2 =	sld [smem:$0x3FD9]  }
0x89: {  	s3 =	sld [smem:$0x3FFE];
	_ =	sdelay $0x1  }
0x8a: {  	s1 =	srdreg.scid  }
0x8b: {  	s0 =	sand.u32 $0x1, s1  }
0x8c: {  	s15 =	sshll.u32 s0, $0xA;
	s2 =	sadd.s32 s3, s2  }
0x8d: {  	s2 =	sadd.s32 s2, s15  }
0x8e: {  	[smem:$0x3FB4] =	sst s2  }
0x8f: {  	_ = 	snop  }
0x90: {  	s2 =	sld [smem:$0x3FD0];
	_ =	sdelay $0x2  }
0x91: {  	s4 =	simm.s32 $0xB;
	s16 =	simm.s32 $0x10  }
0x92: {  	[smem:s16], [sflag:s4] =	dma.local [hbm:s2], $0x1  }
0x93: {  	_ =	swait.eq [sflag:s4], $0x1  }
0x94: {  	[sflag:s4] =	ssyncset.done $0x0  }
0x95: {  	s17 =	sld [smem:$0x10];
	[sflag:s4] =	ssyncadd.s32 $0xFFFFFFFF  }
0x96: {  	s18 =	sld [smem:$0x11];
	(tm) =	ssettm $0x1  }
0x97: {  	s19 =	sld [smem:$0x3FFB];
	_ =	sdelay $0x3  }
0x98: {  	_ =	strace s19  }
0x99: {  	s2 =	sld [smem:$0x3FFC];
	_ =	sdelay $0x3  }
0x9a: {  	_ =	strace s2  }
0x9b: {  	s2 =	sld [smem:$0x3FFD];
	_ =	sdelay $0x3  }
0x9c: {  	_ =	strace s2  }
0x9d: {  	_ =	strace $0x8FFFFFFF  }
0x9e: {  	s20 =	sld [smem:$0x3FDB];
	_ =	sdelay $0x1  }
0x9f: {  	s5 =	simm.s32 $_scs_section_size  }
0xa0: {  	s6 =	simm.s32 $_size__tile_overlayer_lowered;
	s7 =	simm.s32 $_tile_overlayer_lowered  }
0xa1: {  	s8 =	simm.s32 $0x1BFF;
	s21 =	sshll.u32 s7, $0x1;
	s5 =	sadd.s32 s5, s20  }
0xa2: {  	s22 =	simm.s32 $0x0;
	s6 =	sshll.u32 s6, $0x1;
	s7 =	sadd.s32 s21, s5  }
0xa3: {  	[timem:s22], [sflag:s8] =	dma.local [hbm:s7], s6  }
0xa4: {  	_ =	swait.ge [sflag:s8], s6  }
0xa5: {  	s6 =	ssub.s32 $0x0, s6;
	[sflag:s8] =	ssyncset.done $0x0  }
0xa6: {  	[sflag:s8] =	ssyncadd.s32 s6;
	_ =	sdelay $0x1  }
0xa7: {  	s23 =	simm.s32 $0x1B8B  }
0xa8: {  	_ =	swait.ge [sflag:s23], $0x1  }
0xa9: {  	[sflag:s23] =	ssyncset.done $0x0  }
0xaa: {  	[sflag:s23] =	ssyncadd.s32 $0xFFFFFFFF  }
0xab: {  	s6 =	sld [smem:$0x0]  }
0xac: {  	s7 =	sand.u32 $0xFFFFFFFE, s1  }
0xad: {  	p0 =	sne.s32 s1, s7  }
0xae: {  	s7 =	sshll.u32 @p0 s7, $0xE  }
0xaf: {  	s7 =	sadd.s32 @p0 $0x11B8D, s7;
	s8 =	sshll.u32 @p0 s6, $0x11  }
0xb0: {  	s7 =	sor.u32 @p0 s8, s7  }
0xb1: {  	[sflag:s7] =	ssyncadd.remote.s32 @p0 $0x1;
	_ =	sdelay $0x1  }
0xb2: {  	s7 =	simm.s32 @p0 $0x1B8D  }
0xb3: {  	_ =	swait.eq @p0 [sflag:s7], $0x1  }
0xb4: {  	[sflag:s7] =	ssyncadd.s32 @p0 $0xFFFFFFFF  }
0xb5: {  	s8 =	sshll.u32 @!p0 s1, $0xE  }
0xb6: {  	s8 =	sor.u32 @!p0 $0x4000, s8;
	s7 =	simm.s32 @!p0 $0x1B8D  }
0xb7: {  	s6 =	sshll.u32 @!p0 s6, $0x11;
	s8 =	sadd.s32 @!p0 $0x11B8D, s8;
	_ =	swait.eq @!p0 [sflag:s7], $0x1  }
0xb8: {  	s6 =	sor.u32 @!p0 s6, s8;
	[sflag:s7] =	ssyncadd.s32 @!p0 $0xFFFFFFFF  }
0xb9: {  	s25 =	simm.s32 $0x1B8E;
	s24 =	sld [smem:$0x3FFE];
	[sflag:s6] =	ssyncadd.remote.s32 @!p0 $0x1  }
0xba: {  	s26 =	simm.s32 $execute0_lowered;
	[smem:$0x3FD2] =	sst s25  }
0xbb: {  	s7 =	sshll.u32 s26, $0x1;
	_ =	strace $0x80000049;
	[dreg:$0x1] =	wrdreg $0xFFFFFFFF  }
0xbc: {  	s28 =	simm.s32 $_size_execute0_lowered;
	s5 =	sadd.s32 s5, s7;
	[dreg:$0x0] =	wrdreg $0x0  }
0xbd: {  	s7 =	sshll.u32 s28, $0x1;
	[dreg:$0x2] =	wrdreg s5  }
0xbe: {  	[dreg:$0x3] =	wrdreg s7  }
0xbf: {  	[dreg:$0x4] =	wrdreg $0xC0  }
0xc0: {  	_ =	task [dreg:s22], $0x5FFFF  }
0xc1: {  	[dreg:$0x1] =	wrdreg $0xFFFFFFFF  }
0xc2: {  	[dreg:$0x0] =	wrdreg $0x60  }
0xc3: {  	[dreg:$0x2] =	wrdreg s18  }
0xc4: {  	[dreg:$0x3] =	wrdreg s17  }
0xc5: {  	[dreg:$0x4] =	wrdreg s24  }
0xc6: {  	[dreg:$0x5] =	wrdreg $0x9  }
0xc7: {  	_ =	task.clear_ibuf [dreg:s22], $0x6FFFF;
	_ =	strace $0x90000049  }
0xc8: {  	s29 =	simm.s32 $0x9;
	_ =	strace $0x8000004B  }
0xc9: {  	_ =	swait.ge [sflag:s29], $0x1  }
0xca: {  	[sflag:s29] =	ssyncadd.s32 $0xFFFFFFFF  }
0xcb: {  	_ =	strace $0x9000004B  }
0xcc: {  	_ =	sfence  }
0xcd: {  	s30 =	sld [smem:$0x0];
	_ =	sdelay $0x2  }
0xce: {  	s31 =	sshll.u32 s1, $0xD;
	s1 =	sshrl.u32 s1, $0x2  }
0xcf: {  	s4 =	sand.u32 $0x4000, s31;
	s1 =	sadd.s32 s1, s30  }
0xd0: {  	s0 =	sor.u32 s4, s0;
	s1 =	sshll.u32 s1, $0x11  }
0xd1: {  	s0 =	sor.u32 s1, s0  }
0xd2: {  	s0 =	sadd.s32 $0x8F2B, s0  }
0xd3: {  	[sflag:s0] =	ssyncadd.remote.s32 $0x1  }
0xd4: {  	_ =	sfence.sel $0xFFFF  }
0xd5: {  	[dreg:$0x0] =	wrdreg $0xFFFFFFFF;
	(pc) =	sbr.abs _section_cstart, $3  }
0xd6: {  	[dreg:$0x1] =	wrdreg $0xFFFFFFFF  }
0xd7: {  	_ =	task.clear_ibuf [dreg:s22], $0x2FFFF;
	_ =	strace $0x9FFFFFFF  }
0xd8: {  	(tm) =	ssettm $0x7FFFFFFF  }
0xd9: {  	_ =	shalt  }
tec
execute0_lowered:
.L_overlay_start_1:
0x0: {  	(tag) =	ssettag $0x1  }
0x1: {  	s1 =	rddreg [dreg:$0x0]  }
0x2: {  	s0 =	rddreg [dreg:$0x1];
	s11 =	stileid.u32  }
0x3: {  	s2 =	srdreg.scid;
	s4 =	rddreg [dreg:$0x2]  }
0x4: {  	s3 =	simm.s32 $0x0;
	s31 =	simm.s32 $0x5100;
	s7 =	smul.u32 $0x1400, s11  }
0x5: {  	s28 =	simm.s32 $0xEA00;
	s29 =	simm.s32 $0xF200;
	s9 =	smul.u32 $0xA0, s11  }
0x6: {  	s30 =	simm.s32 $0xFA00;
	s2 =	sand.u32 $0x1, s2;
	s18 =	smul.u32 $0x14, s11  }
0x7: {  	s5 =	sshll.u32 s11, $0x1;
	[smem:$0x7FF] =	sst s3;
	s14 =	smul.u32 $0x50, s2  }
0x8: {  	s11 =	simm.s32 $0x4;
	s5 =	sor.u32 s2, s5;
	s20 =	smul.u32 $0xA, s2  }
0x9: {  	_ =	strace $0x8000004A;
	s8 =	ssub.s32 $0x2, s2;
	s6 =	smul.u32 $0x50, s5  }
0xa: {  	s10 =	sshrl.u32 s8, $0x1;
	s4 =	sadd.s32 s7, s4;
	s22 =	sadd.s32 s18, s0  }
0xb: {  	s5 =	sor.u32 $0x60, s5;
	s18 =	simm.s32 $0x12200;
	s15 =	ssub.s32 s8, s10  }
0xc: {  	[dreg:$0x9] =	wrdreg s5;
	s25 =	sadd.s32 $0x4E7800, s4;
	s26 =	sadd.s32 $0x758800, s4  }
0xd: {  	s5 =	simm.s32 $0x12A00;
	s8 =	simm.s32 $0x2;
	[dreg:$0xa] =	wrdreg s25  }
0xe: {  	s6 =	sshrl.u32 s6, $0x3;
	s7 =	smax.u32 s15, $0x1;
	[dreg:$0xb] =	wrdreg s26  }
0xf: {  	s26 =	simm.s32 $0xE200;
	s15 =	simm.s32 $0x0;
	s12 =	sadd.s32 s0, s6  }
0x10: {  	s6 =	sadd.s32 s14, s9;
	[dreg:$0x8] =	wrdreg s7;
	s9 =	sadd.s32 s20, s22  }
0x11: {  	s20 =	simm.s32 $0x100;
	s7 =	simm.s32 $0x13A00;
	s14 =	simm.s32 $0x3  }
0x12: {  	s16 =	sadd.s32 $0x4E20, s12;
	s17 =	sadd.s32 $0x140, s12;
	[dreg:$0x4] =	wrdreg s12  }
0x13: {  	s19 =	sadd.s32 $0x4F60, s12;
	s21 =	sadd.s32 $0x28F00, s6;
	[dreg:$0x5] =	wrdreg s16  }
.Ltmp0:
0x14: {  	s6 =	sadd.s32 $0x28500, s6;
	[dreg:$0x6] =	wrdreg s17;
	(pc) =	sbr.rel .LBB2_1-.Ltmp0, $4  }
0x15: {  	s12 =	smul.u32 $0xA00, s2;
	s2 =	simm.s32 $0x10200;
	[dreg:$0x7] =	wrdreg s19  }
0x16: {  	v2 =	vlaneseq.u32;
	s23 =	sshrl.u32 s21, $0x3;
	s24 =	sshrl.u32 s6, $0x3;
	s19 =	simm.s32 $0x1  }
0x17: {  	vm0 =	vmmov $0xffff;
	v1 =	vshrl.u32 v2, $0x3;
	s16 =	simm.s32 $0x11200;
	s17 =	simm.s32 $0x11A00;
	s6 =	simm.s32 $0x13200  }
0x18: {  	v0 =	vand.u32 $0x7, v2;
	v2 =	vor.u32 $0x8, v2;
	v1 =	vmul.u32 $0x8, v1;
	s10 =	sadd.s32 s23, s0;
	s13 =	sadd.s32 s24, s0;
	s0 =	simm.s32 $0x10A00  }
.LBB2_7:
0x19: {  	s15 =	rddreg [dreg:$0xc]  }
0x1a: {  	s4 =	rddreg [dreg:$0x8];
	s15 =	sadd.s32 $0x1, s15  }
0x1b: {  	p0 =	sne.s32 s15, s4  }
.Ltmp1:
0x1c: {  	_ = 	snop;
	(pc) =	sbr.rel @!p0 .LBB2_8-.Ltmp1, $1  }
0x1d: {  	_ =	sdelay $0x3  }
.LBB2_1:
0x1e: {  	[dreg:$0xc] =	wrdreg s15  }
0x1f: {  	s4 =	rddreg [dreg:$0x4]  }
0x20: {  	[tilespmem:s3], [sflag:$0x1] =	stream.linear.gather [hbm4b:s4+s3], $0x50, $0x38;
	[tilespmem:$0x14200] =	vst v63  }
0x21: {  	s24 =	rddreg [dreg:$0x5];
	s25 =	simm.s32 $0x80  }
0x22: {  	[tilespmem:s25], [sflag:$0x1] =	stream.linear.gather [hbm4b:s24+s3], $0x50, $0x38;
	[tilespmem:$0x14200] =	vst v63  }
0x23: {  	s15 =	rddreg [dreg:$0x6];
	s21 =	simm.s32 $0xA100  }
0x24: {  	[tilespmem:s21], [sflag:$0x4] =	stream.linear.gather [hbm4b:s15+s3], $0x50, $0x38;
	[tilespmem:$0x14200] =	vst v63  }
0x25: {  	s22 =	rddreg [dreg:$0x7];
	s23 =	simm.s32 $0xA180  }
0x26: {  	[tilespmem:s23], [sflag:$0x4] =	stream.linear.gather [hbm4b:s22+s3], $0x50, $0x38;
	[tilespmem:$0x14200] =	vst v63  }
0x27: {  	_ =	swait.ge [sflag:s19], $0x50  }
0x28: {  	[sflag:s19] =	ssyncset.done $0x0  }
0x29: {  	[sflag:s19] =	ssyncadd.s32 $0xFFFFFFB0  }
0x2a: {  	_ =	swait.ge [sflag:s19], $0x50  }
0x2b: {  	[sflag:s19] =	ssyncset.done $0x0  }
0x2c: {  	[sflag:s19] =	ssyncadd.s32 $0xFFFFFFB0  }
0x2d: {  	v3 =	vld [tilespmem:$0x0];
	_ =	sdelay $0x4  }
0x2e: {  	v4 =	vshll.u32 v3, $0x1  }
0x2f: {  	v3 =	vand.u32 $0x7, v3;
	v4 =	vand.u32 $0xFFFFFFF0, v4  }
0x30: {  	v3 =	vor.u32 v3, v4  }
0x31: {  	v4 =	vperm.xlane v3, v0;
	_ =	sdelay $0x1  }
0x32: {  	v3 =	vperm.xlane v3, v2;
	v4 =	vadd.s32 v1, v4;
	_ =	sdelay $0x1  }
0x33: {  	v3 =	vadd.s32 v1, v3;
	_ =	sdelay $0x2  }
0x34: {  	[tilespmem:s20], [sflag:$0x2] =	stream.indirect_vreg.gather [hbm4b:s1+s3], $0x80, v4, vm0, $0xb8;
	[tilespmem:$0x14200] =	vst v63  }
0x35: {  	s24 =	simm.s32 $0x900  }
0x36: {  	[tilespmem:s24], [sflag:$0x2] =	stream.indirect_vreg.gather [hbm4b:s1+s3], $0x80, v3, vm0, $0xb8;
	[tilespmem:$0x14200] =	vst v63  }
0x37: {  	v3 =	vld [tilespmem:$0x10];
	_ =	sdelay $0x4  }
0x38: {  	v45 =	vshll.u32 v3, $0x1  }
0x39: {  	v3 =	vand.u32 $0x7, v3;
	v4 =	vand.u32 $0xFFFFFFF0, v45  }
0x3a: {  	v3 =	vor.u32 v3, v4  }
0x3b: {  	v4 =	vperm.xlane v3, v0;
	_ =	sdelay $0x1  }
0x3c: {  	v3 =	vperm.xlane v3, v2;
	v4 =	vadd.s32 v1, v4;
	_ =	sdelay $0x1  }
0x3d: {  	v3 =	vadd.s32 v1, v3;
	_ =	sdelay $0x1  }
0x3e: {  	s25 =	simm.s32 $0x1100  }
0x3f: {  	[tilespmem:s25], [sflag:$0x2] =	stream.indirect_vreg.gather [hbm4b:s1+s3], $0x80, v4, vm0, $0xb8;
	[tilespmem:$0x14200] =	vst v63  }
0x40: {  	s15 =	simm.s32 $0x1900  }
0x41: {  	[tilespmem:s15], [sflag:$0x2] =	stream.indirect_vreg.gather [hbm4b:s1+s3], $0x80, v3, vm0, $0xb8;
	[tilespmem:$0x14200] =	vst v63  }
0x42: {  	v3 =	vld [tilespmem:$0x20];
	_ =	sdelay $0x4  }
0x43: {  	v46 =	vshll.u32 v3, $0x1  }
0x44: {  	v3 =	vand.u32 $0x7, v3;
	v4 =	vand.u32 $0xFFFFFFF0, v46  }
0x45: {  	v3 =	vor.u32 v3, v4  }
0x46: {  	v4 =	vperm.xlane v3, v0;
	_ =	sdelay $0x1  }
0x47: {  	v3 =	vperm.xlane v3, v2;
	v4 =	vadd.s32 v1, v4;
	_ =	sdelay $0x1  }
0x48: {  	v3 =	vadd.s32 v1, v3;
	_ =	sdelay $0x1  }
0x49: {  	s21 =	simm.s32 $0x2100  }
0x4a: {  	[tilespmem:s21], [sflag:$0x2] =	stream.indirect_vreg.gather [hbm4b:s1+s3], $0x80, v4, vm0, $0xb8;
	[tilespmem:$0x14200] =	vst v63  }
0x4b: {  	s22 =	simm.s32 $0x2900  }
0x4c: {  	[tilespmem:s22], [sflag:$0x2] =	stream.indirect_vreg.gather [hbm4b:s1+s3], $0x80, v3, vm0, $0xb8;
	[tilespmem:$0x14200] =	vst v63  }
0x4d: {  	v3 =	vld [tilespmem:$0x30];
	_ =	sdelay $0x4  }
0x4e: {  	v47 =	vshll.u32 v3, $0x1  }
0x4f: {  	v3 =	vand.u32 $0x7, v3;
	v4 =	vand.u32 $0xFFFFFFF0, v47  }
0x50: {  	v3 =	vor.u32 v3, v4  }
0x51: {  	v4 =	vperm.xlane v3, v0;
	_ =	sdelay $0x1  }
0x52: {  	v3 =	vperm.xlane v3, v2;
	v4 =	vadd.s32 v1, v4;
	_ =	sdelay $0x1  }
0x53: {  	v3 =	vadd.s32 v1, v3;
	_ =	sdelay $0x1  }
0x54: {  	s23 =	simm.s32 $0x3100  }
0x55: {  	[tilespmem:s23], [sflag:$0x2] =	stream.indirect_vreg.gather [hbm4b:s1+s3], $0x80, v4, vm0, $0xb8;
	[tilespmem:$0x14200] =	vst v63  }
0x56: {  	s24 =	simm.s32 $0x3900  }
0x57: {  	[tilespmem:s24], [sflag:$0x2] =	stream.indirect_vreg.gather [hbm4b:s1+s3], $0x80, v3, vm0, $0xb8;
	[tilespmem:$0x14200] =	vst v63  }
0x58: {  	v3 =	vld [tilespmem:$0x40];
	_ =	sdelay $0x4  }
0x59: {  	v48 =	vshll.u32 v3, $0x1  }
0x5a: {  	v3 =	vand.u32 $0x7, v3;
	v4 =	vand.u32 $0xFFFFFFF0, v48  }
0x5b: {  	v3 =	vor.u32 v3, v4  }
0x5c: {  	v4 =	vperm.xlane v3, v0;
	_ =	sdelay $0x1  }
0x5d: {  	v3 =	vperm.xlane v3, v2;
	v4 =	vadd.s32 v1, v4;
	_ =	sdelay $0x1  }
0x5e: {  	v3 =	vadd.s32 v1, v3;
	_ =	sdelay $0x1  }
0x5f: {  	s25 =	simm.s32 $0x4100  }
0x60: {  	[tilespmem:s25], [sflag:$0x2] =	stream.indirect_vreg.gather [hbm4b:s1+s3], $0x80, v4, vm0, $0xb8;
	[tilespmem:$0x14200] =	vst v63  }
0x61: {  	s15 =	simm.s32 $0x4900  }
0x62: {  	[tilespmem:s15], [sflag:$0x2] =	stream.indirect_vreg.gather [hbm4b:s1+s3], $0x80, v3, vm0, $0xb8;
	[tilespmem:$0x14200] =	vst v63  }
0x63: {  	v3 =	vld [tilespmem:$0x80];
	_ =	sdelay $0x4  }
0x64: {  	v49 =	vshll.u32 v3, $0x1  }
0x65: {  	v3 =	vand.u32 $0x7, v3;
	v4 =	vand.u32 $0xFFFFFFF0, v49  }
0x66: {  	v3 =	vor.u32 v3, v4  }
0x67: {  	v4 =	vperm.xlane v3, v0;
	_ =	sdelay $0x1  }
0x68: {  	v3 =	vperm.xlane v3, v2;
	v4 =	vadd.s32 v1, v4;
	_ =	sdelay $0x1  }
0x69: {  	v3 =	vadd.s32 v1, v3;
	_ =	sdelay $0x2  }
0x6a: {  	[tilespmem:s31], [sflag:$0x2] =	stream.indirect_vreg.gather [hbm4b:s1+s3], $0x80, v4, vm0, $0xb8;
	[tilespmem:$0x14200] =	vst v63  }
0x6b: {  	s21 =	simm.s32 $0x5900  }
0x6c: {  	[tilespmem:s21], [sflag:$0x2] =	stream.indirect_vreg.gather [hbm4b:s1+s3], $0x80, v3, vm0, $0xb8;
	[tilespmem:$0x14200] =	vst v63  }
0x6d: {  	v3 =	vld [tilespmem:$0x90];
	_ =	sdelay $0x4  }
0x6e: {  	v50 =	vshll.u32 v3, $0x1  }
0x6f: {  	v3 =	vand.u32 $0x7, v3;
	v4 =	vand.u32 $0xFFFFFFF0, v50  }
0x70: {  	v3 =	vor.u32 v3, v4  }
0x71: {  	v4 =	vperm.xlane v3, v0;
	_ =	sdelay $0x1  }
0x72: {  	v3 =	vperm.xlane v3, v2;
	v4 =	vadd.s32 v1, v4;
	_ =	sdelay $0x1  }
0x73: {  	v3 =	vadd.s32 v1, v3;
	_ =	sdelay $0x1  }
0x74: {  	s22 =	simm.s32 $0x6100  }
0x75: {  	[tilespmem:s22], [sflag:$0x2] =	stream.indirect_vreg.gather [hbm4b:s1+s3], $0x80, v4, vm0, $0xb8;
	[tilespmem:$0x14200] =	vst v63  }
0x76: {  	s23 =	simm.s32 $0x6900  }
0x77: {  	[tilespmem:s23], [sflag:$0x2] =	stream.indirect_vreg.gather [hbm4b:s1+s3], $0x80, v3, vm0, $0xb8;
	[tilespmem:$0x14200] =	vst v63  }
0x78: {  	v3 =	vld [tilespmem:$0xA0];
	_ =	sdelay $0x4  }
0x79: {  	v51 =	vshll.u32 v3, $0x1  }
0x7a: {  	v3 =	vand.u32 $0x7, v3;
	v4 =	vand.u32 $0xFFFFFFF0, v51  }
0x7b: {  	v3 =	vor.u32 v3, v4  }
0x7c: {  	v4 =	vperm.xlane v3, v0;
	_ =	sdelay $0x1  }
0x7d: {  	v3 =	vperm.xlane v3, v2;
	v4 =	vadd.s32 v1, v4;
	_ =	sdelay $0x1  }
0x7e: {  	v3 =	vadd.s32 v1, v3;
	_ =	sdelay $0x1  }
0x7f: {  	s24 =	simm.s32 $0x7100  }
0x80: {  	[tilespmem:s24], [sflag:$0x2] =	stream.indirect_vreg.gather [hbm4b:s1+s3], $0x80, v4, vm0, $0xb8;
	[tilespmem:$0x14200] =	vst v63  }
0x81: {  	s25 =	simm.s32 $0x7900  }
0x82: {  	[tilespmem:s25], [sflag:$0x2] =	stream.indirect_vreg.gather [hbm4b:s1+s3], $0x80, v3, vm0, $0xb8;
	[tilespmem:$0x14200] =	vst v63  }
0x83: {  	v3 =	vld [tilespmem:$0xB0];
	_ =	sdelay $0x4  }
0x84: {  	v52 =	vshll.u32 v3, $0x1  }
0x85: {  	v3 =	vand.u32 $0x7, v3;
	v4 =	vand.u32 $0xFFFFFFF0, v52  }
0x86: {  	v3 =	vor.u32 v3, v4  }
0x87: {  	v4 =	vperm.xlane v3, v0;
	_ =	sdelay $0x1  }
0x88: {  	v3 =	vperm.xlane v3, v2;
	v4 =	vadd.s32 v1, v4;
	_ =	sdelay $0x1  }
0x89: {  	v3 =	vadd.s32 v1, v3;
	_ =	sdelay $0x1  }
0x8a: {  	s15 =	simm.s32 $0x8100  }
0x8b: {  	[tilespmem:s15], [sflag:$0x2] =	stream.indirect_vreg.gather [hbm4b:s1+s3], $0x80, v4, vm0, $0xb8;
	[tilespmem:$0x14200] =	vst v63  }
0x8c: {  	s21 =	simm.s32 $0x8900  }
0x8d: {  	[tilespmem:s21], [sflag:$0x2] =	stream.indirect_vreg.gather [hbm4b:s1+s3], $0x80, v3, vm0, $0xb8;
	[tilespmem:$0x14200] =	vst v63  }
0x8e: {  	v3 =	vld [tilespmem:$0xC0];
	_ =	sdelay $0x4  }
0x8f: {  	v53 =	vshll.u32 v3, $0x1  }
0x90: {  	v3 =	vand.u32 $0x7, v3;
	v4 =	vand.u32 $0xFFFFFFF0, v53  }
0x91: {  	v3 =	vor.u32 v3, v4  }
0x92: {  	v4 =	vperm.xlane v3, v0;
	_ =	sdelay $0x1  }
0x93: {  	v3 =	vperm.xlane v3, v2;
	v4 =	vadd.s32 v1, v4;
	_ =	sdelay $0x1  }
0x94: {  	v3 =	vadd.s32 v1, v3;
	_ =	sdelay $0x1  }
0x95: {  	s22 =	simm.s32 $0x9100  }
0x96: {  	[tilespmem:s22], [sflag:$0x2] =	stream.indirect_vreg.gather [hbm4b:s1+s3], $0x80, v4, vm0, $0xb8;
	[tilespmem:$0x14200] =	vst v63  }
0x97: {  	s23 =	simm.s32 $0x9900  }
0x98: {  	[tilespmem:s23], [sflag:$0x2] =	stream.indirect_vreg.gather [hbm4b:s1+s3], $0x80, v3, vm0, $0xb8;
	[tilespmem:$0x14200] =	vst v63  }
0x99: {  	_ =	swait.ge [sflag:s11], $0x50  }
0x9a: {  	[sflag:s11] =	ssyncset.done $0x0  }
0x9b: {  	[sflag:s11] =	ssyncadd.s32 $0xFFFFFFB0  }
0x9c: {  	_ =	swait.ge [sflag:s11], $0x50  }
0x9d: {  	[sflag:s11] =	ssyncset.done $0x0  }
0x9e: {  	[sflag:s11] =	ssyncadd.s32 $0xFFFFFFB0  }
0x9f: {  	v3 =	vld [tilespmem:$0xA100];
	_ =	sdelay $0x4  }
0xa0: {  	v54 =	vshll.u32 v3, $0x1  }
0xa1: {  	v3 =	vand.u32 $0x7, v3;
	v4 =	vand.u32 $0xFFFFFFF0, v54  }
0xa2: {  	v3 =	vor.u32 v3, v4  }
0xa3: {  	v4 =	vperm.xlane v3, v0;
	_ =	sdelay $0x1  }
0xa4: {  	v3 =	vperm.xlane v3, v2;
	v4 =	vadd.s32 v1, v4;
	_ =	sdelay $0x1  }
0xa5: {  	v3 =	vadd.s32 v1, v3;
	_ =	sdelay $0x1  }
0xa6: {  	s24 =	simm.s32 $0xA200  }
0xa7: {  	[tilespmem:s24], [sflag:$0x5] =	stream.indirect_vreg.gather [hbm4b:s1+s3], $0x80, v4, vm0, $0xb8;
	[tilespmem:$0x14200] =	vst v63  }
0xa8: {  	s25 =	simm.s32 $0xAA00  }
0xa9: {  	[tilespmem:s25], [sflag:$0x5] =	stream.indirect_vreg.gather [hbm4b:s1+s3], $0x80, v3, vm0, $0xb8;
	[tilespmem:$0x14200] =	vst v63  }
0xaa: {  	v3 =	vld [tilespmem:$0xA110];
	_ =	sdelay $0x4  }
0xab: {  	v55 =	vshll.u32 v3, $0x1  }
0xac: {  	v3 =	vand.u32 $0x7, v3;
	v4 =	vand.u32 $0xFFFFFFF0, v55  }
0xad: {  	v3 =	vor.u32 v3, v4  }
0xae: {  	v4 =	vperm.xlane v3, v0;
	_ =	sdelay $0x1  }
0xaf: {  	v3 =	vperm.xlane v3, v2;
	v4 =	vadd.s32 v1, v4;
	_ =	sdelay $0x1  }
0xb0: {  	v3 =	vadd.s32 v1, v3;
	_ =	sdelay $0x1  }
0xb1: {  	s15 =	simm.s32 $0xB200  }
0xb2: {  	[tilespmem:s15], [sflag:$0x5] =	stream.indirect_vreg.gather [hbm4b:s1+s3], $0x80, v4, vm0, $0xb8;
	[tilespmem:$0x14200] =	vst v63  }
0xb3: {  	s21 =	simm.s32 $0xBA00  }
0xb4: {  	[tilespmem:s21], [sflag:$0x5] =	stream.indirect_vreg.gather [hbm4b:s1+s3], $0x80, v3, vm0, $0xb8;
	[tilespmem:$0x14200] =	vst v63  }
0xb5: {  	v3 =	vld [tilespmem:$0xA120];
	_ =	sdelay $0x4  }
0xb6: {  	v56 =	vshll.u32 v3, $0x1  }
0xb7: {  	v3 =	vand.u32 $0x7, v3;
	v4 =	vand.u32 $0xFFFFFFF0, v56  }
0xb8: {  	v3 =	vor.u32 v3, v4  }
0xb9: {  	v4 =	vperm.xlane v3, v0;
	_ =	sdelay $0x1  }
0xba: {  	v3 =	vperm.xlane v3, v2;
	v4 =	vadd.s32 v1, v4;
	_ =	sdelay $0x1  }
0xbb: {  	v3 =	vadd.s32 v1, v3;
	_ =	sdelay $0x1  }
0xbc: {  	s22 =	simm.s32 $0xC200  }
0xbd: {  	[tilespmem:s22], [sflag:$0x5] =	stream.indirect_vreg.gather [hbm4b:s1+s3], $0x80, v4, vm0, $0xb8;
	[tilespmem:$0x14200] =	vst v63  }
0xbe: {  	s23 =	simm.s32 $0xCA00  }
0xbf: {  	[tilespmem:s23], [sflag:$0x5] =	stream.indirect_vreg.gather [hbm4b:s1+s3], $0x80, v3, vm0, $0xb8;
	[tilespmem:$0x14200] =	vst v63  }
0xc0: {  	v3 =	vld [tilespmem:$0xA130];
	_ =	sdelay $0x4  }
0xc1: {  	v57 =	vshll.u32 v3, $0x1  }
0xc2: {  	v3 =	vand.u32 $0x7, v3;
	v4 =	vand.u32 $0xFFFFFFF0, v57  }
0xc3: {  	v3 =	vor.u32 v3, v4  }
0xc4: {  	v4 =	vperm.xlane v3, v0;
	_ =	sdelay $0x1  }
0xc5: {  	v3 =	vperm.xlane v3, v2;
	v4 =	vadd.s32 v1, v4;
	_ =	sdelay $0x1  }
0xc6: {  	v3 =	vadd.s32 v1, v3;
	_ =	sdelay $0x1  }
0xc7: {  	s24 =	simm.s32 $0xD200  }
0xc8: {  	[tilespmem:s24], [sflag:$0x5] =	stream.indirect_vreg.gather [hbm4b:s1+s3], $0x80, v4, vm0, $0xb8;
	[tilespmem:$0x14200] =	vst v63  }
0xc9: {  	s25 =	simm.s32 $0xDA00  }
0xca: {  	[tilespmem:s25], [sflag:$0x5] =	stream.indirect_vreg.gather [hbm4b:s1+s3], $0x80, v3, vm0, $0xb8;
	[tilespmem:$0x14200] =	vst v63  }
0xcb: {  	v3 =	vld [tilespmem:$0xA140];
	_ =	sdelay $0x4  }
0xcc: {  	v58 =	vshll.u32 v3, $0x1  }
0xcd: {  	v3 =	vand.u32 $0x7, v3;
	v4 =	vand.u32 $0xFFFFFFF0, v58  }
0xce: {  	v3 =	vor.u32 v3, v4  }
0xcf: {  	v4 =	vperm.xlane v3, v0;
	_ =	sdelay $0x1  }
0xd0: {  	v3 =	vperm.xlane v3, v2;
	v4 =	vadd.s32 v1, v4;
	_ =	sdelay $0x1  }
0xd1: {  	v3 =	vadd.s32 v1, v3;
	_ =	sdelay $0x2  }
0xd2: {  	[tilespmem:s26], [sflag:$0x5] =	stream.indirect_vreg.gather [hbm4b:s1+s3], $0x80, v4, vm0, $0xb8;
	[tilespmem:$0x14200] =	vst v63  }
0xd3: {  	_ = 	snop  }
0xd4: {  	[tilespmem:s28], [sflag:$0x5] =	stream.indirect_vreg.gather [hbm4b:s1+s3], $0x80, v3, vm0, $0xb8;
	[tilespmem:$0x14200] =	vst v63  }
0xd5: {  	v3 =	vld [tilespmem:$0xA180];
	_ =	sdelay $0x4  }
0xd6: {  	v59 =	vshll.u32 v3, $0x1  }
0xd7: {  	v3 =	vand.u32 $0x7, v3;
	v4 =	vand.u32 $0xFFFFFFF0, v59  }
0xd8: {  	v3 =	vor.u32 v3, v4  }
0xd9: {  	v4 =	vperm.xlane v3, v0;
	_ =	sdelay $0x1  }
0xda: {  	v3 =	vperm.xlane v3, v2;
	v4 =	vadd.s32 v1, v4;
	_ =	sdelay $0x1  }
0xdb: {  	v3 =	vadd.s32 v1, v3;
	_ =	sdelay $0x2  }
0xdc: {  	[tilespmem:s29], [sflag:$0x5] =	stream.indirect_vreg.gather [hbm4b:s1+s3], $0x80, v4, vm0, $0xb8;
	[tilespmem:$0x14200] =	vst v63  }
0xdd: {  	_ = 	snop  }
0xde: {  	[tilespmem:s30], [sflag:$0x5] =	stream.indirect_vreg.gather [hbm4b:s1+s3], $0x80, v3, vm0, $0xb8;
	[tilespmem:$0x14200] =	vst v63  }
0xdf: {  	v3 =	vld [tilespmem:$0xA190];
	_ =	sdelay $0x4  }
0xe0: {  	v60 =	vshll.u32 v3, $0x1  }
0xe1: {  	v3 =	vand.u32 $0x7, v3;
	v4 =	vand.u32 $0xFFFFFFF0, v60  }
0xe2: {  	v3 =	vor.u32 v3, v4  }
0xe3: {  	v4 =	vperm.xlane v3, v0;
	_ =	sdelay $0x1  }
0xe4: {  	v3 =	vperm.xlane v3, v2;
	v4 =	vadd.s32 v1, v4;
	_ =	sdelay $0x1  }
0xe5: {  	v3 =	vadd.s32 v1, v3;
	_ =	sdelay $0x2  }
0xe6: {  	[tilespmem:s2], [sflag:$0x5] =	stream.indirect_vreg.gather [hbm4b:s1+s3], $0x80, v4, vm0, $0xb8;
	[tilespmem:$0x14200] =	vst v63  }
0xe7: {  	_ = 	snop  }
0xe8: {  	[tilespmem:s0], [sflag:$0x5] =	stream.indirect_vreg.gather [hbm4b:s1+s3], $0x80, v3, vm0, $0xb8;
	[tilespmem:$0x14200] =	vst v63  }
0xe9: {  	v3 =	vld [tilespmem:$0xA1A0];
	_ =	sdelay $0x4  }
0xea: {  	v61 =	vshll.u32 v3, $0x1  }
0xeb: {  	v3 =	vand.u32 $0x7, v3;
	v4 =	vand.u32 $0xFFFFFFF0, v61  }
0xec: {  	v3 =	vor.u32 v3, v4  }
0xed: {  	v4 =	vperm.xlane v3, v0;
	_ =	sdelay $0x1  }
0xee: {  	v3 =	vperm.xlane v3, v2;
	v4 =	vadd.s32 v1, v4;
	_ =	sdelay $0x1  }
0xef: {  	v3 =	vadd.s32 v1, v3;
	_ =	sdelay $0x2  }
0xf0: {  	[tilespmem:s16], [sflag:$0x5] =	stream.indirect_vreg.gather [hbm4b:s1+s3], $0x80, v4, vm0, $0xb8;
	[tilespmem:$0x14200] =	vst v63  }
0xf1: {  	_ = 	snop  }
0xf2: {  	[tilespmem:s17], [sflag:$0x5] =	stream.indirect_vreg.gather [hbm4b:s1+s3], $0x80, v3, vm0, $0xb8;
	[tilespmem:$0x14200] =	vst v63  }
0xf3: {  	v3 =	vld [tilespmem:$0xA1B0];
	_ =	sdelay $0x4  }
0xf4: {  	v62 =	vshll.u32 v3, $0x1  }
0xf5: {  	v3 =	vand.u32 $0x7, v3;
	v4 =	vand.u32 $0xFFFFFFF0, v62  }
0xf6: {  	v3 =	vor.u32 v3, v4  }
0xf7: {  	v4 =	vperm.xlane v3, v0;
	_ =	sdelay $0x1  }
0xf8: {  	v3 =	vperm.xlane v3, v2;
	v4 =	vadd.s32 v1, v4;
	_ =	sdelay $0x1  }
0xf9: {  	v3 =	vadd.s32 v1, v3;
	_ =	sdelay $0x2  }
0xfa: {  	[tilespmem:s18], [sflag:$0x5] =	stream.indirect_vreg.gather [hbm4b:s1+s3], $0x80, v4, vm0, $0xb8;
	[tilespmem:$0x14200] =	vst v63  }
0xfb: {  	_ = 	snop  }
0xfc: {  	[tilespmem:s5], [sflag:$0x5] =	stream.indirect_vreg.gather [hbm4b:s1+s3], $0x80, v3, vm0, $0xb8;
	[tilespmem:$0x14200] =	vst v63  }
0xfd: {  	v3 =	vld [tilespmem:$0xA1C0];
	_ =	sdelay $0x4  }
0xfe: {  	v63 =	vshll.u32 v3, $0x1  }
0xff: {  	v3 =	vand.u32 $0x7, v3;
	v4 =	vand.u32 $0xFFFFFFF0, v63  }
0x100: {  	v3 =	vor.u32 v3, v4  }
0x101: {  	v4 =	vperm.xlane v3, v0;
	_ =	sdelay $0x1  }
0x102: {  	v3 =	vperm.xlane v3, v2;
	v4 =	vadd.s32 v1, v4;
	_ =	sdelay $0x1  }
0x103: {  	v3 =	vadd.s32 v1, v3  }
.Ltmp2:
0x104: {  	s4 =	rddreg [dreg:$0xa];
	(pc) =	sbr.rel .LBB2_2-.Ltmp2, $4  }
0x105: {  	s15 =	rddreg [dreg:$0xb]  }
0x106: {  	[tilespmem:s6], [sflag:$0x5] =	stream.indirect_vreg.gather [hbm4b:s1+s3], $0x80, v4, vm0, $0xb8;
	[tilespmem:$0x14200] =	vst v63  }
0x107: {  	s21 =	rddreg [dreg:$0x9];
	s22 =	simm.s32 $0x0  }
0x108: {  	[tilespmem:s7], [sflag:$0x5] =	stream.indirect_vreg.gather [hbm4b:s1+s3], $0x80, v3, vm0, $0xb8;
	[tilespmem:$0x14200] =	vst v63  }
.LBB2_6:
0x109: {  	s22 =	sadd.s32 $0x280, s22  }
0x10a: {  	p0 =	sne.s32 s22, $0x2800  }
.Ltmp3:
0x10b: {  	_ = 	snop;
	(pc) =	sbr.rel @!p0 .LBB2_7-.Ltmp3, $2  }
0x10c: {  	_ =	sdelay $0x2  }
0x10d: {  	s21 =	sadd.s32 $0x40, s21;
	s4 =	sadd.s32 $0x28000, s4;
	s15 =	sadd.s32 $0x28000, s15  }
.LBB2_2:
0x10e: {  	_ =	swait.ge [sflag:s8], $0x5000  }
0x10f: {  	[sflag:s8] =	ssyncset.done $0x0  }
0x110: {  	[sflag:s8] =	ssyncadd.s32 $0xFFFFB000  }
0x111: {  	_ =	swait.ge [sflag:s8], $0x5000  }
0x112: {  	s24 =	sadd.s32 $0xFFFFFFE0, s21;
	[sflag:s8] =	ssyncset.done $0x0  }
0x113: {  	s23 =	sadd.s32 s4, s12;
	p2 =	sgt.u32 s24, $0x3E7;
	[sflag:s8] =	ssyncadd.s32 $0xFFFFB000  }
0x114: {  	[hbm4b:s23+s3] =	stream.linear.scatter [tilespmem:s20], [sflag:$0x3], $0x5000, $0x38;
	[tilespmem:$0x14200] =	vst v63  }
0x115: {  	s25 =	sadd.s32 s15, s12;
	s23 =	sadd.s32 @!p2 s22, s9  }
0x116: {  	[hbm4b:s25+s3] =	stream.linear.scatter [tilespmem:s31], [sflag:$0x3], $0x5000, $0x38;
	[tilespmem:$0x14200] =	vst v63  }
0x117: {  	s24 =	simm.s32 @!p2 $0x0;
	s23 =	sadd.s32 @!p2 $0x280, s23  }
0x118: {  	[tilespmem:s24], [sflag:$0x1] =	stream.linear.gather @!p2 [hbm4b:s23+s24], $0x50, $0x38;
	[tilespmem:$0x14200] =	vst v63  }
0x119: {  	s25 =	simm.s32 @!p2 $0x80;
	s23 =	sadd.s32 @!p2 s22, s13  }
0x11a: {  	[tilespmem:s25], [sflag:$0x1] =	stream.linear.gather @!p2 [hbm4b:s23+s24], $0x50, $0x38;
	[tilespmem:$0x14200] =	vst v63  }
0x11b: {  	s25 =	sadd.s32 $0xFFFFFFC0, s21  }
0x11c: {  	p0 =	sgt.u32 s25, $0x3E7  }
0x11d: {  	s23 =	simm.s32 @!p0 $0x5  }
0x11e: {  	_ =	swait.ge @!p0 [sflag:s23], $0x5000  }
0x11f: {  	[sflag:s23] =	ssyncset.done @!p0 $0x0  }
0x120: {  	[sflag:s23] =	ssyncadd.s32 @!p0 $0xFFFFB000  }
0x121: {  	_ =	swait.ge @!p0 [sflag:s23], $0x5000  }
0x122: {  	[sflag:s23] =	ssyncset.done @!p0 $0x0  }
0x123: {  	[sflag:s23] =	ssyncadd.s32 @!p0 $0xFFFFB000;
	s23 =	sadd.s32 @!p0 s4, s12  }
0x124: {  	s24 =	simm.s32 @!p0 $0x0;
	s25 =	simm.s32 @!p0 $0xA200;
	s23 =	sadd.s32 @!p0 $0x14000, s23  }
0x125: {  	[hbm4b:s23+s24] =	stream.linear.scatter @!p0 [tilespmem:s25], [sflag:$0x6], $0x5000, $0x38;
	[tilespmem:$0x14200] =	vst v63  }
0x126: {  	s23 =	sadd.s32 @!p0 s15, s12  }
0x127: {  	p1 =	sgt.u32 s21, $0x3E7;
	s25 =	simm.s32 @!p0 $0xF200;
	s23 =	sadd.s32 @!p0 $0x14000, s23  }
0x128: {  	[hbm4b:s23+s24] =	stream.linear.scatter @!p0 [tilespmem:s25], [sflag:$0x6], $0x5000, $0x38;
	[tilespmem:$0x14200] =	vst v63  }
0x129: {  	s23 =	sadd.s32 @!p1 s22, s9  }
0x12a: {  	s24 =	simm.s32 @!p1 $0x0;
	s25 =	simm.s32 @!p1 $0xA100;
	s23 =	sadd.s32 @!p1 $0x3C0, s23  }
0x12b: {  	[tilespmem:s25], [sflag:$0x4] =	stream.linear.gather @!p1 [hbm4b:s23+s24], $0x50, $0x38;
	[tilespmem:$0x14200] =	vst v63  }
0x12c: {  	s23 =	sadd.s32 @!p1 s22, s10;
	s25 =	simm.s32 @!p1 $0xA180  }
0x12d: {  	[tilespmem:s25], [sflag:$0x4] =	stream.linear.gather @!p1 [hbm4b:s23+s24], $0x50, $0x38;
	[tilespmem:$0x14200] =	vst v63  }
0x12e: {  	_ =	swait.ge [sflag:s14], $0x5000  }
.Ltmp4:
0x12f: {  	[sflag:s14] =	ssyncset.done $0x0;
	(pc) =	sbr.rel @p2 .LBB2_4-.Ltmp4, $4  }
0x130: {  	[sflag:s14] =	ssyncadd.s32 $0xFFFFB000  }
0x131: {  	_ =	swait.ge [sflag:s14], $0x5000  }
0x132: {  	[sflag:s14] =	ssyncset.done $0x0  }
0x133: {  	[sflag:s14] =	ssyncadd.s32 $0xFFFFB000  }
0x134: {  	_ =	swait.ge [sflag:s19], $0x50  }
0x135: {  	[sflag:s19] =	ssyncset.done $0x0  }
0x136: {  	[sflag:s19] =	ssyncadd.s32 $0xFFFFFFB0  }
0x137: {  	_ =	swait.ge [sflag:s19], $0x50  }
0x138: {  	[sflag:s19] =	ssyncset.done $0x0  }
0x139: {  	[sflag:s19] =	ssyncadd.s32 $0xFFFFFFB0  }
0x13a: {  	v3 =	vld [tilespmem:$0x0];
	_ =	sdelay $0x4  }
0x13b: {  	v4 =	vshll.u32 v3, $0x1  }
0x13c: {  	v3 =	vand.u32 $0x7, v3;
	v4 =	vand.u32 $0xFFFFFFF0, v4  }
0x13d: {  	v3 =	vor.u32 v3, v4  }
0x13e: {  	v4 =	vperm.xlane v3, v0;
	_ =	sdelay $0x1  }
0x13f: {  	v3 =	vperm.xlane v3, v2;
	v4 =	vadd.s32 v1, v4;
	_ =	sdelay $0x1  }
0x140: {  	v3 =	vadd.s32 v1, v3;
	_ =	sdelay $0x2  }
0x141: {  	[tilespmem:s20], [sflag:$0x2] =	stream.indirect_vreg.gather [hbm4b:s1+s3], $0x80, v4, vm0, $0xb8;
	[tilespmem:$0x14200] =	vst v63  }
0x142: {  	s23 =	simm.s32 $0x900  }
0x143: {  	[tilespmem:s23], [sflag:$0x2] =	stream.indirect_vreg.gather [hbm4b:s1+s3], $0x80, v3, vm0, $0xb8;
	[tilespmem:$0x14200] =	vst v63  }
0x144: {  	v3 =	vld [tilespmem:$0x10];
	_ =	sdelay $0x4  }
0x145: {  	v55 =	vshll.u32 v3, $0x1  }
0x146: {  	v3 =	vand.u32 $0x7, v3;
	v4 =	vand.u32 $0xFFFFFFF0, v55  }
0x147: {  	v3 =	vor.u32 v3, v4  }
0x148: {  	v4 =	vperm.xlane v3, v0;
	_ =	sdelay $0x1  }
0x149: {  	v3 =	vperm.xlane v3, v2;
	v4 =	vadd.s32 v1, v4;
	_ =	sdelay $0x1  }
0x14a: {  	v3 =	vadd.s32 v1, v3;
	_ =	sdelay $0x1  }
0x14b: {  	s25 =	simm.s32 $0x1100  }
0x14c: {  	[tilespmem:s25], [sflag:$0x2] =	stream.indirect_vreg.gather [hbm4b:s1+s3], $0x80, v4, vm0, $0xb8;
	[tilespmem:$0x14200] =	vst v63  }
0x14d: {  	s24 =	simm.s32 $0x1900  }
0x14e: {  	[tilespmem:s24], [sflag:$0x2] =	stream.indirect_vreg.gather [hbm4b:s1+s3], $0x80, v3, vm0, $0xb8;
	[tilespmem:$0x14200] =	vst v63  }
0x14f: {  	v3 =	vld [tilespmem:$0x20];
	_ =	sdelay $0x4  }
0x150: {  	v56 =	vshll.u32 v3, $0x1  }
0x151: {  	v3 =	vand.u32 $0x7, v3;
	v4 =	vand.u32 $0xFFFFFFF0, v56  }
0x152: {  	v3 =	vor.u32 v3, v4  }
0x153: {  	v4 =	vperm.xlane v3, v0;
	_ =	sdelay $0x1  }
0x154: {  	v3 =	vperm.xlane v3, v2;
	v4 =	vadd.s32 v1, v4;
	_ =	sdelay $0x1  }
0x155: {  	v3 =	vadd.s32 v1, v3;
	_ =	sdelay $0x1  }
0x156: {  	s25 =	simm.s32 $0x2100  }
0x157: {  	[tilespmem:s25], [sflag:$0x2] =	stream.indirect_vreg.gather [hbm4b:s1+s3], $0x80, v4, vm0, $0xb8;
	[tilespmem:$0x14200] =	vst v63  }
0x158: {  	s24 =	simm.s32 $0x2900  }
0x159: {  	[tilespmem:s24], [sflag:$0x2] =	stream.indirect_vreg.gather [hbm4b:s1+s3], $0x80, v3, vm0, $0xb8;
	[tilespmem:$0x14200] =	vst v63  }
0x15a: {  	v3 =	vld [tilespmem:$0x30];
	_ =	sdelay $0x4  }
0x15b: {  	v57 =	vshll.u32 v3, $0x1  }
0x15c: {  	v3 =	vand.u32 $0x7, v3;
	v4 =	vand.u32 $0xFFFFFFF0, v57  }
0x15d: {  	v3 =	vor.u32 v3, v4  }
0x15e: {  	v4 =	vperm.xlane v3, v0;
	_ =	sdelay $0x1  }
0x15f: {  	v3 =	vperm.xlane v3, v2;
	v4 =	vadd.s32 v1, v4;
	_ =	sdelay $0x1  }
0x160: {  	v3 =	vadd.s32 v1, v3;
	_ =	sdelay $0x1  }
0x161: {  	s25 =	simm.s32 $0x3100  }
0x162: {  	[tilespmem:s25], [sflag:$0x2] =	stream.indirect_vreg.gather [hbm4b:s1+s3], $0x80, v4, vm0, $0xb8;
	[tilespmem:$0x14200] =	vst v63  }
0x163: {  	s24 =	simm.s32 $0x3900  }
0x164: {  	[tilespmem:s24], [sflag:$0x2] =	stream.indirect_vreg.gather [hbm4b:s1+s3], $0x80, v3, vm0, $0xb8;
	[tilespmem:$0x14200] =	vst v63  }
0x165: {  	v3 =	vld [tilespmem:$0x40];
	_ =	sdelay $0x4  }
0x166: {  	v58 =	vshll.u32 v3, $0x1  }
0x167: {  	v3 =	vand.u32 $0x7, v3;
	v4 =	vand.u32 $0xFFFFFFF0, v58  }
0x168: {  	v3 =	vor.u32 v3, v4  }
0x169: {  	v4 =	vperm.xlane v3, v0;
	_ =	sdelay $0x1  }
0x16a: {  	v3 =	vperm.xlane v3, v2;
	v4 =	vadd.s32 v1, v4;
	_ =	sdelay $0x1  }
0x16b: {  	v3 =	vadd.s32 v1, v3;
	_ =	sdelay $0x1  }
0x16c: {  	s25 =	simm.s32 $0x4100  }
0x16d: {  	[tilespmem:s25], [sflag:$0x2] =	stream.indirect_vreg.gather [hbm4b:s1+s3], $0x80, v4, vm0, $0xb8;
	[tilespmem:$0x14200] =	vst v63  }
0x16e: {  	s24 =	simm.s32 $0x4900  }
0x16f: {  	[tilespmem:s24], [sflag:$0x2] =	stream.indirect_vreg.gather [hbm4b:s1+s3], $0x80, v3, vm0, $0xb8;
	[tilespmem:$0x14200] =	vst v63  }
0x170: {  	v3 =	vld [tilespmem:$0x80];
	_ =	sdelay $0x4  }
0x171: {  	v59 =	vshll.u32 v3, $0x1  }
0x172: {  	v3 =	vand.u32 $0x7, v3;
	v4 =	vand.u32 $0xFFFFFFF0, v59  }
0x173: {  	v3 =	vor.u32 v3, v4  }
0x174: {  	v4 =	vperm.xlane v3, v0;
	_ =	sdelay $0x1  }
0x175: {  	v3 =	vperm.xlane v3, v2;
	v4 =	vadd.s32 v1, v4;
	_ =	sdelay $0x1  }
0x176: {  	v3 =	vadd.s32 v1, v3;
	_ =	sdelay $0x2  }
0x177: {  	[tilespmem:s31], [sflag:$0x2] =	stream.indirect_vreg.gather [hbm4b:s1+s3], $0x80, v4, vm0, $0xb8;
	[tilespmem:$0x14200] =	vst v63  }
0x178: {  	s25 =	simm.s32 $0x5900  }
0x179: {  	[tilespmem:s25], [sflag:$0x2] =	stream.indirect_vreg.gather [hbm4b:s1+s3], $0x80, v3, vm0, $0xb8;
	[tilespmem:$0x14200] =	vst v63  }
0x17a: {  	v3 =	vld [tilespmem:$0x90];
	_ =	sdelay $0x4  }
0x17b: {  	v60 =	vshll.u32 v3, $0x1  }
0x17c: {  	v3 =	vand.u32 $0x7, v3;
	v4 =	vand.u32 $0xFFFFFFF0, v60  }
0x17d: {  	v3 =	vor.u32 v3, v4  }
0x17e: {  	v4 =	vperm.xlane v3, v0;
	_ =	sdelay $0x1  }
0x17f: {  	v3 =	vperm.xlane v3, v2;
	v4 =	vadd.s32 v1, v4;
	_ =	sdelay $0x1  }
0x180: {  	v3 =	vadd.s32 v1, v3;
	_ =	sdelay $0x1  }
0x181: {  	s24 =	simm.s32 $0x6100  }
0x182: {  	[tilespmem:s24], [sflag:$0x2] =	stream.indirect_vreg.gather [hbm4b:s1+s3], $0x80, v4, vm0, $0xb8;
	[tilespmem:$0x14200] =	vst v63  }
0x183: {  	s25 =	simm.s32 $0x6900  }
0x184: {  	[tilespmem:s25], [sflag:$0x2] =	stream.indirect_vreg.gather [hbm4b:s1+s3], $0x80, v3, vm0, $0xb8;
	[tilespmem:$0x14200] =	vst v63  }
0x185: {  	v3 =	vld [tilespmem:$0xA0];
	_ =	sdelay $0x4  }
0x186: {  	v61 =	vshll.u32 v3, $0x1  }
0x187: {  	v3 =	vand.u32 $0x7, v3;
	v4 =	vand.u32 $0xFFFFFFF0, v61  }
0x188: {  	v3 =	vor.u32 v3, v4  }
0x189: {  	v4 =	vperm.xlane v3, v0;
	_ =	sdelay $0x1  }
0x18a: {  	v3 =	vperm.xlane v3, v2;
	v4 =	vadd.s32 v1, v4;
	_ =	sdelay $0x1  }
0x18b: {  	v3 =	vadd.s32 v1, v3;
	_ =	sdelay $0x1  }
0x18c: {  	s24 =	simm.s32 $0x7100  }
0x18d: {  	[tilespmem:s24], [sflag:$0x2] =	stream.indirect_vreg.gather [hbm4b:s1+s3], $0x80, v4, vm0, $0xb8;
	[tilespmem:$0x14200] =	vst v63  }
0x18e: {  	s25 =	simm.s32 $0x7900  }
0x18f: {  	[tilespmem:s25], [sflag:$0x2] =	stream.indirect_vreg.gather [hbm4b:s1+s3], $0x80, v3, vm0, $0xb8;
	[tilespmem:$0x14200] =	vst v63  }
0x190: {  	v3 =	vld [tilespmem:$0xB0];
	_ =	sdelay $0x4  }
0x191: {  	v62 =	vshll.u32 v3, $0x1  }
0x192: {  	v3 =	vand.u32 $0x7, v3;
	v4 =	vand.u32 $0xFFFFFFF0, v62  }
0x193: {  	v3 =	vor.u32 v3, v4  }
0x194: {  	v4 =	vperm.xlane v3, v0;
	_ =	sdelay $0x1  }
0x195: {  	v3 =	vperm.xlane v3, v2;
	v4 =	vadd.s32 v1, v4;
	_ =	sdelay $0x1  }
0x196: {  	v3 =	vadd.s32 v1, v3;
	_ =	sdelay $0x1  }
0x197: {  	s24 =	simm.s32 $0x8100  }
0x198: {  	[tilespmem:s24], [sflag:$0x2] =	stream.indirect_vreg.gather [hbm4b:s1+s3], $0x80, v4, vm0, $0xb8;
	[tilespmem:$0x14200] =	vst v63  }
0x199: {  	s25 =	simm.s32 $0x8900  }
0x19a: {  	[tilespmem:s25], [sflag:$0x2] =	stream.indirect_vreg.gather [hbm4b:s1+s3], $0x80, v3, vm0, $0xb8;
	[tilespmem:$0x14200] =	vst v63  }
0x19b: {  	v3 =	vld [tilespmem:$0xC0];
	_ =	sdelay $0x4  }
0x19c: {  	v63 =	vshll.u32 v3, $0x1  }
0x19d: {  	v3 =	vand.u32 $0x7, v3;
	v4 =	vand.u32 $0xFFFFFFF0, v63  }
0x19e: {  	v3 =	vor.u32 v3, v4  }
0x19f: {  	v4 =	vperm.xlane v3, v0;
	_ =	sdelay $0x1  }
0x1a0: {  	v3 =	vperm.xlane v3, v2;
	v4 =	vadd.s32 v1, v4;
	_ =	sdelay $0x1  }
0x1a1: {  	v3 =	vadd.s32 v1, v3;
	_ =	sdelay $0x1  }
0x1a2: {  	s24 =	simm.s32 $0x9100  }
0x1a3: {  	[tilespmem:s24], [sflag:$0x2] =	stream.indirect_vreg.gather [hbm4b:s1+s3], $0x80, v4, vm0, $0xb8;
	[tilespmem:$0x14200] =	vst v63  }
0x1a4: {  	s25 =	simm.s32 $0x9900  }
0x1a5: {  	[tilespmem:s25], [sflag:$0x2] =	stream.indirect_vreg.gather [hbm4b:s1+s3], $0x80, v3, vm0, $0xb8;
	[tilespmem:$0x14200] =	vst v63  }
.LBB2_4:
0x1a6: {  	s23 =	simm.s32 @!p0 $0x6  }
0x1a7: {  	_ =	swait.ge @!p0 [sflag:s23], $0x5000  }
.Ltmp5:
0x1a8: {  	[sflag:s23] =	ssyncset.done @!p0 $0x0;
	(pc) =	sbr.rel @p1 .LBB2_6-.Ltmp5, $4  }
0x1a9: {  	[sflag:s23] =	ssyncadd.s32 @!p0 $0xFFFFB000  }
0x1aa: {  	_ =	swait.ge @!p0 [sflag:s23], $0x5000  }
0x1ab: {  	[sflag:s23] =	ssyncset.done @!p0 $0x0  }
0x1ac: {  	[sflag:s23] =	ssyncadd.s32 @!p0 $0xFFFFB000  }
0x1ad: {  	_ =	swait.ge [sflag:s11], $0x50  }
0x1ae: {  	[sflag:s11] =	ssyncset.done $0x0  }
0x1af: {  	[sflag:s11] =	ssyncadd.s32 $0xFFFFFFB0  }
0x1b0: {  	_ =	swait.ge [sflag:s11], $0x50  }
0x1b1: {  	[sflag:s11] =	ssyncset.done $0x0  }
0x1b2: {  	[sflag:s11] =	ssyncadd.s32 $0xFFFFFFB0  }
0x1b3: {  	v3 =	vld [tilespmem:$0xA100];
	_ =	sdelay $0x4  }
0x1b4: {  	v4 =	vshll.u32 v3, $0x1  }
0x1b5: {  	v3 =	vand.u32 $0x7, v3;
	v4 =	vand.u32 $0xFFFFFFF0, v4  }
0x1b6: {  	v3 =	vor.u32 v3, v4  }
0x1b7: {  	v4 =	vperm.xlane v3, v0;
	_ =	sdelay $0x1  }
0x1b8: {  	v3 =	vperm.xlane v3, v2;
	v4 =	vadd.s32 v1, v4;
	_ =	sdelay $0x1  }
0x1b9: {  	v3 =	vadd.s32 v1, v3;
	_ =	sdelay $0x1  }
0x1ba: {  	s23 =	simm.s32 $0xA200  }
0x1bb: {  	[tilespmem:s23], [sflag:$0x5] =	stream.indirect_vreg.gather [hbm4b:s1+s3], $0x80, v4, vm0, $0xb8;
	[tilespmem:$0x14200] =	vst v63  }
0x1bc: {  	s25 =	simm.s32 $0xAA00  }
0x1bd: {  	[tilespmem:s25], [sflag:$0x5] =	stream.indirect_vreg.gather [hbm4b:s1+s3], $0x80, v3, vm0, $0xb8;
	[tilespmem:$0x14200] =	vst v63  }
0x1be: {  	v3 =	vld [tilespmem:$0xA110];
	_ =	sdelay $0x4  }
0x1bf: {  	v55 =	vshll.u32 v3, $0x1  }
0x1c0: {  	v3 =	vand.u32 $0x7, v3;
	v4 =	vand.u32 $0xFFFFFFF0, v55  }
0x1c1: {  	v3 =	vor.u32 v3, v4  }
0x1c2: {  	v4 =	vperm.xlane v3, v0;
	_ =	sdelay $0x1  }
0x1c3: {  	v3 =	vperm.xlane v3, v2;
	v4 =	vadd.s32 v1, v4;
	_ =	sdelay $0x1  }
0x1c4: {  	v3 =	vadd.s32 v1, v3;
	_ =	sdelay $0x1  }
0x1c5: {  	s24 =	simm.s32 $0xB200  }
0x1c6: {  	[tilespmem:s24], [sflag:$0x5] =	stream.indirect_vreg.gather [hbm4b:s1+s3], $0x80, v4, vm0, $0xb8;
	[tilespmem:$0x14200] =	vst v63  }
0x1c7: {  	s25 =	simm.s32 $0xBA00  }
0x1c8: {  	[tilespmem:s25], [sflag:$0x5] =	stream.indirect_vreg.gather [hbm4b:s1+s3], $0x80, v3, vm0, $0xb8;
	[tilespmem:$0x14200] =	vst v63  }
0x1c9: {  	v3 =	vld [tilespmem:$0xA120];
	_ =	sdelay $0x4  }
0x1ca: {  	v56 =	vshll.u32 v3, $0x1  }
0x1cb: {  	v3 =	vand.u32 $0x7, v3;
	v4 =	vand.u32 $0xFFFFFFF0, v56  }
0x1cc: {  	v3 =	vor.u32 v3, v4  }
0x1cd: {  	v4 =	vperm.xlane v3, v0;
	_ =	sdelay $0x1  }
0x1ce: {  	v3 =	vperm.xlane v3, v2;
	v4 =	vadd.s32 v1, v4;
	_ =	sdelay $0x1  }
0x1cf: {  	v3 =	vadd.s32 v1, v3;
	_ =	sdelay $0x1  }
0x1d0: {  	s24 =	simm.s32 $0xC200  }
0x1d1: {  	[tilespmem:s24], [sflag:$0x5] =	stream.indirect_vreg.gather [hbm4b:s1+s3], $0x80, v4, vm0, $0xb8;
	[tilespmem:$0x14200] =	vst v63  }
0x1d2: {  	s25 =	simm.s32 $0xCA00  }
0x1d3: {  	[tilespmem:s25], [sflag:$0x5] =	stream.indirect_vreg.gather [hbm4b:s1+s3], $0x80, v3, vm0, $0xb8;
	[tilespmem:$0x14200] =	vst v63  }
0x1d4: {  	v3 =	vld [tilespmem:$0xA130];
	_ =	sdelay $0x4  }
0x1d5: {  	v57 =	vshll.u32 v3, $0x1  }
0x1d6: {  	v3 =	vand.u32 $0x7, v3;
	v4 =	vand.u32 $0xFFFFFFF0, v57  }
0x1d7: {  	v3 =	vor.u32 v3, v4  }
0x1d8: {  	v4 =	vperm.xlane v3, v0;
	_ =	sdelay $0x1  }
0x1d9: {  	v3 =	vperm.xlane v3, v2;
	v4 =	vadd.s32 v1, v4;
	_ =	sdelay $0x1  }
0x1da: {  	v3 =	vadd.s32 v1, v3;
	_ =	sdelay $0x1  }
0x1db: {  	s24 =	simm.s32 $0xD200  }
0x1dc: {  	[tilespmem:s24], [sflag:$0x5] =	stream.indirect_vreg.gather [hbm4b:s1+s3], $0x80, v4, vm0, $0xb8;
	[tilespmem:$0x14200] =	vst v63  }
0x1dd: {  	s25 =	simm.s32 $0xDA00  }
0x1de: {  	[tilespmem:s25], [sflag:$0x5] =	stream.indirect_vreg.gather [hbm4b:s1+s3], $0x80, v3, vm0, $0xb8;
	[tilespmem:$0x14200] =	vst v63  }
0x1df: {  	v3 =	vld [tilespmem:$0xA140];
	_ =	sdelay $0x4  }
0x1e0: {  	v58 =	vshll.u32 v3, $0x1  }
0x1e1: {  	v3 =	vand.u32 $0x7, v3;
	v4 =	vand.u32 $0xFFFFFFF0, v58  }
0x1e2: {  	v3 =	vor.u32 v3, v4  }
0x1e3: {  	v4 =	vperm.xlane v3, v0;
	_ =	sdelay $0x1  }
0x1e4: {  	v3 =	vperm.xlane v3, v2;
	v4 =	vadd.s32 v1, v4;
	_ =	sdelay $0x1  }
0x1e5: {  	v3 =	vadd.s32 v1, v3;
	_ =	sdelay $0x2  }
0x1e6: {  	[tilespmem:s26], [sflag:$0x5] =	stream.indirect_vreg.gather [hbm4b:s1+s3], $0x80, v4, vm0, $0xb8;
	[tilespmem:$0x14200] =	vst v63  }
0x1e7: {  	_ = 	snop  }
0x1e8: {  	[tilespmem:s28], [sflag:$0x5] =	stream.indirect_vreg.gather [hbm4b:s1+s3], $0x80, v3, vm0, $0xb8;
	[tilespmem:$0x14200] =	vst v63  }
0x1e9: {  	v3 =	vld [tilespmem:$0xA180];
	_ =	sdelay $0x4  }
0x1ea: {  	v59 =	vshll.u32 v3, $0x1  }
0x1eb: {  	v3 =	vand.u32 $0x7, v3;
	v4 =	vand.u32 $0xFFFFFFF0, v59  }
0x1ec: {  	v3 =	vor.u32 v3, v4  }
0x1ed: {  	v4 =	vperm.xlane v3, v0;
	_ =	sdelay $0x1  }
0x1ee: {  	v3 =	vperm.xlane v3, v2;
	v4 =	vadd.s32 v1, v4;
	_ =	sdelay $0x1  }
0x1ef: {  	v3 =	vadd.s32 v1, v3;
	_ =	sdelay $0x2  }
0x1f0: {  	[tilespmem:s29], [sflag:$0x5] =	stream.indirect_vreg.gather [hbm4b:s1+s3], $0x80, v4, vm0, $0xb8;
	[tilespmem:$0x14200] =	vst v63  }
0x1f1: {  	_ = 	snop  }
0x1f2: {  	[tilespmem:s30], [sflag:$0x5] =	stream.indirect_vreg.gather [hbm4b:s1+s3], $0x80, v3, vm0, $0xb8;
	[tilespmem:$0x14200] =	vst v63  }
0x1f3: {  	v3 =	vld [tilespmem:$0xA190];
	_ =	sdelay $0x4  }
0x1f4: {  	v60 =	vshll.u32 v3, $0x1  }
0x1f5: {  	v3 =	vand.u32 $0x7, v3;
	v4 =	vand.u32 $0xFFFFFFF0, v60  }
0x1f6: {  	v3 =	vor.u32 v3, v4  }
0x1f7: {  	v4 =	vperm.xlane v3, v0;
	_ =	sdelay $0x1  }
0x1f8: {  	v3 =	vperm.xlane v3, v2;
	v4 =	vadd.s32 v1, v4;
	_ =	sdelay $0x1  }
0x1f9: {  	v3 =	vadd.s32 v1, v3;
	_ =	sdelay $0x2  }
0x1fa: {  	[tilespmem:s2], [sflag:$0x5] =	stream.indirect_vreg.gather [hbm4b:s1+s3], $0x80, v4, vm0, $0xb8;
	[tilespmem:$0x14200] =	vst v63  }
0x1fb: {  	_ = 	snop  }
0x1fc: {  	[tilespmem:s0], [sflag:$0x5] =	stream.indirect_vreg.gather [hbm4b:s1+s3], $0x80, v3, vm0, $0xb8;
	[tilespmem:$0x14200] =	vst v63  }
0x1fd: {  	v3 =	vld [tilespmem:$0xA1A0];
	_ =	sdelay $0x4  }
0x1fe: {  	v61 =	vshll.u32 v3, $0x1  }
0x1ff: {  	v3 =	vand.u32 $0x7, v3;
	v4 =	vand.u32 $0xFFFFFFF0, v61  }
0x200: {  	v3 =	vor.u32 v3, v4  }
0x201: {  	v4 =	vperm.xlane v3, v0;
	_ =	sdelay $0x1  }
0x202: {  	v3 =	vperm.xlane v3, v2;
	v4 =	vadd.s32 v1, v4;
	_ =	sdelay $0x1  }
0x203: {  	v3 =	vadd.s32 v1, v3;
	_ =	sdelay $0x2  }
0x204: {  	[tilespmem:s16], [sflag:$0x5] =	stream.indirect_vreg.gather [hbm4b:s1+s3], $0x80, v4, vm0, $0xb8;
	[tilespmem:$0x14200] =	vst v63  }
0x205: {  	_ = 	snop  }
0x206: {  	[tilespmem:s17], [sflag:$0x5] =	stream.indirect_vreg.gather [hbm4b:s1+s3], $0x80, v3, vm0, $0xb8;
	[tilespmem:$0x14200] =	vst v63  }
0x207: {  	v3 =	vld [tilespmem:$0xA1B0];
	_ =	sdelay $0x4  }
0x208: {  	v62 =	vshll.u32 v3, $0x1  }
0x209: {  	v3 =	vand.u32 $0x7, v3;
	v4 =	vand.u32 $0xFFFFFFF0, v62  }
0x20a: {  	v3 =	vor.u32 v3, v4  }
0x20b: {  	v4 =	vperm.xlane v3, v0;
	_ =	sdelay $0x1  }
0x20c: {  	v3 =	vperm.xlane v3, v2;
	v4 =	vadd.s32 v1, v4;
	_ =	sdelay $0x1  }
0x20d: {  	v3 =	vadd.s32 v1, v3;
	_ =	sdelay $0x2  }
0x20e: {  	[tilespmem:s18], [sflag:$0x5] =	stream.indirect_vreg.gather [hbm4b:s1+s3], $0x80, v4, vm0, $0xb8;
	[tilespmem:$0x14200] =	vst v63  }
0x20f: {  	_ = 	snop  }
0x210: {  	[tilespmem:s5], [sflag:$0x5] =	stream.indirect_vreg.gather [hbm4b:s1+s3], $0x80, v3, vm0, $0xb8;
	[tilespmem:$0x14200] =	vst v63  }
0x211: {  	v3 =	vld [tilespmem:$0xA1C0];
	_ =	sdelay $0x4  }
0x212: {  	v63 =	vshll.u32 v3, $0x1  }
0x213: {  	v3 =	vand.u32 $0x7, v3;
	v4 =	vand.u32 $0xFFFFFFF0, v63  }
0x214: {  	v3 =	vor.u32 v3, v4  }
0x215: {  	v4 =	vperm.xlane v3, v0;
	_ =	sdelay $0x1  }
0x216: {  	v3 =	vperm.xlane v3, v2;
	v4 =	vadd.s32 v1, v4;
	_ =	sdelay $0x1  }
0x217: {  	v3 =	vadd.s32 v1, v3  }
.Ltmp6:
0x218: {  	_ = 	snop;
	(pc) =	sbr.rel .LBB2_6-.Ltmp6, $4  }
0x219: {  	_ = 	snop  }
0x21a: {  	[tilespmem:s6], [sflag:$0x5] =	stream.indirect_vreg.gather [hbm4b:s1+s3], $0x80, v4, vm0, $0xb8;
	[tilespmem:$0x14200] =	vst v63  }
0x21b: {  	_ = 	snop  }
0x21c: {  	[tilespmem:s7], [sflag:$0x5] =	stream.indirect_vreg.gather [hbm4b:s1+s3], $0x80, v3, vm0, $0xb8;
	[tilespmem:$0x14200] =	vst v63  }
.LBB2_8:
0x21d: {  	_ =	sfence.sel $0x180000  }
0x21e: {  	[bflag:$0x0] =	sbarrier.arrive $0xFFFF  }
0x21f: {  	_ =	strace $0x9000004A  }
0x220: {  	s0 =	stileid.u32;
	[bflag:$0x2] =	sbarrier.arrive $0xFFFF  }
0x221: {  	p0 =	sne.s32 s0, $0x0;
	s0 =	rddreg [dreg:$0x3]  }
0x222: {  	s0 =	sadd.s32 @!p0 $0x100000, s0  }
0x223: {  	[sflag:s0] =	ssyncadd.tile.s32 @!p0 $0x1;
	_ =	shalt  }
.Lfunc_end2:
_tile_overlayer_lowered:
.L_overlay_start_2:
0x224: {  	(tag) =	ssettag $0x2  }
0x225: {  	s0 =	rddreg [dreg:$0x0];
	s2 =	stileid.u32  }
0x226: {  	s1 =	rddreg [dreg:$0x1];
	p0 =	sne.s32 s2, $0x0  }
0x227: {  	s3 =	rddreg [dreg:$0x2];
	[bflag:$0x3] =	sbarrier.arrive $0xFFFF;
	s2 =	simm.s32 @!p0 $0x1C07  }
0x228: {  	[timem:s3], [sflag:s2] =	dma.local @!p0 [hbm:s0], s1  }
0x229: {  	s0 =	simm.s32 @!p0 $0x7  }
0x22a: {  	_ =	swait.ge @!p0 [sflag:s0], s1  }
0x22b: {  	s1 =	ssub.s32 @!p0 $0x0, s1;
	[sflag:s0] =	ssyncset.done @!p0 $0x0  }
0x22c: {  	[sflag:s0] =	ssyncadd.s32 @!p0 s1  }
0x22d: {  	[bflag:$0x3] =	sbarrier.arrive $0xFFFF  }
0x22e: {  	_ =	shalt  }

</sc_bundles>
